<compile_context>
chip_gen: v7x
topology: tpu7x:2x2x1
jax: 0.10.2.dev20260603
libtpu: 0.0.44.dev20260713+nightly
codegen_flags: <defaults>
</compile_context>

<pallas_src>
import functools

import jax
import jax.numpy as jnp
from jax import lax
from jax.experimental import pallas as pl
from jax.experimental.pallas import tpu as pltpu
from jax.experimental.pallas import tpu_sc as plsc

B = 16384
HIST = 50
PD = 64
HID = 128
NC = 2
NS = 16
NW = NC * NS
S = B // NW
SPS = 2
NBUF = 6
NFLY = 4
NP = S // SPS
L = 16
HP = HIST // 2
HPP = 32


def _sc_gather(hist2, pids, table, nb):
    S = nb // NW
    NP = S // SPS
    mesh = plsc.VectorSubcoreMesh(core_axis_name="c", subcore_axis_name="s")

    @functools.partial(
        pl.kernel,
        out_type=(jax.ShapeDtypeStruct((nb * 2 * HPP, PD), jnp.float32),
                  jax.ShapeDtypeStruct((nb, PD), jnp.float32)),
        mesh=mesh,
        compiler_params=pltpu.CompilerParams(needs_layout_passes=False,
                                             use_tc_tiling_on_sc=False),
        scratch_types=[
            pltpu.VMEM((NP, SPS * HIST), jnp.int32),
            pltpu.VMEM((S,), jnp.int32),
            pltpu.VMEM((128, PD), jnp.float32),
            pltpu.VMEM((NBUF, SPS * HIST, PD), jnp.float32),
            pltpu.SemaphoreType.DMA((NBUF,)),
            pltpu.SemaphoreType.DMA((NBUF,)),
            pltpu.SemaphoreType.DMA,
        ],
    )
    def k(hist_hbm, pid_hbm, table_hbm, histout_hbm, prodout_hbm,
          hidx_v, pidx_v, prow_v, ring_v, gsems, wsems, gsem):
        cid = lax.axis_index("c")
        sid = lax.axis_index("s")
        wid = cid * NS + sid
        base = wid * S

        pltpu.sync_copy(hist_hbm.at[pl.ds(wid * NP, NP)], hidx_v)
        pltpu.sync_copy(pid_hbm.at[pl.ds(base, S)], pidx_v)

        for kk in range(S // 128):
            pltpu.async_copy(
                table_hbm.at[pidx_v.at[pl.ds(kk * 128, 128)]], prow_v, gsem
            ).wait()
            pltpu.sync_copy(prow_v, prodout_hbm.at[pl.ds(base + kk * 128, 128)])

        def gcopy(p, slot):
            return pltpu.make_async_copy(
                table_hbm.at[hidx_v.at[p]], ring_v.at[slot], gsems.at[slot])

        def wcopy(p, sloc, slot):
            i = base + p * SPS + sloc
            return pltpu.make_async_copy(
                ring_v.at[slot, pl.ds(sloc * HIST, HIST)],
                histout_hbm.at[pl.ds(i * 2 * HPP, HIST)],
                wsems.at[slot])

        for j in range(NFLY):
            gcopy(j, j).start()

        @pl.loop(0, NP)
        def _(p):
            u = lax.rem(p, NBUF)
            gcopy(p, u).wait()
            wcopy(p, 0, u).start()
            wcopy(p, 1, u).start()
            nxt = p + NFLY
            v = lax.rem(nxt, NBUF)

            @pl.when(jnp.logical_and(nxt < NP, nxt >= NBUF))
            def _():
                wcopy(nxt, 0, v).wait()
                wcopy(nxt, 1, v).wait()
                gcopy(nxt, v).start()

            @pl.when(jnp.logical_and(nxt < NP, nxt < NBUF))
            def _():
                gcopy(nxt, v).start()

        for u in range(NBUF):
            wcopy(0, 0, u).wait()
            wcopy(0, 1, u).wait()

    return k(hist2, pids, table)


def _tc_attn_mlp(histp, prod, w2c, b_s, w1a, w1b, b1, w2, b2, nb):
    BS = 256

    def body(h_ref, q_ref, w2c_ref, bs_ref, w1a_ref, w1b_ref, b1_ref,
             w2_ref, b2_ref, o_ref):
        h2d = h_ref[...]
        s2 = jnp.dot(h2d, w2c_ref[...],
                     preferred_element_type=jnp.float32)
        rows = lax.broadcasted_iota(jnp.int32, (BS * HPP, 2), 0)
        valid = lax.rem(rows, HPP) < HP
        e2 = jnp.where(valid, jnp.exp(jnp.tanh(s2 + bs_ref[...])), 0.0)
        e_e = jnp.broadcast_to(e2[:, 0:1], (BS * HPP, PD))
        e_o = jnp.broadcast_to(e2[:, 1:2], (BS * HPP, PD))
        eb = jnp.concatenate([e_e, e_o], axis=1)
        wh = (h2d * eb).reshape(BS, HPP, 2 * PD)
        ssum = jnp.sum(wh, axis=1)
        den = jnp.sum(jnp.sum(e2.reshape(BS, HPP, 2), axis=1),
                      axis=1, keepdims=True)
        pooled = (ssum[:, :PD] + ssum[:, PD:]) / den
        x = jnp.dot(pooled, w1a_ref[...], preferred_element_type=jnp.float32)
        x = x + jnp.dot(q_ref[...], w1b_ref[...],
                        preferred_element_type=jnp.float32)
        x = jnp.maximum(x + b1_ref[...], 0.0)
        y = jnp.dot(x, w2_ref[...], preferred_element_type=jnp.float32)
        o_ref[...] = jax.nn.sigmoid(y + b2_ref[...])

    return pl.pallas_call(
        body,
        grid=(nb // BS,),
        in_specs=[
            pl.BlockSpec((BS * HPP, 2 * PD), lambda i: (i, 0)),
            pl.BlockSpec((BS, PD), lambda i: (i, 0)),
            pl.BlockSpec((2 * PD, 2), lambda i: (0, 0)),
            pl.BlockSpec((1, 1), lambda i: (0, 0)),
            pl.BlockSpec((PD, HID), lambda i: (0, 0)),
            pl.BlockSpec((PD, HID), lambda i: (0, 0)),
            pl.BlockSpec((1, HID), lambda i: (0, 0)),
            pl.BlockSpec((HID, 1), lambda i: (0, 0)),
            pl.BlockSpec((1, 1), lambda i: (0, 0)),
        ],
        out_specs=pl.BlockSpec((BS, 1), lambda i: (i, 0)),
        out_shape=jax.ShapeDtypeStruct((nb, 1), jnp.float32),
    )(histp, prod, w2c, b_s, w1a, w1b, b1, w2, b2)


def kernel(user_ids, product_ids, user_history, user_table, prod_table,
           attn_W, attn_b, mlp1_W, mlp1_b, mlp2_W, mlp2_b):
    hist2 = user_history.astype(jnp.int32).reshape(B // SPS, SPS * HIST)
    pids = product_ids.astype(jnp.int32)
    wcol = attn_W.reshape(PD)
    zz = jnp.zeros((PD,), jnp.float32)
    w2c = jnp.stack([jnp.concatenate([wcol, zz]),
                     jnp.concatenate([zz, wcol])], axis=1)
    NCH = 4
    nb = B // NCH
    outs = []
    for c in range(NCH):
        h2c = lax.slice_in_dim(hist2, c * (nb // SPS), (c + 1) * (nb // SPS))
        pc = lax.slice_in_dim(pids, c * nb, (c + 1) * nb)
        hist_rows, prodrows = _sc_gather(h2c, pc, prod_table, nb)
        histp = hist_rows.reshape(nb * HPP, 2 * PD)
        outs.append(_tc_attn_mlp(histp, prodrows,
                                 w2c,
                                 attn_b.reshape(1, 1),
                                 mlp1_W[:PD], mlp1_W[PD:],
                                 mlp1_b.reshape(1, HID), mlp2_W,
                                 mlp2_b.reshape(1, 1), nb))
    return jnp.concatenate(outs, axis=0)

# --- scband reference (transcript-rebuilt; emitter-appended) ---
"""Pipeline reference for scband-deep-interest-network-23613730193619 (READ-ONLY COPY).

The authoritative reference and input builder live on the scoring server;
editing this copy changes nothing except your own understanding.
"""

import jax, jax.numpy as jnp
import numpy as np

B = 16384
HIST = 50
NUM_USERS = 100000
NUM_PRODUCTS = 1000000
UD = 64
PD = 64
HID = 128

def setup_inputs(seed: int = 0) -> dict:
    key = jax.random.key(seed)
    ks = [jax.random.fold_in(key, i) for i in range(12)]
    user_ids = jax.random.randint(ks[0], (B,), 0, NUM_USERS, dtype=jnp.int32).astype(jnp.int64)
    product_ids = jax.random.randint(ks[1], (B,), 0, NUM_PRODUCTS, dtype=jnp.int32).astype(jnp.int64)
    user_history = jax.random.randint(ks[2], (B, HIST), 0, NUM_PRODUCTS, dtype=jnp.int32).astype(jnp.int64)
    user_table = jax.random.normal(ks[3], (NUM_USERS, UD), dtype=jnp.float32) * 0.02
    prod_table = jax.random.normal(ks[4], (NUM_PRODUCTS, PD), dtype=jnp.float32) * 0.02
    attn_W = jax.random.normal(ks[5], (UD, 1), dtype=jnp.float32) * (1.0 / np.sqrt(UD))
    attn_b = jnp.zeros((1,), dtype=jnp.float32)
    mlp1_W = jax.random.normal(ks[6], (UD + PD, HID), dtype=jnp.float32) * (1.0 / np.sqrt(UD + PD))
    mlp1_b = jnp.zeros((HID,), dtype=jnp.float32)
    mlp2_W = jax.random.normal(ks[7], (HID, 1), dtype=jnp.float32) * (1.0 / np.sqrt(HID))
    mlp2_b = jnp.zeros((1,), dtype=jnp.float32)
    return {"user_ids": user_ids, "product_ids": product_ids, "user_history": user_history,
            "user_table": user_table, "prod_table": prod_table,
            "attn_W": attn_W, "attn_b": attn_b,
            "mlp1_W": mlp1_W, "mlp1_b": mlp1_b, "mlp2_W": mlp2_W, "mlp2_b": mlp2_b}

def reference(user_ids, product_ids, user_history, user_table, prod_table,
              attn_W, attn_b, mlp1_W, mlp1_b, mlp2_W, mlp2_b):
    user_embed = jnp.take(user_table, user_ids, axis=0)  # [B, UD] (computed, unused downstream, faithful to original)
    product_embed = jnp.take(prod_table, product_ids, axis=0)  # [B, PD]
    history_embed = jnp.take(prod_table, user_history, axis=0)  # [B, HIST, PD]
    attention_scores = jnp.tanh(history_embed @ attn_W + attn_b)  # [B, HIST, 1]
    attention_weights = jax.nn.softmax(attention_scores, axis=1)
    weighted_history_embed = jnp.sum(attention_weights * history_embed, axis=1)  # [B, PD]
    x = jnp.concatenate([weighted_history_embed, product_embed], axis=1)  # [B, UD+PD]
    x = jax.nn.relu(x @ mlp1_W + mlp1_b)
    prediction = jax.nn.sigmoid(x @ mlp2_W + mlp2_b)
    return prediction

if __name__ == "__main__":
    import jax
    _d = setup_inputs()
    print(jax.jit(kernel)(*tuple(_d.values())))

</pallas_src>

<mosaic_0001>
#map = affine_map<(d0, d1) -> (0, 0)>
#map1 = affine_map<(d0, d1) -> (0)>
module attributes {stable_mosaic.version = 14 : i64} {
  func.func @k(%arg0: i32, %arg1: i32, %arg2: memref<2048x100xi32, #tpu.memory_space<hbm>>, %arg3: memref<4096xi32, #tpu.memory_space<hbm>>, %arg4: memref<1000000x64xf32, #tpu.memory_space<hbm>>, %arg5: memref<262144x64xf32, #tpu.memory_space<hbm>>, %arg6: memref<4096x64xf32, #tpu.memory_space<hbm>>, %arg7: memref<64x100xi32, #tpu.memory_space<vmem>>, %arg8: memref<128xi32, #tpu.memory_space<vmem>>, %arg9: memref<128x64xf32, #tpu.memory_space<vmem>>, %arg10: memref<6x100x64xf32, #tpu.memory_space<vmem>>, %arg11: memref<6x!tpu.dma_semaphore, #tpu.memory_space<semaphore_mem>>, %arg12: memref<6x!tpu.dma_semaphore, #tpu.memory_space<semaphore_mem>>, %arg13: memref<!tpu.dma_semaphore, #tpu.memory_space<semaphore_mem>>) attributes {dimension_semantics = [#tpu.dimension_semantics<core_parallel>, #tpu.dimension_semantics<subcore_parallel>], iteration_bounds = array<i64: 2, 16>, scalar_prefetch = 0 : i64, scratch_operands = 7 : i64, tpu.core_type = #tpu.core_type<sc_vector_subcore>, window_params = [{transform_indices = #map}, {transform_indices = #map1}, {transform_indices = #map}, {transform_indices = #map}, {transform_indices = #map}]} {
    %mul3A = arith.constant 16 : i32
    %mul3A_0 = arith.muli %arg0, %mul3A : i32
    %add3A = arith.addi %mul3A_0, %arg1 : i32
    %mul3A_1 = arith.constant 128 : i32
    %mul3A_2 = arith.muli %add3A, %mul3A_1 : i32
    %mul3A_3 = arith.constant 64 : i32
    %mul3A_4 = arith.muli %add3A, %mul3A_3 : i32
    "tpu.region"() ({
      %run_scoped3A = tpu.sem_alloc : memref<!tpu.dma_semaphore, #tpu.memory_space<semaphore_mem>>
      %dma_start3A_367 = arith.constant 0 : i32
      %dma_start3A_368 = tpu.memref_slice %arg2[%mul3A_4, %dma_start3A_367] : memref<2048x100xi32, #tpu.memory_space<hbm>> -> memref<64x100xi32, #tpu.memory_space<hbm>>
      %dma_start3A_369 = arith.constant 0 : i32
      %dma_start3A_370 = tpu.memref_slice %arg2[%mul3A_4, %dma_start3A_369] : memref<2048x100xi32, #tpu.memory_space<hbm>> -> memref<64x100xi32, #tpu.memory_space<hbm>>
      tpu.enqueue_dma source(%dma_start3A_370 : memref<64x100xi32, #tpu.memory_space<hbm>>) target(%arg7 : memref<64x100xi32, #tpu.memory_space<vmem>>) target_semaphore(%run_scoped3A : memref<!tpu.dma_semaphore, #tpu.memory_space<semaphore_mem>>)
      %dma_wait3A_371 = arith.constant 0 : i32
      %dma_wait3A_372 = tpu.memref_slice %arg2[%mul3A_4, %dma_wait3A_371] : memref<2048x100xi32, #tpu.memory_space<hbm>> -> memref<64x100xi32, #tpu.memory_space<hbm>>
      %dma_wait3A_373 = arith.constant 0 : i32
      %dma_wait3A_374 = tpu.memref_slice %arg2[%mul3A_4, %dma_wait3A_373] : memref<2048x100xi32, #tpu.memory_space<hbm>> -> memref<64x100xi32, #tpu.memory_space<hbm>>
      tpu.wait_dma2 semaphore(%run_scoped3A : memref<!tpu.dma_semaphore, #tpu.memory_space<semaphore_mem>>) src(%dma_wait3A_374 : memref<64x100xi32, #tpu.memory_space<hbm>>) dst(%arg7 : memref<64x100xi32, #tpu.memory_space<vmem>>)
      tpu.yield
    }) : () -> ()
    "tpu.region"() ({
      %run_scoped3A = tpu.sem_alloc : memref<!tpu.dma_semaphore, #tpu.memory_space<semaphore_mem>>
      %dma_start3A_367 = tpu.memref_slice %arg3[%mul3A_2] : memref<4096xi32, #tpu.memory_space<hbm>> -> memref<128xi32, #tpu.memory_space<hbm>>
      %dma_start3A_368 = tpu.memref_slice %arg3[%mul3A_2] : memref<4096xi32, #tpu.memory_space<hbm>> -> memref<128xi32, #tpu.memory_space<hbm>>
      tpu.enqueue_dma source(%dma_start3A_368 : memref<128xi32, #tpu.memory_space<hbm>>) target(%arg8 : memref<128xi32, #tpu.memory_space<vmem>>) target_semaphore(%run_scoped3A : memref<!tpu.dma_semaphore, #tpu.memory_space<semaphore_mem>>)
      %dma_wait3A_369 = tpu.memref_slice %arg3[%mul3A_2] : memref<4096xi32, #tpu.memory_space<hbm>> -> memref<128xi32, #tpu.memory_space<hbm>>
      %dma_wait3A_370 = tpu.memref_slice %arg3[%mul3A_2] : memref<4096xi32, #tpu.memory_space<hbm>> -> memref<128xi32, #tpu.memory_space<hbm>>
      tpu.wait_dma2 semaphore(%run_scoped3A : memref<!tpu.dma_semaphore, #tpu.memory_space<semaphore_mem>>) src(%dma_wait3A_370 : memref<128xi32, #tpu.memory_space<hbm>>) dst(%arg8 : memref<128xi32, #tpu.memory_space<vmem>>)
      tpu.yield
    }) : () -> ()
    %dma_start3A = arith.constant 0 : i32
    %dma_start3A_5 = tpu.memref_slice %arg8[%dma_start3A] : memref<128xi32, #tpu.memory_space<vmem>> -> memref<128xi32, #tpu.memory_space<vmem>>
    %dma_start3A_6 = arith.constant 0 : i32
    %dma_start3A_7 = arith.constant 0 : i32
    %dma_start3A_8 = tpu.memref_slice %arg4[%dma_start3A_6, %dma_start3A_7] : memref<1000000x64xf32, #tpu.memory_space<hbm>> -> memref<1000000x64xf32, #tpu.memory_space<hbm>>
    tpu.enqueue_indirect_dma source(%dma_start3A_8 : memref<1000000x64xf32, #tpu.memory_space<hbm>>) target(%arg9 : memref<128x64xf32, #tpu.memory_space<vmem>>) offsets(%dma_start3A_5 : memref<128xi32, #tpu.memory_space<vmem>>) semaphore(%arg13 : memref<!tpu.dma_semaphore, #tpu.memory_space<semaphore_mem>>)
    %dma_wait3A = arith.constant 0 : i32
    %dma_wait3A_9 = tpu.memref_slice %arg8[%dma_wait3A] : memref<128xi32, #tpu.memory_space<vmem>> -> memref<128xi32, #tpu.memory_space<vmem>>
    %dma_wait3A_10 = arith.constant 0 : i32
    %dma_wait3A_11 = arith.constant 0 : i32
    %dma_wait3A_12 = tpu.memref_slice %arg4[%dma_wait3A_10, %dma_wait3A_11] : memref<1000000x64xf32, #tpu.memory_space<hbm>> -> memref<1000000x64xf32, #tpu.memory_space<hbm>>
    tpu.wait_indirect_dma semaphore(%arg13 : memref<!tpu.dma_semaphore, #tpu.memory_space<semaphore_mem>>) src(%dma_wait3A_12 : memref<1000000x64xf32, #tpu.memory_space<hbm>>) dst(%arg9 : memref<128x64xf32, #tpu.memory_space<vmem>>)
    %add3A_13 = arith.constant 0 : i32
    %add3A_14 = arith.addi %mul3A_2, %add3A_13 : i32
    "tpu.region"() ({
      %run_scoped3A = tpu.sem_alloc : memref<!tpu.dma_semaphore, #tpu.memory_space<semaphore_mem>>
      %dma_start3A_367 = arith.constant 0 : i32
      %dma_start3A_368 = tpu.memref_slice %arg6[%add3A_14, %dma_start3A_367] : memref<4096x64xf32, #tpu.memory_space<hbm>> -> memref<128x64xf32, #tpu.memory_space<hbm>>
      %dma_start3A_369 = arith.constant 0 : i32
      %dma_start3A_370 = tpu.memref_slice %arg6[%add3A_14, %dma_start3A_369] : memref<4096x64xf32, #tpu.memory_space<hbm>> -> memref<128x64xf32, #tpu.memory_space<hbm>>
      tpu.enqueue_dma source(%arg9 : memref<128x64xf32, #tpu.memory_space<vmem>>) target(%dma_start3A_370 : memref<128x64xf32, #tpu.memory_space<hbm>>) target_semaphore(%run_scoped3A : memref<!tpu.dma_semaphore, #tpu.memory_space<semaphore_mem>>)
      %dma_wait3A_371 = arith.constant 0 : i32
      %dma_wait3A_372 = tpu.memref_slice %arg6[%add3A_14, %dma_wait3A_371] : memref<4096x64xf32, #tpu.memory_space<hbm>> -> memref<128x64xf32, #tpu.memory_space<hbm>>
      %dma_wait3A_373 = arith.constant 0 : i32
      %dma_wait3A_374 = tpu.memref_slice %arg6[%add3A_14, %dma_wait3A_373] : memref<4096x64xf32, #tpu.memory_space<hbm>> -> memref<128x64xf32, #tpu.memory_space<hbm>>
      tpu.wait_dma2 semaphore(%run_scoped3A : memref<!tpu.dma_semaphore, #tpu.memory_space<semaphore_mem>>) src(%arg9 : memref<128x64xf32, #tpu.memory_space<vmem>>) dst(%dma_wait3A_374 : memref<128x64xf32, #tpu.memory_space<hbm>>)
      tpu.yield
    }) : () -> ()
    %dma_start3A_15 = arith.constant 0 : i32
    %dma_start3A_16 = arith.constant 0 : i32
    %dma_start3A_17 = arith.constant 0 : i32
    %dma_start3A_18 = arith.constant 0 : i32
    %dma_start3A_19 = arith.constant 0 : i32
    %dma_start3A_20 = tpu.memref_slice %arg10[%dma_start3A_16, %dma_start3A_18, %dma_start3A_19] : memref<6x100x64xf32, #tpu.memory_space<vmem>> -> memref<1x100x64xf32, #tpu.memory_space<vmem>>
    %dma_start3A_21 = tpu.memref_squeeze %dma_start3A_20 : memref<1x100x64xf32, #tpu.memory_space<vmem>> -> memref<100x64xf32, #tpu.memory_space<vmem>>
    %dma_start3A_22 = arith.constant 0 : i32
    %dma_start3A_23 = tpu.memref_slice %arg7[%dma_start3A_15, %dma_start3A_22] : memref<64x100xi32, #tpu.memory_space<vmem>> -> memref<1x100xi32, #tpu.memory_space<vmem>>
    %dma_start3A_24 = tpu.memref_squeeze %dma_start3A_23 : memref<1x100xi32, #tpu.memory_space<vmem>> -> memref<100xi32, #tpu.memory_space<vmem>>
    %dma_start3A_25 = arith.constant 0 : i32
    %dma_start3A_26 = arith.constant 0 : i32
    %dma_start3A_27 = tpu.memref_slice %arg4[%dma_start3A_25, %dma_start3A_26] : memref<1000000x64xf32, #tpu.memory_space<hbm>> -> memref<1000000x64xf32, #tpu.memory_space<hbm>>
    %dma_start3A_28 = tpu.memref_slice %arg11[%dma_start3A_17] : memref<6x!tpu.dma_semaphore, #tpu.memory_space<semaphore_mem>> -> memref<1x!tpu.dma_semaphore, #tpu.memory_space<semaphore_mem>>
    %dma_start3A_29 = tpu.memref_squeeze %dma_start3A_28 : memref<1x!tpu.dma_semaphore, #tpu.memory_space<semaphore_mem>> -> memref<!tpu.dma_semaphore, #tpu.memory_space<semaphore_mem>>
    tpu.enqueue_indirect_dma source(%dma_start3A_27 : memref<1000000x64xf32, #tpu.memory_space<hbm>>) target(%dma_start3A_21 : memref<100x64xf32, #tpu.memory_space<vmem>>) offsets(%dma_start3A_24 : memref<100xi32, #tpu.memory_space<vmem>>) semaphore(%dma_start3A_29 : memref<!tpu.dma_semaphore, #tpu.memory_space<semaphore_mem>>)
    %dma_start3A_30 = arith.constant 1 : i32
    %dma_start3A_31 = arith.constant 1 : i32
    %dma_start3A_32 = arith.constant 1 : i32
    %dma_start3A_33 = arith.constant 0 : i32
    %dma_start3A_34 = arith.constant 0 : i32
    %dma_start3A_35 = tpu.memref_slice %arg10[%dma_start3A_31, %dma_start3A_33, %dma_start3A_34] : memref<6x100x64xf32, #tpu.memory_space<vmem>> -> memref<1x100x64xf32, #tpu.memory_space<vmem>>
    %dma_start3A_36 = tpu.memref_squeeze %dma_start3A_35 : memref<1x100x64xf32, #tpu.memory_space<vmem>> -> memref<100x64xf32, #tpu.memory_space<vmem>>
    %dma_start3A_37 = arith.constant 0 : i32
    %dma_start3A_38 = tpu.memref_slice %arg7[%dma_start3A_30, %dma_start3A_37] : memref<64x100xi32, #tpu.memory_space<vmem>> -> memref<1x100xi32, #tpu.memory_space<vmem>>
    %dma_start3A_39 = tpu.memref_squeeze %dma_start3A_38 : memref<1x100xi32, #tpu.memory_space<vmem>> -> memref<100xi32, #tpu.memory_space<vmem>>
    %dma_start3A_40 = arith.constant 0 : i32
    %dma_start3A_41 = arith.constant 0 : i32
    %dma_start3A_42 = tpu.memref_slice %arg4[%dma_start3A_40, %dma_start3A_41] : memref<1000000x64xf32, #tpu.memory_space<hbm>> -> memref<1000000x64xf32, #tpu.memory_space<hbm>>
    %dma_start3A_43 = tpu.memref_slice %arg11[%dma_start3A_32] : memref<6x!tpu.dma_semaphore, #tpu.memory_space<semaphore_mem>> -> memref<1x!tpu.dma_semaphore, #tpu.memory_space<semaphore_mem>>
    %dma_start3A_44 = tpu.memref_squeeze %dma_start3A_43 : memref<1x!tpu.dma_semaphore, #tpu.memory_space<semaphore_mem>> -> memref<!tpu.dma_semaphore, #tpu.memory_space<semaphore_mem>>
    tpu.enqueue_indirect_dma source(%dma_start3A_42 : memref<1000000x64xf32, #tpu.memory_space<hbm>>) target(%dma_start3A_36 : memref<100x64xf32, #tpu.memory_space<vmem>>) offsets(%dma_start3A_39 : memref<100xi32, #tpu.memory_space<vmem>>) semaphore(%dma_start3A_44 : memref<!tpu.dma_semaphore, #tpu.memory_space<semaphore_mem>>)
    %dma_start3A_45 = arith.constant 2 : i32
    %dma_start3A_46 = arith.constant 2 : i32
    %dma_start3A_47 = arith.constant 2 : i32
    %dma_start3A_48 = arith.constant 0 : i32
    %dma_start3A_49 = arith.constant 0 : i32
    %dma_start3A_50 = tpu.memref_slice %arg10[%dma_start3A_46, %dma_start3A_48, %dma_start3A_49] : memref<6x100x64xf32, #tpu.memory_space<vmem>> -> memref<1x100x64xf32, #tpu.memory_space<vmem>>
    %dma_start3A_51 = tpu.memref_squeeze %dma_start3A_50 : memref<1x100x64xf32, #tpu.memory_space<vmem>> -> memref<100x64xf32, #tpu.memory_space<vmem>>
    %dma_start3A_52 = arith.constant 0 : i32
    %dma_start3A_53 = tpu.memref_slice %arg7[%dma_start3A_45, %dma_start3A_52] : memref<64x100xi32, #tpu.memory_space<vmem>> -> memref<1x100xi32, #tpu.memory_space<vmem>>
    %dma_start3A_54 = tpu.memref_squeeze %dma_start3A_53 : memref<1x100xi32, #tpu.memory_space<vmem>> -> memref<100xi32, #tpu.memory_space<vmem>>
    %dma_start3A_55 = arith.constant 0 : i32
    %dma_start3A_56 = arith.constant 0 : i32
    %dma_start3A_57 = tpu.memref_slice %arg4[%dma_start3A_55, %dma_start3A_56] : memref<1000000x64xf32, #tpu.memory_space<hbm>> -> memref<1000000x64xf32, #tpu.memory_space<hbm>>
    %dma_start3A_58 = tpu.memref_slice %arg11[%dma_start3A_47] : memref<6x!tpu.dma_semaphore, #tpu.memory_space<semaphore_mem>> -> memref<1x!tpu.dma_semaphore, #tpu.memory_space<semaphore_mem>>
    %dma_start3A_59 = tpu.memref_squeeze %dma_start3A_58 : memref<1x!tpu.dma_semaphore, #tpu.memory_space<semaphore_mem>> -> memref<!tpu.dma_semaphore, #tpu.memory_space<semaphore_mem>>
    tpu.enqueue_indirect_dma source(%dma_start3A_57 : memref<1000000x64xf32, #tpu.memory_space<hbm>>) target(%dma_start3A_51 : memref<100x64xf32, #tpu.memory_space<vmem>>) offsets(%dma_start3A_54 : memref<100xi32, #tpu.memory_space<vmem>>) semaphore(%dma_start3A_59 : memref<!tpu.dma_semaphore, #tpu.memory_space<semaphore_mem>>)
    %dma_start3A_60 = arith.constant 3 : i32
    %dma_start3A_61 = arith.constant 3 : i32
    %dma_start3A_62 = arith.constant 3 : i32
    %dma_start3A_63 = arith.constant 0 : i32
    %dma_start3A_64 = arith.constant 0 : i32
    %dma_start3A_65 = tpu.memref_slice %arg10[%dma_start3A_61, %dma_start3A_63, %dma_start3A_64] : memref<6x100x64xf32, #tpu.memory_space<vmem>> -> memref<1x100x64xf32, #tpu.memory_space<vmem>>
    %dma_start3A_66 = tpu.memref_squeeze %dma_start3A_65 : memref<1x100x64xf32, #tpu.memory_space<vmem>> -> memref<100x64xf32, #tpu.memory_space<vmem>>
    %dma_start3A_67 = arith.constant 0 : i32
    %dma_start3A_68 = tpu.memref_slice %arg7[%dma_start3A_60, %dma_start3A_67] : memref<64x100xi32, #tpu.memory_space<vmem>> -> memref<1x100xi32, #tpu.memory_space<vmem>>
    %dma_start3A_69 = tpu.memref_squeeze %dma_start3A_68 : memref<1x100xi32, #tpu.memory_space<vmem>> -> memref<100xi32, #tpu.memory_space<vmem>>
    %dma_start3A_70 = arith.constant 0 : i32
    %dma_start3A_71 = arith.constant 0 : i32
    %dma_start3A_72 = tpu.memref_slice %arg4[%dma_start3A_70, %dma_start3A_71] : memref<1000000x64xf32, #tpu.memory_space<hbm>> -> memref<1000000x64xf32, #tpu.memory_space<hbm>>
    %dma_start3A_73 = tpu.memref_slice %arg11[%dma_start3A_62] : memref<6x!tpu.dma_semaphore, #tpu.memory_space<semaphore_mem>> -> memref<1x!tpu.dma_semaphore, #tpu.memory_space<semaphore_mem>>
    %dma_start3A_74 = tpu.memref_squeeze %dma_start3A_73 : memref<1x!tpu.dma_semaphore, #tpu.memory_space<semaphore_mem>> -> memref<!tpu.dma_semaphore, #tpu.memory_space<semaphore_mem>>
    tpu.enqueue_indirect_dma source(%dma_start3A_72 : memref<1000000x64xf32, #tpu.memory_space<hbm>>) target(%dma_start3A_66 : memref<100x64xf32, #tpu.memory_space<vmem>>) offsets(%dma_start3A_69 : memref<100xi32, #tpu.memory_space<vmem>>) semaphore(%dma_start3A_74 : memref<!tpu.dma_semaphore, #tpu.memory_space<semaphore_mem>>)
    %scan3A = arith.constant 0 : i32
    %scan3A_75 = arith.constant 64 : i32
    %scan3A_76 = arith.addi %scan3A, %scan3A_75 : i32
    %scan3A_77 = arith.constant 1 : i32
    scf.for %scan3A_367 = %scan3A to %scan3A_76 step %scan3A_77  : i32 {
      %mul3A_368 = arith.constant 1 : i32
      %mul3A_369 = arith.muli %scan3A_367, %mul3A_368 : i32
      %add3A_370 = arith.constant 0 : i32
      %add3A_371 = arith.addi %add3A_370, %mul3A_369 : i32
      %rem3A = arith.constant 6 : i32
      %rem3A_372 = arith.remsi %add3A_371, %rem3A : i32
      %dma_wait3A_373 = arith.constant 0 : i32
      %dma_wait3A_374 = arith.constant 0 : i32
      %dma_wait3A_375 = tpu.memref_slice %arg10[%rem3A_372, %dma_wait3A_373, %dma_wait3A_374] : memref<6x100x64xf32, #tpu.memory_space<vmem>> -> memref<1x100x64xf32, #tpu.memory_space<vmem>>
      %dma_wait3A_376 = tpu.memref_squeeze %dma_wait3A_375 : memref<1x100x64xf32, #tpu.memory_space<vmem>> -> memref<100x64xf32, #tpu.memory_space<vmem>>
      %dma_wait3A_377 = arith.constant 0 : i32
      %dma_wait3A_378 = tpu.memref_slice %arg7[%add3A_371, %dma_wait3A_377] : memref<64x100xi32, #tpu.memory_space<vmem>> -> memref<1x100xi32, #tpu.memory_space<vmem>>
      %dma_wait3A_379 = tpu.memref_squeeze %dma_wait3A_378 : memref<1x100xi32, #tpu.memory_space<vmem>> -> memref<100xi32, #tpu.memory_space<vmem>>
      %dma_wait3A_380 = arith.constant 0 : i32
      %dma_wait3A_381 = arith.constant 0 : i32
      %dma_wait3A_382 = tpu.memref_slice %arg4[%dma_wait3A_380, %dma_wait3A_381] : memref<1000000x64xf32, #tpu.memory_space<hbm>> -> memref<1000000x64xf32, #tpu.memory_space<hbm>>
      %dma_wait3A_383 = tpu.memref_slice %arg11[%rem3A_372] : memref<6x!tpu.dma_semaphore, #tpu.memory_space<semaphore_mem>> -> memref<1x!tpu.dma_semaphore, #tpu.memory_space<semaphore_mem>>
      %dma_wait3A_384 = tpu.memref_squeeze %dma_wait3A_383 : memref<1x!tpu.dma_semaphore, #tpu.memory_space<semaphore_mem>> -> memref<!tpu.dma_semaphore, #tpu.memory_space<semaphore_mem>>
      tpu.wait_indirect_dma semaphore(%dma_wait3A_384 : memref<!tpu.dma_semaphore, #tpu.memory_space<semaphore_mem>>) src(%dma_wait3A_382 : memref<1000000x64xf32, #tpu.memory_space<hbm>>) dst(%dma_wait3A_376 : memref<100x64xf32, #tpu.memory_space<vmem>>)
      %mul3A_385 = arith.constant 2 : i32
      %mul3A_386 = arith.muli %add3A_371, %mul3A_385 : i32
      %add3A_387 = arith.addi %mul3A_2, %mul3A_386 : i32
      %add3A_388 = arith.constant 0 : i32
      %add3A_389 = arith.addi %add3A_387, %add3A_388 : i32
      %mul3A_390 = arith.constant 2 : i32
      %mul3A_391 = arith.muli %add3A_389, %mul3A_390 : i32
      %mul3A_392 = arith.constant 32 : i32
      %mul3A_393 = arith.muli %mul3A_391, %mul3A_392 : i32
      %dma_start3A_394 = arith.constant 0 : i32
      %dma_start3A_395 = arith.constant 0 : i32
      %dma_start3A_396 = tpu.memref_slice %arg10[%rem3A_372, %dma_start3A_394, %dma_start3A_395] : memref<6x100x64xf32, #tpu.memory_space<vmem>> -> memref<1x50x64xf32, #tpu.memory_space<vmem>>
      %dma_start3A_397 = tpu.memref_squeeze %dma_start3A_396 : memref<1x50x64xf32, #tpu.memory_space<vmem>> -> memref<50x64xf32, #tpu.memory_space<vmem>>
      %dma_start3A_398 = arith.constant 0 : i32
      %dma_start3A_399 = tpu.memref_slice %arg5[%mul3A_393, %dma_start3A_398] : memref<262144x64xf32, #tpu.memory_space<hbm>> -> memref<50x64xf32, #tpu.memory_space<hbm>>
      %dma_start3A_400 = tpu.memref_slice %arg12[%rem3A_372] : memref<6x!tpu.dma_semaphore, #tpu.memory_space<semaphore_mem>> -> memref<1x!tpu.dma_semaphore, #tpu.memory_space<semaphore_mem>>
      %dma_start3A_401 = tpu.memref_squeeze %dma_start3A_400 : memref<1x!tpu.dma_semaphore, #tpu.memory_space<semaphore_mem>> -> memref<!tpu.dma_semaphore, #tpu.memory_space<semaphore_mem>>
      %dma_start3A_402 = arith.constant 0 : i32
      %dma_start3A_403 = tpu.memref_slice %arg5[%mul3A_393, %dma_start3A_402] : memref<262144x64xf32, #tpu.memory_space<hbm>> -> memref<50x64xf32, #tpu.memory_space<hbm>>
      %dma_start3A_404 = arith.constant 0 : i32
      %dma_start3A_405 = arith.constant 0 : i32
      %dma_start3A_406 = tpu.memref_slice %arg10[%rem3A_372, %dma_start3A_404, %dma_start3A_405] : memref<6x100x64xf32, #tpu.memory_space<vmem>> -> memref<1x50x64xf32, #tpu.memory_space<vmem>>
      %dma_start3A_407 = tpu.memref_squeeze %dma_start3A_406 : memref<1x50x64xf32, #tpu.memory_space<vmem>> -> memref<50x64xf32, #tpu.memory_space<vmem>>
      tpu.enqueue_dma source(%dma_start3A_407 : memref<50x64xf32, #tpu.memory_space<vmem>>) target(%dma_start3A_403 : memref<50x64xf32, #tpu.memory_space<hbm>>) target_semaphore(%dma_start3A_401 : memref<!tpu.dma_semaphore, #tpu.memory_space<semaphore_mem>>)
      %mul3A_408 = arith.constant 2 : i32
      %mul3A_409 = arith.muli %add3A_371, %mul3A_408 : i32
      %add3A_410 = arith.addi %mul3A_2, %mul3A_409 : i32
      %add3A_411 = arith.constant 1 : i32
      %add3A_412 = arith.addi %add3A_410, %add3A_411 : i32
      %mul3A_413 = arith.constant 2 : i32
      %mul3A_414 = arith.muli %add3A_412, %mul3A_413 : i32
      %mul3A_415 = arith.constant 32 : i32
      %mul3A_416 = arith.muli %mul3A_414, %mul3A_415 : i32
      %dma_start3A_417 = arith.constant 50 : i32
      %dma_start3A_418 = arith.constant 0 : i32
      %dma_start3A_419 = tpu.memref_slice %arg10[%rem3A_372, %dma_start3A_417, %dma_start3A_418] : memref<6x100x64xf32, #tpu.memory_space<vmem>> -> memref<1x50x64xf32, #tpu.memory_space<vmem>>
      %dma_start3A_420 = tpu.memref_squeeze %dma_start3A_419 : memref<1x50x64xf32, #tpu.memory_space<vmem>> -> memref<50x64xf32, #tpu.memory_space<vmem>>
      %dma_start3A_421 = arith.constant 0 : i32
      %dma_start3A_422 = tpu.memref_slice %arg5[%mul3A_416, %dma_start3A_421] : memref<262144x64xf32, #tpu.memory_space<hbm>> -> memref<50x64xf32, #tpu.memory_space<hbm>>
      %dma_start3A_423 = tpu.memref_slice %arg12[%rem3A_372] : memref<6x!tpu.dma_semaphore, #tpu.memory_space<semaphore_mem>> -> memref<1x!tpu.dma_semaphore, #tpu.memory_space<semaphore_mem>>
      %dma_start3A_424 = tpu.memref_squeeze %dma_start3A_423 : memref<1x!tpu.dma_semaphore, #tpu.memory_space<semaphore_mem>> -> memref<!tpu.dma_semaphore, #tpu.memory_space<semaphore_mem>>
      %dma_start3A_425 = arith.constant 0 : i32
      %dma_start3A_426 = tpu.memref_slice %arg5[%mul3A_416, %dma_start3A_425] : memref<262144x64xf32, #tpu.memory_space<hbm>> -> memref<50x64xf32, #tpu.memory_space<hbm>>
      %dma_start3A_427 = arith.constant 50 : i32
      %dma_start3A_428 = arith.constant 0 : i32
      %dma_start3A_429 = tpu.memref_slice %arg10[%rem3A_372, %dma_start3A_427, %dma_start3A_428] : memref<6x100x64xf32, #tpu.memory_space<vmem>> -> memref<1x50x64xf32, #tpu.memory_space<vmem>>
      %dma_start3A_430 = tpu.memref_squeeze %dma_start3A_429 : memref<1x50x64xf32, #tpu.memory_space<vmem>> -> memref<50x64xf32, #tpu.memory_space<vmem>>
      tpu.enqueue_dma source(%dma_start3A_430 : memref<50x64xf32, #tpu.memory_space<vmem>>) target(%dma_start3A_426 : memref<50x64xf32, #tpu.memory_space<hbm>>) target_semaphore(%dma_start3A_424 : memref<!tpu.dma_semaphore, #tpu.memory_space<semaphore_mem>>)
      %add3A_431 = arith.constant 4 : i32
      %add3A_432 = arith.addi %add3A_371, %add3A_431 : i32
      %rem3A_433 = arith.constant 6 : i32
      %rem3A_434 = arith.remsi %add3A_432, %rem3A_433 : i32
      %lt3A = arith.constant 64 : i32
      %lt3A_435 = arith.cmpi slt, %add3A_432, %lt3A : i32
      %ge3A = arith.constant 6 : i32
      %ge3A_436 = arith.cmpi sge, %add3A_432, %ge3A : i32
      %and3A = arith.andi %lt3A_435, %ge3A_436 : i1
      %convert_element_type3A = arith.extui %and3A : i1 to i32
      %cond3A = arith.constant 0 : i32
      %cond3A_437 = arith.cmpi ne, %convert_element_type3A, %cond3A : i32
      scf.if %cond3A_437 {
        %mul3A_446 = arith.constant 2 : i32
        %mul3A_447 = arith.muli %add3A_432, %mul3A_446 : i32
        %add3A_448 = arith.addi %mul3A_2, %mul3A_447 : i32
        %add3A_449 = arith.constant 0 : i32
        %add3A_450 = arith.addi %add3A_448, %add3A_449 : i32
        %mul3A_451 = arith.constant 2 : i32
        %mul3A_452 = arith.muli %add3A_450, %mul3A_451 : i32
        %mul3A_453 = arith.constant 32 : i32
        %mul3A_454 = arith.muli %mul3A_452, %mul3A_453 : i32
        %dma_wait3A_455 = arith.constant 0 : i32
        %dma_wait3A_456 = arith.constant 0 : i32
        %dma_wait3A_457 = tpu.memref_slice %arg10[%rem3A_434, %dma_wait3A_455, %dma_wait3A_456] : memref<6x100x64xf32, #tpu.memory_space<vmem>> -> memref<1x50x64xf32, #tpu.memory_space<vmem>>
        %dma_wait3A_458 = tpu.memref_squeeze %dma_wait3A_457 : memref<1x50x64xf32, #tpu.memory_space<vmem>> -> memref<50x64xf32, #tpu.memory_space<vmem>>
        %dma_wait3A_459 = arith.constant 0 : i32
        %dma_wait3A_460 = tpu.memref_slice %arg5[%mul3A_454, %dma_wait3A_459] : memref<262144x64xf32, #tpu.memory_space<hbm>> -> memref<50x64xf32, #tpu.memory_space<hbm>>
        %dma_wait3A_461 = tpu.memref_slice %arg12[%rem3A_434] : memref<6x!tpu.dma_semaphore, #tpu.memory_space<semaphore_mem>> -> memref<1x!tpu.dma_semaphore, #tpu.memory_space<semaphore_mem>>
        %dma_wait3A_462 = tpu.memref_squeeze %dma_wait3A_461 : memref<1x!tpu.dma_semaphore, #tpu.memory_space<semaphore_mem>> -> memref<!tpu.dma_semaphore, #tpu.memory_space<semaphore_mem>>
        %dma_wait3A_463 = arith.constant 0 : i32
        %dma_wait3A_464 = tpu.memref_slice %arg5[%mul3A_454, %dma_wait3A_463] : memref<262144x64xf32, #tpu.memory_space<hbm>> -> memref<50x64xf32, #tpu.memory_space<hbm>>
        %dma_wait3A_465 = arith.constant 0 : i32
        %dma_wait3A_466 = arith.constant 0 : i32
        %dma_wait3A_467 = tpu.memref_slice %arg10[%rem3A_434, %dma_wait3A_465, %dma_wait3A_466] : memref<6x100x64xf32, #tpu.memory_space<vmem>> -> memref<1x50x64xf32, #tpu.memory_space<vmem>>
        %dma_wait3A_468 = tpu.memref_squeeze %dma_wait3A_467 : memref<1x50x64xf32, #tpu.memory_space<vmem>> -> memref<50x64xf32, #tpu.memory_space<vmem>>
        tpu.wait_dma2 semaphore(%dma_wait3A_462 : memref<!tpu.dma_semaphore, #tpu.memory_space<semaphore_mem>>) src(%dma_wait3A_468 : memref<50x64xf32, #tpu.memory_space<vmem>>) dst(%dma_wait3A_464 : memref<50x64xf32, #tpu.memory_space<hbm>>)
        %mul3A_469 = arith.constant 2 : i32
        %mul3A_470 = arith.muli %add3A_432, %mul3A_469 : i32
        %add3A_471 = arith.addi %mul3A_2, %mul3A_470 : i32
        %add3A_472 = arith.constant 1 : i32
        %add3A_473 = arith.addi %add3A_471, %add3A_472 : i32
        %mul3A_474 = arith.constant 2 : i32
        %mul3A_475 = arith.muli %add3A_473, %mul3A_474 : i32
        %mul3A_476 = arith.constant 32 : i32
        %mul3A_477 = arith.muli %mul3A_475, %mul3A_476 : i32
        %dma_wait3A_478 = arith.constant 50 : i32
        %dma_wait3A_479 = arith.constant 0 : i32
        %dma_wait3A_480 = tpu.memref_slice %arg10[%rem3A_434, %dma_wait3A_478, %dma_wait3A_479] : memref<6x100x64xf32, #tpu.memory_space<vmem>> -> memref<1x50x64xf32, #tpu.memory_space<vmem>>
        %dma_wait3A_481 = tpu.memref_squeeze %dma_wait3A_480 : memref<1x50x64xf32, #tpu.memory_space<vmem>> -> memref<50x64xf32, #tpu.memory_space<vmem>>
        %dma_wait3A_482 = arith.constant 0 : i32
        %dma_wait3A_483 = tpu.memref_slice %arg5[%mul3A_477, %dma_wait3A_482] : memref<262144x64xf32, #tpu.memory_space<hbm>> -> memref<50x64xf32, #tpu.memory_space<hbm>>
        %dma_wait3A_484 = tpu.memref_slice %arg12[%rem3A_434] : memref<6x!tpu.dma_semaphore, #tpu.memory_space<semaphore_mem>> -> memref<1x!tpu.dma_semaphore, #tpu.memory_space<semaphore_mem>>
        %dma_wait3A_485 = tpu.memref_squeeze %dma_wait3A_484 : memref<1x!tpu.dma_semaphore, #tpu.memory_space<semaphore_mem>> -> memref<!tpu.dma_semaphore, #tpu.memory_space<semaphore_mem>>
        %dma_wait3A_486 = arith.constant 0 : i32
        %dma_wait3A_487 = tpu.memref_slice %arg5[%mul3A_477, %dma_wait3A_486] : memref<262144x64xf32, #tpu.memory_space<hbm>> -> memref<50x64xf32, #tpu.memory_space<hbm>>
        %dma_wait3A_488 = arith.constant 50 : i32
        %dma_wait3A_489 = arith.constant 0 : i32
        %dma_wait3A_490 = tpu.memref_slice %arg10[%rem3A_434, %dma_wait3A_488, %dma_wait3A_489] : memref<6x100x64xf32, #tpu.memory_space<vmem>> -> memref<1x50x64xf32, #tpu.memory_space<vmem>>
        %dma_wait3A_491 = tpu.memref_squeeze %dma_wait3A_490 : memref<1x50x64xf32, #tpu.memory_space<vmem>> -> memref<50x64xf32, #tpu.memory_space<vmem>>
        tpu.wait_dma2 semaphore(%dma_wait3A_485 : memref<!tpu.dma_semaphore, #tpu.memory_space<semaphore_mem>>) src(%dma_wait3A_491 : memref<50x64xf32, #tpu.memory_space<vmem>>) dst(%dma_wait3A_487 : memref<50x64xf32, #tpu.memory_space<hbm>>)
        %dma_start3A_492 = arith.constant 0 : i32
        %dma_start3A_493 = arith.constant 0 : i32
        %dma_start3A_494 = tpu.memref_slice %arg10[%rem3A_434, %dma_start3A_492, %dma_start3A_493] : memref<6x100x64xf32, #tpu.memory_space<vmem>> -> memref<1x100x64xf32, #tpu.memory_space<vmem>>
        %dma_start3A_495 = tpu.memref_squeeze %dma_start3A_494 : memref<1x100x64xf32, #tpu.memory_space<vmem>> -> memref<100x64xf32, #tpu.memory_space<vmem>>
        %dma_start3A_496 = arith.constant 0 : i32
        %dma_start3A_497 = tpu.memref_slice %arg7[%add3A_432, %dma_start3A_496] : memref<64x100xi32, #tpu.memory_space<vmem>> -> memref<1x100xi32, #tpu.memory_space<vmem>>
        %dma_start3A_498 = tpu.memref_squeeze %dma_start3A_497 : memref<1x100xi32, #tpu.memory_space<vmem>> -> memref<100xi32, #tpu.memory_space<vmem>>
        %dma_start3A_499 = arith.constant 0 : i32
        %dma_start3A_500 = arith.constant 0 : i32
        %dma_start3A_501 = tpu.memref_slice %arg4[%dma_start3A_499, %dma_start3A_500] : memref<1000000x64xf32, #tpu.memory_space<hbm>> -> memref<1000000x64xf32, #tpu.memory_space<hbm>>
        %dma_start3A_502 = tpu.memref_slice %arg11[%rem3A_434] : memref<6x!tpu.dma_semaphore, #tpu.memory_space<semaphore_mem>> -> memref<1x!tpu.dma_semaphore, #tpu.memory_space<semaphore_mem>>
        %dma_start3A_503 = tpu.memref_squeeze %dma_start3A_502 : memref<1x!tpu.dma_semaphore, #tpu.memory_space<semaphore_mem>> -> memref<!tpu.dma_semaphore, #tpu.memory_space<semaphore_mem>>
        tpu.enqueue_indirect_dma source(%dma_start3A_501 : memref<1000000x64xf32, #tpu.memory_space<hbm>>) target(%dma_start3A_495 : memref<100x64xf32, #tpu.memory_space<vmem>>) offsets(%dma_start3A_498 : memref<100xi32, #tpu.memory_space<vmem>>) semaphore(%dma_start3A_503 : memref<!tpu.dma_semaphore, #tpu.memory_space<semaphore_mem>>)
      } else {
      }
      %lt3A_438 = arith.constant 64 : i32
      %lt3A_439 = arith.cmpi slt, %add3A_432, %lt3A_438 : i32
      %lt3A_440 = arith.constant 6 : i32
      %lt3A_441 = arith.cmpi slt, %add3A_432, %lt3A_440 : i32
      %and3A_442 = arith.andi %lt3A_439, %lt3A_441 : i1
      %convert_element_type3A_443 = arith.extui %and3A_442 : i1 to i32
      %cond3A_444 = arith.constant 0 : i32
      %cond3A_445 = arith.cmpi ne, %convert_element_type3A_443, %cond3A_444 : i32
      scf.if %cond3A_445 {
        %dma_start3A_446 = arith.constant 0 : i32
        %dma_start3A_447 = arith.constant 0 : i32
        %dma_start3A_448 = tpu.memref_slice %arg10[%rem3A_434, %dma_start3A_446, %dma_start3A_447] : memref<6x100x64xf32, #tpu.memory_space<vmem>> -> memref<1x100x64xf32, #tpu.memory_space<vmem>>
        %dma_start3A_449 = tpu.memref_squeeze %dma_start3A_448 : memref<1x100x64xf32, #tpu.memory_space<vmem>> -> memref<100x64xf32, #tpu.memory_space<vmem>>
        %dma_start3A_450 = arith.constant 0 : i32
        %dma_start3A_451 = tpu.memref_slice %arg7[%add3A_432, %dma_start3A_450] : memref<64x100xi32, #tpu.memory_space<vmem>> -> memref<1x100xi32, #tpu.memory_space<vmem>>
        %dma_start3A_452 = tpu.memref_squeeze %dma_start3A_451 : memref<1x100xi32, #tpu.memory_space<vmem>> -> memref<100xi32, #tpu.memory_space<vmem>>
        %dma_start3A_453 = arith.constant 0 : i32
        %dma_start3A_454 = arith.constant 0 : i32
        %dma_start3A_455 = tpu.memref_slice %arg4[%dma_start3A_453, %dma_start3A_454] : memref<1000000x64xf32, #tpu.memory_space<hbm>> -> memref<1000000x64xf32, #tpu.memory_space<hbm>>
        %dma_start3A_456 = tpu.memref_slice %arg11[%rem3A_434] : memref<6x!tpu.dma_semaphore, #tpu.memory_space<semaphore_mem>> -> memref<1x!tpu.dma_semaphore, #tpu.memory_space<semaphore_mem>>
        %dma_start3A_457 = tpu.memref_squeeze %dma_start3A_456 : memref<1x!tpu.dma_semaphore, #tpu.memory_space<semaphore_mem>> -> memref<!tpu.dma_semaphore, #tpu.memory_space<semaphore_mem>>
        tpu.enqueue_indirect_dma source(%dma_start3A_455 : memref<1000000x64xf32, #tpu.memory_space<hbm>>) target(%dma_start3A_449 : memref<100x64xf32, #tpu.memory_space<vmem>>) offsets(%dma_start3A_452 : memref<100xi32, #tpu.memory_space<vmem>>) semaphore(%dma_start3A_457 : memref<!tpu.dma_semaphore, #tpu.memory_space<semaphore_mem>>)
      } else {
      }
    }
    %scan3A_78 = arith.constant 64 : i32
    %add3A_79 = arith.constant 0 : i32
    %add3A_80 = arith.addi %mul3A_2, %add3A_79 : i32
    %add3A_81 = arith.constant 0 : i32
    %add3A_82 = arith.addi %add3A_80, %add3A_81 : i32
    %mul3A_83 = arith.constant 2 : i32
    %mul3A_84 = arith.muli %add3A_82, %mul3A_83 : i32
    %mul3A_85 = arith.constant 32 : i32
    %mul3A_86 = arith.muli %mul3A_84, %mul3A_85 : i32
    %dma_wait3A_87 = arith.constant 0 : i32
    %dma_wait3A_88 = arith.constant 0 : i32
    %dma_wait3A_89 = arith.constant 0 : i32
    %dma_wait3A_90 = arith.constant 0 : i32
    %dma_wait3A_91 = tpu.memref_slice %arg10[%dma_wait3A_87, %dma_wait3A_89, %dma_wait3A_90] : memref<6x100x64xf32, #tpu.memory_space<vmem>> -> memref<1x50x64xf32, #tpu.memory_space<vmem>>
    %dma_wait3A_92 = tpu.memref_squeeze %dma_wait3A_91 : memref<1x50x64xf32, #tpu.memory_space<vmem>> -> memref<50x64xf32, #tpu.memory_space<vmem>>
    %dma_wait3A_93 = arith.constant 0 : i32
    %dma_wait3A_94 = tpu.memref_slice %arg5[%mul3A_86, %dma_wait3A_93] : memref<262144x64xf32, #tpu.memory_space<hbm>> -> memref<50x64xf32, #tpu.memory_space<hbm>>
    %dma_wait3A_95 = tpu.memref_slice %arg12[%dma_wait3A_88] : memref<6x!tpu.dma_semaphore, #tpu.memory_space<semaphore_mem>> -> memref<1x!tpu.dma_semaphore, #tpu.memory_space<semaphore_mem>>
    %dma_wait3A_96 = tpu.memref_squeeze %dma_wait3A_95 : memref<1x!tpu.dma_semaphore, #tpu.memory_space<semaphore_mem>> -> memref<!tpu.dma_semaphore, #tpu.memory_space<semaphore_mem>>
    %dma_wait3A_97 = arith.constant 0 : i32
    %dma_wait3A_98 = tpu.memref_slice %arg5[%mul3A_86, %dma_wait3A_97] : memref<262144x64xf32, #tpu.memory_space<hbm>> -> memref<50x64xf32, #tpu.memory_space<hbm>>
    %dma_wait3A_99 = arith.constant 0 : i32
    %dma_wait3A_100 = arith.constant 0 : i32
    %dma_wait3A_101 = tpu.memref_slice %arg10[%dma_wait3A_87, %dma_wait3A_99, %dma_wait3A_100] : memref<6x100x64xf32, #tpu.memory_space<vmem>> -> memref<1x50x64xf32, #tpu.memory_space<vmem>>
    %dma_wait3A_102 = tpu.memref_squeeze %dma_wait3A_101 : memref<1x50x64xf32, #tpu.memory_space<vmem>> -> memref<50x64xf32, #tpu.memory_space<vmem>>
    tpu.wait_dma2 semaphore(%dma_wait3A_96 : memref<!tpu.dma_semaphore, #tpu.memory_space<semaphore_mem>>) src(%dma_wait3A_102 : memref<50x64xf32, #tpu.memory_space<vmem>>) dst(%dma_wait3A_98 : memref<50x64xf32, #tpu.memory_space<hbm>>)
    %add3A_103 = arith.constant 0 : i32
    %add3A_104 = arith.addi %mul3A_2, %add3A_103 : i32
    %add3A_105 = arith.constant 1 : i32
    %add3A_106 = arith.addi %add3A_104, %add3A_105 : i32
    %mul3A_107 = arith.constant 2 : i32
    %mul3A_108 = arith.muli %add3A_106, %mul3A_107 : i32
    %mul3A_109 = arith.constant 32 : i32
    %mul3A_110 = arith.muli %mul3A_108, %mul3A_109 : i32
    %dma_wait3A_111 = arith.constant 0 : i32
    %dma_wait3A_112 = arith.constant 0 : i32
    %dma_wait3A_113 = arith.constant 50 : i32
    %dma_wait3A_114 = arith.constant 0 : i32
    %dma_wait3A_115 = tpu.memref_slice %arg10[%dma_wait3A_111, %dma_wait3A_113, %dma_wait3A_114] : memref<6x100x64xf32, #tpu.memory_space<vmem>> -> memref<1x50x64xf32, #tpu.memory_space<vmem>>
    %dma_wait3A_116 = tpu.memref_squeeze %dma_wait3A_115 : memref<1x50x64xf32, #tpu.memory_space<vmem>> -> memref<50x64xf32, #tpu.memory_space<vmem>>
    %dma_wait3A_117 = arith.constant 0 : i32
    %dma_wait3A_118 = tpu.memref_slice %arg5[%mul3A_110, %dma_wait3A_117] : memref<262144x64xf32, #tpu.memory_space<hbm>> -> memref<50x64xf32, #tpu.memory_space<hbm>>
    %dma_wait3A_119 = tpu.memref_slice %arg12[%dma_wait3A_112] : memref<6x!tpu.dma_semaphore, #tpu.memory_space<semaphore_mem>> -> memref<1x!tpu.dma_semaphore, #tpu.memory_space<semaphore_mem>>
    %dma_wait3A_120 = tpu.memref_squeeze %dma_wait3A_119 : memref<1x!tpu.dma_semaphore, #tpu.memory_space<semaphore_mem>> -> memref<!tpu.dma_semaphore, #tpu.memory_space<semaphore_mem>>
    %dma_wait3A_121 = arith.constant 0 : i32
    %dma_wait3A_122 = tpu.memref_slice %arg5[%mul3A_110, %dma_wait3A_121] : memref<262144x64xf32, #tpu.memory_space<hbm>> -> memref<50x64xf32, #tpu.memory_space<hbm>>
    %dma_wait3A_123 = arith.constant 50 : i32
    %dma_wait3A_124 = arith.constant 0 : i32
    %dma_wait3A_125 = tpu.memref_slice %arg10[%dma_wait3A_111, %dma_wait3A_123, %dma_wait3A_124] : memref<6x100x64xf32, #tpu.memory_space<vmem>> -> memref<1x50x64xf32, #tpu.memory_space<vmem>>
    %dma_wait3A_126 = tpu.memref_squeeze %dma_wait3A_125 : memref<1x50x64xf32, #tpu.memory_space<vmem>> -> memref<50x64xf32, #tpu.memory_space<vmem>>
    tpu.wait_dma2 semaphore(%dma_wait3A_120 : memref<!tpu.dma_semaphore, #tpu.memory_space<semaphore_mem>>) src(%dma_wait3A_126 : memref<50x64xf32, #tpu.memory_space<vmem>>) dst(%dma_wait3A_122 : memref<50x64xf32, #tpu.memory_space<hbm>>)
    %add3A_127 = arith.constant 0 : i32
    %add3A_128 = arith.addi %mul3A_2, %add3A_127 : i32
    %add3A_129 = arith.constant 0 : i32
    %add3A_130 = arith.addi %add3A_128, %add3A_129 : i32
    %mul3A_131 = arith.constant 2 : i32
    %mul3A_132 = arith.muli %add3A_130, %mul3A_131 : i32
    %mul3A_133 = arith.constant 32 : i32
    %mul3A_134 = arith.muli %mul3A_132, %mul3A_133 : i32
    %dma_wait3A_135 = arith.constant 1 : i32
    %dma_wait3A_136 = arith.constant 1 : i32
    %dma_wait3A_137 = arith.constant 0 : i32
    %dma_wait3A_138 = arith.constant 0 : i32
    %dma_wait3A_139 = tpu.memref_slice %arg10[%dma_wait3A_135, %dma_wait3A_137, %dma_wait3A_138] : memref<6x100x64xf32, #tpu.memory_space<vmem>> -> memref<1x50x64xf32, #tpu.memory_space<vmem>>
    %dma_wait3A_140 = tpu.memref_squeeze %dma_wait3A_139 : memref<1x50x64xf32, #tpu.memory_space<vmem>> -> memref<50x64xf32, #tpu.memory_space<vmem>>
    %dma_wait3A_141 = arith.constant 0 : i32
    %dma_wait3A_142 = tpu.memref_slice %arg5[%mul3A_134, %dma_wait3A_141] : memref<262144x64xf32, #tpu.memory_space<hbm>> -> memref<50x64xf32, #tpu.memory_space<hbm>>
    %dma_wait3A_143 = tpu.memref_slice %arg12[%dma_wait3A_136] : memref<6x!tpu.dma_semaphore, #tpu.memory_space<semaphore_mem>> -> memref<1x!tpu.dma_semaphore, #tpu.memory_space<semaphore_mem>>
    %dma_wait3A_144 = tpu.memref_squeeze %dma_wait3A_143 : memref<1x!tpu.dma_semaphore, #tpu.memory_space<semaphore_mem>> -> memref<!tpu.dma_semaphore, #tpu.memory_space<semaphore_mem>>
    %dma_wait3A_145 = arith.constant 0 : i32
    %dma_wait3A_146 = tpu.memref_slice %arg5[%mul3A_134, %dma_wait3A_145] : memref<262144x64xf32, #tpu.memory_space<hbm>> -> memref<50x64xf32, #tpu.memory_space<hbm>>
    %dma_wait3A_147 = arith.constant 0 : i32
    %dma_wait3A_148 = arith.constant 0 : i32
    %dma_wait3A_149 = tpu.memref_slice %arg10[%dma_wait3A_135, %dma_wait3A_147, %dma_wait3A_148] : memref<6x100x64xf32, #tpu.memory_space<vmem>> -> memref<1x50x64xf32, #tpu.memory_space<vmem>>
    %dma_wait3A_150 = tpu.memref_squeeze %dma_wait3A_149 : memref<1x50x64xf32, #tpu.memory_space<vmem>> -> memref<50x64xf32, #tpu.memory_space<vmem>>
    tpu.wait_dma2 semaphore(%dma_wait3A_144 : memref<!tpu.dma_semaphore, #tpu.memory_space<semaphore_mem>>) src(%dma_wait3A_150 : memref<50x64xf32, #tpu.memory_space<vmem>>) dst(%dma_wait3A_146 : memref<50x64xf32, #tpu.memory_space<hbm>>)
    %add3A_151 = arith.constant 0 : i32
    %add3A_152 = arith.addi %mul3A_2, %add3A_151 : i32
    %add3A_153 = arith.constant 1 : i32
    %add3A_154 = arith.addi %add3A_152, %add3A_153 : i32
    %mul3A_155 = arith.constant 2 : i32
    %mul3A_156 = arith.muli %add3A_154, %mul3A_155 : i32
    %mul3A_157 = arith.constant 32 : i32
    %mul3A_158 = arith.muli %mul3A_156, %mul3A_157 : i32
    %dma_wait3A_159 = arith.constant 1 : i32
    %dma_wait3A_160 = arith.constant 1 : i32
    %dma_wait3A_161 = arith.constant 50 : i32
    %dma_wait3A_162 = arith.constant 0 : i32
    %dma_wait3A_163 = tpu.memref_slice %arg10[%dma_wait3A_159, %dma_wait3A_161, %dma_wait3A_162] : memref<6x100x64xf32, #tpu.memory_space<vmem>> -> memref<1x50x64xf32, #tpu.memory_space<vmem>>
    %dma_wait3A_164 = tpu.memref_squeeze %dma_wait3A_163 : memref<1x50x64xf32, #tpu.memory_space<vmem>> -> memref<50x64xf32, #tpu.memory_space<vmem>>
    %dma_wait3A_165 = arith.constant 0 : i32
    %dma_wait3A_166 = tpu.memref_slice %arg5[%mul3A_158, %dma_wait3A_165] : memref<262144x64xf32, #tpu.memory_space<hbm>> -> memref<50x64xf32, #tpu.memory_space<hbm>>
    %dma_wait3A_167 = tpu.memref_slice %arg12[%dma_wait3A_160] : memref<6x!tpu.dma_semaphore, #tpu.memory_space<semaphore_mem>> -> memref<1x!tpu.dma_semaphore, #tpu.memory_space<semaphore_mem>>
    %dma_wait3A_168 = tpu.memref_squeeze %dma_wait3A_167 : memref<1x!tpu.dma_semaphore, #tpu.memory_space<semaphore_mem>> -> memref<!tpu.dma_semaphore, #tpu.memory_space<semaphore_mem>>
    %dma_wait3A_169 = arith.constant 0 : i32
    %dma_wait3A_170 = tpu.memref_slice %arg5[%mul3A_158, %dma_wait3A_169] : memref<262144x64xf32, #tpu.memory_space<hbm>> -> memref<50x64xf32, #tpu.memory_space<hbm>>
    %dma_wait3A_171 = arith.constant 50 : i32
    %dma_wait3A_172 = arith.constant 0 : i32
    %dma_wait3A_173 = tpu.memref_slice %arg10[%dma_wait3A_159, %dma_wait3A_171, %dma_wait3A_172] : memref<6x100x64xf32, #tpu.memory_space<vmem>> -> memref<1x50x64xf32, #tpu.memory_space<vmem>>
    %dma_wait3A_174 = tpu.memref_squeeze %dma_wait3A_173 : memref<1x50x64xf32, #tpu.memory_space<vmem>> -> memref<50x64xf32, #tpu.memory_space<vmem>>
    tpu.wait_dma2 semaphore(%dma_wait3A_168 : memref<!tpu.dma_semaphore, #tpu.memory_space<semaphore_mem>>) src(%dma_wait3A_174 : memref<50x64xf32, #tpu.memory_space<vmem>>) dst(%dma_wait3A_170 : memref<50x64xf32, #tpu.memory_space<hbm>>)
    %add3A_175 = arith.constant 0 : i32
    %add3A_176 = arith.addi %mul3A_2, %add3A_175 : i32
    %add3A_177 = arith.constant 0 : i32
    %add3A_178 = arith.addi %add3A_176, %add3A_177 : i32
    %mul3A_179 = arith.constant 2 : i32
    %mul3A_180 = arith.muli %add3A_178, %mul3A_179 : i32
    %mul3A_181 = arith.constant 32 : i32
    %mul3A_182 = arith.muli %mul3A_180, %mul3A_181 : i32
    %dma_wait3A_183 = arith.constant 2 : i32
    %dma_wait3A_184 = arith.constant 2 : i32
    %dma_wait3A_185 = arith.constant 0 : i32
    %dma_wait3A_186 = arith.constant 0 : i32
    %dma_wait3A_187 = tpu.memref_slice %arg10[%dma_wait3A_183, %dma_wait3A_185, %dma_wait3A_186] : memref<6x100x64xf32, #tpu.memory_space<vmem>> -> memref<1x50x64xf32, #tpu.memory_space<vmem>>
    %dma_wait3A_188 = tpu.memref_squeeze %dma_wait3A_187 : memref<1x50x64xf32, #tpu.memory_space<vmem>> -> memref<50x64xf32, #tpu.memory_space<vmem>>
    %dma_wait3A_189 = arith.constant 0 : i32
    %dma_wait3A_190 = tpu.memref_slice %arg5[%mul3A_182, %dma_wait3A_189] : memref<262144x64xf32, #tpu.memory_space<hbm>> -> memref<50x64xf32, #tpu.memory_space<hbm>>
    %dma_wait3A_191 = tpu.memref_slice %arg12[%dma_wait3A_184] : memref<6x!tpu.dma_semaphore, #tpu.memory_space<semaphore_mem>> -> memref<1x!tpu.dma_semaphore, #tpu.memory_space<semaphore_mem>>
    %dma_wait3A_192 = tpu.memref_squeeze %dma_wait3A_191 : memref<1x!tpu.dma_semaphore, #tpu.memory_space<semaphore_mem>> -> memref<!tpu.dma_semaphore, #tpu.memory_space<semaphore_mem>>
    %dma_wait3A_193 = arith.constant 0 : i32
    %dma_wait3A_194 = tpu.memref_slice %arg5[%mul3A_182, %dma_wait3A_193] : memref<262144x64xf32, #tpu.memory_space<hbm>> -> memref<50x64xf32, #tpu.memory_space<hbm>>
    %dma_wait3A_195 = arith.constant 0 : i32
    %dma_wait3A_196 = arith.constant 0 : i32
    %dma_wait3A_197 = tpu.memref_slice %arg10[%dma_wait3A_183, %dma_wait3A_195, %dma_wait3A_196] : memref<6x100x64xf32, #tpu.memory_space<vmem>> -> memref<1x50x64xf32, #tpu.memory_space<vmem>>
    %dma_wait3A_198 = tpu.memref_squeeze %dma_wait3A_197 : memref<1x50x64xf32, #tpu.memory_space<vmem>> -> memref<50x64xf32, #tpu.memory_space<vmem>>
    tpu.wait_dma2 semaphore(%dma_wait3A_192 : memref<!tpu.dma_semaphore, #tpu.memory_space<semaphore_mem>>) src(%dma_wait3A_198 : memref<50x64xf32, #tpu.memory_space<vmem>>) dst(%dma_wait3A_194 : memref<50x64xf32, #tpu.memory_space<hbm>>)
    %add3A_199 = arith.constant 0 : i32
    %add3A_200 = arith.addi %mul3A_2, %add3A_199 : i32
    %add3A_201 = arith.constant 1 : i32
    %add3A_202 = arith.addi %add3A_200, %add3A_201 : i32
    %mul3A_203 = arith.constant 2 : i32
    %mul3A_204 = arith.muli %add3A_202, %mul3A_203 : i32
    %mul3A_205 = arith.constant 32 : i32
    %mul3A_206 = arith.muli %mul3A_204, %mul3A_205 : i32
    %dma_wait3A_207 = arith.constant 2 : i32
    %dma_wait3A_208 = arith.constant 2 : i32
    %dma_wait3A_209 = arith.constant 50 : i32
    %dma_wait3A_210 = arith.constant 0 : i32
    %dma_wait3A_211 = tpu.memref_slice %arg10[%dma_wait3A_207, %dma_wait3A_209, %dma_wait3A_210] : memref<6x100x64xf32, #tpu.memory_space<vmem>> -> memref<1x50x64xf32, #tpu.memory_space<vmem>>
    %dma_wait3A_212 = tpu.memref_squeeze %dma_wait3A_211 : memref<1x50x64xf32, #tpu.memory_space<vmem>> -> memref<50x64xf32, #tpu.memory_space<vmem>>
    %dma_wait3A_213 = arith.constant 0 : i32
    %dma_wait3A_214 = tpu.memref_slice %arg5[%mul3A_206, %dma_wait3A_213] : memref<262144x64xf32, #tpu.memory_space<hbm>> -> memref<50x64xf32, #tpu.memory_space<hbm>>
    %dma_wait3A_215 = tpu.memref_slice %arg12[%dma_wait3A_208] : memref<6x!tpu.dma_semaphore, #tpu.memory_space<semaphore_mem>> -> memref<1x!tpu.dma_semaphore, #tpu.memory_space<semaphore_mem>>
    %dma_wait3A_216 = tpu.memref_squeeze %dma_wait3A_215 : memref<1x!tpu.dma_semaphore, #tpu.memory_space<semaphore_mem>> -> memref<!tpu.dma_semaphore, #tpu.memory_space<semaphore_mem>>
    %dma_wait3A_217 = arith.constant 0 : i32
    %dma_wait3A_218 = tpu.memref_slice %arg5[%mul3A_206, %dma_wait3A_217] : memref<262144x64xf32, #tpu.memory_space<hbm>> -> memref<50x64xf32, #tpu.memory_space<hbm>>
    %dma_wait3A_219 = arith.constant 50 : i32
    %dma_wait3A_220 = arith.constant 0 : i32
    %dma_wait3A_221 = tpu.memref_slice %arg10[%dma_wait3A_207, %dma_wait3A_219, %dma_wait3A_220] : memref<6x100x64xf32, #tpu.memory_space<vmem>> -> memref<1x50x64xf32, #tpu.memory_space<vmem>>
    %dma_wait3A_222 = tpu.memref_squeeze %dma_wait3A_221 : memref<1x50x64xf32, #tpu.memory_space<vmem>> -> memref<50x64xf32, #tpu.memory_space<vmem>>
    tpu.wait_dma2 semaphore(%dma_wait3A_216 : memref<!tpu.dma_semaphore, #tpu.memory_space<semaphore_mem>>) src(%dma_wait3A_222 : memref<50x64xf32, #tpu.memory_space<vmem>>) dst(%dma_wait3A_218 : memref<50x64xf32, #tpu.memory_space<hbm>>)
    %add3A_223 = arith.constant 0 : i32
    %add3A_224 = arith.addi %mul3A_2, %add3A_223 : i32
    %add3A_225 = arith.constant 0 : i32
    %add3A_226 = arith.addi %add3A_224, %add3A_225 : i32
    %mul3A_227 = arith.constant 2 : i32
    %mul3A_228 = arith.muli %add3A_226, %mul3A_227 : i32
    %mul3A_229 = arith.constant 32 : i32
    %mul3A_230 = arith.muli %mul3A_228, %mul3A_229 : i32
    %dma_wait3A_231 = arith.constant 3 : i32
    %dma_wait3A_232 = arith.constant 3 : i32
    %dma_wait3A_233 = arith.constant 0 : i32
    %dma_wait3A_234 = arith.constant 0 : i32
    %dma_wait3A_235 = tpu.memref_slice %arg10[%dma_wait3A_231, %dma_wait3A_233, %dma_wait3A_234] : memref<6x100x64xf32, #tpu.memory_space<vmem>> -> memref<1x50x64xf32, #tpu.memory_space<vmem>>
    %dma_wait3A_236 = tpu.memref_squeeze %dma_wait3A_235 : memref<1x50x64xf32, #tpu.memory_space<vmem>> -> memref<50x64xf32, #tpu.memory_space<vmem>>
    %dma_wait3A_237 = arith.constant 0 : i32
    %dma_wait3A_238 = tpu.memref_slice %arg5[%mul3A_230, %dma_wait3A_237] : memref<262144x64xf32, #tpu.memory_space<hbm>> -> memref<50x64xf32, #tpu.memory_space<hbm>>
    %dma_wait3A_239 = tpu.memref_slice %arg12[%dma_wait3A_232] : memref<6x!tpu.dma_semaphore, #tpu.memory_space<semaphore_mem>> -> memref<1x!tpu.dma_semaphore, #tpu.memory_space<semaphore_mem>>
    %dma_wait3A_240 = tpu.memref_squeeze %dma_wait3A_239 : memref<1x!tpu.dma_semaphore, #tpu.memory_space<semaphore_mem>> -> memref<!tpu.dma_semaphore, #tpu.memory_space<semaphore_mem>>
    %dma_wait3A_241 = arith.constant 0 : i32
    %dma_wait3A_242 = tpu.memref_slice %arg5[%mul3A_230, %dma_wait3A_241] : memref<262144x64xf32, #tpu.memory_space<hbm>> -> memref<50x64xf32, #tpu.memory_space<hbm>>
    %dma_wait3A_243 = arith.constant 0 : i32
    %dma_wait3A_244 = arith.constant 0 : i32
    %dma_wait3A_245 = tpu.memref_slice %arg10[%dma_wait3A_231, %dma_wait3A_243, %dma_wait3A_244] : memref<6x100x64xf32, #tpu.memory_space<vmem>> -> memref<1x50x64xf32, #tpu.memory_space<vmem>>
    %dma_wait3A_246 = tpu.memref_squeeze %dma_wait3A_245 : memref<1x50x64xf32, #tpu.memory_space<vmem>> -> memref<50x64xf32, #tpu.memory_space<vmem>>
    tpu.wait_dma2 semaphore(%dma_wait3A_240 : memref<!tpu.dma_semaphore, #tpu.memory_space<semaphore_mem>>) src(%dma_wait3A_246 : memref<50x64xf32, #tpu.memory_space<vmem>>) dst(%dma_wait3A_242 : memref<50x64xf32, #tpu.memory_space<hbm>>)
    %add3A_247 = arith.constant 0 : i32
    %add3A_248 = arith.addi %mul3A_2, %add3A_247 : i32
    %add3A_249 = arith.constant 1 : i32
    %add3A_250 = arith.addi %add3A_248, %add3A_249 : i32
    %mul3A_251 = arith.constant 2 : i32
    %mul3A_252 = arith.muli %add3A_250, %mul3A_251 : i32
    %mul3A_253 = arith.constant 32 : i32
    %mul3A_254 = arith.muli %mul3A_252, %mul3A_253 : i32
    %dma_wait3A_255 = arith.constant 3 : i32
    %dma_wait3A_256 = arith.constant 3 : i32
    %dma_wait3A_257 = arith.constant 50 : i32
    %dma_wait3A_258 = arith.constant 0 : i32
    %dma_wait3A_259 = tpu.memref_slice %arg10[%dma_wait3A_255, %dma_wait3A_257, %dma_wait3A_258] : memref<6x100x64xf32, #tpu.memory_space<vmem>> -> memref<1x50x64xf32, #tpu.memory_space<vmem>>
    %dma_wait3A_260 = tpu.memref_squeeze %dma_wait3A_259 : memref<1x50x64xf32, #tpu.memory_space<vmem>> -> memref<50x64xf32, #tpu.memory_space<vmem>>
    %dma_wait3A_261 = arith.constant 0 : i32
    %dma_wait3A_262 = tpu.memref_slice %arg5[%mul3A_254, %dma_wait3A_261] : memref<262144x64xf32, #tpu.memory_space<hbm>> -> memref<50x64xf32, #tpu.memory_space<hbm>>
    %dma_wait3A_263 = tpu.memref_slice %arg12[%dma_wait3A_256] : memref<6x!tpu.dma_semaphore, #tpu.memory_space<semaphore_mem>> -> memref<1x!tpu.dma_semaphore, #tpu.memory_space<semaphore_mem>>
    %dma_wait3A_264 = tpu.memref_squeeze %dma_wait3A_263 : memref<1x!tpu.dma_semaphore, #tpu.memory_space<semaphore_mem>> -> memref<!tpu.dma_semaphore, #tpu.memory_space<semaphore_mem>>
    %dma_wait3A_265 = arith.constant 0 : i32
    %dma_wait3A_266 = tpu.memref_slice %arg5[%mul3A_254, %dma_wait3A_265] : memref<262144x64xf32, #tpu.memory_space<hbm>> -> memref<50x64xf32, #tpu.memory_space<hbm>>
    %dma_wait3A_267 = arith.constant 50 : i32
    %dma_wait3A_268 = arith.constant 0 : i32
    %dma_wait3A_269 = tpu.memref_slice %arg10[%dma_wait3A_255, %dma_wait3A_267, %dma_wait3A_268] : memref<6x100x64xf32, #tpu.memory_space<vmem>> -> memref<1x50x64xf32, #tpu.memory_space<vmem>>
    %dma_wait3A_270 = tpu.memref_squeeze %dma_wait3A_269 : memref<1x50x64xf32, #tpu.memory_space<vmem>> -> memref<50x64xf32, #tpu.memory_space<vmem>>
    tpu.wait_dma2 semaphore(%dma_wait3A_264 : memref<!tpu.dma_semaphore, #tpu.memory_space<semaphore_mem>>) src(%dma_wait3A_270 : memref<50x64xf32, #tpu.memory_space<vmem>>) dst(%dma_wait3A_266 : memref<50x64xf32, #tpu.memory_space<hbm>>)
    %add3A_271 = arith.constant 0 : i32
    %add3A_272 = arith.addi %mul3A_2, %add3A_271 : i32
    %add3A_273 = arith.constant 0 : i32
    %add3A_274 = arith.addi %add3A_272, %add3A_273 : i32
    %mul3A_275 = arith.constant 2 : i32
    %mul3A_276 = arith.muli %add3A_274, %mul3A_275 : i32
    %mul3A_277 = arith.constant 32 : i32
    %mul3A_278 = arith.muli %mul3A_276, %mul3A_277 : i32
    %dma_wait3A_279 = arith.constant 4 : i32
    %dma_wait3A_280 = arith.constant 4 : i32
    %dma_wait3A_281 = arith.constant 0 : i32
    %dma_wait3A_282 = arith.constant 0 : i32
    %dma_wait3A_283 = tpu.memref_slice %arg10[%dma_wait3A_279, %dma_wait3A_281, %dma_wait3A_282] : memref<6x100x64xf32, #tpu.memory_space<vmem>> -> memref<1x50x64xf32, #tpu.memory_space<vmem>>
    %dma_wait3A_284 = tpu.memref_squeeze %dma_wait3A_283 : memref<1x50x64xf32, #tpu.memory_space<vmem>> -> memref<50x64xf32, #tpu.memory_space<vmem>>
    %dma_wait3A_285 = arith.constant 0 : i32
    %dma_wait3A_286 = tpu.memref_slice %arg5[%mul3A_278, %dma_wait3A_285] : memref<262144x64xf32, #tpu.memory_space<hbm>> -> memref<50x64xf32, #tpu.memory_space<hbm>>
    %dma_wait3A_287 = tpu.memref_slice %arg12[%dma_wait3A_280] : memref<6x!tpu.dma_semaphore, #tpu.memory_space<semaphore_mem>> -> memref<1x!tpu.dma_semaphore, #tpu.memory_space<semaphore_mem>>
    %dma_wait3A_288 = tpu.memref_squeeze %dma_wait3A_287 : memref<1x!tpu.dma_semaphore, #tpu.memory_space<semaphore_mem>> -> memref<!tpu.dma_semaphore, #tpu.memory_space<semaphore_mem>>
    %dma_wait3A_289 = arith.constant 0 : i32
    %dma_wait3A_290 = tpu.memref_slice %arg5[%mul3A_278, %dma_wait3A_289] : memref<262144x64xf32, #tpu.memory_space<hbm>> -> memref<50x64xf32, #tpu.memory_space<hbm>>
    %dma_wait3A_291 = arith.constant 0 : i32
    %dma_wait3A_292 = arith.constant 0 : i32
    %dma_wait3A_293 = tpu.memref_slice %arg10[%dma_wait3A_279, %dma_wait3A_291, %dma_wait3A_292] : memref<6x100x64xf32, #tpu.memory_space<vmem>> -> memref<1x50x64xf32, #tpu.memory_space<vmem>>
    %dma_wait3A_294 = tpu.memref_squeeze %dma_wait3A_293 : memref<1x50x64xf32, #tpu.memory_space<vmem>> -> memref<50x64xf32, #tpu.memory_space<vmem>>
    tpu.wait_dma2 semaphore(%dma_wait3A_288 : memref<!tpu.dma_semaphore, #tpu.memory_space<semaphore_mem>>) src(%dma_wait3A_294 : memref<50x64xf32, #tpu.memory_space<vmem>>) dst(%dma_wait3A_290 : memref<50x64xf32, #tpu.memory_space<hbm>>)
    %add3A_295 = arith.constant 0 : i32
    %add3A_296 = arith.addi %mul3A_2, %add3A_295 : i32
    %add3A_297 = arith.constant 1 : i32
    %add3A_298 = arith.addi %add3A_296, %add3A_297 : i32
    %mul3A_299 = arith.constant 2 : i32
    %mul3A_300 = arith.muli %add3A_298, %mul3A_299 : i32
    %mul3A_301 = arith.constant 32 : i32
    %mul3A_302 = arith.muli %mul3A_300, %mul3A_301 : i32
    %dma_wait3A_303 = arith.constant 4 : i32
    %dma_wait3A_304 = arith.constant 4 : i32
    %dma_wait3A_305 = arith.constant 50 : i32
    %dma_wait3A_306 = arith.constant 0 : i32
    %dma_wait3A_307 = tpu.memref_slice %arg10[%dma_wait3A_303, %dma_wait3A_305, %dma_wait3A_306] : memref<6x100x64xf32, #tpu.memory_space<vmem>> -> memref<1x50x64xf32, #tpu.memory_space<vmem>>
    %dma_wait3A_308 = tpu.memref_squeeze %dma_wait3A_307 : memref<1x50x64xf32, #tpu.memory_space<vmem>> -> memref<50x64xf32, #tpu.memory_space<vmem>>
    %dma_wait3A_309 = arith.constant 0 : i32
    %dma_wait3A_310 = tpu.memref_slice %arg5[%mul3A_302, %dma_wait3A_309] : memref<262144x64xf32, #tpu.memory_space<hbm>> -> memref<50x64xf32, #tpu.memory_space<hbm>>
    %dma_wait3A_311 = tpu.memref_slice %arg12[%dma_wait3A_304] : memref<6x!tpu.dma_semaphore, #tpu.memory_space<semaphore_mem>> -> memref<1x!tpu.dma_semaphore, #tpu.memory_space<semaphore_mem>>
    %dma_wait3A_312 = tpu.memref_squeeze %dma_wait3A_311 : memref<1x!tpu.dma_semaphore, #tpu.memory_space<semaphore_mem>> -> memref<!tpu.dma_semaphore, #tpu.memory_space<semaphore_mem>>
    %dma_wait3A_313 = arith.constant 0 : i32
    %dma_wait3A_314 = tpu.memref_slice %arg5[%mul3A_302, %dma_wait3A_313] : memref<262144x64xf32, #tpu.memory_space<hbm>> -> memref<50x64xf32, #tpu.memory_space<hbm>>
    %dma_wait3A_315 = arith.constant 50 : i32
    %dma_wait3A_316 = arith.constant 0 : i32
    %dma_wait3A_317 = tpu.memref_slice %arg10[%dma_wait3A_303, %dma_wait3A_315, %dma_wait3A_316] : memref<6x100x64xf32, #tpu.memory_space<vmem>> -> memref<1x50x64xf32, #tpu.memory_space<vmem>>
    %dma_wait3A_318 = tpu.memref_squeeze %dma_wait3A_317 : memref<1x50x64xf32, #tpu.memory_space<vmem>> -> memref<50x64xf32, #tpu.memory_space<vmem>>
    tpu.wait_dma2 semaphore(%dma_wait3A_312 : memref<!tpu.dma_semaphore, #tpu.memory_space<semaphore_mem>>) src(%dma_wait3A_318 : memref<50x64xf32, #tpu.memory_space<vmem>>) dst(%dma_wait3A_314 : memref<50x64xf32, #tpu.memory_space<hbm>>)
    %add3A_319 = arith.constant 0 : i32
    %add3A_320 = arith.addi %mul3A_2, %add3A_319 : i32
    %add3A_321 = arith.constant 0 : i32
    %add3A_322 = arith.addi %add3A_320, %add3A_321 : i32
    %mul3A_323 = arith.constant 2 : i32
    %mul3A_324 = arith.muli %add3A_322, %mul3A_323 : i32
    %mul3A_325 = arith.constant 32 : i32
    %mul3A_326 = arith.muli %mul3A_324, %mul3A_325 : i32
    %dma_wait3A_327 = arith.constant 5 : i32
    %dma_wait3A_328 = arith.constant 5 : i32
    %dma_wait3A_329 = arith.constant 0 : i32
    %dma_wait3A_330 = arith.constant 0 : i32
    %dma_wait3A_331 = tpu.memref_slice %arg10[%dma_wait3A_327, %dma_wait3A_329, %dma_wait3A_330] : memref<6x100x64xf32, #tpu.memory_space<vmem>> -> memref<1x50x64xf32, #tpu.memory_space<vmem>>
    %dma_wait3A_332 = tpu.memref_squeeze %dma_wait3A_331 : memref<1x50x64xf32, #tpu.memory_space<vmem>> -> memref<50x64xf32, #tpu.memory_space<vmem>>
    %dma_wait3A_333 = arith.constant 0 : i32
    %dma_wait3A_334 = tpu.memref_slice %arg5[%mul3A_326, %dma_wait3A_333] : memref<262144x64xf32, #tpu.memory_space<hbm>> -> memref<50x64xf32, #tpu.memory_space<hbm>>
    %dma_wait3A_335 = tpu.memref_slice %arg12[%dma_wait3A_328] : memref<6x!tpu.dma_semaphore, #tpu.memory_space<semaphore_mem>> -> memref<1x!tpu.dma_semaphore, #tpu.memory_space<semaphore_mem>>
    %dma_wait3A_336 = tpu.memref_squeeze %dma_wait3A_335 : memref<1x!tpu.dma_semaphore, #tpu.memory_space<semaphore_mem>> -> memref<!tpu.dma_semaphore, #tpu.memory_space<semaphore_mem>>
    %dma_wait3A_337 = arith.constant 0 : i32
    %dma_wait3A_338 = tpu.memref_slice %arg5[%mul3A_326, %dma_wait3A_337] : memref<262144x64xf32, #tpu.memory_space<hbm>> -> memref<50x64xf32, #tpu.memory_space<hbm>>
    %dma_wait3A_339 = arith.constant 0 : i32
    %dma_wait3A_340 = arith.constant 0 : i32
    %dma_wait3A_341 = tpu.memref_slice %arg10[%dma_wait3A_327, %dma_wait3A_339, %dma_wait3A_340] : memref<6x100x64xf32, #tpu.memory_space<vmem>> -> memref<1x50x64xf32, #tpu.memory_space<vmem>>
    %dma_wait3A_342 = tpu.memref_squeeze %dma_wait3A_341 : memref<1x50x64xf32, #tpu.memory_space<vmem>> -> memref<50x64xf32, #tpu.memory_space<vmem>>
    tpu.wait_dma2 semaphore(%dma_wait3A_336 : memref<!tpu.dma_semaphore, #tpu.memory_space<semaphore_mem>>) src(%dma_wait3A_342 : memref<50x64xf32, #tpu.memory_space<vmem>>) dst(%dma_wait3A_338 : memref<50x64xf32, #tpu.memory_space<hbm>>)
    %add3A_343 = arith.constant 0 : i32
    %add3A_344 = arith.addi %mul3A_2, %add3A_343 : i32
    %add3A_345 = arith.constant 1 : i32
    %add3A_346 = arith.addi %add3A_344, %add3A_345 : i32
    %mul3A_347 = arith.constant 2 : i32
    %mul3A_348 = arith.muli %add3A_346, %mul3A_347 : i32
    %mul3A_349 = arith.constant 32 : i32
    %mul3A_350 = arith.muli %mul3A_348, %mul3A_349 : i32
    %dma_wait3A_351 = arith.constant 5 : i32
    %dma_wait3A_352 = arith.constant 5 : i32
    %dma_wait3A_353 = arith.constant 50 : i32
    %dma_wait3A_354 = arith.constant 0 : i32
    %dma_wait3A_355 = tpu.memref_slice %arg10[%dma_wait3A_351, %dma_wait3A_353, %dma_wait3A_354] : memref<6x100x64xf32, #tpu.memory_space<vmem>> -> memref<1x50x64xf32, #tpu.memory_space<vmem>>
    %dma_wait3A_356 = tpu.memref_squeeze %dma_wait3A_355 : memref<1x50x64xf32, #tpu.memory_space<vmem>> -> memref<50x64xf32, #tpu.memory_space<vmem>>
    %dma_wait3A_357 = arith.constant 0 : i32
    %dma_wait3A_358 = tpu.memref_slice %arg5[%mul3A_350, %dma_wait3A_357] : memref<262144x64xf32, #tpu.memory_space<hbm>> -> memref<50x64xf32, #tpu.memory_space<hbm>>
    %dma_wait3A_359 = tpu.memref_slice %arg12[%dma_wait3A_352] : memref<6x!tpu.dma_semaphore, #tpu.memory_space<semaphore_mem>> -> memref<1x!tpu.dma_semaphore, #tpu.memory_space<semaphore_mem>>
    %dma_wait3A_360 = tpu.memref_squeeze %dma_wait3A_359 : memref<1x!tpu.dma_semaphore, #tpu.memory_space<semaphore_mem>> -> memref<!tpu.dma_semaphore, #tpu.memory_space<semaphore_mem>>
    %dma_wait3A_361 = arith.constant 0 : i32
    %dma_wait3A_362 = tpu.memref_slice %arg5[%mul3A_350, %dma_wait3A_361] : memref<262144x64xf32, #tpu.memory_space<hbm>> -> memref<50x64xf32, #tpu.memory_space<hbm>>
    %dma_wait3A_363 = arith.constant 50 : i32
    %dma_wait3A_364 = arith.constant 0 : i32
    %dma_wait3A_365 = tpu.memref_slice %arg10[%dma_wait3A_351, %dma_wait3A_363, %dma_wait3A_364] : memref<6x100x64xf32, #tpu.memory_space<vmem>> -> memref<1x50x64xf32, #tpu.memory_space<vmem>>
    %dma_wait3A_366 = tpu.memref_squeeze %dma_wait3A_365 : memref<1x50x64xf32, #tpu.memory_space<vmem>> -> memref<50x64xf32, #tpu.memory_space<vmem>>
    tpu.wait_dma2 semaphore(%dma_wait3A_360 : memref<!tpu.dma_semaphore, #tpu.memory_space<semaphore_mem>>) src(%dma_wait3A_366 : memref<50x64xf32, #tpu.memory_space<vmem>>) dst(%dma_wait3A_362 : memref<50x64xf32, #tpu.memory_space<hbm>>)
    return
  }
}

#map = affine_map<(d0, d1) -> (0, 0)>
#map1 = affine_map<(d0, d1) -> (0)>
module attributes {stable_mosaic.version = 14 : i64} {
  func.func @k(%arg0: i32, %arg1: i32, %arg2: memref<2048x100xi32, #tpu.memory_space<hbm>>, %arg3: memref<4096xi32, #tpu.memory_space<hbm>>, %arg4: memref<1000000x64xf32, #tpu.memory_space<hbm>>, %arg5: memref<262144x64xf32, #tpu.memory_space<hbm>>, %arg6: memref<4096x64xf32, #tpu.memory_space<hbm>>, %arg7: memref<64x100xi32, #tpu.memory_space<vmem>>, %arg8: memref<128xi32, #tpu.memory_space<vmem>>, %arg9: memref<128x64xf32, #tpu.memory_space<vmem>>, %arg10: memref<6x100x64xf32, #tpu.memory_space<vmem>>, %arg11: memref<6x!tpu.dma_semaphore, #tpu.memory_space<semaphore_mem>>, %arg12: memref<6x!tpu.dma_semaphore, #tpu.memory_space<semaphore_mem>>, %arg13: memref<!tpu.dma_semaphore, #tpu.memory_space<semaphore_mem>>) attributes {dimension_semantics = [#tpu.dimension_semantics<core_parallel>, #tpu.dimension_semantics<subcore_parallel>], iteration_bounds = array<i64: 2, 16>, scalar_prefetch = 0 : i64, scratch_operands = 7 : i64, tpu.core_type = #tpu.core_type<sc_vector_subcore>, window_params = [{transform_indices = #map}, {transform_indices = #map1}, {transform_indices = #map}, {transform_indices = #map}, {transform_indices = #map}]} {
    %mul3A = arith.constant 16 : i32
    %mul3A_0 = arith.muli %arg0, %mul3A : i32
    %add3A = arith.addi %mul3A_0, %arg1 : i32
    %mul3A_1 = arith.constant 128 : i32
    %mul3A_2 = arith.muli %add3A, %mul3A_1 : i32
    %mul3A_3 = arith.constant 64 : i32
    %mul3A_4 = arith.muli %add3A, %mul3A_3 : i32
    "tpu.region"() ({
      %run_scoped3A = tpu.sem_alloc : memref<!tpu.dma_semaphore, #tpu.memory_space<semaphore_mem>>
      %dma_start3A_367 = arith.constant 0 : i32
      %dma_start3A_368 = tpu.memref_slice %arg2[%mul3A_4, %dma_start3A_367] : memref<2048x100xi32, #tpu.memory_space<hbm>> -> memref<64x100xi32, #tpu.memory_space<hbm>>
      %dma_start3A_369 = arith.constant 0 : i32
      %dma_start3A_370 = tpu.memref_slice %arg2[%mul3A_4, %dma_start3A_369] : memref<2048x100xi32, #tpu.memory_space<hbm>> -> memref<64x100xi32, #tpu.memory_space<hbm>>
      tpu.enqueue_dma source(%dma_start3A_370 : memref<64x100xi32, #tpu.memory_space<hbm>>) target(%arg7 : memref<64x100xi32, #tpu.memory_space<vmem>>) target_semaphore(%run_scoped3A : memref<!tpu.dma_semaphore, #tpu.memory_space<semaphore_mem>>)
      %dma_wait3A_371 = arith.constant 0 : i32
      %dma_wait3A_372 = tpu.memref_slice %arg2[%mul3A_4, %dma_wait3A_371] : memref<2048x100xi32, #tpu.memory_space<hbm>> -> memref<64x100xi32, #tpu.memory_space<hbm>>
      %dma_wait3A_373 = arith.constant 0 : i32
      %dma_wait3A_374 = tpu.memref_slice %arg2[%mul3A_4, %dma_wait3A_373] : memref<2048x100xi32, #tpu.memory_space<hbm>> -> memref<64x100xi32, #tpu.memory_space<hbm>>
      tpu.wait_dma2 semaphore(%run_scoped3A : memref<!tpu.dma_semaphore, #tpu.memory_space<semaphore_mem>>) src(%dma_wait3A_374 : memref<64x100xi32, #tpu.memory_space<hbm>>) dst(%arg7 : memref<64x100xi32, #tpu.memory_space<vmem>>)
      tpu.yield
    }) : () -> ()
    "tpu.region"() ({
      %run_scoped3A = tpu.sem_alloc : memref<!tpu.dma_semaphore, #tpu.memory_space<semaphore_mem>>
      %dma_start3A_367 = tpu.memref_slice %arg3[%mul3A_2] : memref<4096xi32, #tpu.memory_space<hbm>> -> memref<128xi32, #tpu.memory_space<hbm>>
      %dma_start3A_368 = tpu.memref_slice %arg3[%mul3A_2] : memref<4096xi32, #tpu.memory_space<hbm>> -> memref<128xi32, #tpu.memory_space<hbm>>
      tpu.enqueue_dma source(%dma_start3A_368 : memref<128xi32, #tpu.memory_space<hbm>>) target(%arg8 : memref<128xi32, #tpu.memory_space<vmem>>) target_semaphore(%run_scoped3A : memref<!tpu.dma_semaphore, #tpu.memory_space<semaphore_mem>>)
      %dma_wait3A_369 = tpu.memref_slice %arg3[%mul3A_2] : memref<4096xi32, #tpu.memory_space<hbm>> -> memref<128xi32, #tpu.memory_space<hbm>>
      %dma_wait3A_370 = tpu.memref_slice %arg3[%mul3A_2] : memref<4096xi32, #tpu.memory_space<hbm>> -> memref<128xi32, #tpu.memory_space<hbm>>
      tpu.wait_dma2 semaphore(%run_scoped3A : memref<!tpu.dma_semaphore, #tpu.memory_space<semaphore_mem>>) src(%dma_wait3A_370 : memref<128xi32, #tpu.memory_space<hbm>>) dst(%arg8 : memref<128xi32, #tpu.memory_space<vmem>>)
      tpu.yield
    }) : () -> ()
    %dma_start3A = arith.constant 0 : i32
    %dma_start3A_5 = tpu.memref_slice %arg8[%dma_start3A] : memref<128xi32, #tpu.memory_space<vmem>> -> memref<128xi32, #tpu.memory_space<vmem>>
    %dma_start3A_6 = arith.constant 0 : i32
    %dma_start3A_7 = arith.constant 0 : i32
    %dma_start3A_8 = tpu.memref_slice %arg4[%dma_start3A_6, %dma_start3A_7] : memref<1000000x64xf32, #tpu.memory_space<hbm>> -> memref<1000000x64xf32, #tpu.memory_space<hbm>>
    tpu.enqueue_indirect_dma source(%dma_start3A_8 : memref<1000000x64xf32, #tpu.memory_space<hbm>>) target(%arg9 : memref<128x64xf32, #tpu.memory_space<vmem>>) offsets(%dma_start3A_5 : memref<128xi32, #tpu.memory_space<vmem>>) semaphore(%arg13 : memref<!tpu.dma_semaphore, #tpu.memory_space<semaphore_mem>>)
    %dma_wait3A = arith.constant 0 : i32
    %dma_wait3A_9 = tpu.memref_slice %arg8[%dma_wait3A] : memref<128xi32, #tpu.memory_space<vmem>> -> memref<128xi32, #tpu.memory_space<vmem>>
    %dma_wait3A_10 = arith.constant 0 : i32
    %dma_wait3A_11 = arith.constant 0 : i32
    %dma_wait3A_12 = tpu.memref_slice %arg4[%dma_wait3A_10, %dma_wait3A_11] : memref<1000000x64xf32, #tpu.memory_space<hbm>> -> memref<1000000x64xf32, #tpu.memory_space<hbm>>
    tpu.wait_indirect_dma semaphore(%arg13 : memref<!tpu.dma_semaphore, #tpu.memory_space<semaphore_mem>>) src(%dma_wait3A_12 : memref<1000000x64xf32, #tpu.memory_space<hbm>>) dst(%arg9 : memref<128x64xf32, #tpu.memory_space<vmem>>)
    %add3A_13 = arith.constant 0 : i32
    %add3A_14 = arith.addi %mul3A_2, %add3A_13 : i32
    "tpu.region"() ({
      %run_scoped3A = tpu.sem_alloc : memref<!tpu.dma_semaphore, #tpu.memory_space<semaphore_mem>>
      %dma_start3A_367 = arith.constant 0 : i32
      %dma_start3A_368 = tpu.memref_slice %arg6[%add3A_14, %dma_start3A_367] : memref<4096x64xf32, #tpu.memory_space<hbm>> -> memref<128x64xf32, #tpu.memory_space<hbm>>
      %dma_start3A_369 = arith.constant 0 : i32
      %dma_start3A_370 = tpu.memref_slice %arg6[%add3A_14, %dma_start3A_369] : memref<4096x64xf32, #tpu.memory_space<hbm>> -> memref<128x64xf32, #tpu.memory_space<hbm>>
      tpu.enqueue_dma source(%arg9 : memref<128x64xf32, #tpu.memory_space<vmem>>) target(%dma_start3A_370 : memref<128x64xf32, #tpu.memory_space<hbm>>) target_semaphore(%run_scoped3A : memref<!tpu.dma_semaphore, #tpu.memory_space<semaphore_mem>>)
      %dma_wait3A_371 = arith.constant 0 : i32
      %dma_wait3A_372 = tpu.memref_slice %arg6[%add3A_14, %dma_wait3A_371] : memref<4096x64xf32, #tpu.memory_space<hbm>> -> memref<128x64xf32, #tpu.memory_space<hbm>>
      %dma_wait3A_373 = arith.constant 0 : i32
      %dma_wait3A_374 = tpu.memref_slice %arg6[%add3A_14, %dma_wait3A_373] : memref<4096x64xf32, #tpu.memory_space<hbm>> -> memref<128x64xf32, #tpu.memory_space<hbm>>
      tpu.wait_dma2 semaphore(%run_scoped3A : memref<!tpu.dma_semaphore, #tpu.memory_space<semaphore_mem>>) src(%arg9 : memref<128x64xf32, #tpu.memory_space<vmem>>) dst(%dma_wait3A_374 : memref<128x64xf32, #tpu.memory_space<hbm>>)
      tpu.yield
    }) : () -> ()
    %dma_start3A_15 = arith.constant 0 : i32
    %dma_start3A_16 = arith.constant 0 : i32
    %dma_start3A_17 = arith.constant 0 : i32
    %dma_start3A_18 = arith.constant 0 : i32
    %dma_start3A_19 = arith.constant 0 : i32
    %dma_start3A_20 = tpu.memref_slice %arg10[%dma_start3A_16, %dma_start3A_18, %dma_start3A_19] : memref<6x100x64xf32, #tpu.memory_space<vmem>> -> memref<1x100x64xf32, #tpu.memory_space<vmem>>
    %dma_start3A_21 = tpu.memref_squeeze %dma_start3A_20 : memref<1x100x64xf32, #tpu.memory_space<vmem>> -> memref<100x64xf32, #tpu.memory_space<vmem>>
    %dma_start3A_22 = arith.constant 0 : i32
    %dma_start3A_23 = tpu.memref_slice %arg7[%dma_start3A_15, %dma_start3A_22] : memref<64x100xi32, #tpu.memory_space<vmem>> -> memref<1x100xi32, #tpu.memory_space<vmem>>
    %dma_start3A_24 = tpu.memref_squeeze %dma_start3A_23 : memref<1x100xi32, #tpu.memory_space<vmem>> -> memref<100xi32, #tpu.memory_space<vmem>>
    %dma_start3A_25 = arith.constant 0 : i32
    %dma_start3A_26 = arith.constant 0 : i32
    %dma_start3A_27 = tpu.memref_slice %arg4[%dma_start3A_25, %dma_start3A_26] : memref<1000000x64xf32, #tpu.memory_space<hbm>> -> memref<1000000x64xf32, #tpu.memory_space<hbm>>
    %dma_start3A_28 = tpu.memref_slice %arg11[%dma_start3A_17] : memref<6x!tpu.dma_semaphore, #tpu.memory_space<semaphore_mem>> -> memref<1x!tpu.dma_semaphore, #tpu.memory_space<semaphore_mem>>
    %dma_start3A_29 = tpu.memref_squeeze %dma_start3A_28 : memref<1x!tpu.dma_semaphore, #tpu.memory_space<semaphore_mem>> -> memref<!tpu.dma_semaphore, #tpu.memory_space<semaphore_mem>>
    tpu.enqueue_indirect_dma source(%dma_start3A_27 : memref<1000000x64xf32, #tpu.memory_space<hbm>>) target(%dma_start3A_21 : memref<100x64xf32, #tpu.memory_space<vmem>>) offsets(%dma_start3A_24 : memref<100xi32, #tpu.memory_space<vmem>>) semaphore(%dma_start3A_29 : memref<!tpu.dma_semaphore, #tpu.memory_space<semaphore_mem>>)
    %dma_start3A_30 = arith.constant 1 : i32
    %dma_start3A_31 = arith.constant 1 : i32
    %dma_start3A_32 = arith.constant 1 : i32
    %dma_start3A_33 = arith.constant 0 : i32
    %dma_start3A_34 = arith.constant 0 : i32
    %dma_start3A_35 = tpu.memref_slice %arg10[%dma_start3A_31, %dma_start3A_33, %dma_start3A_34] : memref<6x100x64xf32, #tpu.memory_space<vmem>> -> memref<1x100x64xf32, #tpu.memory_space<vmem>>
    %dma_start3A_36 = tpu.memref_squeeze %dma_start3A_35 : memref<1x100x64xf32, #tpu.memory_space<vmem>> -> memref<100x64xf32, #tpu.memory_space<vmem>>
    %dma_start3A_37 = arith.constant 0 : i32
    %dma_start3A_38 = tpu.memref_slice %arg7[%dma_start3A_30, %dma_start3A_37] : memref<64x100xi32, #tpu.memory_space<vmem>> -> memref<1x100xi32, #tpu.memory_space<vmem>>
    %dma_start3A_39 = tpu.memref_squeeze %dma_start3A_38 : memref<1x100xi32, #tpu.memory_space<vmem>> -> memref<100xi32, #tpu.memory_space<vmem>>
    %dma_start3A_40 = arith.constant 0 : i32
    %dma_start3A_41 = arith.constant 0 : i32
    %dma_start3A_42 = tpu.memref_slice %arg4[%dma_start3A_40, %dma_start3A_41] : memref<1000000x64xf32, #tpu.memory_space<hbm>> -> memref<1000000x64xf32, #tpu.memory_space<hbm>>
    %dma_start3A_43 = tpu.memref_slice %arg11[%dma_start3A_32] : memref<6x!tpu.dma_semaphore, #tpu.memory_space<semaphore_mem>> -> memref<1x!tpu.dma_semaphore, #tpu.memory_space<semaphore_mem>>
    %dma_start3A_44 = tpu.memref_squeeze %dma_start3A_43 : memref<1x!tpu.dma_semaphore, #tpu.memory_space<semaphore_mem>> -> memref<!tpu.dma_semaphore, #tpu.memory_space<semaphore_mem>>
    tpu.enqueue_indirect_dma source(%dma_start3A_42 : memref<1000000x64xf32, #tpu.memory_space<hbm>>) target(%dma_start3A_36 : memref<100x64xf32, #tpu.memory_space<vmem>>) offsets(%dma_start3A_39 : memref<100xi32, #tpu.memory_space<vmem>>) semaphore(%dma_start3A_44 : memref<!tpu.dma_semaphore, #tpu.memory_space<semaphore_mem>>)
    %dma_start3A_45 = arith.constant 2 : i32
    %dma_start3A_46 = arith.constant 2 : i32
    %dma_start3A_47 = arith.constant 2 : i32
    %dma_start3A_48 = arith.constant 0 : i32
    %dma_start3A_49 = arith.constant 0 : i32
    %dma_start3A_50 = tpu.memref_slice %arg10[%dma_start3A_46, %dma_start3A_48, %dma_start3A_49] : memref<6x100x64xf32, #tpu.memory_space<vmem>> -> memref<1x100x64xf32, #tpu.memory_space<vmem>>
    %dma_start3A_51 = tpu.memref_squeeze %dma_start3A_50 : memref<1x100x64xf32, #tpu.memory_space<vmem>> -> memref<100x64xf32, #tpu.memory_space<vmem>>
    %dma_start3A_52 = arith.constant 0 : i32
    %dma_start3A_53 = tpu.memref_slice %arg7[%dma_start3A_45, %dma_start3A_52] : memref<64x100xi32, #tpu.memory_space<vmem>> -> memref<1x100xi32, #tpu.memory_space<vmem>>
    %dma_start3A_54 = tpu.memref_squeeze %dma_start3A_53 : memref<1x100xi32, #tpu.memory_space<vmem>> -> memref<100xi32, #tpu.memory_space<vmem>>
    %dma_start3A_55 = arith.constant 0 : i32
    %dma_start3A_56 = arith.constant 0 : i32
    %dma_start3A_57 = tpu.memref_slice %arg4[%dma_start3A_55, %dma_start3A_56] : memref<1000000x64xf32, #tpu.memory_space<hbm>> -> memref<1000000x64xf32, #tpu.memory_space<hbm>>
    %dma_start3A_58 = tpu.memref_slice %arg11[%dma_start3A_47] : memref<6x!tpu.dma_semaphore, #tpu.memory_space<semaphore_mem>> -> memref<1x!tpu.dma_semaphore, #tpu.memory_space<semaphore_mem>>
    %dma_start3A_59 = tpu.memref_squeeze %dma_start3A_58 : memref<1x!tpu.dma_semaphore, #tpu.memory_space<semaphore_mem>> -> memref<!tpu.dma_semaphore, #tpu.memory_space<semaphore_mem>>
    tpu.enqueue_indirect_dma source(%dma_start3A_57 : memref<1000000x64xf32, #tpu.memory_space<hbm>>) target(%dma_start3A_51 : memref<100x64xf32, #tpu.memory_space<vmem>>) offsets(%dma_start3A_54 : memref<100xi32, #tpu.memory_space<vmem>>) semaphore(%dma_start3A_59 : memref<!tpu.dma_semaphore, #tpu.memory_space<semaphore_mem>>)
    %dma_start3A_60 = arith.constant 3 : i32
    %dma_start3A_61 = arith.constant 3 : i32
    %dma_start3A_62 = arith.constant 3 : i32
    %dma_start3A_63 = arith.constant 0 : i32
    %dma_start3A_64 = arith.constant 0 : i32
    %dma_start3A_65 = tpu.memref_slice %arg10[%dma_start3A_61, %dma_start3A_63, %dma_start3A_64] : memref<6x100x64xf32, #tpu.memory_space<vmem>> -> memref<1x100x64xf32, #tpu.memory_space<vmem>>
    %dma_start3A_66 = tpu.memref_squeeze %dma_start3A_65 : memref<1x100x64xf32, #tpu.memory_space<vmem>> -> memref<100x64xf32, #tpu.memory_space<vmem>>
    %dma_start3A_67 = arith.constant 0 : i32
    %dma_start3A_68 = tpu.memref_slice %arg7[%dma_start3A_60, %dma_start3A_67] : memref<64x100xi32, #tpu.memory_space<vmem>> -> memref<1x100xi32, #tpu.memory_space<vmem>>
    %dma_start3A_69 = tpu.memref_squeeze %dma_start3A_68 : memref<1x100xi32, #tpu.memory_space<vmem>> -> memref<100xi32, #tpu.memory_space<vmem>>
    %dma_start3A_70 = arith.constant 0 : i32
    %dma_start3A_71 = arith.constant 0 : i32
    %dma_start3A_72 = tpu.memref_slice %arg4[%dma_start3A_70, %dma_start3A_71] : memref<1000000x64xf32, #tpu.memory_space<hbm>> -> memref<1000000x64xf32, #tpu.memory_space<hbm>>
    %dma_start3A_73 = tpu.memref_slice %arg11[%dma_start3A_62] : memref<6x!tpu.dma_semaphore, #tpu.memory_space<semaphore_mem>> -> memref<1x!tpu.dma_semaphore, #tpu.memory_space<semaphore_mem>>
    %dma_start3A_74 = tpu.memref_squeeze %dma_start3A_73 : memref<1x!tpu.dma_semaphore, #tpu.memory_space<semaphore_mem>> -> memref<!tpu.dma_semaphore, #tpu.memory_space<semaphore_mem>>
    tpu.enqueue_indirect_dma source(%dma_start3A_72 : memref<1000000x64xf32, #tpu.memory_space<hbm>>) target(%dma_start3A_66 : memref<100x64xf32, #tpu.memory_space<vmem>>) offsets(%dma_start3A_69 : memref<100xi32, #tpu.memory_space<vmem>>) semaphore(%dma_start3A_74 : memref<!tpu.dma_semaphore, #tpu.memory_space<semaphore_mem>>)
    %scan3A = arith.constant 0 : i32
    %scan3A_75 = arith.constant 64 : i32
    %scan3A_76 = arith.addi %scan3A, %scan3A_75 : i32
    %scan3A_77 = arith.constant 1 : i32
    scf.for %scan3A_367 = %scan3A to %scan3A_76 step %scan3A_77  : i32 {
      %mul3A_368 = arith.constant 1 : i32
      %mul3A_369 = arith.muli %scan3A_367, %mul3A_368 : i32
      %add3A_370 = arith.constant 0 : i32
      %add3A_371 = arith.addi %add3A_370, %mul3A_369 : i32
      %rem3A = arith.constant 6 : i32
      %rem3A_372 = arith.remsi %add3A_371, %rem3A : i32
      %dma_wait3A_373 = arith.constant 0 : i32
      %dma_wait3A_374 = arith.constant 0 : i32
      %dma_wait3A_375 = tpu.memref_slice %arg10[%rem3A_372, %dma_wait3A_373, %dma_wait3A_374] : memref<6x100x64xf32, #tpu.memory_space<vmem>> -> memref<1x100x64xf32, #tpu.memory_space<vmem>>
      %dma_wait3A_376 = tpu.memref_squeeze %dma_wait3A_375 : memref<1x100x64xf32, #tpu.memory_space<vmem>> -> memref<100x64xf32, #tpu.memory_space<vmem>>
      %dma_wait3A_377 = arith.constant 0 : i32
      %dma_wait3A_378 = tpu.memref_slice %arg7[%add3A_371, %dma_wait3A_377] : memref<64x100xi32, #tpu.memory_space<vmem>> -> memref<1x100xi32, #tpu.memory_space<vmem>>
      %dma_wait3A_379 = tpu.memref_squeeze %dma_wait3A_378 : memref<1x100xi32, #tpu.memory_space<vmem>> -> memref<100xi32, #tpu.memory_space<vmem>>
      %dma_wait3A_380 = arith.constant 0 : i32
      %dma_wait3A_381 = arith.constant 0 : i32
      %dma_wait3A_382 = tpu.memref_slice %arg4[%dma_wait3A_380, %dma_wait3A_381] : memref<1000000x64xf32, #tpu.memory_space<hbm>> -> memref<1000000x64xf32, #tpu.memory_space<hbm>>
      %dma_wait3A_383 = tpu.memref_slice %arg11[%rem3A_372] : memref<6x!tpu.dma_semaphore, #tpu.memory_space<semaphore_mem>> -> memref<1x!tpu.dma_semaphore, #tpu.memory_space<semaphore_mem>>
      %dma_wait3A_384 = tpu.memref_squeeze %dma_wait3A_383 : memref<1x!tpu.dma_semaphore, #tpu.memory_space<semaphore_mem>> -> memref<!tpu.dma_semaphore, #tpu.memory_space<semaphore_mem>>
      tpu.wait_indirect_dma semaphore(%dma_wait3A_384 : memref<!tpu.dma_semaphore, #tpu.memory_space<semaphore_mem>>) src(%dma_wait3A_382 : memref<1000000x64xf32, #tpu.memory_space<hbm>>) dst(%dma_wait3A_376 : memref<100x64xf32, #tpu.memory_space<vmem>>)
      %mul3A_385 = arith.constant 2 : i32
      %mul3A_386 = arith.muli %add3A_371, %mul3A_385 : i32
      %add3A_387 = arith.addi %mul3A_2, %mul3A_386 : i32
      %add3A_388 = arith.constant 0 : i32
      %add3A_389 = arith.addi %add3A_387, %add3A_388 : i32
      %mul3A_390 = arith.constant 2 : i32
      %mul3A_391 = arith.muli %add3A_389, %mul3A_390 : i32
      %mul3A_392 = arith.constant 32 : i32
      %mul3A_393 = arith.muli %mul3A_391, %mul3A_392 : i32
      %dma_start3A_394 = arith.constant 0 : i32
      %dma_start3A_395 = arith.constant 0 : i32
      %dma_start3A_396 = tpu.memref_slice %arg10[%rem3A_372, %dma_start3A_394, %dma_start3A_395] : memref<6x100x64xf32, #tpu.memory_space<vmem>> -> memref<1x50x64xf32, #tpu.memory_space<vmem>>
      %dma_start3A_397 = tpu.memref_squeeze %dma_start3A_396 : memref<1x50x64xf32, #tpu.memory_space<vmem>> -> memref<50x64xf32, #tpu.memory_space<vmem>>
      %dma_start3A_398 = arith.constant 0 : i32
      %dma_start3A_399 = tpu.memref_slice %arg5[%mul3A_393, %dma_start3A_398] : memref<262144x64xf32, #tpu.memory_space<hbm>> -> memref<50x64xf32, #tpu.memory_space<hbm>>
      %dma_start3A_400 = tpu.memref_slice %arg12[%rem3A_372] : memref<6x!tpu.dma_semaphore, #tpu.memory_space<semaphore_mem>> -> memref<1x!tpu.dma_semaphore, #tpu.memory_space<semaphore_mem>>
      %dma_start3A_401 = tpu.memref_squeeze %dma_start3A_400 : memref<1x!tpu.dma_semaphore, #tpu.memory_space<semaphore_mem>> -> memref<!tpu.dma_semaphore, #tpu.memory_space<semaphore_mem>>
      %dma_start3A_402 = arith.constant 0 : i32
      %dma_start3A_403 = tpu.memref_slice %arg5[%mul3A_393, %dma_start3A_402] : memref<262144x64xf32, #tpu.memory_space<hbm>> -> memref<50x64xf32, #tpu.memory_space<hbm>>
      %dma_start3A_404 = arith.constant 0 : i32
      %dma_start3A_405 = arith.constant 0 : i32
      %dma_start3A_406 = tpu.memref_slice %arg10[%rem3A_372, %dma_start3A_404, %dma_start3A_405] : memref<6x100x64xf32, #tpu.memory_space<vmem>> -> memref<1x50x64xf32, #tpu.memory_space<vmem>>
      %dma_start3A_407 = tpu.memref_squeeze %dma_start3A_406 : memref<1x50x64xf32, #tpu.memory_space<vmem>> -> memref<50x64xf32, #tpu.memory_space<vmem>>
      tpu.enqueue_dma source(%dma_start3A_407 : memref<50x64xf32, #tpu.memory_space<vmem>>) target(%dma_start3A_403 : memref<50x64xf32, #tpu.memory_space<hbm>>) target_semaphore(%dma_start3A_401 : memref<!tpu.dma_semaphore, #tpu.memory_space<semaphore_mem>>)
      %mul3A_408 = arith.constant 2 : i32
      %mul3A_409 = arith.muli %add3A_371, %mul3A_408 : i32
      %add3A_410 = arith.addi %mul3A_2, %mul3A_409 : i32
      %add3A_411 = arith.constant 1 : i32
      %add3A_412 = arith.addi %add3A_410, %add3A_411 : i32
      %mul3A_413 = arith.constant 2 : i32
      %mul3A_414 = arith.muli %add3A_412, %mul3A_413 : i32
      %mul3A_415 = arith.constant 32 : i32
      %mul3A_416 = arith.muli %mul3A_414, %mul3A_415 : i32
      %dma_start3A_417 = arith.constant 50 : i32
      %dma_start3A_418 = arith.constant 0 : i32
      %dma_start3A_419 = tpu.memref_slice %arg10[%rem3A_372, %dma_start3A_417, %dma_start3A_418] : memref<6x100x64xf32, #tpu.memory_space<vmem>> -> memref<1x50x64xf32, #tpu.memory_space<vmem>>
      %dma_start3A_420 = tpu.memref_squeeze %dma_start3A_419 : memref<1x50x64xf32, #tpu.memory_space<vmem>> -> memref<50x64xf32, #tpu.memory_space<vmem>>
      %dma_start3A_421 = arith.constant 0 : i32
      %dma_start3A_422 = tpu.memref_slice %arg5[%mul3A_416, %dma_start3A_421] : memref<262144x64xf32, #tpu.memory_space<hbm>> -> memref<50x64xf32, #tpu.memory_space<hbm>>
      %dma_start3A_423 = tpu.memref_slice %arg12[%rem3A_372] : memref<6x!tpu.dma_semaphore, #tpu.memory_space<semaphore_mem>> -> memref<1x!tpu.dma_semaphore, #tpu.memory_space<semaphore_mem>>
      %dma_start3A_424 = tpu.memref_squeeze %dma_start3A_423 : memref<1x!tpu.dma_semaphore, #tpu.memory_space<semaphore_mem>> -> memref<!tpu.dma_semaphore, #tpu.memory_space<semaphore_mem>>
      %dma_start3A_425 = arith.constant 0 : i32
      %dma_start3A_426 = tpu.memref_slice %arg5[%mul3A_416, %dma_start3A_425] : memref<262144x64xf32, #tpu.memory_space<hbm>> -> memref<50x64xf32, #tpu.memory_space<hbm>>
      %dma_start3A_427 = arith.constant 50 : i32
      %dma_start3A_428 = arith.constant 0 : i32
      %dma_start3A_429 = tpu.memref_slice %arg10[%rem3A_372, %dma_start3A_427, %dma_start3A_428] : memref<6x100x64xf32, #tpu.memory_space<vmem>> -> memref<1x50x64xf32, #tpu.memory_space<vmem>>
      %dma_start3A_430 = tpu.memref_squeeze %dma_start3A_429 : memref<1x50x64xf32, #tpu.memory_space<vmem>> -> memref<50x64xf32, #tpu.memory_space<vmem>>
      tpu.enqueue_dma source(%dma_start3A_430 : memref<50x64xf32, #tpu.memory_space<vmem>>) target(%dma_start3A_426 : memref<50x64xf32, #tpu.memory_space<hbm>>) target_semaphore(%dma_start3A_424 : memref<!tpu.dma_semaphore, #tpu.memory_space<semaphore_mem>>)
      %add3A_431 = arith.constant 4 : i32
      %add3A_432 = arith.addi %add3A_371, %add3A_431 : i32
      %rem3A_433 = arith.constant 6 : i32
      %rem3A_434 = arith.remsi %add3A_432, %rem3A_433 : i32
      %lt3A = arith.constant 64 : i32
      %lt3A_435 = arith.cmpi slt, %add3A_432, %lt3A : i32
      %ge3A = arith.constant 6 : i32
      %ge3A_436 = arith.cmpi sge, %add3A_432, %ge3A : i32
      %and3A = arith.andi %lt3A_435, %ge3A_436 : i1
      %convert_element_type3A = arith.extui %and3A : i1 to i32
      %cond3A = arith.constant 0 : i32
      %cond3A_437 = arith.cmpi ne, %convert_element_type3A, %cond3A : i32
      scf.if %cond3A_437 {
        %mul3A_446 = arith.constant 2 : i32
        %mul3A_447 = arith.muli %add3A_432, %mul3A_446 : i32
        %add3A_448 = arith.addi %mul3A_2, %mul3A_447 : i32
        %add3A_449 = arith.constant 0 : i32
        %add3A_450 = arith.addi %add3A_448, %add3A_449 : i32
        %mul3A_451 = arith.constant 2 : i32
        %mul3A_452 = arith.muli %add3A_450, %mul3A_451 : i32
        %mul3A_453 = arith.constant 32 : i32
        %mul3A_454 = arith.muli %mul3A_452, %mul3A_453 : i32
        %dma_wait3A_455 = arith.constant 0 : i32
        %dma_wait3A_456 = arith.constant 0 : i32
        %dma_wait3A_457 = tpu.memref_slice %arg10[%rem3A_434, %dma_wait3A_455, %dma_wait3A_456] : memref<6x100x64xf32, #tpu.memory_space<vmem>> -> memref<1x50x64xf32, #tpu.memory_space<vmem>>
        %dma_wait3A_458 = tpu.memref_squeeze %dma_wait3A_457 : memref<1x50x64xf32, #tpu.memory_space<vmem>> -> memref<50x64xf32, #tpu.memory_space<vmem>>
        %dma_wait3A_459 = arith.constant 0 : i32
        %dma_wait3A_460 = tpu.memref_slice %arg5[%mul3A_454, %dma_wait3A_459] : memref<262144x64xf32, #tpu.memory_space<hbm>> -> memref<50x64xf32, #tpu.memory_space<hbm>>
        %dma_wait3A_461 = tpu.memref_slice %arg12[%rem3A_434] : memref<6x!tpu.dma_semaphore, #tpu.memory_space<semaphore_mem>> -> memref<1x!tpu.dma_semaphore, #tpu.memory_space<semaphore_mem>>
        %dma_wait3A_462 = tpu.memref_squeeze %dma_wait3A_461 : memref<1x!tpu.dma_semaphore, #tpu.memory_space<semaphore_mem>> -> memref<!tpu.dma_semaphore, #tpu.memory_space<semaphore_mem>>
        %dma_wait3A_463 = arith.constant 0 : i32
        %dma_wait3A_464 = tpu.memref_slice %arg5[%mul3A_454, %dma_wait3A_463] : memref<262144x64xf32, #tpu.memory_space<hbm>> -> memref<50x64xf32, #tpu.memory_space<hbm>>
        %dma_wait3A_465 = arith.constant 0 : i32
        %dma_wait3A_466 = arith.constant 0 : i32
        %dma_wait3A_467 = tpu.memref_slice %arg10[%rem3A_434, %dma_wait3A_465, %dma_wait3A_466] : memref<6x100x64xf32, #tpu.memory_space<vmem>> -> memref<1x50x64xf32, #tpu.memory_space<vmem>>
        %dma_wait3A_468 = tpu.memref_squeeze %dma_wait3A_467 : memref<1x50x64xf32, #tpu.memory_space<vmem>> -> memref<50x64xf32, #tpu.memory_space<vmem>>
        tpu.wait_dma2 semaphore(%dma_wait3A_462 : memref<!tpu.dma_semaphore, #tpu.memory_space<semaphore_mem>>) src(%dma_wait3A_468 : memref<50x64xf32, #tpu.memory_space<vmem>>) dst(%dma_wait3A_464 : memref<50x64xf32, #tpu.memory_space<hbm>>)
        %mul3A_469 = arith.constant 2 : i32
        %mul3A_470 = arith.muli %add3A_432, %mul3A_469 : i32
        %add3A_471 = arith.addi %mul3A_2, %mul3A_470 : i32
        %add3A_472 = arith.constant 1 : i32
        %add3A_473 = arith.addi %add3A_471, %add3A_472 : i32
        %mul3A_474 = arith.constant 2 : i32
        %mul3A_475 = arith.muli %add3A_473, %mul3A_474 : i32
        %mul3A_476 = arith.constant 32 : i32
        %mul3A_477 = arith.muli %mul3A_475, %mul3A_476 : i32
        %dma_wait3A_478 = arith.constant 50 : i32
        %dma_wait3A_479 = arith.constant 0 : i32
        %dma_wait3A_480 = tpu.memref_slice %arg10[%rem3A_434, %dma_wait3A_478, %dma_wait3A_479] : memref<6x100x64xf32, #tpu.memory_space<vmem>> -> memref<1x50x64xf32, #tpu.memory_space<vmem>>
        %dma_wait3A_481 = tpu.memref_squeeze %dma_wait3A_480 : memref<1x50x64xf32, #tpu.memory_space<vmem>> -> memref<50x64xf32, #tpu.memory_space<vmem>>
        %dma_wait3A_482 = arith.constant 0 : i32
        %dma_wait3A_483 = tpu.memref_slice %arg5[%mul3A_477, %dma_wait3A_482] : memref<262144x64xf32, #tpu.memory_space<hbm>> -> memref<50x64xf32, #tpu.memory_space<hbm>>
        %dma_wait3A_484 = tpu.memref_slice %arg12[%rem3A_434] : memref<6x!tpu.dma_semaphore, #tpu.memory_space<semaphore_mem>> -> memref<1x!tpu.dma_semaphore, #tpu.memory_space<semaphore_mem>>
        %dma_wait3A_485 = tpu.memref_squeeze %dma_wait3A_484 : memref<1x!tpu.dma_semaphore, #tpu.memory_space<semaphore_mem>> -> memref<!tpu.dma_semaphore, #tpu.memory_space<semaphore_mem>>
        %dma_wait3A_486 = arith.constant 0 : i32
        %dma_wait3A_487 = tpu.memref_slice %arg5[%mul3A_477, %dma_wait3A_486] : memref<262144x64xf32, #tpu.memory_space<hbm>> -> memref<50x64xf32, #tpu.memory_space<hbm>>
        %dma_wait3A_488 = arith.constant 50 : i32
        %dma_wait3A_489 = arith.constant 0 : i32
        %dma_wait3A_490 = tpu.memref_slice %arg10[%rem3A_434, %dma_wait3A_488, %dma_wait3A_489] : memref<6x100x64xf32, #tpu.memory_space<vmem>> -> memref<1x50x64xf32, #tpu.memory_space<vmem>>
        %dma_wait3A_491 = tpu.memref_squeeze %dma_wait3A_490 : memref<1x50x64xf32, #tpu.memory_space<vmem>> -> memref<50x64xf32, #tpu.memory_space<vmem>>
        tpu.wait_dma2 semaphore(%dma_wait3A_485 : memref<!tpu.dma_semaphore, #tpu.memory_space<semaphore_mem>>) src(%dma_wait3A_491 : memref<50x64xf32, #tpu.memory_space<vmem>>) dst(%dma_wait3A_487 : memref<50x64xf32, #tpu.memory_space<hbm>>)
        %dma_start3A_492 = arith.constant 0 : i32
        %dma_start3A_493 = arith.constant 0 : i32
        %dma_start3A_494 = tpu.memref_slice %arg10[%rem3A_434, %dma_start3A_492, %dma_start3A_493] : memref<6x100x64xf32, #tpu.memory_space<vmem>> -> memref<1x100x64xf32, #tpu.memory_space<vmem>>
        %dma_start3A_495 = tpu.memref_squeeze %dma_start3A_494 : memref<1x100x64xf32, #tpu.memory_space<vmem>> -> memref<100x64xf32, #tpu.memory_space<vmem>>
        %dma_start3A_496 = arith.constant 0 : i32
        %dma_start3A_497 = tpu.memref_slice %arg7[%add3A_432, %dma_start3A_496] : memref<64x100xi32, #tpu.memory_space<vmem>> -> memref<1x100xi32, #tpu.memory_space<vmem>>
        %dma_start3A_498 = tpu.memref_squeeze %dma_start3A_497 : memref<1x100xi32, #tpu.memory_space<vmem>> -> memref<100xi32, #tpu.memory_space<vmem>>
        %dma_start3A_499 = arith.constant 0 : i32
        %dma_start3A_500 = arith.constant 0 : i32
        %dma_start3A_501 = tpu.memref_slice %arg4[%dma_start3A_499, %dma_start3A_500] : memref<1000000x64xf32, #tpu.memory_space<hbm>> -> memref<1000000x64xf32, #tpu.memory_space<hbm>>
        %dma_start3A_502 = tpu.memref_slice %arg11[%rem3A_434] : memref<6x!tpu.dma_semaphore, #tpu.memory_space<semaphore_mem>> -> memref<1x!tpu.dma_semaphore, #tpu.memory_space<semaphore_mem>>
        %dma_start3A_503 = tpu.memref_squeeze %dma_start3A_502 : memref<1x!tpu.dma_semaphore, #tpu.memory_space<semaphore_mem>> -> memref<!tpu.dma_semaphore, #tpu.memory_space<semaphore_mem>>
        tpu.enqueue_indirect_dma source(%dma_start3A_501 : memref<1000000x64xf32, #tpu.memory_space<hbm>>) target(%dma_start3A_495 : memref<100x64xf32, #tpu.memory_space<vmem>>) offsets(%dma_start3A_498 : memref<100xi32, #tpu.memory_space<vmem>>) semaphore(%dma_start3A_503 : memref<!tpu.dma_semaphore, #tpu.memory_space<semaphore_mem>>)
      } else {
      }
      %lt3A_438 = arith.constant 64 : i32
      %lt3A_439 = arith.cmpi slt, %add3A_432, %lt3A_438 : i32
      %lt3A_440 = arith.constant 6 : i32
      %lt3A_441 = arith.cmpi slt, %add3A_432, %lt3A_440 : i32
      %and3A_442 = arith.andi %lt3A_439, %lt3A_441 : i1
      %convert_element_type3A_443 = arith.extui %and3A_442 : i1 to i32
      %cond3A_444 = arith.constant 0 : i32
      %cond3A_445 = arith.cmpi ne, %convert_element_type3A_443, %cond3A_444 : i32
      scf.if %cond3A_445 {
        %dma_start3A_446 = arith.constant 0 : i32
        %dma_start3A_447 = arith.constant 0 : i32
        %dma_start3A_448 = tpu.memref_slice %arg10[%rem3A_434, %dma_start3A_446, %dma_start3A_447] : memref<6x100x64xf32, #tpu.memory_space<vmem>> -> memref<1x100x64xf32, #tpu.memory_space<vmem>>
        %dma_start3A_449 = tpu.memref_squeeze %dma_start3A_448 : memref<1x100x64xf32, #tpu.memory_space<vmem>> -> memref<100x64xf32, #tpu.memory_space<vmem>>
        %dma_start3A_450 = arith.constant 0 : i32
        %dma_start3A_451 = tpu.memref_slice %arg7[%add3A_432, %dma_start3A_450] : memref<64x100xi32, #tpu.memory_space<vmem>> -> memref<1x100xi32, #tpu.memory_space<vmem>>
        %dma_start3A_452 = tpu.memref_squeeze %dma_start3A_451 : memref<1x100xi32, #tpu.memory_space<vmem>> -> memref<100xi32, #tpu.memory_space<vmem>>
        %dma_start3A_453 = arith.constant 0 : i32
        %dma_start3A_454 = arith.constant 0 : i32
        %dma_start3A_455 = tpu.memref_slice %arg4[%dma_start3A_453, %dma_start3A_454] : memref<1000000x64xf32, #tpu.memory_space<hbm>> -> memref<1000000x64xf32, #tpu.memory_space<hbm>>
        %dma_start3A_456 = tpu.memref_slice %arg11[%rem3A_434] : memref<6x!tpu.dma_semaphore, #tpu.memory_space<semaphore_mem>> -> memref<1x!tpu.dma_semaphore, #tpu.memory_space<semaphore_mem>>
        %dma_start3A_457 = tpu.memref_squeeze %dma_start3A_456 : memref<1x!tpu.dma_semaphore, #tpu.memory_space<semaphore_mem>> -> memref<!tpu.dma_semaphore, #tpu.memory_space<semaphore_mem>>
        tpu.enqueue_indirect_dma source(%dma_start3A_455 : memref<1000000x64xf32, #tpu.memory_space<hbm>>) target(%dma_start3A_449 : memref<100x64xf32, #tpu.memory_space<vmem>>) offsets(%dma_start3A_452 : memref<100xi32, #tpu.memory_space<vmem>>) semaphore(%dma_start3A_457 : memref<!tpu.dma_semaphore, #tpu.memory_space<semaphore_mem>>)
      } else {
      }
    }
    %scan3A_78 = arith.constant 64 : i32
    %add3A_79 = arith.constant 0 : i32
    %add3A_80 = arith.addi %mul3A_2, %add3A_79 : i32
    %add3A_81 = arith.constant 0 : i32
    %add3A_82 = arith.addi %add3A_80, %add3A_81 : i32
    %mul3A_83 = arith.constant 2 : i32
    %mul3A_84 = arith.muli %add3A_82, %mul3A_83 : i32
    %mul3A_85 = arith.constant 32 : i32
    %mul3A_86 = arith.muli %mul3A_84, %mul3A_85 : i32
    %dma_wait3A_87 = arith.constant 0 : i32
    %dma_wait3A_88 = arith.constant 0 : i32
    %dma_wait3A_89 = arith.constant 0 : i32
    %dma_wait3A_90 = arith.constant 0 : i32
    %dma_wait3A_91 = tpu.memref_slice %arg10[%dma_wait3A_87, %dma_wait3A_89, %dma_wait3A_90] : memref<6x100x64xf32, #tpu.memory_space<vmem>> -> memref<1x50x64xf32, #tpu.memory_space<vmem>>
    %dma_wait3A_92 = tpu.memref_squeeze %dma_wait3A_91 : memref<1x50x64xf32, #tpu.memory_space<vmem>> -> memref<50x64xf32, #tpu.memory_space<vmem>>
    %dma_wait3A_93 = arith.constant 0 : i32
    %dma_wait3A_94 = tpu.memref_slice %arg5[%mul3A_86, %dma_wait3A_93] : memref<262144x64xf32, #tpu.memory_space<hbm>> -> memref<50x64xf32, #tpu.memory_space<hbm>>
    %dma_wait3A_95 = tpu.memref_slice %arg12[%dma_wait3A_88] : memref<6x!tpu.dma_semaphore, #tpu.memory_space<semaphore_mem>> -> memref<1x!tpu.dma_semaphore, #tpu.memory_space<semaphore_mem>>
    %dma_wait3A_96 = tpu.memref_squeeze %dma_wait3A_95 : memref<1x!tpu.dma_semaphore, #tpu.memory_space<semaphore_mem>> -> memref<!tpu.dma_semaphore, #tpu.memory_space<semaphore_mem>>
    %dma_wait3A_97 = arith.constant 0 : i32
    %dma_wait3A_98 = tpu.memref_slice %arg5[%mul3A_86, %dma_wait3A_97] : memref<262144x64xf32, #tpu.memory_space<hbm>> -> memref<50x64xf32, #tpu.memory_space<hbm>>
    %dma_wait3A_99 = arith.constant 0 : i32
    %dma_wait3A_100 = arith.constant 0 : i32
    %dma_wait3A_101 = tpu.memref_slice %arg10[%dma_wait3A_87, %dma_wait3A_99, %dma_wait3A_100] : memref<6x100x64xf32, #tpu.memory_space<vmem>> -> memref<1x50x64xf32, #tpu.memory_space<vmem>>
    %dma_wait3A_102 = tpu.memref_squeeze %dma_wait3A_101 : memref<1x50x64xf32, #tpu.memory_space<vmem>> -> memref<50x64xf32, #tpu.memory_space<vmem>>
    tpu.wait_dma2 semaphore(%dma_wait3A_96 : memref<!tpu.dma_semaphore, #tpu.memory_space<semaphore_mem>>) src(%dma_wait3A_102 : memref<50x64xf32, #tpu.memory_space<vmem>>) dst(%dma_wait3A_98 : memref<50x64xf32, #tpu.memory_space<hbm>>)
    %add3A_103 = arith.constant 0 : i32
    %add3A_104 = arith.addi %mul3A_2, %add3A_103 : i32
    %add3A_105 = arith.constant 1 : i32
    %add3A_106 = arith.addi %add3A_104, %add3A_105 : i32
    %mul3A_107 = arith.constant 2 : i32
    %mul3A_108 = arith.muli %add3A_106, %mul3A_107 : i32
    %mul3A_109 = arith.constant 32 : i32
    %mul3A_110 = arith.muli %mul3A_108, %mul3A_109 : i32
    %dma_wait3A_111 = arith.constant 0 : i32
    %dma_wait3A_112 = arith.constant 0 : i32
    %dma_wait3A_113 = arith.constant 50 : i32
    %dma_wait3A_114 = arith.constant 0 : i32
    %dma_wait3A_115 = tpu.memref_slice %arg10[%dma_wait3A_111, %dma_wait3A_113, %dma_wait3A_114] : memref<6x100x64xf32, #tpu.memory_space<vmem>> -> memref<1x50x64xf32, #tpu.memory_space<vmem>>
    %dma_wait3A_116 = tpu.memref_squeeze %dma_wait3A_115 : memref<1x50x64xf32, #tpu.memory_space<vmem>> -> memref<50x64xf32, #tpu.memory_space<vmem>>
    %dma_wait3A_117 = arith.constant 0 : i32
    %dma_wait3A_118 = tpu.memref_slice %arg5[%mul3A_110, %dma_wait3A_117] : memref<262144x64xf32, #tpu.memory_space<hbm>> -> memref<50x64xf32, #tpu.memory_space<hbm>>
    %dma_wait3A_119 = tpu.memref_slice %arg12[%dma_wait3A_112] : memref<6x!tpu.dma_semaphore, #tpu.memory_space<semaphore_mem>> -> memref<1x!tpu.dma_semaphore, #tpu.memory_space<semaphore_mem>>
    %dma_wait3A_120 = tpu.memref_squeeze %dma_wait3A_119 : memref<1x!tpu.dma_semaphore, #tpu.memory_space<semaphore_mem>> -> memref<!tpu.dma_semaphore, #tpu.memory_space<semaphore_mem>>
    %dma_wait3A_121 = arith.constant 0 : i32
    %dma_wait3A_122 = tpu.memref_slice %arg5[%mul3A_110, %dma_wait3A_121] : memref<262144x64xf32, #tpu.memory_space<hbm>> -> memref<50x64xf32, #tpu.memory_space<hbm>>
    %dma_wait3A_123 = arith.constant 50 : i32
    %dma_wait3A_124 = arith.constant 0 : i32
    %dma_wait3A_125 = tpu.memref_slice %arg10[%dma_wait3A_111, %dma_wait3A_123, %dma_wait3A_124] : memref<6x100x64xf32, #tpu.memory_space<vmem>> -> memref<1x50x64xf32, #tpu.memory_space<vmem>>
    %dma_wait3A_126 = tpu.memref_squeeze %dma_wait3A_125 : memref<1x50x64xf32, #tpu.memory_space<vmem>> -> memref<50x64xf32, #tpu.memory_space<vmem>>
    tpu.wait_dma2 semaphore(%dma_wait3A_120 : memref<!tpu.dma_semaphore, #tpu.memory_space<semaphore_mem>>) src(%dma_wait3A_126 : memref<50x64xf32, #tpu.memory_space<vmem>>) dst(%dma_wait3A_122 : memref<50x64xf32, #tpu.memory_space<hbm>>)
    %add3A_127 = arith.constant 0 : i32
    %add3A_128 = arith.addi %mul3A_2, %add3A_127 : i32
    %add3A_129 = arith.constant 0 : i32
    %add3A_130 = arith.addi %add3A_128, %add3A_129 : i32
    %mul3A_131 = arith.constant 2 : i32
    %mul3A_132 = arith.muli %add3A_130, %mul3A_131 : i32
    %mul3A_133 = arith.constant 32 : i32
    %mul3A_134 = arith.muli %mul3A_132, %mul3A_133 : i32
    %dma_wait3A_135 = arith.constant 1 : i32
    %dma_wait3A_136 = arith.constant 1 : i32
    %dma_wait3A_137 = arith.constant 0 : i32
    %dma_wait3A_138 = arith.constant 0 : i32
    %dma_wait3A_139 = tpu.memref_slice %arg10[%dma_wait3A_135, %dma_wait3A_137, %dma_wait3A_138] : memref<6x100x64xf32, #tpu.memory_space<vmem>> -> memref<1x50x64xf32, #tpu.memory_space<vmem>>
    %dma_wait3A_140 = tpu.memref_squeeze %dma_wait3A_139 : memref<1x50x64xf32, #tpu.memory_space<vmem>> -> memref<50x64xf32, #tpu.memory_space<vmem>>
    %dma_wait3A_141 = arith.constant 0 : i32
    %dma_wait3A_142 = tpu.memref_slice %arg5[%mul3A_134, %dma_wait3A_141] : memref<262144x64xf32, #tpu.memory_space<hbm>> -> memref<50x64xf32, #tpu.memory_space<hbm>>
    %dma_wait3A_143 = tpu.memref_slice %arg12[%dma_wait3A_136] : memref<6x!tpu.dma_semaphore, #tpu.memory_space<semaphore_mem>> -> memref<1x!tpu.dma_semaphore, #tpu.memory_space<semaphore_mem>>
    %dma_wait3A_144 = tpu.memref_squeeze %dma_wait3A_143 : memref<1x!tpu.dma_semaphore, #tpu.memory_space<semaphore_mem>> -> memref<!tpu.dma_semaphore, #tpu.memory_space<semaphore_mem>>
    %dma_wait3A_145 = arith.constant 0 : i32
    %dma_wait3A_146 = tpu.memref_slice %arg5[%mul3A_134, %dma_wait3A_145] : memref<262144x64xf32, #tpu.memory_space<hbm>> -> memref<50x64xf32, #tpu.memory_space<hbm>>
    %dma_wait3A_147 = arith.constant 0 : i32
    %dma_wait3A_148 = arith.constant 0 : i32
    %dma_wait3A_149 = tpu.memref_slice %arg10[%dma_wait3A_135, %dma_wait3A_147, %dma_wait3A_148] : memref<6x100x64xf32, #tpu.memory_space<vmem>> -> memref<1x50x64xf32, #tpu.memory_space<vmem>>
    %dma_wait3A_150 = tpu.memref_squeeze %dma_wait3A_149 : memref<1x50x64xf32, #tpu.memory_space<vmem>> -> memref<50x64xf32, #tpu.memory_space<vmem>>
    tpu.wait_dma2 semaphore(%dma_wait3A_144 : memref<!tpu.dma_semaphore, #tpu.memory_space<semaphore_mem>>) src(%dma_wait3A_150 : memref<50x64xf32, #tpu.memory_space<vmem>>) dst(%dma_wait3A_146 : memref<50x64xf32, #tpu.memory_space<hbm>>)
    %add3A_151 = arith.constant 0 : i32
    %add3A_152 = arith.addi %mul3A_2, %add3A_151 : i32
    %add3A_153 = arith.constant 1 : i32
    %add3A_154 = arith.addi %add3A_152, %add3A_153 : i32
    %mul3A_155 = arith.constant 2 : i32
    %mul3A_156 = arith.muli %add3A_154, %mul3A_155 : i32
    %mul3A_157 = arith.constant 32 : i32
    %mul3A_158 = arith.muli %mul3A_156, %mul3A_157 : i32
    %dma_wait3A_159 = arith.constant 1 : i32
    %dma_wait3A_160 = arith.constant 1 : i32
    %dma_wait3A_161 = arith.constant 50 : i32
    %dma_wait3A_162 = arith.constant 0 : i32
    %dma_wait3A_163 = tpu.memref_slice %arg10[%dma_wait3A_159, %dma_wait3A_161, %dma_wait3A_162] : memref<6x100x64xf32, #tpu.memory_space<vmem>> -> memref<1x50x64xf32, #tpu.memory_space<vmem>>
    %dma_wait3A_164 = tpu.memref_squeeze %dma_wait3A_163 : memref<1x50x64xf32, #tpu.memory_space<vmem>> -> memref<50x64xf32, #tpu.memory_space<vmem>>
    %dma_wait3A_165 = arith.constant 0 : i32
    %dma_wait3A_166 = tpu.memref_slice %arg5[%mul3A_158, %dma_wait3A_165] : memref<262144x64xf32, #tpu.memory_space<hbm>> -> memref<50x64xf32, #tpu.memory_space<hbm>>
    %dma_wait3A_167 = tpu.memref_slice %arg12[%dma_wait3A_160] : memref<6x!tpu.dma_semaphore, #tpu.memory_space<semaphore_mem>> -> memref<1x!tpu.dma_semaphore, #tpu.memory_space<semaphore_mem>>
    %dma_wait3A_168 = tpu.memref_squeeze %dma_wait3A_167 : memref<1x!tpu.dma_semaphore, #tpu.memory_space<semaphore_mem>> -> memref<!tpu.dma_semaphore, #tpu.memory_space<semaphore_mem>>
    %dma_wait3A_169 = arith.constant 0 : i32
    %dma_wait3A_170 = tpu.memref_slice %arg5[%mul3A_158, %dma_wait3A_169] : memref<262144x64xf32, #tpu.memory_space<hbm>> -> memref<50x64xf32, #tpu.memory_space<hbm>>
    %dma_wait3A_171 = arith.constant 50 : i32
    %dma_wait3A_172 = arith.constant 0 : i32
    %dma_wait3A_173 = tpu.memref_slice %arg10[%dma_wait3A_159, %dma_wait3A_171, %dma_wait3A_172] : memref<6x100x64xf32, #tpu.memory_space<vmem>> -> memref<1x50x64xf32, #tpu.memory_space<vmem>>
    %dma_wait3A_174 = tpu.memref_squeeze %dma_wait3A_173 : memref<1x50x64xf32, #tpu.memory_space<vmem>> -> memref<50x64xf32, #tpu.memory_space<vmem>>
    tpu.wait_dma2 semaphore(%dma_wait3A_168 : memref<!tpu.dma_semaphore, #tpu.memory_space<semaphore_mem>>) src(%dma_wait3A_174 : memref<50x64xf32, #tpu.memory_space<vmem>>) dst(%dma_wait3A_170 : memref<50x64xf32, #tpu.memory_space<hbm>>)
    %add3A_175 = arith.constant 0 : i32
    %add3A_176 = arith.addi %mul3A_2, %add3A_175 : i32
    %add3A_177 = arith.constant 0 : i32
    %add3A_178 = arith.addi %add3A_176, %add3A_177 : i32
    %mul3A_179 = arith.constant 2 : i32
    %mul3A_180 = arith.muli %add3A_178, %mul3A_179 : i32
    %mul3A_181 = arith.constant 32 : i32
    %mul3A_182 = arith.muli %mul3A_180, %mul3A_181 : i32
    %dma_wait3A_183 = arith.constant 2 : i32
    %dma_wait3A_184 = arith.constant 2 : i32
    %dma_wait3A_185 = arith.constant 0 : i32
    %dma_wait3A_186 = arith.constant 0 : i32
    %dma_wait3A_187 = tpu.memref_slice %arg10[%dma_wait3A_183, %dma_wait3A_185, %dma_wait3A_186] : memref<6x100x64xf32, #tpu.memory_space<vmem>> -> memref<1x50x64xf32, #tpu.memory_space<vmem>>
    %dma_wait3A_188 = tpu.memref_squeeze %dma_wait3A_187 : memref<1x50x64xf32, #tpu.memory_space<vmem>> -> memref<50x64xf32, #tpu.memory_space<vmem>>
    %dma_wait3A_189 = arith.constant 0 : i32
    %dma_wait3A_190 = tpu.memref_slice %arg5[%mul3A_182, %dma_wait3A_189] : memref<262144x64xf32, #tpu.memory_space<hbm>> -> memref<50x64xf32, #tpu.memory_space<hbm>>
    %dma_wait3A_191 = tpu.memref_slice %arg12[%dma_wait3A_184] : memref<6x!tpu.dma_semaphore, #tpu.memory_space<semaphore_mem>> -> memref<1x!tpu.dma_semaphore, #tpu.memory_space<semaphore_mem>>
    %dma_wait3A_192 = tpu.memref_squeeze %dma_wait3A_191 : memref<1x!tpu.dma_semaphore, #tpu.memory_space<semaphore_mem>> -> memref<!tpu.dma_semaphore, #tpu.memory_space<semaphore_mem>>
    %dma_wait3A_193 = arith.constant 0 : i32
    %dma_wait3A_194 = tpu.memref_slice %arg5[%mul3A_182, %dma_wait3A_193] : memref<262144x64xf32, #tpu.memory_space<hbm>> -> memref<50x64xf32, #tpu.memory_space<hbm>>
    %dma_wait3A_195 = arith.constant 0 : i32
    %dma_wait3A_196 = arith.constant 0 : i32
    %dma_wait3A_197 = tpu.memref_slice %arg10[%dma_wait3A_183, %dma_wait3A_195, %dma_wait3A_196] : memref<6x100x64xf32, #tpu.memory_space<vmem>> -> memref<1x50x64xf32, #tpu.memory_space<vmem>>
    %dma_wait3A_198 = tpu.memref_squeeze %dma_wait3A_197 : memref<1x50x64xf32, #tpu.memory_space<vmem>> -> memref<50x64xf32, #tpu.memory_space<vmem>>
    tpu.wait_dma2 semaphore(%dma_wait3A_192 : memref<!tpu.dma_semaphore, #tpu.memory_space<semaphore_mem>>) src(%dma_wait3A_198 : memref<50x64xf32, #tpu.memory_space<vmem>>) dst(%dma_wait3A_194 : memref<50x64xf32, #tpu.memory_space<hbm>>)
    %add3A_199 = arith.constant 0 : i32
    %add3A_200 = arith.addi %mul3A_2, %add3A_199 : i32
    %add3A_201 = arith.constant 1 : i32
    %add3A_202 = arith.addi %add3A_200, %add3A_201 : i32
    %mul3A_203 = arith.constant 2 : i32
    %mul3A_204 = arith.muli %add3A_202, %mul3A_203 : i32
    %mul3A_205 = arith.constant 32 : i32
    %mul3A_206 = arith.muli %mul3A_204, %mul3A_205 : i32
    %dma_wait3A_207 = arith.constant 2 : i32
    %dma_wait3A_208 = arith.constant 2 : i32
    %dma_wait3A_209 = arith.constant 50 : i32
    %dma_wait3A_210 = arith.constant 0 : i32
    %dma_wait3A_211 = tpu.memref_slice %arg10[%dma_wait3A_207, %dma_wait3A_209, %dma_wait3A_210] : memref<6x100x64xf32, #tpu.memory_space<vmem>> -> memref<1x50x64xf32, #tpu.memory_space<vmem>>
    %dma_wait3A_212 = tpu.memref_squeeze %dma_wait3A_211 : memref<1x50x64xf32, #tpu.memory_space<vmem>> -> memref<50x64xf32, #tpu.memory_space<vmem>>
    %dma_wait3A_213 = arith.constant 0 : i32
    %dma_wait3A_214 = tpu.memref_slice %arg5[%mul3A_206, %dma_wait3A_213] : memref<262144x64xf32, #tpu.memory_space<hbm>> -> memref<50x64xf32, #tpu.memory_space<hbm>>
    %dma_wait3A_215 = tpu.memref_slice %arg12[%dma_wait3A_208] : memref<6x!tpu.dma_semaphore, #tpu.memory_space<semaphore_mem>> -> memref<1x!tpu.dma_semaphore, #tpu.memory_space<semaphore_mem>>
    %dma_wait3A_216 = tpu.memref_squeeze %dma_wait3A_215 : memref<1x!tpu.dma_semaphore, #tpu.memory_space<semaphore_mem>> -> memref<!tpu.dma_semaphore, #tpu.memory_space<semaphore_mem>>
    %dma_wait3A_217 = arith.constant 0 : i32
    %dma_wait3A_218 = tpu.memref_slice %arg5[%mul3A_206, %dma_wait3A_217] : memref<262144x64xf32, #tpu.memory_space<hbm>> -> memref<50x64xf32, #tpu.memory_space<hbm>>
    %dma_wait3A_219 = arith.constant 50 : i32
    %dma_wait3A_220 = arith.constant 0 : i32
    %dma_wait3A_221 = tpu.memref_slice %arg10[%dma_wait3A_207, %dma_wait3A_219, %dma_wait3A_220] : memref<6x100x64xf32, #tpu.memory_space<vmem>> -> memref<1x50x64xf32, #tpu.memory_space<vmem>>
    %dma_wait3A_222 = tpu.memref_squeeze %dma_wait3A_221 : memref<1x50x64xf32, #tpu.memory_space<vmem>> -> memref<50x64xf32, #tpu.memory_space<vmem>>
    tpu.wait_dma2 semaphore(%dma_wait3A_216 : memref<!tpu.dma_semaphore, #tpu.memory_space<semaphore_mem>>) src(%dma_wait3A_222 : memref<50x64xf32, #tpu.memory_space<vmem>>) dst(%dma_wait3A_218 : memref<50x64xf32, #tpu.memory_space<hbm>>)
    %add3A_223 = arith.constant 0 : i32
    %add3A_224 = arith.addi %mul3A_2, %add3A_223 : i32
    %add3A_225 = arith.constant 0 : i32
    %add3A_226 = arith.addi %add3A_224, %add3A_225 : i32
    %mul3A_227 = arith.constant 2 : i32
    %mul3A_228 = arith.muli %add3A_226, %mul3A_227 : i32
    %mul3A_229 = arith.constant 32 : i32
    %mul3A_230 = arith.muli %mul3A_228, %mul3A_229 : i32
    %dma_wait3A_231 = arith.constant 3 : i32
    %dma_wait3A_232 = arith.constant 3 : i32
    %dma_wait3A_233 = arith.constant 0 : i32
    %dma_wait3A_234 = arith.constant 0 : i32
    %dma_wait3A_235 = tpu.memref_slice %arg10[%dma_wait3A_231, %dma_wait3A_233, %dma_wait3A_234] : memref<6x100x64xf32, #tpu.memory_space<vmem>> -> memref<1x50x64xf32, #tpu.memory_space<vmem>>
    %dma_wait3A_236 = tpu.memref_squeeze %dma_wait3A_235 : memref<1x50x64xf32, #tpu.memory_space<vmem>> -> memref<50x64xf32, #tpu.memory_space<vmem>>
    %dma_wait3A_237 = arith.constant 0 : i32
    %dma_wait3A_238 = tpu.memref_slice %arg5[%mul3A_230, %dma_wait3A_237] : memref<262144x64xf32, #tpu.memory_space<hbm>> -> memref<50x64xf32, #tpu.memory_space<hbm>>
    %dma_wait3A_239 = tpu.memref_slice %arg12[%dma_wait3A_232] : memref<6x!tpu.dma_semaphore, #tpu.memory_space<semaphore_mem>> -> memref<1x!tpu.dma_semaphore, #tpu.memory_space<semaphore_mem>>
    %dma_wait3A_240 = tpu.memref_squeeze %dma_wait3A_239 : memref<1x!tpu.dma_semaphore, #tpu.memory_space<semaphore_mem>> -> memref<!tpu.dma_semaphore, #tpu.memory_space<semaphore_mem>>
    %dma_wait3A_241 = arith.constant 0 : i32
    %dma_wait3A_242 = tpu.memref_slice %arg5[%mul3A_230, %dma_wait3A_241] : memref<262144x64xf32, #tpu.memory_space<hbm>> -> memref<50x64xf32, #tpu.memory_space<hbm>>
    %dma_wait3A_243 = arith.constant 0 : i32
    %dma_wait3A_244 = arith.constant 0 : i32
    %dma_wait3A_245 = tpu.memref_slice %arg10[%dma_wait3A_231, %dma_wait3A_243, %dma_wait3A_244] : memref<6x100x64xf32, #tpu.memory_space<vmem>> -> memref<1x50x64xf32, #tpu.memory_space<vmem>>
    %dma_wait3A_246 = tpu.memref_squeeze %dma_wait3A_245 : memref<1x50x64xf32, #tpu.memory_space<vmem>> -> memref<50x64xf32, #tpu.memory_space<vmem>>
    tpu.wait_dma2 semaphore(%dma_wait3A_240 : memref<!tpu.dma_semaphore, #tpu.memory_space<semaphore_mem>>) src(%dma_wait3A_246 : memref<50x64xf32, #tpu.memory_space<vmem>>) dst(%dma_wait3A_242 : memref<50x64xf32, #tpu.memory_space<hbm>>)
    %add3A_247 = arith.constant 0 : i32
    %add3A_248 = arith.addi %mul3A_2, %add3A_247 : i32
    %add3A_249 = arith.constant 1 : i32
    %add3A_250 = arith.addi %add3A_248, %add3A_249 : i32
    %mul3A_251 = arith.constant 2 : i32
    %mul3A_252 = arith.muli %add3A_250, %mul3A_251 : i32
    %mul3A_253 = arith.constant 32 : i32
    %mul3A_254 = arith.muli %mul3A_252, %mul3A_253 : i32
    %dma_wait3A_255 = arith.constant 3 : i32
    %dma_wait3A_256 = arith.constant 3 : i32
    %dma_wait3A_257 = arith.constant 50 : i32
    %dma_wait3A_258 = arith.constant 0 : i32
    %dma_wait3A_259 = tpu.memref_slice %arg10[%dma_wait3A_255, %dma_wait3A_257, %dma_wait3A_258] : memref<6x100x64xf32, #tpu.memory_space<vmem>> -> memref<1x50x64xf32, #tpu.memory_space<vmem>>
    %dma_wait3A_260 = tpu.memref_squeeze %dma_wait3A_259 : memref<1x50x64xf32, #tpu.memory_space<vmem>> -> memref<50x64xf32, #tpu.memory_space<vmem>>
    %dma_wait3A_261 = arith.constant 0 : i32
    %dma_wait3A_262 = tpu.memref_slice %arg5[%mul3A_254, %dma_wait3A_261] : memref<262144x64xf32, #tpu.memory_space<hbm>> -> memref<50x64xf32, #tpu.memory_space<hbm>>
    %dma_wait3A_263 = tpu.memref_slice %arg12[%dma_wait3A_256] : memref<6x!tpu.dma_semaphore, #tpu.memory_space<semaphore_mem>> -> memref<1x!tpu.dma_semaphore, #tpu.memory_space<semaphore_mem>>
    %dma_wait3A_264 = tpu.memref_squeeze %dma_wait3A_263 : memref<1x!tpu.dma_semaphore, #tpu.memory_space<semaphore_mem>> -> memref<!tpu.dma_semaphore, #tpu.memory_space<semaphore_mem>>
    %dma_wait3A_265 = arith.constant 0 : i32
    %dma_wait3A_266 = tpu.memref_slice %arg5[%mul3A_254, %dma_wait3A_265] : memref<262144x64xf32, #tpu.memory_space<hbm>> -> memref<50x64xf32, #tpu.memory_space<hbm>>
    %dma_wait3A_267 = arith.constant 50 : i32
    %dma_wait3A_268 = arith.constant 0 : i32
    %dma_wait3A_269 = tpu.memref_slice %arg10[%dma_wait3A_255, %dma_wait3A_267, %dma_wait3A_268] : memref<6x100x64xf32, #tpu.memory_space<vmem>> -> memref<1x50x64xf32, #tpu.memory_space<vmem>>
    %dma_wait3A_270 = tpu.memref_squeeze %dma_wait3A_269 : memref<1x50x64xf32, #tpu.memory_space<vmem>> -> memref<50x64xf32, #tpu.memory_space<vmem>>
    tpu.wait_dma2 semaphore(%dma_wait3A_264 : memref<!tpu.dma_semaphore, #tpu.memory_space<semaphore_mem>>) src(%dma_wait3A_270 : memref<50x64xf32, #tpu.memory_space<vmem>>) dst(%dma_wait3A_266 : memref<50x64xf32, #tpu.memory_space<hbm>>)
    %add3A_271 = arith.constant 0 : i32
    %add3A_272 = arith.addi %mul3A_2, %add3A_271 : i32
    %add3A_273 = arith.constant 0 : i32
    %add3A_274 = arith.addi %add3A_272, %add3A_273 : i32
    %mul3A_275 = arith.constant 2 : i32
    %mul3A_276 = arith.muli %add3A_274, %mul3A_275 : i32
    %mul3A_277 = arith.constant 32 : i32
    %mul3A_278 = arith.muli %mul3A_276, %mul3A_277 : i32
    %dma_wait3A_279 = arith.constant 4 : i32
    %dma_wait3A_280 = arith.constant 4 : i32
    %dma_wait3A_281 = arith.constant 0 : i32
    %dma_wait3A_282 = arith.constant 0 : i32
    %dma_wait3A_283 = tpu.memref_slice %arg10[%dma_wait3A_279, %dma_wait3A_281, %dma_wait3A_282] : memref<6x100x64xf32, #tpu.memory_space<vmem>> -> memref<1x50x64xf32, #tpu.memory_space<vmem>>
    %dma_wait3A_284 = tpu.memref_squeeze %dma_wait3A_283 : memref<1x50x64xf32, #tpu.memory_space<vmem>> -> memref<50x64xf32, #tpu.memory_space<vmem>>
    %dma_wait3A_285 = arith.constant 0 : i32
    %dma_wait3A_286 = tpu.memref_slice %arg5[%mul3A_278, %dma_wait3A_285] : memref<262144x64xf32, #tpu.memory_space<hbm>> -> memref<50x64xf32, #tpu.memory_space<hbm>>
    %dma_wait3A_287 = tpu.memref_slice %arg12[%dma_wait3A_280] : memref<6x!tpu.dma_semaphore, #tpu.memory_space<semaphore_mem>> -> memref<1x!tpu.dma_semaphore, #tpu.memory_space<semaphore_mem>>
    %dma_wait3A_288 = tpu.memref_squeeze %dma_wait3A_287 : memref<1x!tpu.dma_semaphore, #tpu.memory_space<semaphore_mem>> -> memref<!tpu.dma_semaphore, #tpu.memory_space<semaphore_mem>>
    %dma_wait3A_289 = arith.constant 0 : i32
    %dma_wait3A_290 = tpu.memref_slice %arg5[%mul3A_278, %dma_wait3A_289] : memref<262144x64xf32, #tpu.memory_space<hbm>> -> memref<50x64xf32, #tpu.memory_space<hbm>>
    %dma_wait3A_291 = arith.constant 0 : i32
    %dma_wait3A_292 = arith.constant 0 : i32
    %dma_wait3A_293 = tpu.memref_slice %arg10[%dma_wait3A_279, %dma_wait3A_291, %dma_wait3A_292] : memref<6x100x64xf32, #tpu.memory_space<vmem>> -> memref<1x50x64xf32, #tpu.memory_space<vmem>>
    %dma_wait3A_294 = tpu.memref_squeeze %dma_wait3A_293 : memref<1x50x64xf32, #tpu.memory_space<vmem>> -> memref<50x64xf32, #tpu.memory_space<vmem>>
    tpu.wait_dma2 semaphore(%dma_wait3A_288 : memref<!tpu.dma_semaphore, #tpu.memory_space<semaphore_mem>>) src(%dma_wait3A_294 : memref<50x64xf32, #tpu.memory_space<vmem>>) dst(%dma_wait3A_290 : memref<50x64xf32, #tpu.memory_space<hbm>>)
    %add3A_295 = arith.constant 0 : i32
    %add3A_296 = arith.addi %mul3A_2, %add3A_295 : i32
    %add3A_297 = arith.constant 1 : i32
    %add3A_298 = arith.addi %add3A_296, %add3A_297 : i32
    %mul3A_299 = arith.constant 2 : i32
    %mul3A_300 = arith.muli %add3A_298, %mul3A_299 : i32
    %mul3A_301 = arith.constant 32 : i32
    %mul3A_302 = arith.muli %mul3A_300, %mul3A_301 : i32
    %dma_wait3A_303 = arith.constant 4 : i32
    %dma_wait3A_304 = arith.constant 4 : i32
    %dma_wait3A_305 = arith.constant 50 : i32
    %dma_wait3A_306 = arith.constant 0 : i32
    %dma_wait3A_307 = tpu.memref_slice %arg10[%dma_wait3A_303, %dma_wait3A_305, %dma_wait3A_306] : memref<6x100x64xf32, #tpu.memory_space<vmem>> -> memref<1x50x64xf32, #tpu.memory_space<vmem>>
    %dma_wait3A_308 = tpu.memref_squeeze %dma_wait3A_307 : memref<1x50x64xf32, #tpu.memory_space<vmem>> -> memref<50x64xf32, #tpu.memory_space<vmem>>
    %dma_wait3A_309 = arith.constant 0 : i32
    %dma_wait3A_310 = tpu.memref_slice %arg5[%mul3A_302, %dma_wait3A_309] : memref<262144x64xf32, #tpu.memory_space<hbm>> -> memref<50x64xf32, #tpu.memory_space<hbm>>
    %dma_wait3A_311 = tpu.memref_slice %arg12[%dma_wait3A_304] : memref<6x!tpu.dma_semaphore, #tpu.memory_space<semaphore_mem>> -> memref<1x!tpu.dma_semaphore, #tpu.memory_space<semaphore_mem>>
    %dma_wait3A_312 = tpu.memref_squeeze %dma_wait3A_311 : memref<1x!tpu.dma_semaphore, #tpu.memory_space<semaphore_mem>> -> memref<!tpu.dma_semaphore, #tpu.memory_space<semaphore_mem>>
    %dma_wait3A_313 = arith.constant 0 : i32
    %dma_wait3A_314 = tpu.memref_slice %arg5[%mul3A_302, %dma_wait3A_313] : memref<262144x64xf32, #tpu.memory_space<hbm>> -> memref<50x64xf32, #tpu.memory_space<hbm>>
    %dma_wait3A_315 = arith.constant 50 : i32
    %dma_wait3A_316 = arith.constant 0 : i32
    %dma_wait3A_317 = tpu.memref_slice %arg10[%dma_wait3A_303, %dma_wait3A_315, %dma_wait3A_316] : memref<6x100x64xf32, #tpu.memory_space<vmem>> -> memref<1x50x64xf32, #tpu.memory_space<vmem>>
    %dma_wait3A_318 = tpu.memref_squeeze %dma_wait3A_317 : memref<1x50x64xf32, #tpu.memory_space<vmem>> -> memref<50x64xf32, #tpu.memory_space<vmem>>
    tpu.wait_dma2 semaphore(%dma_wait3A_312 : memref<!tpu.dma_semaphore, #tpu.memory_space<semaphore_mem>>) src(%dma_wait3A_318 : memref<50x64xf32, #tpu.memory_space<vmem>>) dst(%dma_wait3A_314 : memref<50x64xf32, #tpu.memory_space<hbm>>)
    %add3A_319 = arith.constant 0 : i32
    %add3A_320 = arith.addi %mul3A_2, %add3A_319 : i32
    %add3A_321 = arith.constant 0 : i32
    %add3A_322 = arith.addi %add3A_320, %add3A_321 : i32
    %mul3A_323 = arith.constant 2 : i32
    %mul3A_324 = arith.muli %add3A_322, %mul3A_323 : i32
    %mul3A_325 = arith.constant 32 : i32
    %mul3A_326 = arith.muli %mul3A_324, %mul3A_325 : i32
    %dma_wait3A_327 = arith.constant 5 : i32
    %dma_wait3A_328 = arith.constant 5 : i32
    %dma_wait3A_329 = arith.constant 0 : i32
    %dma_wait3A_330 = arith.constant 0 : i32
    %dma_wait3A_331 = tpu.memref_slice %arg10[%dma_wait3A_327, %dma_wait3A_329, %dma_wait3A_330] : memref<6x100x64xf32, #tpu.memory_space<vmem>> -> memref<1x50x64xf32, #tpu.memory_space<vmem>>
    %dma_wait3A_332 = tpu.memref_squeeze %dma_wait3A_331 : memref<1x50x64xf32, #tpu.memory_space<vmem>> -> memref<50x64xf32, #tpu.memory_space<vmem>>
    %dma_wait3A_333 = arith.constant 0 : i32
    %dma_wait3A_334 = tpu.memref_slice %arg5[%mul3A_326, %dma_wait3A_333] : memref<262144x64xf32, #tpu.memory_space<hbm>> -> memref<50x64xf32, #tpu.memory_space<hbm>>
    %dma_wait3A_335 = tpu.memref_slice %arg12[%dma_wait3A_328] : memref<6x!tpu.dma_semaphore, #tpu.memory_space<semaphore_mem>> -> memref<1x!tpu.dma_semaphore, #tpu.memory_space<semaphore_mem>>
    %dma_wait3A_336 = tpu.memref_squeeze %dma_wait3A_335 : memref<1x!tpu.dma_semaphore, #tpu.memory_space<semaphore_mem>> -> memref<!tpu.dma_semaphore, #tpu.memory_space<semaphore_mem>>
    %dma_wait3A_337 = arith.constant 0 : i32
    %dma_wait3A_338 = tpu.memref_slice %arg5[%mul3A_326, %dma_wait3A_337] : memref<262144x64xf32, #tpu.memory_space<hbm>> -> memref<50x64xf32, #tpu.memory_space<hbm>>
    %dma_wait3A_339 = arith.constant 0 : i32
    %dma_wait3A_340 = arith.constant 0 : i32
    %dma_wait3A_341 = tpu.memref_slice %arg10[%dma_wait3A_327, %dma_wait3A_339, %dma_wait3A_340] : memref<6x100x64xf32, #tpu.memory_space<vmem>> -> memref<1x50x64xf32, #tpu.memory_space<vmem>>
    %dma_wait3A_342 = tpu.memref_squeeze %dma_wait3A_341 : memref<1x50x64xf32, #tpu.memory_space<vmem>> -> memref<50x64xf32, #tpu.memory_space<vmem>>
    tpu.wait_dma2 semaphore(%dma_wait3A_336 : memref<!tpu.dma_semaphore, #tpu.memory_space<semaphore_mem>>) src(%dma_wait3A_342 : memref<50x64xf32, #tpu.memory_space<vmem>>) dst(%dma_wait3A_338 : memref<50x64xf32, #tpu.memory_space<hbm>>)
    %add3A_343 = arith.constant 0 : i32
    %add3A_344 = arith.addi %mul3A_2, %add3A_343 : i32
    %add3A_345 = arith.constant 1 : i32
    %add3A_346 = arith.addi %add3A_344, %add3A_345 : i32
    %mul3A_347 = arith.constant 2 : i32
    %mul3A_348 = arith.muli %add3A_346, %mul3A_347 : i32
    %mul3A_349 = arith.constant 32 : i32
    %mul3A_350 = arith.muli %mul3A_348, %mul3A_349 : i32
    %dma_wait3A_351 = arith.constant 5 : i32
    %dma_wait3A_352 = arith.constant 5 : i32
    %dma_wait3A_353 = arith.constant 50 : i32
    %dma_wait3A_354 = arith.constant 0 : i32
    %dma_wait3A_355 = tpu.memref_slice %arg10[%dma_wait3A_351, %dma_wait3A_353, %dma_wait3A_354] : memref<6x100x64xf32, #tpu.memory_space<vmem>> -> memref<1x50x64xf32, #tpu.memory_space<vmem>>
    %dma_wait3A_356 = tpu.memref_squeeze %dma_wait3A_355 : memref<1x50x64xf32, #tpu.memory_space<vmem>> -> memref<50x64xf32, #tpu.memory_space<vmem>>
    %dma_wait3A_357 = arith.constant 0 : i32
    %dma_wait3A_358 = tpu.memref_slice %arg5[%mul3A_350, %dma_wait3A_357] : memref<262144x64xf32, #tpu.memory_space<hbm>> -> memref<50x64xf32, #tpu.memory_space<hbm>>
    %dma_wait3A_359 = tpu.memref_slice %arg12[%dma_wait3A_352] : memref<6x!tpu.dma_semaphore, #tpu.memory_space<semaphore_mem>> -> memref<1x!tpu.dma_semaphore, #tpu.memory_space<semaphore_mem>>
    %dma_wait3A_360 = tpu.memref_squeeze %dma_wait3A_359 : memref<1x!tpu.dma_semaphore, #tpu.memory_space<semaphore_mem>> -> memref<!tpu.dma_semaphore, #tpu.memory_space<semaphore_mem>>
    %dma_wait3A_361 = arith.constant 0 : i32
    %dma_wait3A_362 = tpu.memref_slice %arg5[%mul3A_350, %dma_wait3A_361] : memref<262144x64xf32, #tpu.memory_space<hbm>> -> memref<50x64xf32, #tpu.memory_space<hbm>>
    %dma_wait3A_363 = arith.constant 50 : i32
    %dma_wait3A_364 = arith.constant 0 : i32
    %dma_wait3A_365 = tpu.memref_slice %arg10[%dma_wait3A_351, %dma_wait3A_363, %dma_wait3A_364] : memref<6x100x64xf32, #tpu.memory_space<vmem>> -> memref<1x50x64xf32, #tpu.memory_space<vmem>>
    %dma_wait3A_366 = tpu.memref_squeeze %dma_wait3A_365 : memref<1x50x64xf32, #tpu.memory_space<vmem>> -> memref<50x64xf32, #tpu.memory_space<vmem>>
    tpu.wait_dma2 semaphore(%dma_wait3A_360 : memref<!tpu.dma_semaphore, #tpu.memory_space<semaphore_mem>>) src(%dma_wait3A_366 : memref<50x64xf32, #tpu.memory_space<vmem>>) dst(%dma_wait3A_362 : memref<50x64xf32, #tpu.memory_space<hbm>>)
    return
  }
}

#map = affine_map<(d0, d1) -> (0, 0)>
#map1 = affine_map<(d0, d1) -> (0)>
module attributes {stable_mosaic.version = 14 : i64} {
  func.func @k(%arg0: i32, %arg1: i32, %arg2: memref<2048x100xi32, #tpu.memory_space<hbm>>, %arg3: memref<4096xi32, #tpu.memory_space<hbm>>, %arg4: memref<1000000x64xf32, #tpu.memory_space<hbm>>, %arg5: memref<262144x64xf32, #tpu.memory_space<hbm>>, %arg6: memref<4096x64xf32, #tpu.memory_space<hbm>>, %arg7: memref<64x100xi32, #tpu.memory_space<vmem>>, %arg8: memref<128xi32, #tpu.memory_space<vmem>>, %arg9: memref<128x64xf32, #tpu.memory_space<vmem>>, %arg10: memref<6x100x64xf32, #tpu.memory_space<vmem>>, %arg11: memref<6x!tpu.dma_semaphore, #tpu.memory_space<semaphore_mem>>, %arg12: memref<6x!tpu.dma_semaphore, #tpu.memory_space<semaphore_mem>>, %arg13: memref<!tpu.dma_semaphore, #tpu.memory_space<semaphore_mem>>) attributes {dimension_semantics = [#tpu.dimension_semantics<core_parallel>, #tpu.dimension_semantics<subcore_parallel>], iteration_bounds = array<i64: 2, 16>, scalar_prefetch = 0 : i64, scratch_operands = 7 : i64, tpu.core_type = #tpu.core_type<sc_vector_subcore>, window_params = [{transform_indices = #map}, {transform_indices = #map1}, {transform_indices = #map}, {transform_indices = #map}, {transform_indices = #map}]} {
    %mul3A = arith.constant 16 : i32
    %mul3A_0 = arith.muli %arg0, %mul3A : i32
    %add3A = arith.addi %mul3A_0, %arg1 : i32
    %mul3A_1 = arith.constant 128 : i32
    %mul3A_2 = arith.muli %add3A, %mul3A_1 : i32
    %mul3A_3 = arith.constant 64 : i32
    %mul3A_4 = arith.muli %add3A, %mul3A_3 : i32
    "tpu.region"() ({
      %run_scoped3A = tpu.sem_alloc : memref<!tpu.dma_semaphore, #tpu.memory_space<semaphore_mem>>
      %dma_start3A_367 = arith.constant 0 : i32
      %dma_start3A_368 = tpu.memref_slice %arg2[%mul3A_4, %dma_start3A_367] : memref<2048x100xi32, #tpu.memory_space<hbm>> -> memref<64x100xi32, #tpu.memory_space<hbm>>
      %dma_start3A_369 = arith.constant 0 : i32
      %dma_start3A_370 = tpu.memref_slice %arg2[%mul3A_4, %dma_start3A_369] : memref<2048x100xi32, #tpu.memory_space<hbm>> -> memref<64x100xi32, #tpu.memory_space<hbm>>
      tpu.enqueue_dma source(%dma_start3A_370 : memref<64x100xi32, #tpu.memory_space<hbm>>) target(%arg7 : memref<64x100xi32, #tpu.memory_space<vmem>>) target_semaphore(%run_scoped3A : memref<!tpu.dma_semaphore, #tpu.memory_space<semaphore_mem>>)
      %dma_wait3A_371 = arith.constant 0 : i32
      %dma_wait3A_372 = tpu.memref_slice %arg2[%mul3A_4, %dma_wait3A_371] : memref<2048x100xi32, #tpu.memory_space<hbm>> -> memref<64x100xi32, #tpu.memory_space<hbm>>
      %dma_wait3A_373 = arith.constant 0 : i32
      %dma_wait3A_374 = tpu.memref_slice %arg2[%mul3A_4, %dma_wait3A_373] : memref<2048x100xi32, #tpu.memory_space<hbm>> -> memref<64x100xi32, #tpu.memory_space<hbm>>
      tpu.wait_dma2 semaphore(%run_scoped3A : memref<!tpu.dma_semaphore, #tpu.memory_space<semaphore_mem>>) src(%dma_wait3A_374 : memref<64x100xi32, #tpu.memory_space<hbm>>) dst(%arg7 : memref<64x100xi32, #tpu.memory_space<vmem>>)
      tpu.yield
    }) : () -> ()
    "tpu.region"() ({
      %run_scoped3A = tpu.sem_alloc : memref<!tpu.dma_semaphore, #tpu.memory_space<semaphore_mem>>
      %dma_start3A_367 = tpu.memref_slice %arg3[%mul3A_2] : memref<4096xi32, #tpu.memory_space<hbm>> -> memref<128xi32, #tpu.memory_space<hbm>>
      %dma_start3A_368 = tpu.memref_slice %arg3[%mul3A_2] : memref<4096xi32, #tpu.memory_space<hbm>> -> memref<128xi32, #tpu.memory_space<hbm>>
      tpu.enqueue_dma source(%dma_start3A_368 : memref<128xi32, #tpu.memory_space<hbm>>) target(%arg8 : memref<128xi32, #tpu.memory_space<vmem>>) target_semaphore(%run_scoped3A : memref<!tpu.dma_semaphore, #tpu.memory_space<semaphore_mem>>)
      %dma_wait3A_369 = tpu.memref_slice %arg3[%mul3A_2] : memref<4096xi32, #tpu.memory_space<hbm>> -> memref<128xi32, #tpu.memory_space<hbm>>
      %dma_wait3A_370 = tpu.memref_slice %arg3[%mul3A_2] : memref<4096xi32, #tpu.memory_space<hbm>> -> memref<128xi32, #tpu.memory_space<hbm>>
      tpu.wait_dma2 semaphore(%run_scoped3A : memref<!tpu.dma_semaphore, #tpu.memory_space<semaphore_mem>>) src(%dma_wait3A_370 : memref<128xi32, #tpu.memory_space<hbm>>) dst(%arg8 : memref<128xi32, #tpu.memory_space<vmem>>)
      tpu.yield
    }) : () -> ()
    %dma_start3A = arith.constant 0 : i32
    %dma_start3A_5 = tpu.memref_slice %arg8[%dma_start3A] : memref<128xi32, #tpu.memory_space<vmem>> -> memref<128xi32, #tpu.memory_space<vmem>>
    %dma_start3A_6 = arith.constant 0 : i32
    %dma_start3A_7 = arith.constant 0 : i32
    %dma_start3A_8 = tpu.memref_slice %arg4[%dma_start3A_6, %dma_start3A_7] : memref<1000000x64xf32, #tpu.memory_space<hbm>> -> memref<1000000x64xf32, #tpu.memory_space<hbm>>
    tpu.enqueue_indirect_dma source(%dma_start3A_8 : memref<1000000x64xf32, #tpu.memory_space<hbm>>) target(%arg9 : memref<128x64xf32, #tpu.memory_space<vmem>>) offsets(%dma_start3A_5 : memref<128xi32, #tpu.memory_space<vmem>>) semaphore(%arg13 : memref<!tpu.dma_semaphore, #tpu.memory_space<semaphore_mem>>)
    %dma_wait3A = arith.constant 0 : i32
    %dma_wait3A_9 = tpu.memref_slice %arg8[%dma_wait3A] : memref<128xi32, #tpu.memory_space<vmem>> -> memref<128xi32, #tpu.memory_space<vmem>>
    %dma_wait3A_10 = arith.constant 0 : i32
    %dma_wait3A_11 = arith.constant 0 : i32
    %dma_wait3A_12 = tpu.memref_slice %arg4[%dma_wait3A_10, %dma_wait3A_11] : memref<1000000x64xf32, #tpu.memory_space<hbm>> -> memref<1000000x64xf32, #tpu.memory_space<hbm>>
    tpu.wait_indirect_dma semaphore(%arg13 : memref<!tpu.dma_semaphore, #tpu.memory_space<semaphore_mem>>) src(%dma_wait3A_12 : memref<1000000x64xf32, #tpu.memory_space<hbm>>) dst(%arg9 : memref<128x64xf32, #tpu.memory_space<vmem>>)
    %add3A_13 = arith.constant 0 : i32
    %add3A_14 = arith.addi %mul3A_2, %add3A_13 : i32
    "tpu.region"() ({
      %run_scoped3A = tpu.sem_alloc : memref<!tpu.dma_semaphore, #tpu.memory_space<semaphore_mem>>
      %dma_start3A_367 = arith.constant 0 : i32
      %dma_start3A_368 = tpu.memref_slice %arg6[%add3A_14, %dma_start3A_367] : memref<4096x64xf32, #tpu.memory_space<hbm>> -> memref<128x64xf32, #tpu.memory_space<hbm>>
      %dma_start3A_369 = arith.constant 0 : i32
      %dma_start3A_370 = tpu.memref_slice %arg6[%add3A_14, %dma_start3A_369] : memref<4096x64xf32, #tpu.memory_space<hbm>> -> memref<128x64xf32, #tpu.memory_space<hbm>>
      tpu.enqueue_dma source(%arg9 : memref<128x64xf32, #tpu.memory_space<vmem>>) target(%dma_start3A_370 : memref<128x64xf32, #tpu.memory_space<hbm>>) target_semaphore(%run_scoped3A : memref<!tpu.dma_semaphore, #tpu.memory_space<semaphore_mem>>)
      %dma_wait3A_371 = arith.constant 0 : i32
      %dma_wait3A_372 = tpu.memref_slice %arg6[%add3A_14, %dma_wait3A_371] : memref<4096x64xf32, #tpu.memory_space<hbm>> -> memref<128x64xf32, #tpu.memory_space<hbm>>
      %dma_wait3A_373 = arith.constant 0 : i32
      %dma_wait3A_374 = tpu.memref_slice %arg6[%add3A_14, %dma_wait3A_373] : memref<4096x64xf32, #tpu.memory_space<hbm>> -> memref<128x64xf32, #tpu.memory_space<hbm>>
      tpu.wait_dma2 semaphore(%run_scoped3A : memref<!tpu.dma_semaphore, #tpu.memory_space<semaphore_mem>>) src(%arg9 : memref<128x64xf32, #tpu.memory_space<vmem>>) dst(%dma_wait3A_374 : memref<128x64xf32, #tpu.memory_space<hbm>>)
      tpu.yield
    }) : () -> ()
    %dma_start3A_15 = arith.constant 0 : i32
    %dma_start3A_16 = arith.constant 0 : i32
    %dma_start3A_17 = arith.constant 0 : i32
    %dma_start3A_18 = arith.constant 0 : i32
    %dma_start3A_19 = arith.constant 0 : i32
    %dma_start3A_20 = tpu.memref_slice %arg10[%dma_start3A_16, %dma_start3A_18, %dma_start3A_19] : memref<6x100x64xf32, #tpu.memory_space<vmem>> -> memref<1x100x64xf32, #tpu.memory_space<vmem>>
    %dma_start3A_21 = tpu.memref_squeeze %dma_start3A_20 : memref<1x100x64xf32, #tpu.memory_space<vmem>> -> memref<100x64xf32, #tpu.memory_space<vmem>>
    %dma_start3A_22 = arith.constant 0 : i32
    %dma_start3A_23 = tpu.memref_slice %arg7[%dma_start3A_15, %dma_start3A_22] : memref<64x100xi32, #tpu.memory_space<vmem>> -> memref<1x100xi32, #tpu.memory_space<vmem>>
    %dma_start3A_24 = tpu.memref_squeeze %dma_start3A_23 : memref<1x100xi32, #tpu.memory_space<vmem>> -> memref<100xi32, #tpu.memory_space<vmem>>
    %dma_start3A_25 = arith.constant 0 : i32
    %dma_start3A_26 = arith.constant 0 : i32
    %dma_start3A_27 = tpu.memref_slice %arg4[%dma_start3A_25, %dma_start3A_26] : memref<1000000x64xf32, #tpu.memory_space<hbm>> -> memref<1000000x64xf32, #tpu.memory_space<hbm>>
    %dma_start3A_28 = tpu.memref_slice %arg11[%dma_start3A_17] : memref<6x!tpu.dma_semaphore, #tpu.memory_space<semaphore_mem>> -> memref<1x!tpu.dma_semaphore, #tpu.memory_space<semaphore_mem>>
    %dma_start3A_29 = tpu.memref_squeeze %dma_start3A_28 : memref<1x!tpu.dma_semaphore, #tpu.memory_space<semaphore_mem>> -> memref<!tpu.dma_semaphore, #tpu.memory_space<semaphore_mem>>
    tpu.enqueue_indirect_dma source(%dma_start3A_27 : memref<1000000x64xf32, #tpu.memory_space<hbm>>) target(%dma_start3A_21 : memref<100x64xf32, #tpu.memory_space<vmem>>) offsets(%dma_start3A_24 : memref<100xi32, #tpu.memory_space<vmem>>) semaphore(%dma_start3A_29 : memref<!tpu.dma_semaphore, #tpu.memory_space<semaphore_mem>>)
    %dma_start3A_30 = arith.constant 1 : i32
    %dma_start3A_31 = arith.constant 1 : i32
    %dma_start3A_32 = arith.constant 1 : i32
    %dma_start3A_33 = arith.constant 0 : i32
    %dma_start3A_34 = arith.constant 0 : i32
    %dma_start3A_35 = tpu.memref_slice %arg10[%dma_start3A_31, %dma_start3A_33, %dma_start3A_34] : memref<6x100x64xf32, #tpu.memory_space<vmem>> -> memref<1x100x64xf32, #tpu.memory_space<vmem>>
    %dma_start3A_36 = tpu.memref_squeeze %dma_start3A_35 : memref<1x100x64xf32, #tpu.memory_space<vmem>> -> memref<100x64xf32, #tpu.memory_space<vmem>>
    %dma_start3A_37 = arith.constant 0 : i32
    %dma_start3A_38 = tpu.memref_slice %arg7[%dma_start3A_30, %dma_start3A_37] : memref<64x100xi32, #tpu.memory_space<vmem>> -> memref<1x100xi32, #tpu.memory_space<vmem>>
    %dma_start3A_39 = tpu.memref_squeeze %dma_start3A_38 : memref<1x100xi32, #tpu.memory_space<vmem>> -> memref<100xi32, #tpu.memory_space<vmem>>
    %dma_start3A_40 = arith.constant 0 : i32
    %dma_start3A_41 = arith.constant 0 : i32
    %dma_start3A_42 = tpu.memref_slice %arg4[%dma_start3A_40, %dma_start3A_41] : memref<1000000x64xf32, #tpu.memory_space<hbm>> -> memref<1000000x64xf32, #tpu.memory_space<hbm>>
    %dma_start3A_43 = tpu.memref_slice %arg11[%dma_start3A_32] : memref<6x!tpu.dma_semaphore, #tpu.memory_space<semaphore_mem>> -> memref<1x!tpu.dma_semaphore, #tpu.memory_space<semaphore_mem>>
    %dma_start3A_44 = tpu.memref_squeeze %dma_start3A_43 : memref<1x!tpu.dma_semaphore, #tpu.memory_space<semaphore_mem>> -> memref<!tpu.dma_semaphore, #tpu.memory_space<semaphore_mem>>
    tpu.enqueue_indirect_dma source(%dma_start3A_42 : memref<1000000x64xf32, #tpu.memory_space<hbm>>) target(%dma_start3A_36 : memref<100x64xf32, #tpu.memory_space<vmem>>) offsets(%dma_start3A_39 : memref<100xi32, #tpu.memory_space<vmem>>) semaphore(%dma_start3A_44 : memref<!tpu.dma_semaphore, #tpu.memory_space<semaphore_mem>>)
    %dma_start3A_45 = arith.constant 2 : i32
    %dma_start3A_46 = arith.constant 2 : i32
    %dma_start3A_47 = arith.constant 2 : i32
    %dma_start3A_48 = arith.constant 0 : i32
    %dma_start3A_49 = arith.constant 0 : i32
    %dma_start3A_50 = tpu.memref_slice %arg10[%dma_start3A_46, %dma_start3A_48, %dma_start3A_49] : memref<6x100x64xf32, #tpu.memory_space<vmem>> -> memref<1x100x64xf32, #tpu.memory_space<vmem>>
    %dma_start3A_51 = tpu.memref_squeeze %dma_start3A_50 : memref<1x100x64xf32, #tpu.memory_space<vmem>> -> memref<100x64xf32, #tpu.memory_space<vmem>>
    %dma_start3A_52 = arith.constant 0 : i32
    %dma_start3A_53 = tpu.memref_slice %arg7[%dma_start3A_45, %dma_start3A_52] : memref<64x100xi32, #tpu.memory_space<vmem>> -> memref<1x100xi32, #tpu.memory_space<vmem>>
    %dma_start3A_54 = tpu.memref_squeeze %dma_start3A_53 : memref<1x100xi32, #tpu.memory_space<vmem>> -> memref<100xi32, #tpu.memory_space<vmem>>
    %dma_start3A_55 = arith.constant 0 : i32
    %dma_start3A_56 = arith.constant 0 : i32
    %dma_start3A_57 = tpu.memref_slice %arg4[%dma_start3A_55, %dma_start3A_56] : memref<1000000x64xf32, #tpu.memory_space<hbm>> -> memref<1000000x64xf32, #tpu.memory_space<hbm>>
    %dma_start3A_58 = tpu.memref_slice %arg11[%dma_start3A_47] : memref<6x!tpu.dma_semaphore, #tpu.memory_space<semaphore_mem>> -> memref<1x!tpu.dma_semaphore, #tpu.memory_space<semaphore_mem>>
    %dma_start3A_59 = tpu.memref_squeeze %dma_start3A_58 : memref<1x!tpu.dma_semaphore, #tpu.memory_space<semaphore_mem>> -> memref<!tpu.dma_semaphore, #tpu.memory_space<semaphore_mem>>
    tpu.enqueue_indirect_dma source(%dma_start3A_57 : memref<1000000x64xf32, #tpu.memory_space<hbm>>) target(%dma_start3A_51 : memref<100x64xf32, #tpu.memory_space<vmem>>) offsets(%dma_start3A_54 : memref<100xi32, #tpu.memory_space<vmem>>) semaphore(%dma_start3A_59 : memref<!tpu.dma_semaphore, #tpu.memory_space<semaphore_mem>>)
    %dma_start3A_60 = arith.constant 3 : i32
    %dma_start3A_61 = arith.constant 3 : i32
    %dma_start3A_62 = arith.constant 3 : i32
    %dma_start3A_63 = arith.constant 0 : i32
    %dma_start3A_64 = arith.constant 0 : i32
    %dma_start3A_65 = tpu.memref_slice %arg10[%dma_start3A_61, %dma_start3A_63, %dma_start3A_64] : memref<6x100x64xf32, #tpu.memory_space<vmem>> -> memref<1x100x64xf32, #tpu.memory_space<vmem>>
    %dma_start3A_66 = tpu.memref_squeeze %dma_start3A_65 : memref<1x100x64xf32, #tpu.memory_space<vmem>> -> memref<100x64xf32, #tpu.memory_space<vmem>>
    %dma_start3A_67 = arith.constant 0 : i32
    %dma_start3A_68 = tpu.memref_slice %arg7[%dma_start3A_60, %dma_start3A_67] : memref<64x100xi32, #tpu.memory_space<vmem>> -> memref<1x100xi32, #tpu.memory_space<vmem>>
    %dma_start3A_69 = tpu.memref_squeeze %dma_start3A_68 : memref<1x100xi32, #tpu.memory_space<vmem>> -> memref<100xi32, #tpu.memory_space<vmem>>
    %dma_start3A_70 = arith.constant 0 : i32
    %dma_start3A_71 = arith.constant 0 : i32
    %dma_start3A_72 = tpu.memref_slice %arg4[%dma_start3A_70, %dma_start3A_71] : memref<1000000x64xf32, #tpu.memory_space<hbm>> -> memref<1000000x64xf32, #tpu.memory_space<hbm>>
    %dma_start3A_73 = tpu.memref_slice %arg11[%dma_start3A_62] : memref<6x!tpu.dma_semaphore, #tpu.memory_space<semaphore_mem>> -> memref<1x!tpu.dma_semaphore, #tpu.memory_space<semaphore_mem>>
    %dma_start3A_74 = tpu.memref_squeeze %dma_start3A_73 : memref<1x!tpu.dma_semaphore, #tpu.memory_space<semaphore_mem>> -> memref<!tpu.dma_semaphore, #tpu.memory_space<semaphore_mem>>
    tpu.enqueue_indirect_dma source(%dma_start3A_72 : memref<1000000x64xf32, #tpu.memory_space<hbm>>) target(%dma_start3A_66 : memref<100x64xf32, #tpu.memory_space<vmem>>) offsets(%dma_start3A_69 : memref<100xi32, #tpu.memory_space<vmem>>) semaphore(%dma_start3A_74 : memref<!tpu.dma_semaphore, #tpu.memory_space<semaphore_mem>>)
    %scan3A = arith.constant 0 : i32
    %scan3A_75 = arith.constant 64 : i32
    %scan3A_76 = arith.addi %scan3A, %scan3A_75 : i32
    %scan3A_77 = arith.constant 1 : i32
    scf.for %scan3A_367 = %scan3A to %scan3A_76 step %scan3A_77  : i32 {
      %mul3A_368 = arith.constant 1 : i32
      %mul3A_369 = arith.muli %scan3A_367, %mul3A_368 : i32
      %add3A_370 = arith.constant 0 : i32
      %add3A_371 = arith.addi %add3A_370, %mul3A_369 : i32
      %rem3A = arith.constant 6 : i32
      %rem3A_372 = arith.remsi %add3A_371, %rem3A : i32
      %dma_wait3A_373 = arith.constant 0 : i32
      %dma_wait3A_374 = arith.constant 0 : i32
      %dma_wait3A_375 = tpu.memref_slice %arg10[%rem3A_372, %dma_wait3A_373, %dma_wait3A_374] : memref<6x100x64xf32, #tpu.memory_space<vmem>> -> memref<1x100x64xf32, #tpu.memory_space<vmem>>
      %dma_wait3A_376 = tpu.memref_squeeze %dma_wait3A_375 : memref<1x100x64xf32, #tpu.memory_space<vmem>> -> memref<100x64xf32, #tpu.memory_space<vmem>>
      %dma_wait3A_377 = arith.constant 0 : i32
      %dma_wait3A_378 = tpu.memref_slice %arg7[%add3A_371, %dma_wait3A_377] : memref<64x100xi32, #tpu.memory_space<vmem>> -> memref<1x100xi32, #tpu.memory_space<vmem>>
      %dma_wait3A_379 = tpu.memref_squeeze %dma_wait3A_378 : memref<1x100xi32, #tpu.memory_space<vmem>> -> memref<100xi32, #tpu.memory_space<vmem>>
      %dma_wait3A_380 = arith.constant 0 : i32
      %dma_wait3A_381 = arith.constant 0 : i32
      %dma_wait3A_382 = tpu.memref_slice %arg4[%dma_wait3A_380, %dma_wait3A_381] : memref<1000000x64xf32, #tpu.memory_space<hbm>> -> memref<1000000x64xf32, #tpu.memory_space<hbm>>
      %dma_wait3A_383 = tpu.memref_slice %arg11[%rem3A_372] : memref<6x!tpu.dma_semaphore, #tpu.memory_space<semaphore_mem>> -> memref<1x!tpu.dma_semaphore, #tpu.memory_space<semaphore_mem>>
      %dma_wait3A_384 = tpu.memref_squeeze %dma_wait3A_383 : memref<1x!tpu.dma_semaphore, #tpu.memory_space<semaphore_mem>> -> memref<!tpu.dma_semaphore, #tpu.memory_space<semaphore_mem>>
      tpu.wait_indirect_dma semaphore(%dma_wait3A_384 : memref<!tpu.dma_semaphore, #tpu.memory_space<semaphore_mem>>) src(%dma_wait3A_382 : memref<1000000x64xf32, #tpu.memory_space<hbm>>) dst(%dma_wait3A_376 : memref<100x64xf32, #tpu.memory_space<vmem>>)
      %mul3A_385 = arith.constant 2 : i32
      %mul3A_386 = arith.muli %add3A_371, %mul3A_385 : i32
      %add3A_387 = arith.addi %mul3A_2, %mul3A_386 : i32
      %add3A_388 = arith.constant 0 : i32
      %add3A_389 = arith.addi %add3A_387, %add3A_388 : i32
      %mul3A_390 = arith.constant 2 : i32
      %mul3A_391 = arith.muli %add3A_389, %mul3A_390 : i32
      %mul3A_392 = arith.constant 32 : i32
      %mul3A_393 = arith.muli %mul3A_391, %mul3A_392 : i32
      %dma_start3A_394 = arith.constant 0 : i32
      %dma_start3A_395 = arith.constant 0 : i32
      %dma_start3A_396 = tpu.memref_slice %arg10[%rem3A_372, %dma_start3A_394, %dma_start3A_395] : memref<6x100x64xf32, #tpu.memory_space<vmem>> -> memref<1x50x64xf32, #tpu.memory_space<vmem>>
      %dma_start3A_397 = tpu.memref_squeeze %dma_start3A_396 : memref<1x50x64xf32, #tpu.memory_space<vmem>> -> memref<50x64xf32, #tpu.memory_space<vmem>>
      %dma_start3A_398 = arith.constant 0 : i32
      %dma_start3A_399 = tpu.memref_slice %arg5[%mul3A_393, %dma_start3A_398] : memref<262144x64xf32, #tpu.memory_space<hbm>> -> memref<50x64xf32, #tpu.memory_space<hbm>>
      %dma_start3A_400 = tpu.memref_slice %arg12[%rem3A_372] : memref<6x!tpu.dma_semaphore, #tpu.memory_space<semaphore_mem>> -> memref<1x!tpu.dma_semaphore, #tpu.memory_space<semaphore_mem>>
      %dma_start3A_401 = tpu.memref_squeeze %dma_start3A_400 : memref<1x!tpu.dma_semaphore, #tpu.memory_space<semaphore_mem>> -> memref<!tpu.dma_semaphore, #tpu.memory_space<semaphore_mem>>
      %dma_start3A_402 = arith.constant 0 : i32
      %dma_start3A_403 = tpu.memref_slice %arg5[%mul3A_393, %dma_start3A_402] : memref<262144x64xf32, #tpu.memory_space<hbm>> -> memref<50x64xf32, #tpu.memory_space<hbm>>
      %dma_start3A_404 = arith.constant 0 : i32
      %dma_start3A_405 = arith.constant 0 : i32
      %dma_start3A_406 = tpu.memref_slice %arg10[%rem3A_372, %dma_start3A_404, %dma_start3A_405] : memref<6x100x64xf32, #tpu.memory_space<vmem>> -> memref<1x50x64xf32, #tpu.memory_space<vmem>>
      %dma_start3A_407 = tpu.memref_squeeze %dma_start3A_406 : memref<1x50x64xf32, #tpu.memory_space<vmem>> -> memref<50x64xf32, #tpu.memory_space<vmem>>
      tpu.enqueue_dma source(%dma_start3A_407 : memref<50x64xf32, #tpu.memory_space<vmem>>) target(%dma_start3A_403 : memref<50x64xf32, #tpu.memory_space<hbm>>) target_semaphore(%dma_start3A_401 : memref<!tpu.dma_semaphore, #tpu.memory_space<semaphore_mem>>)
      %mul3A_408 = arith.constant 2 : i32
      %mul3A_409 = arith.muli %add3A_371, %mul3A_408 : i32
      %add3A_410 = arith.addi %mul3A_2, %mul3A_409 : i32
      %add3A_411 = arith.constant 1 : i32
      %add3A_412 = arith.addi %add3A_410, %add3A_411 : i32
      %mul3A_413 = arith.constant 2 : i32
      %mul3A_414 = arith.muli %add3A_412, %mul3A_413 : i32
      %mul3A_415 = arith.constant 32 : i32
      %mul3A_416 = arith.muli %mul3A_414, %mul3A_415 : i32
      %dma_start3A_417 = arith.constant 50 : i32
      %dma_start3A_418 = arith.constant 0 : i32
      %dma_start3A_419 = tpu.memref_slice %arg10[%rem3A_372, %dma_start3A_417, %dma_start3A_418] : memref<6x100x64xf32, #tpu.memory_space<vmem>> -> memref<1x50x64xf32, #tpu.memory_space<vmem>>
      %dma_start3A_420 = tpu.memref_squeeze %dma_start3A_419 : memref<1x50x64xf32, #tpu.memory_space<vmem>> -> memref<50x64xf32, #tpu.memory_space<vmem>>
      %dma_start3A_421 = arith.constant 0 : i32
      %dma_start3A_422 = tpu.memref_slice %arg5[%mul3A_416, %dma_start3A_421] : memref<262144x64xf32, #tpu.memory_space<hbm>> -> memref<50x64xf32, #tpu.memory_space<hbm>>
      %dma_start3A_423 = tpu.memref_slice %arg12[%rem3A_372] : memref<6x!tpu.dma_semaphore, #tpu.memory_space<semaphore_mem>> -> memref<1x!tpu.dma_semaphore, #tpu.memory_space<semaphore_mem>>
      %dma_start3A_424 = tpu.memref_squeeze %dma_start3A_423 : memref<1x!tpu.dma_semaphore, #tpu.memory_space<semaphore_mem>> -> memref<!tpu.dma_semaphore, #tpu.memory_space<semaphore_mem>>
      %dma_start3A_425 = arith.constant 0 : i32
      %dma_start3A_426 = tpu.memref_slice %arg5[%mul3A_416, %dma_start3A_425] : memref<262144x64xf32, #tpu.memory_space<hbm>> -> memref<50x64xf32, #tpu.memory_space<hbm>>
      %dma_start3A_427 = arith.constant 50 : i32
      %dma_start3A_428 = arith.constant 0 : i32
      %dma_start3A_429 = tpu.memref_slice %arg10[%rem3A_372, %dma_start3A_427, %dma_start3A_428] : memref<6x100x64xf32, #tpu.memory_space<vmem>> -> memref<1x50x64xf32, #tpu.memory_space<vmem>>
      %dma_start3A_430 = tpu.memref_squeeze %dma_start3A_429 : memref<1x50x64xf32, #tpu.memory_space<vmem>> -> memref<50x64xf32, #tpu.memory_space<vmem>>
      tpu.enqueue_dma source(%dma_start3A_430 : memref<50x64xf32, #tpu.memory_space<vmem>>) target(%dma_start3A_426 : memref<50x64xf32, #tpu.memory_space<hbm>>) target_semaphore(%dma_start3A_424 : memref<!tpu.dma_semaphore, #tpu.memory_space<semaphore_mem>>)
      %add3A_431 = arith.constant 4 : i32
      %add3A_432 = arith.addi %add3A_371, %add3A_431 : i32
      %rem3A_433 = arith.constant 6 : i32
      %rem3A_434 = arith.remsi %add3A_432, %rem3A_433 : i32
      %lt3A = arith.constant 64 : i32
      %lt3A_435 = arith.cmpi slt, %add3A_432, %lt3A : i32
      %ge3A = arith.constant 6 : i32
      %ge3A_436 = arith.cmpi sge, %add3A_432, %ge3A : i32
      %and3A = arith.andi %lt3A_435, %ge3A_436 : i1
      %convert_element_type3A = arith.extui %and3A : i1 to i32
      %cond3A = arith.constant 0 : i32
      %cond3A_437 = arith.cmpi ne, %convert_element_type3A, %cond3A : i32
      scf.if %cond3A_437 {
        %mul3A_446 = arith.constant 2 : i32
        %mul3A_447 = arith.muli %add3A_432, %mul3A_446 : i32
        %add3A_448 = arith.addi %mul3A_2, %mul3A_447 : i32
        %add3A_449 = arith.constant 0 : i32
        %add3A_450 = arith.addi %add3A_448, %add3A_449 : i32
        %mul3A_451 = arith.constant 2 : i32
        %mul3A_452 = arith.muli %add3A_450, %mul3A_451 : i32
        %mul3A_453 = arith.constant 32 : i32
        %mul3A_454 = arith.muli %mul3A_452, %mul3A_453 : i32
        %dma_wait3A_455 = arith.constant 0 : i32
        %dma_wait3A_456 = arith.constant 0 : i32
        %dma_wait3A_457 = tpu.memref_slice %arg10[%rem3A_434, %dma_wait3A_455, %dma_wait3A_456] : memref<6x100x64xf32, #tpu.memory_space<vmem>> -> memref<1x50x64xf32, #tpu.memory_space<vmem>>
        %dma_wait3A_458 = tpu.memref_squeeze %dma_wait3A_457 : memref<1x50x64xf32, #tpu.memory_space<vmem>> -> memref<50x64xf32, #tpu.memory_space<vmem>>
        %dma_wait3A_459 = arith.constant 0 : i32
        %dma_wait3A_460 = tpu.memref_slice %arg5[%mul3A_454, %dma_wait3A_459] : memref<262144x64xf32, #tpu.memory_space<hbm>> -> memref<50x64xf32, #tpu.memory_space<hbm>>
        %dma_wait3A_461 = tpu.memref_slice %arg12[%rem3A_434] : memref<6x!tpu.dma_semaphore, #tpu.memory_space<semaphore_mem>> -> memref<1x!tpu.dma_semaphore, #tpu.memory_space<semaphore_mem>>
        %dma_wait3A_462 = tpu.memref_squeeze %dma_wait3A_461 : memref<1x!tpu.dma_semaphore, #tpu.memory_space<semaphore_mem>> -> memref<!tpu.dma_semaphore, #tpu.memory_space<semaphore_mem>>
        %dma_wait3A_463 = arith.constant 0 : i32
        %dma_wait3A_464 = tpu.memref_slice %arg5[%mul3A_454, %dma_wait3A_463] : memref<262144x64xf32, #tpu.memory_space<hbm>> -> memref<50x64xf32, #tpu.memory_space<hbm>>
        %dma_wait3A_465 = arith.constant 0 : i32
        %dma_wait3A_466 = arith.constant 0 : i32
        %dma_wait3A_467 = tpu.memref_slice %arg10[%rem3A_434, %dma_wait3A_465, %dma_wait3A_466] : memref<6x100x64xf32, #tpu.memory_space<vmem>> -> memref<1x50x64xf32, #tpu.memory_space<vmem>>
        %dma_wait3A_468 = tpu.memref_squeeze %dma_wait3A_467 : memref<1x50x64xf32, #tpu.memory_space<vmem>> -> memref<50x64xf32, #tpu.memory_space<vmem>>
        tpu.wait_dma2 semaphore(%dma_wait3A_462 : memref<!tpu.dma_semaphore, #tpu.memory_space<semaphore_mem>>) src(%dma_wait3A_468 : memref<50x64xf32, #tpu.memory_space<vmem>>) dst(%dma_wait3A_464 : memref<50x64xf32, #tpu.memory_space<hbm>>)
        %mul3A_469 = arith.constant 2 : i32
        %mul3A_470 = arith.muli %add3A_432, %mul3A_469 : i32
        %add3A_471 = arith.addi %mul3A_2, %mul3A_470 : i32
        %add3A_472 = arith.constant 1 : i32
        %add3A_473 = arith.addi %add3A_471, %add3A_472 : i32
        %mul3A_474 = arith.constant 2 : i32
        %mul3A_475 = arith.muli %add3A_473, %mul3A_474 : i32
        %mul3A_476 = arith.constant 32 : i32
        %mul3A_477 = arith.muli %mul3A_475, %mul3A_476 : i32
        %dma_wait3A_478 = arith.constant 50 : i32
        %dma_wait3A_479 = arith.constant 0 : i32
        %dma_wait3A_480 = tpu.memref_slice %arg10[%rem3A_434, %dma_wait3A_478, %dma_wait3A_479] : memref<6x100x64xf32, #tpu.memory_space<vmem>> -> memref<1x50x64xf32, #tpu.memory_space<vmem>>
        %dma_wait3A_481 = tpu.memref_squeeze %dma_wait3A_480 : memref<1x50x64xf32, #tpu.memory_space<vmem>> -> memref<50x64xf32, #tpu.memory_space<vmem>>
        %dma_wait3A_482 = arith.constant 0 : i32
        %dma_wait3A_483 = tpu.memref_slice %arg5[%mul3A_477, %dma_wait3A_482] : memref<262144x64xf32, #tpu.memory_space<hbm>> -> memref<50x64xf32, #tpu.memory_space<hbm>>
        %dma_wait3A_484 = tpu.memref_slice %arg12[%rem3A_434] : memref<6x!tpu.dma_semaphore, #tpu.memory_space<semaphore_mem>> -> memref<1x!tpu.dma_semaphore, #tpu.memory_space<semaphore_mem>>
        %dma_wait3A_485 = tpu.memref_squeeze %dma_wait3A_484 : memref<1x!tpu.dma_semaphore, #tpu.memory_space<semaphore_mem>> -> memref<!tpu.dma_semaphore, #tpu.memory_space<semaphore_mem>>
        %dma_wait3A_486 = arith.constant 0 : i32
        %dma_wait3A_487 = tpu.memref_slice %arg5[%mul3A_477, %dma_wait3A_486] : memref<262144x64xf32, #tpu.memory_space<hbm>> -> memref<50x64xf32, #tpu.memory_space<hbm>>
        %dma_wait3A_488 = arith.constant 50 : i32
        %dma_wait3A_489 = arith.constant 0 : i32
        %dma_wait3A_490 = tpu.memref_slice %arg10[%rem3A_434, %dma_wait3A_488, %dma_wait3A_489] : memref<6x100x64xf32, #tpu.memory_space<vmem>> -> memref<1x50x64xf32, #tpu.memory_space<vmem>>
        %dma_wait3A_491 = tpu.memref_squeeze %dma_wait3A_490 : memref<1x50x64xf32, #tpu.memory_space<vmem>> -> memref<50x64xf32, #tpu.memory_space<vmem>>
        tpu.wait_dma2 semaphore(%dma_wait3A_485 : memref<!tpu.dma_semaphore, #tpu.memory_space<semaphore_mem>>) src(%dma_wait3A_491 : memref<50x64xf32, #tpu.memory_space<vmem>>) dst(%dma_wait3A_487 : memref<50x64xf32, #tpu.memory_space<hbm>>)
        %dma_start3A_492 = arith.constant 0 : i32
        %dma_start3A_493 = arith.constant 0 : i32
        %dma_start3A_494 = tpu.memref_slice %arg10[%rem3A_434, %dma_start3A_492, %dma_start3A_493] : memref<6x100x64xf32, #tpu.memory_space<vmem>> -> memref<1x100x64xf32, #tpu.memory_space<vmem>>
        %dma_start3A_495 = tpu.memref_squeeze %dma_start3A_494 : memref<1x100x64xf32, #tpu.memory_space<vmem>> -> memref<100x64xf32, #tpu.memory_space<vmem>>
        %dma_start3A_496 = arith.constant 0 : i32
        %dma_start3A_497 = tpu.memref_slice %arg7[%add3A_432, %dma_start3A_496] : memref<64x100xi32, #tpu.memory_space<vmem>> -> memref<1x100xi32, #tpu.memory_space<vmem>>
        %dma_start3A_498 = tpu.memref_squeeze %dma_start3A_497 : memref<1x100xi32, #tpu.memory_space<vmem>> -> memref<100xi32, #tpu.memory_space<vmem>>
        %dma_start3A_499 = arith.constant 0 : i32
        %dma_start3A_500 = arith.constant 0 : i32
        %dma_start3A_501 = tpu.memref_slice %arg4[%dma_start3A_499, %dma_start3A_500] : memref<1000000x64xf32, #tpu.memory_space<hbm>> -> memref<1000000x64xf32, #tpu.memory_space<hbm>>
        %dma_start3A_502 = tpu.memref_slice %arg11[%rem3A_434] : memref<6x!tpu.dma_semaphore, #tpu.memory_space<semaphore_mem>> -> memref<1x!tpu.dma_semaphore, #tpu.memory_space<semaphore_mem>>
        %dma_start3A_503 = tpu.memref_squeeze %dma_start3A_502 : memref<1x!tpu.dma_semaphore, #tpu.memory_space<semaphore_mem>> -> memref<!tpu.dma_semaphore, #tpu.memory_space<semaphore_mem>>
        tpu.enqueue_indirect_dma source(%dma_start3A_501 : memref<1000000x64xf32, #tpu.memory_space<hbm>>) target(%dma_start3A_495 : memref<100x64xf32, #tpu.memory_space<vmem>>) offsets(%dma_start3A_498 : memref<100xi32, #tpu.memory_space<vmem>>) semaphore(%dma_start3A_503 : memref<!tpu.dma_semaphore, #tpu.memory_space<semaphore_mem>>)
      } else {
      }
      %lt3A_438 = arith.constant 64 : i32
      %lt3A_439 = arith.cmpi slt, %add3A_432, %lt3A_438 : i32
      %lt3A_440 = arith.constant 6 : i32
      %lt3A_441 = arith.cmpi slt, %add3A_432, %lt3A_440 : i32
      %and3A_442 = arith.andi %lt3A_439, %lt3A_441 : i1
      %convert_element_type3A_443 = arith.extui %and3A_442 : i1 to i32
      %cond3A_444 = arith.constant 0 : i32
      %cond3A_445 = arith.cmpi ne, %convert_element_type3A_443, %cond3A_444 : i32
      scf.if %cond3A_445 {
        %dma_start3A_446 = arith.constant 0 : i32
        %dma_start3A_447 = arith.constant 0 : i32
        %dma_start3A_448 = tpu.memref_slice %arg10[%rem3A_434, %dma_start3A_446, %dma_start3A_447] : memref<6x100x64xf32, #tpu.memory_space<vmem>> -> memref<1x100x64xf32, #tpu.memory_space<vmem>>
        %dma_start3A_449 = tpu.memref_squeeze %dma_start3A_448 : memref<1x100x64xf32, #tpu.memory_space<vmem>> -> memref<100x64xf32, #tpu.memory_space<vmem>>
        %dma_start3A_450 = arith.constant 0 : i32
        %dma_start3A_451 = tpu.memref_slice %arg7[%add3A_432, %dma_start3A_450] : memref<64x100xi32, #tpu.memory_space<vmem>> -> memref<1x100xi32, #tpu.memory_space<vmem>>
        %dma_start3A_452 = tpu.memref_squeeze %dma_start3A_451 : memref<1x100xi32, #tpu.memory_space<vmem>> -> memref<100xi32, #tpu.memory_space<vmem>>
        %dma_start3A_453 = arith.constant 0 : i32
        %dma_start3A_454 = arith.constant 0 : i32
        %dma_start3A_455 = tpu.memref_slice %arg4[%dma_start3A_453, %dma_start3A_454] : memref<1000000x64xf32, #tpu.memory_space<hbm>> -> memref<1000000x64xf32, #tpu.memory_space<hbm>>
        %dma_start3A_456 = tpu.memref_slice %arg11[%rem3A_434] : memref<6x!tpu.dma_semaphore, #tpu.memory_space<semaphore_mem>> -> memref<1x!tpu.dma_semaphore, #tpu.memory_space<semaphore_mem>>
        %dma_start3A_457 = tpu.memref_squeeze %dma_start3A_456 : memref<1x!tpu.dma_semaphore, #tpu.memory_space<semaphore_mem>> -> memref<!tpu.dma_semaphore, #tpu.memory_space<semaphore_mem>>
        tpu.enqueue_indirect_dma source(%dma_start3A_455 : memref<1000000x64xf32, #tpu.memory_space<hbm>>) target(%dma_start3A_449 : memref<100x64xf32, #tpu.memory_space<vmem>>) offsets(%dma_start3A_452 : memref<100xi32, #tpu.memory_space<vmem>>) semaphore(%dma_start3A_457 : memref<!tpu.dma_semaphore, #tpu.memory_space<semaphore_mem>>)
      } else {
      }
    }
    %scan3A_78 = arith.constant 64 : i32
    %add3A_79 = arith.constant 0 : i32
    %add3A_80 = arith.addi %mul3A_2, %add3A_79 : i32
    %add3A_81 = arith.constant 0 : i32
    %add3A_82 = arith.addi %add3A_80, %add3A_81 : i32
    %mul3A_83 = arith.constant 2 : i32
    %mul3A_84 = arith.muli %add3A_82, %mul3A_83 : i32
    %mul3A_85 = arith.constant 32 : i32
    %mul3A_86 = arith.muli %mul3A_84, %mul3A_85 : i32
    %dma_wait3A_87 = arith.constant 0 : i32
    %dma_wait3A_88 = arith.constant 0 : i32
    %dma_wait3A_89 = arith.constant 0 : i32
    %dma_wait3A_90 = arith.constant 0 : i32
    %dma_wait3A_91 = tpu.memref_slice %arg10[%dma_wait3A_87, %dma_wait3A_89, %dma_wait3A_90] : memref<6x100x64xf32, #tpu.memory_space<vmem>> -> memref<1x50x64xf32, #tpu.memory_space<vmem>>
    %dma_wait3A_92 = tpu.memref_squeeze %dma_wait3A_91 : memref<1x50x64xf32, #tpu.memory_space<vmem>> -> memref<50x64xf32, #tpu.memory_space<vmem>>
    %dma_wait3A_93 = arith.constant 0 : i32
    %dma_wait3A_94 = tpu.memref_slice %arg5[%mul3A_86, %dma_wait3A_93] : memref<262144x64xf32, #tpu.memory_space<hbm>> -> memref<50x64xf32, #tpu.memory_space<hbm>>
    %dma_wait3A_95 = tpu.memref_slice %arg12[%dma_wait3A_88] : memref<6x!tpu.dma_semaphore, #tpu.memory_space<semaphore_mem>> -> memref<1x!tpu.dma_semaphore, #tpu.memory_space<semaphore_mem>>
    %dma_wait3A_96 = tpu.memref_squeeze %dma_wait3A_95 : memref<1x!tpu.dma_semaphore, #tpu.memory_space<semaphore_mem>> -> memref<!tpu.dma_semaphore, #tpu.memory_space<semaphore_mem>>
    %dma_wait3A_97 = arith.constant 0 : i32
    %dma_wait3A_98 = tpu.memref_slice %arg5[%mul3A_86, %dma_wait3A_97] : memref<262144x64xf32, #tpu.memory_space<hbm>> -> memref<50x64xf32, #tpu.memory_space<hbm>>
    %dma_wait3A_99 = arith.constant 0 : i32
    %dma_wait3A_100 = arith.constant 0 : i32
    %dma_wait3A_101 = tpu.memref_slice %arg10[%dma_wait3A_87, %dma_wait3A_99, %dma_wait3A_100] : memref<6x100x64xf32, #tpu.memory_space<vmem>> -> memref<1x50x64xf32, #tpu.memory_space<vmem>>
    %dma_wait3A_102 = tpu.memref_squeeze %dma_wait3A_101 : memref<1x50x64xf32, #tpu.memory_space<vmem>> -> memref<50x64xf32, #tpu.memory_space<vmem>>
    tpu.wait_dma2 semaphore(%dma_wait3A_96 : memref<!tpu.dma_semaphore, #tpu.memory_space<semaphore_mem>>) src(%dma_wait3A_102 : memref<50x64xf32, #tpu.memory_space<vmem>>) dst(%dma_wait3A_98 : memref<50x64xf32, #tpu.memory_space<hbm>>)
    %add3A_103 = arith.constant 0 : i32
    %add3A_104 = arith.addi %mul3A_2, %add3A_103 : i32
    %add3A_105 = arith.constant 1 : i32
    %add3A_106 = arith.addi %add3A_104, %add3A_105 : i32
    %mul3A_107 = arith.constant 2 : i32
    %mul3A_108 = arith.muli %add3A_106, %mul3A_107 : i32
    %mul3A_109 = arith.constant 32 : i32
    %mul3A_110 = arith.muli %mul3A_108, %mul3A_109 : i32
    %dma_wait3A_111 = arith.constant 0 : i32
    %dma_wait3A_112 = arith.constant 0 : i32
    %dma_wait3A_113 = arith.constant 50 : i32
    %dma_wait3A_114 = arith.constant 0 : i32
    %dma_wait3A_115 = tpu.memref_slice %arg10[%dma_wait3A_111, %dma_wait3A_113, %dma_wait3A_114] : memref<6x100x64xf32, #tpu.memory_space<vmem>> -> memref<1x50x64xf32, #tpu.memory_space<vmem>>
    %dma_wait3A_116 = tpu.memref_squeeze %dma_wait3A_115 : memref<1x50x64xf32, #tpu.memory_space<vmem>> -> memref<50x64xf32, #tpu.memory_space<vmem>>
    %dma_wait3A_117 = arith.constant 0 : i32
    %dma_wait3A_118 = tpu.memref_slice %arg5[%mul3A_110, %dma_wait3A_117] : memref<262144x64xf32, #tpu.memory_space<hbm>> -> memref<50x64xf32, #tpu.memory_space<hbm>>
    %dma_wait3A_119 = tpu.memref_slice %arg12[%dma_wait3A_112] : memref<6x!tpu.dma_semaphore, #tpu.memory_space<semaphore_mem>> -> memref<1x!tpu.dma_semaphore, #tpu.memory_space<semaphore_mem>>
    %dma_wait3A_120 = tpu.memref_squeeze %dma_wait3A_119 : memref<1x!tpu.dma_semaphore, #tpu.memory_space<semaphore_mem>> -> memref<!tpu.dma_semaphore, #tpu.memory_space<semaphore_mem>>
    %dma_wait3A_121 = arith.constant 0 : i32
    %dma_wait3A_122 = tpu.memref_slice %arg5[%mul3A_110, %dma_wait3A_121] : memref<262144x64xf32, #tpu.memory_space<hbm>> -> memref<50x64xf32, #tpu.memory_space<hbm>>
    %dma_wait3A_123 = arith.constant 50 : i32
    %dma_wait3A_124 = arith.constant 0 : i32
    %dma_wait3A_125 = tpu.memref_slice %arg10[%dma_wait3A_111, %dma_wait3A_123, %dma_wait3A_124] : memref<6x100x64xf32, #tpu.memory_space<vmem>> -> memref<1x50x64xf32, #tpu.memory_space<vmem>>
    %dma_wait3A_126 = tpu.memref_squeeze %dma_wait3A_125 : memref<1x50x64xf32, #tpu.memory_space<vmem>> -> memref<50x64xf32, #tpu.memory_space<vmem>>
    tpu.wait_dma2 semaphore(%dma_wait3A_120 : memref<!tpu.dma_semaphore, #tpu.memory_space<semaphore_mem>>) src(%dma_wait3A_126 : memref<50x64xf32, #tpu.memory_space<vmem>>) dst(%dma_wait3A_122 : memref<50x64xf32, #tpu.memory_space<hbm>>)
    %add3A_127 = arith.constant 0 : i32
    %add3A_128 = arith.addi %mul3A_2, %add3A_127 : i32
    %add3A_129 = arith.constant 0 : i32
    %add3A_130 = arith.addi %add3A_128, %add3A_129 : i32
    %mul3A_131 = arith.constant 2 : i32
    %mul3A_132 = arith.muli %add3A_130, %mul3A_131 : i32
    %mul3A_133 = arith.constant 32 : i32
    %mul3A_134 = arith.muli %mul3A_132, %mul3A_133 : i32
    %dma_wait3A_135 = arith.constant 1 : i32
    %dma_wait3A_136 = arith.constant 1 : i32
    %dma_wait3A_137 = arith.constant 0 : i32
    %dma_wait3A_138 = arith.constant 0 : i32
    %dma_wait3A_139 = tpu.memref_slice %arg10[%dma_wait3A_135, %dma_wait3A_137, %dma_wait3A_138] : memref<6x100x64xf32, #tpu.memory_space<vmem>> -> memref<1x50x64xf32, #tpu.memory_space<vmem>>
    %dma_wait3A_140 = tpu.memref_squeeze %dma_wait3A_139 : memref<1x50x64xf32, #tpu.memory_space<vmem>> -> memref<50x64xf32, #tpu.memory_space<vmem>>
    %dma_wait3A_141 = arith.constant 0 : i32
    %dma_wait3A_142 = tpu.memref_slice %arg5[%mul3A_134, %dma_wait3A_141] : memref<262144x64xf32, #tpu.memory_space<hbm>> -> memref<50x64xf32, #tpu.memory_space<hbm>>
    %dma_wait3A_143 = tpu.memref_slice %arg12[%dma_wait3A_136] : memref<6x!tpu.dma_semaphore, #tpu.memory_space<semaphore_mem>> -> memref<1x!tpu.dma_semaphore, #tpu.memory_space<semaphore_mem>>
    %dma_wait3A_144 = tpu.memref_squeeze %dma_wait3A_143 : memref<1x!tpu.dma_semaphore, #tpu.memory_space<semaphore_mem>> -> memref<!tpu.dma_semaphore, #tpu.memory_space<semaphore_mem>>
    %dma_wait3A_145 = arith.constant 0 : i32
    %dma_wait3A_146 = tpu.memref_slice %arg5[%mul3A_134, %dma_wait3A_145] : memref<262144x64xf32, #tpu.memory_space<hbm>> -> memref<50x64xf32, #tpu.memory_space<hbm>>
    %dma_wait3A_147 = arith.constant 0 : i32
    %dma_wait3A_148 = arith.constant 0 : i32
    %dma_wait3A_149 = tpu.memref_slice %arg10[%dma_wait3A_135, %dma_wait3A_147, %dma_wait3A_148] : memref<6x100x64xf32, #tpu.memory_space<vmem>> -> memref<1x50x64xf32, #tpu.memory_space<vmem>>
    %dma_wait3A_150 = tpu.memref_squeeze %dma_wait3A_149 : memref<1x50x64xf32, #tpu.memory_space<vmem>> -> memref<50x64xf32, #tpu.memory_space<vmem>>
    tpu.wait_dma2 semaphore(%dma_wait3A_144 : memref<!tpu.dma_semaphore, #tpu.memory_space<semaphore_mem>>) src(%dma_wait3A_150 : memref<50x64xf32, #tpu.memory_space<vmem>>) dst(%dma_wait3A_146 : memref<50x64xf32, #tpu.memory_space<hbm>>)
    %add3A_151 = arith.constant 0 : i32
    %add3A_152 = arith.addi %mul3A_2, %add3A_151 : i32
    %add3A_153 = arith.constant 1 : i32
    %add3A_154 = arith.addi %add3A_152, %add3A_153 : i32
    %mul3A_155 = arith.constant 2 : i32
    %mul3A_156 = arith.muli %add3A_154, %mul3A_155 : i32
    %mul3A_157 = arith.constant 32 : i32
    %mul3A_158 = arith.muli %mul3A_156, %mul3A_157 : i32
    %dma_wait3A_159 = arith.constant 1 : i32
    %dma_wait3A_160 = arith.constant 1 : i32
    %dma_wait3A_161 = arith.constant 50 : i32
    %dma_wait3A_162 = arith.constant 0 : i32
    %dma_wait3A_163 = tpu.memref_slice %arg10[%dma_wait3A_159, %dma_wait3A_161, %dma_wait3A_162] : memref<6x100x64xf32, #tpu.memory_space<vmem>> -> memref<1x50x64xf32, #tpu.memory_space<vmem>>
    %dma_wait3A_164 = tpu.memref_squeeze %dma_wait3A_163 : memref<1x50x64xf32, #tpu.memory_space<vmem>> -> memref<50x64xf32, #tpu.memory_space<vmem>>
    %dma_wait3A_165 = arith.constant 0 : i32
    %dma_wait3A_166 = tpu.memref_slice %arg5[%mul3A_158, %dma_wait3A_165] : memref<262144x64xf32, #tpu.memory_space<hbm>> -> memref<50x64xf32, #tpu.memory_space<hbm>>
    %dma_wait3A_167 = tpu.memref_slice %arg12[%dma_wait3A_160] : memref<6x!tpu.dma_semaphore, #tpu.memory_space<semaphore_mem>> -> memref<1x!tpu.dma_semaphore, #tpu.memory_space<semaphore_mem>>
    %dma_wait3A_168 = tpu.memref_squeeze %dma_wait3A_167 : memref<1x!tpu.dma_semaphore, #tpu.memory_space<semaphore_mem>> -> memref<!tpu.dma_semaphore, #tpu.memory_space<semaphore_mem>>
    %dma_wait3A_169 = arith.constant 0 : i32
    %dma_wait3A_170 = tpu.memref_slice %arg5[%mul3A_158, %dma_wait3A_169] : memref<262144x64xf32, #tpu.memory_space<hbm>> -> memref<50x64xf32, #tpu.memory_space<hbm>>
    %dma_wait3A_171 = arith.constant 50 : i32
    %dma_wait3A_172 = arith.constant 0 : i32
    %dma_wait3A_173 = tpu.memref_slice %arg10[%dma_wait3A_159, %dma_wait3A_171, %dma_wait3A_172] : memref<6x100x64xf32, #tpu.memory_space<vmem>> -> memref<1x50x64xf32, #tpu.memory_space<vmem>>
    %dma_wait3A_174 = tpu.memref_squeeze %dma_wait3A_173 : memref<1x50x64xf32, #tpu.memory_space<vmem>> -> memref<50x64xf32, #tpu.memory_space<vmem>>
    tpu.wait_dma2 semaphore(%dma_wait3A_168 : memref<!tpu.dma_semaphore, #tpu.memory_space<semaphore_mem>>) src(%dma_wait3A_174 : memref<50x64xf32, #tpu.memory_space<vmem>>) dst(%dma_wait3A_170 : memref<50x64xf32, #tpu.memory_space<hbm>>)
    %add3A_175 = arith.constant 0 : i32
    %add3A_176 = arith.addi %mul3A_2, %add3A_175 : i32
    %add3A_177 = arith.constant 0 : i32
    %add3A_178 = arith.addi %add3A_176, %add3A_177 : i32
    %mul3A_179 = arith.constant 2 : i32
    %mul3A_180 = arith.muli %add3A_178, %mul3A_179 : i32
    %mul3A_181 = arith.constant 32 : i32
    %mul3A_182 = arith.muli %mul3A_180, %mul3A_181 : i32
    %dma_wait3A_183 = arith.constant 2 : i32
    %dma_wait3A_184 = arith.constant 2 : i32
    %dma_wait3A_185 = arith.constant 0 : i32
    %dma_wait3A_186 = arith.constant 0 : i32
    %dma_wait3A_187 = tpu.memref_slice %arg10[%dma_wait3A_183, %dma_wait3A_185, %dma_wait3A_186] : memref<6x100x64xf32, #tpu.memory_space<vmem>> -> memref<1x50x64xf32, #tpu.memory_space<vmem>>
    %dma_wait3A_188 = tpu.memref_squeeze %dma_wait3A_187 : memref<1x50x64xf32, #tpu.memory_space<vmem>> -> memref<50x64xf32, #tpu.memory_space<vmem>>
    %dma_wait3A_189 = arith.constant 0 : i32
    %dma_wait3A_190 = tpu.memref_slice %arg5[%mul3A_182, %dma_wait3A_189] : memref<262144x64xf32, #tpu.memory_space<hbm>> -> memref<50x64xf32, #tpu.memory_space<hbm>>
    %dma_wait3A_191 = tpu.memref_slice %arg12[%dma_wait3A_184] : memref<6x!tpu.dma_semaphore, #tpu.memory_space<semaphore_mem>> -> memref<1x!tpu.dma_semaphore, #tpu.memory_space<semaphore_mem>>
    %dma_wait3A_192 = tpu.memref_squeeze %dma_wait3A_191 : memref<1x!tpu.dma_semaphore, #tpu.memory_space<semaphore_mem>> -> memref<!tpu.dma_semaphore, #tpu.memory_space<semaphore_mem>>
    %dma_wait3A_193 = arith.constant 0 : i32
    %dma_wait3A_194 = tpu.memref_slice %arg5[%mul3A_182, %dma_wait3A_193] : memref<262144x64xf32, #tpu.memory_space<hbm>> -> memref<50x64xf32, #tpu.memory_space<hbm>>
    %dma_wait3A_195 = arith.constant 0 : i32
    %dma_wait3A_196 = arith.constant 0 : i32
    %dma_wait3A_197 = tpu.memref_slice %arg10[%dma_wait3A_183, %dma_wait3A_195, %dma_wait3A_196] : memref<6x100x64xf32, #tpu.memory_space<vmem>> -> memref<1x50x64xf32, #tpu.memory_space<vmem>>
    %dma_wait3A_198 = tpu.memref_squeeze %dma_wait3A_197 : memref<1x50x64xf32, #tpu.memory_space<vmem>> -> memref<50x64xf32, #tpu.memory_space<vmem>>
    tpu.wait_dma2 semaphore(%dma_wait3A_192 : memref<!tpu.dma_semaphore, #tpu.memory_space<semaphore_mem>>) src(%dma_wait3A_198 : memref<50x64xf32, #tpu.memory_space<vmem>>) dst(%dma_wait3A_194 : memref<50x64xf32, #tpu.memory_space<hbm>>)
    %add3A_199 = arith.constant 0 : i32
    %add3A_200 = arith.addi %mul3A_2, %add3A_199 : i32
    %add3A_201 = arith.constant 1 : i32
    %add3A_202 = arith.addi %add3A_200, %add3A_201 : i32
    %mul3A_203 = arith.constant 2 : i32
    %mul3A_204 = arith.muli %add3A_202, %mul3A_203 : i32
    %mul3A_205 = arith.constant 32 : i32
    %mul3A_206 = arith.muli %mul3A_204, %mul3A_205 : i32
    %dma_wait3A_207 = arith.constant 2 : i32
    %dma_wait3A_208 = arith.constant 2 : i32
    %dma_wait3A_209 = arith.constant 50 : i32
    %dma_wait3A_210 = arith.constant 0 : i32
    %dma_wait3A_211 = tpu.memref_slice %arg10[%dma_wait3A_207, %dma_wait3A_209, %dma_wait3A_210] : memref<6x100x64xf32, #tpu.memory_space<vmem>> -> memref<1x50x64xf32, #tpu.memory_space<vmem>>
    %dma_wait3A_212 = tpu.memref_squeeze %dma_wait3A_211 : memref<1x50x64xf32, #tpu.memory_space<vmem>> -> memref<50x64xf32, #tpu.memory_space<vmem>>
    %dma_wait3A_213 = arith.constant 0 : i32
    %dma_wait3A_214 = tpu.memref_slice %arg5[%mul3A_206, %dma_wait3A_213] : memref<262144x64xf32, #tpu.memory_space<hbm>> -> memref<50x64xf32, #tpu.memory_space<hbm>>
    %dma_wait3A_215 = tpu.memref_slice %arg12[%dma_wait3A_208] : memref<6x!tpu.dma_semaphore, #tpu.memory_space<semaphore_mem>> -> memref<1x!tpu.dma_semaphore, #tpu.memory_space<semaphore_mem>>
    %dma_wait3A_216 = tpu.memref_squeeze %dma_wait3A_215 : memref<1x!tpu.dma_semaphore, #tpu.memory_space<semaphore_mem>> -> memref<!tpu.dma_semaphore, #tpu.memory_space<semaphore_mem>>
    %dma_wait3A_217 = arith.constant 0 : i32
    %dma_wait3A_218 = tpu.memref_slice %arg5[%mul3A_206, %dma_wait3A_217] : memref<262144x64xf32, #tpu.memory_space<hbm>> -> memref<50x64xf32, #tpu.memory_space<hbm>>
    %dma_wait3A_219 = arith.constant 50 : i32
    %dma_wait3A_220 = arith.constant 0 : i32
    %dma_wait3A_221 = tpu.memref_slice %arg10[%dma_wait3A_207, %dma_wait3A_219, %dma_wait3A_220] : memref<6x100x64xf32, #tpu.memory_space<vmem>> -> memref<1x50x64xf32, #tpu.memory_space<vmem>>
    %dma_wait3A_222 = tpu.memref_squeeze %dma_wait3A_221 : memref<1x50x64xf32, #tpu.memory_space<vmem>> -> memref<50x64xf32, #tpu.memory_space<vmem>>
    tpu.wait_dma2 semaphore(%dma_wait3A_216 : memref<!tpu.dma_semaphore, #tpu.memory_space<semaphore_mem>>) src(%dma_wait3A_222 : memref<50x64xf32, #tpu.memory_space<vmem>>) dst(%dma_wait3A_218 : memref<50x64xf32, #tpu.memory_space<hbm>>)
    %add3A_223 = arith.constant 0 : i32
    %add3A_224 = arith.addi %mul3A_2, %add3A_223 : i32
    %add3A_225 = arith.constant 0 : i32
    %add3A_226 = arith.addi %add3A_224, %add3A_225 : i32
    %mul3A_227 = arith.constant 2 : i32
    %mul3A_228 = arith.muli %add3A_226, %mul3A_227 : i32
    %mul3A_229 = arith.constant 32 : i32
    %mul3A_230 = arith.muli %mul3A_228, %mul3A_229 : i32
    %dma_wait3A_231 = arith.constant 3 : i32
    %dma_wait3A_232 = arith.constant 3 : i32
    %dma_wait3A_233 = arith.constant 0 : i32
    %dma_wait3A_234 = arith.constant 0 : i32
    %dma_wait3A_235 = tpu.memref_slice %arg10[%dma_wait3A_231, %dma_wait3A_233, %dma_wait3A_234] : memref<6x100x64xf32, #tpu.memory_space<vmem>> -> memref<1x50x64xf32, #tpu.memory_space<vmem>>
    %dma_wait3A_236 = tpu.memref_squeeze %dma_wait3A_235 : memref<1x50x64xf32, #tpu.memory_space<vmem>> -> memref<50x64xf32, #tpu.memory_space<vmem>>
    %dma_wait3A_237 = arith.constant 0 : i32
    %dma_wait3A_238 = tpu.memref_slice %arg5[%mul3A_230, %dma_wait3A_237] : memref<262144x64xf32, #tpu.memory_space<hbm>> -> memref<50x64xf32, #tpu.memory_space<hbm>>
    %dma_wait3A_239 = tpu.memref_slice %arg12[%dma_wait3A_232] : memref<6x!tpu.dma_semaphore, #tpu.memory_space<semaphore_mem>> -> memref<1x!tpu.dma_semaphore, #tpu.memory_space<semaphore_mem>>
    %dma_wait3A_240 = tpu.memref_squeeze %dma_wait3A_239 : memref<1x!tpu.dma_semaphore, #tpu.memory_space<semaphore_mem>> -> memref<!tpu.dma_semaphore, #tpu.memory_space<semaphore_mem>>
    %dma_wait3A_241 = arith.constant 0 : i32
    %dma_wait3A_242 = tpu.memref_slice %arg5[%mul3A_230, %dma_wait3A_241] : memref<262144x64xf32, #tpu.memory_space<hbm>> -> memref<50x64xf32, #tpu.memory_space<hbm>>
    %dma_wait3A_243 = arith.constant 0 : i32
    %dma_wait3A_244 = arith.constant 0 : i32
    %dma_wait3A_245 = tpu.memref_slice %arg10[%dma_wait3A_231, %dma_wait3A_243, %dma_wait3A_244] : memref<6x100x64xf32, #tpu.memory_space<vmem>> -> memref<1x50x64xf32, #tpu.memory_space<vmem>>
    %dma_wait3A_246 = tpu.memref_squeeze %dma_wait3A_245 : memref<1x50x64xf32, #tpu.memory_space<vmem>> -> memref<50x64xf32, #tpu.memory_space<vmem>>
    tpu.wait_dma2 semaphore(%dma_wait3A_240 : memref<!tpu.dma_semaphore, #tpu.memory_space<semaphore_mem>>) src(%dma_wait3A_246 : memref<50x64xf32, #tpu.memory_space<vmem>>) dst(%dma_wait3A_242 : memref<50x64xf32, #tpu.memory_space<hbm>>)
    %add3A_247 = arith.constant 0 : i32
    %add3A_248 = arith.addi %mul3A_2, %add3A_247 : i32
    %add3A_249 = arith.constant 1 : i32
    %add3A_250 = arith.addi %add3A_248, %add3A_249 : i32
    %mul3A_251 = arith.constant 2 : i32
    %mul3A_252 = arith.muli %add3A_250, %mul3A_251 : i32
    %mul3A_253 = arith.constant 32 : i32
    %mul3A_254 = arith.muli %mul3A_252, %mul3A_253 : i32
    %dma_wait3A_255 = arith.constant 3 : i32
    %dma_wait3A_256 = arith.constant 3 : i32
    %dma_wait3A_257 = arith.constant 50 : i32
    %dma_wait3A_258 = arith.constant 0 : i32
    %dma_wait3A_259 = tpu.memref_slice %arg10[%dma_wait3A_255, %dma_wait3A_257, %dma_wait3A_258] : memref<6x100x64xf32, #tpu.memory_space<vmem>> -> memref<1x50x64xf32, #tpu.memory_space<vmem>>
    %dma_wait3A_260 = tpu.memref_squeeze %dma_wait3A_259 : memref<1x50x64xf32, #tpu.memory_space<vmem>> -> memref<50x64xf32, #tpu.memory_space<vmem>>
    %dma_wait3A_261 = arith.constant 0 : i32
    %dma_wait3A_262 = tpu.memref_slice %arg5[%mul3A_254, %dma_wait3A_261] : memref<262144x64xf32, #tpu.memory_space<hbm>> -> memref<50x64xf32, #tpu.memory_space<hbm>>
    %dma_wait3A_263 = tpu.memref_slice %arg12[%dma_wait3A_256] : memref<6x!tpu.dma_semaphore, #tpu.memory_space<semaphore_mem>> -> memref<1x!tpu.dma_semaphore, #tpu.memory_space<semaphore_mem>>
    %dma_wait3A_264 = tpu.memref_squeeze %dma_wait3A_263 : memref<1x!tpu.dma_semaphore, #tpu.memory_space<semaphore_mem>> -> memref<!tpu.dma_semaphore, #tpu.memory_space<semaphore_mem>>
    %dma_wait3A_265 = arith.constant 0 : i32
    %dma_wait3A_266 = tpu.memref_slice %arg5[%mul3A_254, %dma_wait3A_265] : memref<262144x64xf32, #tpu.memory_space<hbm>> -> memref<50x64xf32, #tpu.memory_space<hbm>>
    %dma_wait3A_267 = arith.constant 50 : i32
    %dma_wait3A_268 = arith.constant 0 : i32
    %dma_wait3A_269 = tpu.memref_slice %arg10[%dma_wait3A_255, %dma_wait3A_267, %dma_wait3A_268] : memref<6x100x64xf32, #tpu.memory_space<vmem>> -> memref<1x50x64xf32, #tpu.memory_space<vmem>>
    %dma_wait3A_270 = tpu.memref_squeeze %dma_wait3A_269 : memref<1x50x64xf32, #tpu.memory_space<vmem>> -> memref<50x64xf32, #tpu.memory_space<vmem>>
    tpu.wait_dma2 semaphore(%dma_wait3A_264 : memref<!tpu.dma_semaphore, #tpu.memory_space<semaphore_mem>>) src(%dma_wait3A_270 : memref<50x64xf32, #tpu.memory_space<vmem>>) dst(%dma_wait3A_266 : memref<50x64xf32, #tpu.memory_space<hbm>>)
    %add3A_271 = arith.constant 0 : i32
    %add3A_272 = arith.addi %mul3A_2, %add3A_271 : i32
    %add3A_273 = arith.constant 0 : i32
    %add3A_274 = arith.addi %add3A_272, %add3A_273 : i32
    %mul3A_275 = arith.constant 2 : i32
    %mul3A_276 = arith.muli %add3A_274, %mul3A_275 : i32
    %mul3A_277 = arith.constant 32 : i32
    %mul3A_278 = arith.muli %mul3A_276, %mul3A_277 : i32
    %dma_wait3A_279 = arith.constant 4 : i32
    %dma_wait3A_280 = arith.constant 4 : i32
    %dma_wait3A_281 = arith.constant 0 : i32
    %dma_wait3A_282 = arith.constant 0 : i32
    %dma_wait3A_283 = tpu.memref_slice %arg10[%dma_wait3A_279, %dma_wait3A_281, %dma_wait3A_282] : memref<6x100x64xf32, #tpu.memory_space<vmem>> -> memref<1x50x64xf32, #tpu.memory_space<vmem>>
    %dma_wait3A_284 = tpu.memref_squeeze %dma_wait3A_283 : memref<1x50x64xf32, #tpu.memory_space<vmem>> -> memref<50x64xf32, #tpu.memory_space<vmem>>
    %dma_wait3A_285 = arith.constant 0 : i32
    %dma_wait3A_286 = tpu.memref_slice %arg5[%mul3A_278, %dma_wait3A_285] : memref<262144x64xf32, #tpu.memory_space<hbm>> -> memref<50x64xf32, #tpu.memory_space<hbm>>
    %dma_wait3A_287 = tpu.memref_slice %arg12[%dma_wait3A_280] : memref<6x!tpu.dma_semaphore, #tpu.memory_space<semaphore_mem>> -> memref<1x!tpu.dma_semaphore, #tpu.memory_space<semaphore_mem>>
    %dma_wait3A_288 = tpu.memref_squeeze %dma_wait3A_287 : memref<1x!tpu.dma_semaphore, #tpu.memory_space<semaphore_mem>> -> memref<!tpu.dma_semaphore, #tpu.memory_space<semaphore_mem>>
    %dma_wait3A_289 = arith.constant 0 : i32
    %dma_wait3A_290 = tpu.memref_slice %arg5[%mul3A_278, %dma_wait3A_289] : memref<262144x64xf32, #tpu.memory_space<hbm>> -> memref<50x64xf32, #tpu.memory_space<hbm>>
    %dma_wait3A_291 = arith.constant 0 : i32
    %dma_wait3A_292 = arith.constant 0 : i32
    %dma_wait3A_293 = tpu.memref_slice %arg10[%dma_wait3A_279, %dma_wait3A_291, %dma_wait3A_292] : memref<6x100x64xf32, #tpu.memory_space<vmem>> -> memref<1x50x64xf32, #tpu.memory_space<vmem>>
    %dma_wait3A_294 = tpu.memref_squeeze %dma_wait3A_293 : memref<1x50x64xf32, #tpu.memory_space<vmem>> -> memref<50x64xf32, #tpu.memory_space<vmem>>
    tpu.wait_dma2 semaphore(%dma_wait3A_288 : memref<!tpu.dma_semaphore, #tpu.memory_space<semaphore_mem>>) src(%dma_wait3A_294 : memref<50x64xf32, #tpu.memory_space<vmem>>) dst(%dma_wait3A_290 : memref<50x64xf32, #tpu.memory_space<hbm>>)
    %add3A_295 = arith.constant 0 : i32
    %add3A_296 = arith.addi %mul3A_2, %add3A_295 : i32
    %add3A_297 = arith.constant 1 : i32
    %add3A_298 = arith.addi %add3A_296, %add3A_297 : i32
    %mul3A_299 = arith.constant 2 : i32
    %mul3A_300 = arith.muli %add3A_298, %mul3A_299 : i32
    %mul3A_301 = arith.constant 32 : i32
    %mul3A_302 = arith.muli %mul3A_300, %mul3A_301 : i32
    %dma_wait3A_303 = arith.constant 4 : i32
    %dma_wait3A_304 = arith.constant 4 : i32
    %dma_wait3A_305 = arith.constant 50 : i32
    %dma_wait3A_306 = arith.constant 0 : i32
    %dma_wait3A_307 = tpu.memref_slice %arg10[%dma_wait3A_303, %dma_wait3A_305, %dma_wait3A_306] : memref<6x100x64xf32, #tpu.memory_space<vmem>> -> memref<1x50x64xf32, #tpu.memory_space<vmem>>
    %dma_wait3A_308 = tpu.memref_squeeze %dma_wait3A_307 : memref<1x50x64xf32, #tpu.memory_space<vmem>> -> memref<50x64xf32, #tpu.memory_space<vmem>>
    %dma_wait3A_309 = arith.constant 0 : i32
    %dma_wait3A_310 = tpu.memref_slice %arg5[%mul3A_302, %dma_wait3A_309] : memref<262144x64xf32, #tpu.memory_space<hbm>> -> memref<50x64xf32, #tpu.memory_space<hbm>>
    %dma_wait3A_311 = tpu.memref_slice %arg12[%dma_wait3A_304] : memref<6x!tpu.dma_semaphore, #tpu.memory_space<semaphore_mem>> -> memref<1x!tpu.dma_semaphore, #tpu.memory_space<semaphore_mem>>
    %dma_wait3A_312 = tpu.memref_squeeze %dma_wait3A_311 : memref<1x!tpu.dma_semaphore, #tpu.memory_space<semaphore_mem>> -> memref<!tpu.dma_semaphore, #tpu.memory_space<semaphore_mem>>
    %dma_wait3A_313 = arith.constant 0 : i32
    %dma_wait3A_314 = tpu.memref_slice %arg5[%mul3A_302, %dma_wait3A_313] : memref<262144x64xf32, #tpu.memory_space<hbm>> -> memref<50x64xf32, #tpu.memory_space<hbm>>
    %dma_wait3A_315 = arith.constant 50 : i32
    %dma_wait3A_316 = arith.constant 0 : i32
    %dma_wait3A_317 = tpu.memref_slice %arg10[%dma_wait3A_303, %dma_wait3A_315, %dma_wait3A_316] : memref<6x100x64xf32, #tpu.memory_space<vmem>> -> memref<1x50x64xf32, #tpu.memory_space<vmem>>
    %dma_wait3A_318 = tpu.memref_squeeze %dma_wait3A_317 : memref<1x50x64xf32, #tpu.memory_space<vmem>> -> memref<50x64xf32, #tpu.memory_space<vmem>>
    tpu.wait_dma2 semaphore(%dma_wait3A_312 : memref<!tpu.dma_semaphore, #tpu.memory_space<semaphore_mem>>) src(%dma_wait3A_318 : memref<50x64xf32, #tpu.memory_space<vmem>>) dst(%dma_wait3A_314 : memref<50x64xf32, #tpu.memory_space<hbm>>)
    %add3A_319 = arith.constant 0 : i32
    %add3A_320 = arith.addi %mul3A_2, %add3A_319 : i32
    %add3A_321 = arith.constant 0 : i32
    %add3A_322 = arith.addi %add3A_320, %add3A_321 : i32
    %mul3A_323 = arith.constant 2 : i32
    %mul3A_324 = arith.muli %add3A_322, %mul3A_323 : i32
    %mul3A_325 = arith.constant 32 : i32
    %mul3A_326 = arith.muli %mul3A_324, %mul3A_325 : i32
    %dma_wait3A_327 = arith.constant 5 : i32
    %dma_wait3A_328 = arith.constant 5 : i32
    %dma_wait3A_329 = arith.constant 0 : i32
    %dma_wait3A_330 = arith.constant 0 : i32
    %dma_wait3A_331 = tpu.memref_slice %arg10[%dma_wait3A_327, %dma_wait3A_329, %dma_wait3A_330] : memref<6x100x64xf32, #tpu.memory_space<vmem>> -> memref<1x50x64xf32, #tpu.memory_space<vmem>>
    %dma_wait3A_332 = tpu.memref_squeeze %dma_wait3A_331 : memref<1x50x64xf32, #tpu.memory_space<vmem>> -> memref<50x64xf32, #tpu.memory_space<vmem>>
    %dma_wait3A_333 = arith.constant 0 : i32
    %dma_wait3A_334 = tpu.memref_slice %arg5[%mul3A_326, %dma_wait3A_333] : memref<262144x64xf32, #tpu.memory_space<hbm>> -> memref<50x64xf32, #tpu.memory_space<hbm>>
    %dma_wait3A_335 = tpu.memref_slice %arg12[%dma_wait3A_328] : memref<6x!tpu.dma_semaphore, #tpu.memory_space<semaphore_mem>> -> memref<1x!tpu.dma_semaphore, #tpu.memory_space<semaphore_mem>>
    %dma_wait3A_336 = tpu.memref_squeeze %dma_wait3A_335 : memref<1x!tpu.dma_semaphore, #tpu.memory_space<semaphore_mem>> -> memref<!tpu.dma_semaphore, #tpu.memory_space<semaphore_mem>>
    %dma_wait3A_337 = arith.constant 0 : i32
    %dma_wait3A_338 = tpu.memref_slice %arg5[%mul3A_326, %dma_wait3A_337] : memref<262144x64xf32, #tpu.memory_space<hbm>> -> memref<50x64xf32, #tpu.memory_space<hbm>>
    %dma_wait3A_339 = arith.constant 0 : i32
    %dma_wait3A_340 = arith.constant 0 : i32
    %dma_wait3A_341 = tpu.memref_slice %arg10[%dma_wait3A_327, %dma_wait3A_339, %dma_wait3A_340] : memref<6x100x64xf32, #tpu.memory_space<vmem>> -> memref<1x50x64xf32, #tpu.memory_space<vmem>>
    %dma_wait3A_342 = tpu.memref_squeeze %dma_wait3A_341 : memref<1x50x64xf32, #tpu.memory_space<vmem>> -> memref<50x64xf32, #tpu.memory_space<vmem>>
    tpu.wait_dma2 semaphore(%dma_wait3A_336 : memref<!tpu.dma_semaphore, #tpu.memory_space<semaphore_mem>>) src(%dma_wait3A_342 : memref<50x64xf32, #tpu.memory_space<vmem>>) dst(%dma_wait3A_338 : memref<50x64xf32, #tpu.memory_space<hbm>>)
    %add3A_343 = arith.constant 0 : i32
    %add3A_344 = arith.addi %mul3A_2, %add3A_343 : i32
    %add3A_345 = arith.constant 1 : i32
    %add3A_346 = arith.addi %add3A_344, %add3A_345 : i32
    %mul3A_347 = arith.constant 2 : i32
    %mul3A_348 = arith.muli %add3A_346, %mul3A_347 : i32
    %mul3A_349 = arith.constant 32 : i32
    %mul3A_350 = arith.muli %mul3A_348, %mul3A_349 : i32
    %dma_wait3A_351 = arith.constant 5 : i32
    %dma_wait3A_352 = arith.constant 5 : i32
    %dma_wait3A_353 = arith.constant 50 : i32
    %dma_wait3A_354 = arith.constant 0 : i32
    %dma_wait3A_355 = tpu.memref_slice %arg10[%dma_wait3A_351, %dma_wait3A_353, %dma_wait3A_354] : memref<6x100x64xf32, #tpu.memory_space<vmem>> -> memref<1x50x64xf32, #tpu.memory_space<vmem>>
    %dma_wait3A_356 = tpu.memref_squeeze %dma_wait3A_355 : memref<1x50x64xf32, #tpu.memory_space<vmem>> -> memref<50x64xf32, #tpu.memory_space<vmem>>
    %dma_wait3A_357 = arith.constant 0 : i32
    %dma_wait3A_358 = tpu.memref_slice %arg5[%mul3A_350, %dma_wait3A_357] : memref<262144x64xf32, #tpu.memory_space<hbm>> -> memref<50x64xf32, #tpu.memory_space<hbm>>
    %dma_wait3A_359 = tpu.memref_slice %arg12[%dma_wait3A_352] : memref<6x!tpu.dma_semaphore, #tpu.memory_space<semaphore_mem>> -> memref<1x!tpu.dma_semaphore, #tpu.memory_space<semaphore_mem>>
    %dma_wait3A_360 = tpu.memref_squeeze %dma_wait3A_359 : memref<1x!tpu.dma_semaphore, #tpu.memory_space<semaphore_mem>> -> memref<!tpu.dma_semaphore, #tpu.memory_space<semaphore_mem>>
    %dma_wait3A_361 = arith.constant 0 : i32
    %dma_wait3A_362 = tpu.memref_slice %arg5[%mul3A_350, %dma_wait3A_361] : memref<262144x64xf32, #tpu.memory_space<hbm>> -> memref<50x64xf32, #tpu.memory_space<hbm>>
    %dma_wait3A_363 = arith.constant 50 : i32
    %dma_wait3A_364 = arith.constant 0 : i32
    %dma_wait3A_365 = tpu.memref_slice %arg10[%dma_wait3A_351, %dma_wait3A_363, %dma_wait3A_364] : memref<6x100x64xf32, #tpu.memory_space<vmem>> -> memref<1x50x64xf32, #tpu.memory_space<vmem>>
    %dma_wait3A_366 = tpu.memref_squeeze %dma_wait3A_365 : memref<1x50x64xf32, #tpu.memory_space<vmem>> -> memref<50x64xf32, #tpu.memory_space<vmem>>
    tpu.wait_dma2 semaphore(%dma_wait3A_360 : memref<!tpu.dma_semaphore, #tpu.memory_space<semaphore_mem>>) src(%dma_wait3A_366 : memref<50x64xf32, #tpu.memory_space<vmem>>) dst(%dma_wait3A_362 : memref<50x64xf32, #tpu.memory_space<hbm>>)
    return
  }
}

#map = affine_map<(d0, d1) -> (0, 0)>
#map1 = affine_map<(d0, d1) -> (0)>
module attributes {stable_mosaic.version = 14 : i64} {
  func.func @k(%arg0: i32, %arg1: i32, %arg2: memref<2048x100xi32, #tpu.memory_space<hbm>>, %arg3: memref<4096xi32, #tpu.memory_space<hbm>>, %arg4: memref<1000000x64xf32, #tpu.memory_space<hbm>>, %arg5: memref<262144x64xf32, #tpu.memory_space<hbm>>, %arg6: memref<4096x64xf32, #tpu.memory_space<hbm>>, %arg7: memref<64x100xi32, #tpu.memory_space<vmem>>, %arg8: memref<128xi32, #tpu.memory_space<vmem>>, %arg9: memref<128x64xf32, #tpu.memory_space<vmem>>, %arg10: memref<6x100x64xf32, #tpu.memory_space<vmem>>, %arg11: memref<6x!tpu.dma_semaphore, #tpu.memory_space<semaphore_mem>>, %arg12: memref<6x!tpu.dma_semaphore, #tpu.memory_space<semaphore_mem>>, %arg13: memref<!tpu.dma_semaphore, #tpu.memory_space<semaphore_mem>>) attributes {dimension_semantics = [#tpu.dimension_semantics<core_parallel>, #tpu.dimension_semantics<subcore_parallel>], iteration_bounds = array<i64: 2, 16>, scalar_prefetch = 0 : i64, scratch_operands = 7 : i64, tpu.core_type = #tpu.core_type<sc_vector_subcore>, window_params = [{transform_indices = #map}, {transform_indices = #map1}, {transform_indices = #map}, {transform_indices = #map}, {transform_indices = #map}]} {
    %mul3A = arith.constant 16 : i32
    %mul3A_0 = arith.muli %arg0, %mul3A : i32
    %add3A = arith.addi %mul3A_0, %arg1 : i32
    %mul3A_1 = arith.constant 128 : i32
    %mul3A_2 = arith.muli %add3A, %mul3A_1 : i32
    %mul3A_3 = arith.constant 64 : i32
    %mul3A_4 = arith.muli %add3A, %mul3A_3 : i32
    "tpu.region"() ({
      %run_scoped3A = tpu.sem_alloc : memref<!tpu.dma_semaphore, #tpu.memory_space<semaphore_mem>>
      %dma_start3A_367 = arith.constant 0 : i32
      %dma_start3A_368 = tpu.memref_slice %arg2[%mul3A_4, %dma_start3A_367] : memref<2048x100xi32, #tpu.memory_space<hbm>> -> memref<64x100xi32, #tpu.memory_space<hbm>>
      %dma_start3A_369 = arith.constant 0 : i32
      %dma_start3A_370 = tpu.memref_slice %arg2[%mul3A_4, %dma_start3A_369] : memref<2048x100xi32, #tpu.memory_space<hbm>> -> memref<64x100xi32, #tpu.memory_space<hbm>>
      tpu.enqueue_dma source(%dma_start3A_370 : memref<64x100xi32, #tpu.memory_space<hbm>>) target(%arg7 : memref<64x100xi32, #tpu.memory_space<vmem>>) target_semaphore(%run_scoped3A : memref<!tpu.dma_semaphore, #tpu.memory_space<semaphore_mem>>)
      %dma_wait3A_371 = arith.constant 0 : i32
      %dma_wait3A_372 = tpu.memref_slice %arg2[%mul3A_4, %dma_wait3A_371] : memref<2048x100xi32, #tpu.memory_space<hbm>> -> memref<64x100xi32, #tpu.memory_space<hbm>>
      %dma_wait3A_373 = arith.constant 0 : i32
      %dma_wait3A_374 = tpu.memref_slice %arg2[%mul3A_4, %dma_wait3A_373] : memref<2048x100xi32, #tpu.memory_space<hbm>> -> memref<64x100xi32, #tpu.memory_space<hbm>>
      tpu.wait_dma2 semaphore(%run_scoped3A : memref<!tpu.dma_semaphore, #tpu.memory_space<semaphore_mem>>) src(%dma_wait3A_374 : memref<64x100xi32, #tpu.memory_space<hbm>>) dst(%arg7 : memref<64x100xi32, #tpu.memory_space<vmem>>)
      tpu.yield
    }) : () -> ()
    "tpu.region"() ({
      %run_scoped3A = tpu.sem_alloc : memref<!tpu.dma_semaphore, #tpu.memory_space<semaphore_mem>>
      %dma_start3A_367 = tpu.memref_slice %arg3[%mul3A_2] : memref<4096xi32, #tpu.memory_space<hbm>> -> memref<128xi32, #tpu.memory_space<hbm>>
      %dma_start3A_368 = tpu.memref_slice %arg3[%mul3A_2] : memref<4096xi32, #tpu.memory_space<hbm>> -> memref<128xi32, #tpu.memory_space<hbm>>
      tpu.enqueue_dma source(%dma_start3A_368 : memref<128xi32, #tpu.memory_space<hbm>>) target(%arg8 : memref<128xi32, #tpu.memory_space<vmem>>) target_semaphore(%run_scoped3A : memref<!tpu.dma_semaphore, #tpu.memory_space<semaphore_mem>>)
      %dma_wait3A_369 = tpu.memref_slice %arg3[%mul3A_2] : memref<4096xi32, #tpu.memory_space<hbm>> -> memref<128xi32, #tpu.memory_space<hbm>>
      %dma_wait3A_370 = tpu.memref_slice %arg3[%mul3A_2] : memref<4096xi32, #tpu.memory_space<hbm>> -> memref<128xi32, #tpu.memory_space<hbm>>
      tpu.wait_dma2 semaphore(%run_scoped3A : memref<!tpu.dma_semaphore, #tpu.memory_space<semaphore_mem>>) src(%dma_wait3A_370 : memref<128xi32, #tpu.memory_space<hbm>>) dst(%arg8 : memref<128xi32, #tpu.memory_space<vmem>>)
      tpu.yield
    }) : () -> ()
    %dma_start3A = arith.constant 0 : i32
    %dma_start3A_5 = tpu.memref_slice %arg8[%dma_start3A] : memref<128xi32, #tpu.memory_space<vmem>> -> memref<128xi32, #tpu.memory_space<vmem>>
    %dma_start3A_6 = arith.constant 0 : i32
    %dma_start3A_7 = arith.constant 0 : i32
    %dma_start3A_8 = tpu.memref_slice %arg4[%dma_start3A_6, %dma_start3A_7] : memref<1000000x64xf32, #tpu.memory_space<hbm>> -> memref<1000000x64xf32, #tpu.memory_space<hbm>>
    tpu.enqueue_indirect_dma source(%dma_start3A_8 : memref<1000000x64xf32, #tpu.memory_space<hbm>>) target(%arg9 : memref<128x64xf32, #tpu.memory_space<vmem>>) offsets(%dma_start3A_5 : memref<128xi32, #tpu.memory_space<vmem>>) semaphore(%arg13 : memref<!tpu.dma_semaphore, #tpu.memory_space<semaphore_mem>>)
    %dma_wait3A = arith.constant 0 : i32
    %dma_wait3A_9 = tpu.memref_slice %arg8[%dma_wait3A] : memref<128xi32, #tpu.memory_space<vmem>> -> memref<128xi32, #tpu.memory_space<vmem>>
    %dma_wait3A_10 = arith.constant 0 : i32
    %dma_wait3A_11 = arith.constant 0 : i32
    %dma_wait3A_12 = tpu.memref_slice %arg4[%dma_wait3A_10, %dma_wait3A_11] : memref<1000000x64xf32, #tpu.memory_space<hbm>> -> memref<1000000x64xf32, #tpu.memory_space<hbm>>
    tpu.wait_indirect_dma semaphore(%arg13 : memref<!tpu.dma_semaphore, #tpu.memory_space<semaphore_mem>>) src(%dma_wait3A_12 : memref<1000000x64xf32, #tpu.memory_space<hbm>>) dst(%arg9 : memref<128x64xf32, #tpu.memory_space<vmem>>)
    %add3A_13 = arith.constant 0 : i32
    %add3A_14 = arith.addi %mul3A_2, %add3A_13 : i32
    "tpu.region"() ({
      %run_scoped3A = tpu.sem_alloc : memref<!tpu.dma_semaphore, #tpu.memory_space<semaphore_mem>>
      %dma_start3A_367 = arith.constant 0 : i32
      %dma_start3A_368 = tpu.memref_slice %arg6[%add3A_14, %dma_start3A_367] : memref<4096x64xf32, #tpu.memory_space<hbm>> -> memref<128x64xf32, #tpu.memory_space<hbm>>
      %dma_start3A_369 = arith.constant 0 : i32
      %dma_start3A_370 = tpu.memref_slice %arg6[%add3A_14, %dma_start3A_369] : memref<4096x64xf32, #tpu.memory_space<hbm>> -> memref<128x64xf32, #tpu.memory_space<hbm>>
      tpu.enqueue_dma source(%arg9 : memref<128x64xf32, #tpu.memory_space<vmem>>) target(%dma_start3A_370 : memref<128x64xf32, #tpu.memory_space<hbm>>) target_semaphore(%run_scoped3A : memref<!tpu.dma_semaphore, #tpu.memory_space<semaphore_mem>>)
      %dma_wait3A_371 = arith.constant 0 : i32
      %dma_wait3A_372 = tpu.memref_slice %arg6[%add3A_14, %dma_wait3A_371] : memref<4096x64xf32, #tpu.memory_space<hbm>> -> memref<128x64xf32, #tpu.memory_space<hbm>>
      %dma_wait3A_373 = arith.constant 0 : i32
      %dma_wait3A_374 = tpu.memref_slice %arg6[%add3A_14, %dma_wait3A_373] : memref<4096x64xf32, #tpu.memory_space<hbm>> -> memref<128x64xf32, #tpu.memory_space<hbm>>
      tpu.wait_dma2 semaphore(%run_scoped3A : memref<!tpu.dma_semaphore, #tpu.memory_space<semaphore_mem>>) src(%arg9 : memref<128x64xf32, #tpu.memory_space<vmem>>) dst(%dma_wait3A_374 : memref<128x64xf32, #tpu.memory_space<hbm>>)
      tpu.yield
    }) : () -> ()
    %dma_start3A_15 = arith.constant 0 : i32
    %dma_start3A_16 = arith.constant 0 : i32
    %dma_start3A_17 = arith.constant 0 : i32
    %dma_start3A_18 = arith.constant 0 : i32
    %dma_start3A_19 = arith.constant 0 : i32
    %dma_start3A_20 = tpu.memref_slice %arg10[%dma_start3A_16, %dma_start3A_18, %dma_start3A_19] : memref<6x100x64xf32, #tpu.memory_space<vmem>> -> memref<1x100x64xf32, #tpu.memory_space<vmem>>
    %dma_start3A_21 = tpu.memref_squeeze %dma_start3A_20 : memref<1x100x64xf32, #tpu.memory_space<vmem>> -> memref<100x64xf32, #tpu.memory_space<vmem>>
    %dma_start3A_22 = arith.constant 0 : i32
    %dma_start3A_23 = tpu.memref_slice %arg7[%dma_start3A_15, %dma_start3A_22] : memref<64x100xi32, #tpu.memory_space<vmem>> -> memref<1x100xi32, #tpu.memory_space<vmem>>
    %dma_start3A_24 = tpu.memref_squeeze %dma_start3A_23 : memref<1x100xi32, #tpu.memory_space<vmem>> -> memref<100xi32, #tpu.memory_space<vmem>>
    %dma_start3A_25 = arith.constant 0 : i32
    %dma_start3A_26 = arith.constant 0 : i32
    %dma_start3A_27 = tpu.memref_slice %arg4[%dma_start3A_25, %dma_start3A_26] : memref<1000000x64xf32, #tpu.memory_space<hbm>> -> memref<1000000x64xf32, #tpu.memory_space<hbm>>
    %dma_start3A_28 = tpu.memref_slice %arg11[%dma_start3A_17] : memref<6x!tpu.dma_semaphore, #tpu.memory_space<semaphore_mem>> -> memref<1x!tpu.dma_semaphore, #tpu.memory_space<semaphore_mem>>
    %dma_start3A_29 = tpu.memref_squeeze %dma_start3A_28 : memref<1x!tpu.dma_semaphore, #tpu.memory_space<semaphore_mem>> -> memref<!tpu.dma_semaphore, #tpu.memory_space<semaphore_mem>>
    tpu.enqueue_indirect_dma source(%dma_start3A_27 : memref<1000000x64xf32, #tpu.memory_space<hbm>>) target(%dma_start3A_21 : memref<100x64xf32, #tpu.memory_space<vmem>>) offsets(%dma_start3A_24 : memref<100xi32, #tpu.memory_space<vmem>>) semaphore(%dma_start3A_29 : memref<!tpu.dma_semaphore, #tpu.memory_space<semaphore_mem>>)
    %dma_start3A_30 = arith.constant 1 : i32
    %dma_start3A_31 = arith.constant 1 : i32
    %dma_start3A_32 = arith.constant 1 : i32
    %dma_start3A_33 = arith.constant 0 : i32
    %dma_start3A_34 = arith.constant 0 : i32
    %dma_start3A_35 = tpu.memref_slice %arg10[%dma_start3A_31, %dma_start3A_33, %dma_start3A_34] : memref<6x100x64xf32, #tpu.memory_space<vmem>> -> memref<1x100x64xf32, #tpu.memory_space<vmem>>
    %dma_start3A_36 = tpu.memref_squeeze %dma_start3A_35 : memref<1x100x64xf32, #tpu.memory_space<vmem>> -> memref<100x64xf32, #tpu.memory_space<vmem>>
    %dma_start3A_37 = arith.constant 0 : i32
    %dma_start3A_38 = tpu.memref_slice %arg7[%dma_start3A_30, %dma_start3A_37] : memref<64x100xi32, #tpu.memory_space<vmem>> -> memref<1x100xi32, #tpu.memory_space<vmem>>
    %dma_start3A_39 = tpu.memref_squeeze %dma_start3A_38 : memref<1x100xi32, #tpu.memory_space<vmem>> -> memref<100xi32, #tpu.memory_space<vmem>>
    %dma_start3A_40 = arith.constant 0 : i32
    %dma_start3A_41 = arith.constant 0 : i32
    %dma_start3A_42 = tpu.memref_slice %arg4[%dma_start3A_40, %dma_start3A_41] : memref<1000000x64xf32, #tpu.memory_space<hbm>> -> memref<1000000x64xf32, #tpu.memory_space<hbm>>
    %dma_start3A_43 = tpu.memref_slice %arg11[%dma_start3A_32] : memref<6x!tpu.dma_semaphore, #tpu.memory_space<semaphore_mem>> -> memref<1x!tpu.dma_semaphore, #tpu.memory_space<semaphore_mem>>
    %dma_start3A_44 = tpu.memref_squeeze %dma_start3A_43 : memref<1x!tpu.dma_semaphore, #tpu.memory_space<semaphore_mem>> -> memref<!tpu.dma_semaphore, #tpu.memory_space<semaphore_mem>>
    tpu.enqueue_indirect_dma source(%dma_start3A_42 : memref<1000000x64xf32, #tpu.memory_space<hbm>>) target(%dma_start3A_36 : memref<100x64xf32, #tpu.memory_space<vmem>>) offsets(%dma_start3A_39 : memref<100xi32, #tpu.memory_space<vmem>>) semaphore(%dma_start3A_44 : memref<!tpu.dma_semaphore, #tpu.memory_space<semaphore_mem>>)
    %dma_start3A_45 = arith.constant 2 : i32
    %dma_start3A_46 = arith.constant 2 : i32
    %dma_start3A_47 = arith.constant 2 : i32
    %dma_start3A_48 = arith.constant 0 : i32
    %dma_start3A_49 = arith.constant 0 : i32
    %dma_start3A_50 = tpu.memref_slice %arg10[%dma_start3A_46, %dma_start3A_48, %dma_start3A_49] : memref<6x100x64xf32, #tpu.memory_space<vmem>> -> memref<1x100x64xf32, #tpu.memory_space<vmem>>
    %dma_start3A_51 = tpu.memref_squeeze %dma_start3A_50 : memref<1x100x64xf32, #tpu.memory_space<vmem>> -> memref<100x64xf32, #tpu.memory_space<vmem>>
    %dma_start3A_52 = arith.constant 0 : i32
    %dma_start3A_53 = tpu.memref_slice %arg7[%dma_start3A_45, %dma_start3A_52] : memref<64x100xi32, #tpu.memory_space<vmem>> -> memref<1x100xi32, #tpu.memory_space<vmem>>
    %dma_start3A_54 = tpu.memref_squeeze %dma_start3A_53 : memref<1x100xi32, #tpu.memory_space<vmem>> -> memref<100xi32, #tpu.memory_space<vmem>>
    %dma_start3A_55 = arith.constant 0 : i32
    %dma_start3A_56 = arith.constant 0 : i32
    %dma_start3A_57 = tpu.memref_slice %arg4[%dma_start3A_55, %dma_start3A_56] : memref<1000000x64xf32, #tpu.memory_space<hbm>> -> memref<1000000x64xf32, #tpu.memory_space<hbm>>
    %dma_start3A_58 = tpu.memref_slice %arg11[%dma_start3A_47] : memref<6x!tpu.dma_semaphore, #tpu.memory_space<semaphore_mem>> -> memref<1x!tpu.dma_semaphore, #tpu.memory_space<semaphore_mem>>
    %dma_start3A_59 = tpu.memref_squeeze %dma_start3A_58 : memref<1x!tpu.dma_semaphore, #tpu.memory_space<semaphore_mem>> -> memref<!tpu.dma_semaphore, #tpu.memory_space<semaphore_mem>>
    tpu.enqueue_indirect_dma source(%dma_start3A_57 : memref<1000000x64xf32, #tpu.memory_space<hbm>>) target(%dma_start3A_51 : memref<100x64xf32, #tpu.memory_space<vmem>>) offsets(%dma_start3A_54 : memref<100xi32, #tpu.memory_space<vmem>>) semaphore(%dma_start3A_59 : memref<!tpu.dma_semaphore, #tpu.memory_space<semaphore_mem>>)
    %dma_start3A_60 = arith.constant 3 : i32
    %dma_start3A_61 = arith.constant 3 : i32
    %dma_start3A_62 = arith.constant 3 : i32
    %dma_start3A_63 = arith.constant 0 : i32
    %dma_start3A_64 = arith.constant 0 : i32
    %dma_start3A_65 = tpu.memref_slice %arg10[%dma_start3A_61, %dma_start3A_63, %dma_start3A_64] : memref<6x100x64xf32, #tpu.memory_space<vmem>> -> memref<1x100x64xf32, #tpu.memory_space<vmem>>
    %dma_start3A_66 = tpu.memref_squeeze %dma_start3A_65 : memref<1x100x64xf32, #tpu.memory_space<vmem>> -> memref<100x64xf32, #tpu.memory_space<vmem>>
    %dma_start3A_67 = arith.constant 0 : i32
    %dma_start3A_68 = tpu.memref_slice %arg7[%dma_start3A_60, %dma_start3A_67] : memref<64x100xi32, #tpu.memory_space<vmem>> -> memref<1x100xi32, #tpu.memory_space<vmem>>
    %dma_start3A_69 = tpu.memref_squeeze %dma_start3A_68 : memref<1x100xi32, #tpu.memory_space<vmem>> -> memref<100xi32, #tpu.memory_space<vmem>>
    %dma_start3A_70 = arith.constant 0 : i32
    %dma_start3A_71 = arith.constant 0 : i32
    %dma_start3A_72 = tpu.memref_slice %arg4[%dma_start3A_70, %dma_start3A_71] : memref<1000000x64xf32, #tpu.memory_space<hbm>> -> memref<1000000x64xf32, #tpu.memory_space<hbm>>
    %dma_start3A_73 = tpu.memref_slice %arg11[%dma_start3A_62] : memref<6x!tpu.dma_semaphore, #tpu.memory_space<semaphore_mem>> -> memref<1x!tpu.dma_semaphore, #tpu.memory_space<semaphore_mem>>
    %dma_start3A_74 = tpu.memref_squeeze %dma_start3A_73 : memref<1x!tpu.dma_semaphore, #tpu.memory_space<semaphore_mem>> -> memref<!tpu.dma_semaphore, #tpu.memory_space<semaphore_mem>>
    tpu.enqueue_indirect_dma source(%dma_start3A_72 : memref<1000000x64xf32, #tpu.memory_space<hbm>>) target(%dma_start3A_66 : memref<100x64xf32, #tpu.memory_space<vmem>>) offsets(%dma_start3A_69 : memref<100xi32, #tpu.memory_space<vmem>>) semaphore(%dma_start3A_74 : memref<!tpu.dma_semaphore, #tpu.memory_space<semaphore_mem>>)
    %scan3A = arith.constant 0 : i32
    %scan3A_75 = arith.constant 64 : i32
    %scan3A_76 = arith.addi %scan3A, %scan3A_75 : i32
    %scan3A_77 = arith.constant 1 : i32
    scf.for %scan3A_367 = %scan3A to %scan3A_76 step %scan3A_77  : i32 {
      %mul3A_368 = arith.constant 1 : i32
      %mul3A_369 = arith.muli %scan3A_367, %mul3A_368 : i32
      %add3A_370 = arith.constant 0 : i32
      %add3A_371 = arith.addi %add3A_370, %mul3A_369 : i32
      %rem3A = arith.constant 6 : i32
      %rem3A_372 = arith.remsi %add3A_371, %rem3A : i32
      %dma_wait3A_373 = arith.constant 0 : i32
      %dma_wait3A_374 = arith.constant 0 : i32
      %dma_wait3A_375 = tpu.memref_slice %arg10[%rem3A_372, %dma_wait3A_373, %dma_wait3A_374] : memref<6x100x64xf32, #tpu.memory_space<vmem>> -> memref<1x100x64xf32, #tpu.memory_space<vmem>>
      %dma_wait3A_376 = tpu.memref_squeeze %dma_wait3A_375 : memref<1x100x64xf32, #tpu.memory_space<vmem>> -> memref<100x64xf32, #tpu.memory_space<vmem>>
      %dma_wait3A_377 = arith.constant 0 : i32
      %dma_wait3A_378 = tpu.memref_slice %arg7[%add3A_371, %dma_wait3A_377] : memref<64x100xi32, #tpu.memory_space<vmem>> -> memref<1x100xi32, #tpu.memory_space<vmem>>
      %dma_wait3A_379 = tpu.memref_squeeze %dma_wait3A_378 : memref<1x100xi32, #tpu.memory_space<vmem>> -> memref<100xi32, #tpu.memory_space<vmem>>
      %dma_wait3A_380 = arith.constant 0 : i32
      %dma_wait3A_381 = arith.constant 0 : i32
      %dma_wait3A_382 = tpu.memref_slice %arg4[%dma_wait3A_380, %dma_wait3A_381] : memref<1000000x64xf32, #tpu.memory_space<hbm>> -> memref<1000000x64xf32, #tpu.memory_space<hbm>>
      %dma_wait3A_383 = tpu.memref_slice %arg11[%rem3A_372] : memref<6x!tpu.dma_semaphore, #tpu.memory_space<semaphore_mem>> -> memref<1x!tpu.dma_semaphore, #tpu.memory_space<semaphore_mem>>
      %dma_wait3A_384 = tpu.memref_squeeze %dma_wait3A_383 : memref<1x!tpu.dma_semaphore, #tpu.memory_space<semaphore_mem>> -> memref<!tpu.dma_semaphore, #tpu.memory_space<semaphore_mem>>
      tpu.wait_indirect_dma semaphore(%dma_wait3A_384 : memref<!tpu.dma_semaphore, #tpu.memory_space<semaphore_mem>>) src(%dma_wait3A_382 : memref<1000000x64xf32, #tpu.memory_space<hbm>>) dst(%dma_wait3A_376 : memref<100x64xf32, #tpu.memory_space<vmem>>)
      %mul3A_385 = arith.constant 2 : i32
      %mul3A_386 = arith.muli %add3A_371, %mul3A_385 : i32
      %add3A_387 = arith.addi %mul3A_2, %mul3A_386 : i32
      %add3A_388 = arith.constant 0 : i32
      %add3A_389 = arith.addi %add3A_387, %add3A_388 : i32
      %mul3A_390 = arith.constant 2 : i32
      %mul3A_391 = arith.muli %add3A_389, %mul3A_390 : i32
      %mul3A_392 = arith.constant 32 : i32
      %mul3A_393 = arith.muli %mul3A_391, %mul3A_392 : i32
      %dma_start3A_394 = arith.constant 0 : i32
      %dma_start3A_395 = arith.constant 0 : i32
      %dma_start3A_396 = tpu.memref_slice %arg10[%rem3A_372, %dma_start3A_394, %dma_start3A_395] : memref<6x100x64xf32, #tpu.memory_space<vmem>> -> memref<1x50x64xf32, #tpu.memory_space<vmem>>
      %dma_start3A_397 = tpu.memref_squeeze %dma_start3A_396 : memref<1x50x64xf32, #tpu.memory_space<vmem>> -> memref<50x64xf32, #tpu.memory_space<vmem>>
      %dma_start3A_398 = arith.constant 0 : i32
      %dma_start3A_399 = tpu.memref_slice %arg5[%mul3A_393, %dma_start3A_398] : memref<262144x64xf32, #tpu.memory_space<hbm>> -> memref<50x64xf32, #tpu.memory_space<hbm>>
      %dma_start3A_400 = tpu.memref_slice %arg12[%rem3A_372] : memref<6x!tpu.dma_semaphore, #tpu.memory_space<semaphore_mem>> -> memref<1x!tpu.dma_semaphore, #tpu.memory_space<semaphore_mem>>
      %dma_start3A_401 = tpu.memref_squeeze %dma_start3A_400 : memref<1x!tpu.dma_semaphore, #tpu.memory_space<semaphore_mem>> -> memref<!tpu.dma_semaphore, #tpu.memory_space<semaphore_mem>>
      %dma_start3A_402 = arith.constant 0 : i32
      %dma_start3A_403 = tpu.memref_slice %arg5[%mul3A_393, %dma_start3A_402] : memref<262144x64xf32, #tpu.memory_space<hbm>> -> memref<50x64xf32, #tpu.memory_space<hbm>>
      %dma_start3A_404 = arith.constant 0 : i32
      %dma_start3A_405 = arith.constant 0 : i32
      %dma_start3A_406 = tpu.memref_slice %arg10[%rem3A_372, %dma_start3A_404, %dma_start3A_405] : memref<6x100x64xf32, #tpu.memory_space<vmem>> -> memref<1x50x64xf32, #tpu.memory_space<vmem>>
      %dma_start3A_407 = tpu.memref_squeeze %dma_start3A_406 : memref<1x50x64xf32, #tpu.memory_space<vmem>> -> memref<50x64xf32, #tpu.memory_space<vmem>>
      tpu.enqueue_dma source(%dma_start3A_407 : memref<50x64xf32, #tpu.memory_space<vmem>>) target(%dma_start3A_403 : memref<50x64xf32, #tpu.memory_space<hbm>>) target_semaphore(%dma_start3A_401 : memref<!tpu.dma_semaphore, #tpu.memory_space<semaphore_mem>>)
      %mul3A_408 = arith.constant 2 : i32
      %mul3A_409 = arith.muli %add3A_371, %mul3A_408 : i32
      %add3A_410 = arith.addi %mul3A_2, %mul3A_409 : i32
      %add3A_411 = arith.constant 1 : i32
      %add3A_412 = arith.addi %add3A_410, %add3A_411 : i32
      %mul3A_413 = arith.constant 2 : i32
      %mul3A_414 = arith.muli %add3A_412, %mul3A_413 : i32
      %mul3A_415 = arith.constant 32 : i32
      %mul3A_416 = arith.muli %mul3A_414, %mul3A_415 : i32
      %dma_start3A_417 = arith.constant 50 : i32
      %dma_start3A_418 = arith.constant 0 : i32
      %dma_start3A_419 = tpu.memref_slice %arg10[%rem3A_372, %dma_start3A_417, %dma_start3A_418] : memref<6x100x64xf32, #tpu.memory_space<vmem>> -> memref<1x50x64xf32, #tpu.memory_space<vmem>>
      %dma_start3A_420 = tpu.memref_squeeze %dma_start3A_419 : memref<1x50x64xf32, #tpu.memory_space<vmem>> -> memref<50x64xf32, #tpu.memory_space<vmem>>
      %dma_start3A_421 = arith.constant 0 : i32
      %dma_start3A_422 = tpu.memref_slice %arg5[%mul3A_416, %dma_start3A_421] : memref<262144x64xf32, #tpu.memory_space<hbm>> -> memref<50x64xf32, #tpu.memory_space<hbm>>
      %dma_start3A_423 = tpu.memref_slice %arg12[%rem3A_372] : memref<6x!tpu.dma_semaphore, #tpu.memory_space<semaphore_mem>> -> memref<1x!tpu.dma_semaphore, #tpu.memory_space<semaphore_mem>>
      %dma_start3A_424 = tpu.memref_squeeze %dma_start3A_423 : memref<1x!tpu.dma_semaphore, #tpu.memory_space<semaphore_mem>> -> memref<!tpu.dma_semaphore, #tpu.memory_space<semaphore_mem>>
      %dma_start3A_425 = arith.constant 0 : i32
      %dma_start3A_426 = tpu.memref_slice %arg5[%mul3A_416, %dma_start3A_425] : memref<262144x64xf32, #tpu.memory_space<hbm>> -> memref<50x64xf32, #tpu.memory_space<hbm>>
      %dma_start3A_427 = arith.constant 50 : i32
      %dma_start3A_428 = arith.constant 0 : i32
      %dma_start3A_429 = tpu.memref_slice %arg10[%rem3A_372, %dma_start3A_427, %dma_start3A_428] : memref<6x100x64xf32, #tpu.memory_space<vmem>> -> memref<1x50x64xf32, #tpu.memory_space<vmem>>
      %dma_start3A_430 = tpu.memref_squeeze %dma_start3A_429 : memref<1x50x64xf32, #tpu.memory_space<vmem>> -> memref<50x64xf32, #tpu.memory_space<vmem>>
      tpu.enqueue_dma source(%dma_start3A_430 : memref<50x64xf32, #tpu.memory_space<vmem>>) target(%dma_start3A_426 : memref<50x64xf32, #tpu.memory_space<hbm>>) target_semaphore(%dma_start3A_424 : memref<!tpu.dma_semaphore, #tpu.memory_space<semaphore_mem>>)
      %add3A_431 = arith.constant 4 : i32
      %add3A_432 = arith.addi %add3A_371, %add3A_431 : i32
      %rem3A_433 = arith.constant 6 : i32
      %rem3A_434 = arith.remsi %add3A_432, %rem3A_433 : i32
      %lt3A = arith.constant 64 : i32
      %lt3A_435 = arith.cmpi slt, %add3A_432, %lt3A : i32
      %ge3A = arith.constant 6 : i32
      %ge3A_436 = arith.cmpi sge, %add3A_432, %ge3A : i32
      %and3A = arith.andi %lt3A_435, %ge3A_436 : i1
      %convert_element_type3A = arith.extui %and3A : i1 to i32
      %cond3A = arith.constant 0 : i32
      %cond3A_437 = arith.cmpi ne, %convert_element_type3A, %cond3A : i32
      scf.if %cond3A_437 {
        %mul3A_446 = arith.constant 2 : i32
        %mul3A_447 = arith.muli %add3A_432, %mul3A_446 : i32
        %add3A_448 = arith.addi %mul3A_2, %mul3A_447 : i32
        %add3A_449 = arith.constant 0 : i32
        %add3A_450 = arith.addi %add3A_448, %add3A_449 : i32
        %mul3A_451 = arith.constant 2 : i32
        %mul3A_452 = arith.muli %add3A_450, %mul3A_451 : i32
        %mul3A_453 = arith.constant 32 : i32
        %mul3A_454 = arith.muli %mul3A_452, %mul3A_453 : i32
        %dma_wait3A_455 = arith.constant 0 : i32
        %dma_wait3A_456 = arith.constant 0 : i32
        %dma_wait3A_457 = tpu.memref_slice %arg10[%rem3A_434, %dma_wait3A_455, %dma_wait3A_456] : memref<6x100x64xf32, #tpu.memory_space<vmem>> -> memref<1x50x64xf32, #tpu.memory_space<vmem>>
        %dma_wait3A_458 = tpu.memref_squeeze %dma_wait3A_457 : memref<1x50x64xf32, #tpu.memory_space<vmem>> -> memref<50x64xf32, #tpu.memory_space<vmem>>
        %dma_wait3A_459 = arith.constant 0 : i32
        %dma_wait3A_460 = tpu.memref_slice %arg5[%mul3A_454, %dma_wait3A_459] : memref<262144x64xf32, #tpu.memory_space<hbm>> -> memref<50x64xf32, #tpu.memory_space<hbm>>
        %dma_wait3A_461 = tpu.memref_slice %arg12[%rem3A_434] : memref<6x!tpu.dma_semaphore, #tpu.memory_space<semaphore_mem>> -> memref<1x!tpu.dma_semaphore, #tpu.memory_space<semaphore_mem>>
        %dma_wait3A_462 = tpu.memref_squeeze %dma_wait3A_461 : memref<1x!tpu.dma_semaphore, #tpu.memory_space<semaphore_mem>> -> memref<!tpu.dma_semaphore, #tpu.memory_space<semaphore_mem>>
        %dma_wait3A_463 = arith.constant 0 : i32
        %dma_wait3A_464 = tpu.memref_slice %arg5[%mul3A_454, %dma_wait3A_463] : memref<262144x64xf32, #tpu.memory_space<hbm>> -> memref<50x64xf32, #tpu.memory_space<hbm>>
        %dma_wait3A_465 = arith.constant 0 : i32
        %dma_wait3A_466 = arith.constant 0 : i32
        %dma_wait3A_467 = tpu.memref_slice %arg10[%rem3A_434, %dma_wait3A_465, %dma_wait3A_466] : memref<6x100x64xf32, #tpu.memory_space<vmem>> -> memref<1x50x64xf32, #tpu.memory_space<vmem>>
        %dma_wait3A_468 = tpu.memref_squeeze %dma_wait3A_467 : memref<1x50x64xf32, #tpu.memory_space<vmem>> -> memref<50x64xf32, #tpu.memory_space<vmem>>
        tpu.wait_dma2 semaphore(%dma_wait3A_462 : memref<!tpu.dma_semaphore, #tpu.memory_space<semaphore_mem>>) src(%dma_wait3A_468 : memref<50x64xf32, #tpu.memory_space<vmem>>) dst(%dma_wait3A_464 : memref<50x64xf32, #tpu.memory_space<hbm>>)
        %mul3A_469 = arith.constant 2 : i32
        %mul3A_470 = arith.muli %add3A_432, %mul3A_469 : i32
        %add3A_471 = arith.addi %mul3A_2, %mul3A_470 : i32
        %add3A_472 = arith.constant 1 : i32
        %add3A_473 = arith.addi %add3A_471, %add3A_472 : i32
        %mul3A_474 = arith.constant 2 : i32
        %mul3A_475 = arith.muli %add3A_473, %mul3A_474 : i32
        %mul3A_476 = arith.constant 32 : i32
        %mul3A_477 = arith.muli %mul3A_475, %mul3A_476 : i32
        %dma_wait3A_478 = arith.constant 50 : i32
        %dma_wait3A_479 = arith.constant 0 : i32
        %dma_wait3A_480 = tpu.memref_slice %arg10[%rem3A_434, %dma_wait3A_478, %dma_wait3A_479] : memref<6x100x64xf32, #tpu.memory_space<vmem>> -> memref<1x50x64xf32, #tpu.memory_space<vmem>>
        %dma_wait3A_481 = tpu.memref_squeeze %dma_wait3A_480 : memref<1x50x64xf32, #tpu.memory_space<vmem>> -> memref<50x64xf32, #tpu.memory_space<vmem>>
        %dma_wait3A_482 = arith.constant 0 : i32
        %dma_wait3A_483 = tpu.memref_slice %arg5[%mul3A_477, %dma_wait3A_482] : memref<262144x64xf32, #tpu.memory_space<hbm>> -> memref<50x64xf32, #tpu.memory_space<hbm>>
        %dma_wait3A_484 = tpu.memref_slice %arg12[%rem3A_434] : memref<6x!tpu.dma_semaphore, #tpu.memory_space<semaphore_mem>> -> memref<1x!tpu.dma_semaphore, #tpu.memory_space<semaphore_mem>>
        %dma_wait3A_485 = tpu.memref_squeeze %dma_wait3A_484 : memref<1x!tpu.dma_semaphore, #tpu.memory_space<semaphore_mem>> -> memref<!tpu.dma_semaphore, #tpu.memory_space<semaphore_mem>>
        %dma_wait3A_486 = arith.constant 0 : i32
        %dma_wait3A_487 = tpu.memref_slice %arg5[%mul3A_477, %dma_wait3A_486] : memref<262144x64xf32, #tpu.memory_space<hbm>> -> memref<50x64xf32, #tpu.memory_space<hbm>>
        %dma_wait3A_488 = arith.constant 50 : i32
        %dma_wait3A_489 = arith.constant 0 : i32
        %dma_wait3A_490 = tpu.memref_slice %arg10[%rem3A_434, %dma_wait3A_488, %dma_wait3A_489] : memref<6x100x64xf32, #tpu.memory_space<vmem>> -> memref<1x50x64xf32, #tpu.memory_space<vmem>>
        %dma_wait3A_491 = tpu.memref_squeeze %dma_wait3A_490 : memref<1x50x64xf32, #tpu.memory_space<vmem>> -> memref<50x64xf32, #tpu.memory_space<vmem>>
        tpu.wait_dma2 semaphore(%dma_wait3A_485 : memref<!tpu.dma_semaphore, #tpu.memory_space<semaphore_mem>>) src(%dma_wait3A_491 : memref<50x64xf32, #tpu.memory_space<vmem>>) dst(%dma_wait3A_487 : memref<50x64xf32, #tpu.memory_space<hbm>>)
        %dma_start3A_492 = arith.constant 0 : i32
        %dma_start3A_493 = arith.constant 0 : i32
        %dma_start3A_494 = tpu.memref_slice %arg10[%rem3A_434, %dma_start3A_492, %dma_start3A_493] : memref<6x100x64xf32, #tpu.memory_space<vmem>> -> memref<1x100x64xf32, #tpu.memory_space<vmem>>
        %dma_start3A_495 = tpu.memref_squeeze %dma_start3A_494 : memref<1x100x64xf32, #tpu.memory_space<vmem>> -> memref<100x64xf32, #tpu.memory_space<vmem>>
        %dma_start3A_496 = arith.constant 0 : i32
        %dma_start3A_497 = tpu.memref_slice %arg7[%add3A_432, %dma_start3A_496] : memref<64x100xi32, #tpu.memory_space<vmem>> -> memref<1x100xi32, #tpu.memory_space<vmem>>
        %dma_start3A_498 = tpu.memref_squeeze %dma_start3A_497 : memref<1x100xi32, #tpu.memory_space<vmem>> -> memref<100xi32, #tpu.memory_space<vmem>>
        %dma_start3A_499 = arith.constant 0 : i32
        %dma_start3A_500 = arith.constant 0 : i32
        %dma_start3A_501 = tpu.memref_slice %arg4[%dma_start3A_499, %dma_start3A_500] : memref<1000000x64xf32, #tpu.memory_space<hbm>> -> memref<1000000x64xf32, #tpu.memory_space<hbm>>
        %dma_start3A_502 = tpu.memref_slice %arg11[%rem3A_434] : memref<6x!tpu.dma_semaphore, #tpu.memory_space<semaphore_mem>> -> memref<1x!tpu.dma_semaphore, #tpu.memory_space<semaphore_mem>>
        %dma_start3A_503 = tpu.memref_squeeze %dma_start3A_502 : memref<1x!tpu.dma_semaphore, #tpu.memory_space<semaphore_mem>> -> memref<!tpu.dma_semaphore, #tpu.memory_space<semaphore_mem>>
        tpu.enqueue_indirect_dma source(%dma_start3A_501 : memref<1000000x64xf32, #tpu.memory_space<hbm>>) target(%dma_start3A_495 : memref<100x64xf32, #tpu.memory_space<vmem>>) offsets(%dma_start3A_498 : memref<100xi32, #tpu.memory_space<vmem>>) semaphore(%dma_start3A_503 : memref<!tpu.dma_semaphore, #tpu.memory_space<semaphore_mem>>)
      } else {
      }
      %lt3A_438 = arith.constant 64 : i32
      %lt3A_439 = arith.cmpi slt, %add3A_432, %lt3A_438 : i32
      %lt3A_440 = arith.constant 6 : i32
      %lt3A_441 = arith.cmpi slt, %add3A_432, %lt3A_440 : i32
      %and3A_442 = arith.andi %lt3A_439, %lt3A_441 : i1
      %convert_element_type3A_443 = arith.extui %and3A_442 : i1 to i32
      %cond3A_444 = arith.constant 0 : i32
      %cond3A_445 = arith.cmpi ne, %convert_element_type3A_443, %cond3A_444 : i32
      scf.if %cond3A_445 {
        %dma_start3A_446 = arith.constant 0 : i32
        %dma_start3A_447 = arith.constant 0 : i32
        %dma_start3A_448 = tpu.memref_slice %arg10[%rem3A_434, %dma_start3A_446, %dma_start3A_447] : memref<6x100x64xf32, #tpu.memory_space<vmem>> -> memref<1x100x64xf32, #tpu.memory_space<vmem>>
        %dma_start3A_449 = tpu.memref_squeeze %dma_start3A_448 : memref<1x100x64xf32, #tpu.memory_space<vmem>> -> memref<100x64xf32, #tpu.memory_space<vmem>>
        %dma_start3A_450 = arith.constant 0 : i32
        %dma_start3A_451 = tpu.memref_slice %arg7[%add3A_432, %dma_start3A_450] : memref<64x100xi32, #tpu.memory_space<vmem>> -> memref<1x100xi32, #tpu.memory_space<vmem>>
        %dma_start3A_452 = tpu.memref_squeeze %dma_start3A_451 : memref<1x100xi32, #tpu.memory_space<vmem>> -> memref<100xi32, #tpu.memory_space<vmem>>
        %dma_start3A_453 = arith.constant 0 : i32
        %dma_start3A_454 = arith.constant 0 : i32
        %dma_start3A_455 = tpu.memref_slice %arg4[%dma_start3A_453, %dma_start3A_454] : memref<1000000x64xf32, #tpu.memory_space<hbm>> -> memref<1000000x64xf32, #tpu.memory_space<hbm>>
        %dma_start3A_456 = tpu.memref_slice %arg11[%rem3A_434] : memref<6x!tpu.dma_semaphore, #tpu.memory_space<semaphore_mem>> -> memref<1x!tpu.dma_semaphore, #tpu.memory_space<semaphore_mem>>
        %dma_start3A_457 = tpu.memref_squeeze %dma_start3A_456 : memref<1x!tpu.dma_semaphore, #tpu.memory_space<semaphore_mem>> -> memref<!tpu.dma_semaphore, #tpu.memory_space<semaphore_mem>>
        tpu.enqueue_indirect_dma source(%dma_start3A_455 : memref<1000000x64xf32, #tpu.memory_space<hbm>>) target(%dma_start3A_449 : memref<100x64xf32, #tpu.memory_space<vmem>>) offsets(%dma_start3A_452 : memref<100xi32, #tpu.memory_space<vmem>>) semaphore(%dma_start3A_457 : memref<!tpu.dma_semaphore, #tpu.memory_space<semaphore_mem>>)
      } else {
      }
    }
    %scan3A_78 = arith.constant 64 : i32
    %add3A_79 = arith.constant 0 : i32
    %add3A_80 = arith.addi %mul3A_2, %add3A_79 : i32
    %add3A_81 = arith.constant 0 : i32
    %add3A_82 = arith.addi %add3A_80, %add3A_81 : i32
    %mul3A_83 = arith.constant 2 : i32
    %mul3A_84 = arith.muli %add3A_82, %mul3A_83 : i32
    %mul3A_85 = arith.constant 32 : i32
    %mul3A_86 = arith.muli %mul3A_84, %mul3A_85 : i32
    %dma_wait3A_87 = arith.constant 0 : i32
    %dma_wait3A_88 = arith.constant 0 : i32
    %dma_wait3A_89 = arith.constant 0 : i32
    %dma_wait3A_90 = arith.constant 0 : i32
    %dma_wait3A_91 = tpu.memref_slice %arg10[%dma_wait3A_87, %dma_wait3A_89, %dma_wait3A_90] : memref<6x100x64xf32, #tpu.memory_space<vmem>> -> memref<1x50x64xf32, #tpu.memory_space<vmem>>
    %dma_wait3A_92 = tpu.memref_squeeze %dma_wait3A_91 : memref<1x50x64xf32, #tpu.memory_space<vmem>> -> memref<50x64xf32, #tpu.memory_space<vmem>>
    %dma_wait3A_93 = arith.constant 0 : i32
    %dma_wait3A_94 = tpu.memref_slice %arg5[%mul3A_86, %dma_wait3A_93] : memref<262144x64xf32, #tpu.memory_space<hbm>> -> memref<50x64xf32, #tpu.memory_space<hbm>>
    %dma_wait3A_95 = tpu.memref_slice %arg12[%dma_wait3A_88] : memref<6x!tpu.dma_semaphore, #tpu.memory_space<semaphore_mem>> -> memref<1x!tpu.dma_semaphore, #tpu.memory_space<semaphore_mem>>
    %dma_wait3A_96 = tpu.memref_squeeze %dma_wait3A_95 : memref<1x!tpu.dma_semaphore, #tpu.memory_space<semaphore_mem>> -> memref<!tpu.dma_semaphore, #tpu.memory_space<semaphore_mem>>
    %dma_wait3A_97 = arith.constant 0 : i32
    %dma_wait3A_98 = tpu.memref_slice %arg5[%mul3A_86, %dma_wait3A_97] : memref<262144x64xf32, #tpu.memory_space<hbm>> -> memref<50x64xf32, #tpu.memory_space<hbm>>
    %dma_wait3A_99 = arith.constant 0 : i32
    %dma_wait3A_100 = arith.constant 0 : i32
    %dma_wait3A_101 = tpu.memref_slice %arg10[%dma_wait3A_87, %dma_wait3A_99, %dma_wait3A_100] : memref<6x100x64xf32, #tpu.memory_space<vmem>> -> memref<1x50x64xf32, #tpu.memory_space<vmem>>
    %dma_wait3A_102 = tpu.memref_squeeze %dma_wait3A_101 : memref<1x50x64xf32, #tpu.memory_space<vmem>> -> memref<50x64xf32, #tpu.memory_space<vmem>>
    tpu.wait_dma2 semaphore(%dma_wait3A_96 : memref<!tpu.dma_semaphore, #tpu.memory_space<semaphore_mem>>) src(%dma_wait3A_102 : memref<50x64xf32, #tpu.memory_space<vmem>>) dst(%dma_wait3A_98 : memref<50x64xf32, #tpu.memory_space<hbm>>)
    %add3A_103 = arith.constant 0 : i32
    %add3A_104 = arith.addi %mul3A_2, %add3A_103 : i32
    %add3A_105 = arith.constant 1 : i32
    %add3A_106 = arith.addi %add3A_104, %add3A_105 : i32
    %mul3A_107 = arith.constant 2 : i32
    %mul3A_108 = arith.muli %add3A_106, %mul3A_107 : i32
    %mul3A_109 = arith.constant 32 : i32
    %mul3A_110 = arith.muli %mul3A_108, %mul3A_109 : i32
    %dma_wait3A_111 = arith.constant 0 : i32
    %dma_wait3A_112 = arith.constant 0 : i32
    %dma_wait3A_113 = arith.constant 50 : i32
    %dma_wait3A_114 = arith.constant 0 : i32
    %dma_wait3A_115 = tpu.memref_slice %arg10[%dma_wait3A_111, %dma_wait3A_113, %dma_wait3A_114] : memref<6x100x64xf32, #tpu.memory_space<vmem>> -> memref<1x50x64xf32, #tpu.memory_space<vmem>>
    %dma_wait3A_116 = tpu.memref_squeeze %dma_wait3A_115 : memref<1x50x64xf32, #tpu.memory_space<vmem>> -> memref<50x64xf32, #tpu.memory_space<vmem>>
    %dma_wait3A_117 = arith.constant 0 : i32
    %dma_wait3A_118 = tpu.memref_slice %arg5[%mul3A_110, %dma_wait3A_117] : memref<262144x64xf32, #tpu.memory_space<hbm>> -> memref<50x64xf32, #tpu.memory_space<hbm>>
    %dma_wait3A_119 = tpu.memref_slice %arg12[%dma_wait3A_112] : memref<6x!tpu.dma_semaphore, #tpu.memory_space<semaphore_mem>> -> memref<1x!tpu.dma_semaphore, #tpu.memory_space<semaphore_mem>>
    %dma_wait3A_120 = tpu.memref_squeeze %dma_wait3A_119 : memref<1x!tpu.dma_semaphore, #tpu.memory_space<semaphore_mem>> -> memref<!tpu.dma_semaphore, #tpu.memory_space<semaphore_mem>>
    %dma_wait3A_121 = arith.constant 0 : i32
    %dma_wait3A_122 = tpu.memref_slice %arg5[%mul3A_110, %dma_wait3A_121] : memref<262144x64xf32, #tpu.memory_space<hbm>> -> memref<50x64xf32, #tpu.memory_space<hbm>>
    %dma_wait3A_123 = arith.constant 50 : i32
    %dma_wait3A_124 = arith.constant 0 : i32
    %dma_wait3A_125 = tpu.memref_slice %arg10[%dma_wait3A_111, %dma_wait3A_123, %dma_wait3A_124] : memref<6x100x64xf32, #tpu.memory_space<vmem>> -> memref<1x50x64xf32, #tpu.memory_space<vmem>>
    %dma_wait3A_126 = tpu.memref_squeeze %dma_wait3A_125 : memref<1x50x64xf32, #tpu.memory_space<vmem>> -> memref<50x64xf32, #tpu.memory_space<vmem>>
    tpu.wait_dma2 semaphore(%dma_wait3A_120 : memref<!tpu.dma_semaphore, #tpu.memory_space<semaphore_mem>>) src(%dma_wait3A_126 : memref<50x64xf32, #tpu.memory_space<vmem>>) dst(%dma_wait3A_122 : memref<50x64xf32, #tpu.memory_space<hbm>>)
    %add3A_127 = arith.constant 0 : i32
    %add3A_128 = arith.addi %mul3A_2, %add3A_127 : i32
    %add3A_129 = arith.constant 0 : i32
    %add3A_130 = arith.addi %add3A_128, %add3A_129 : i32
    %mul3A_131 = arith.constant 2 : i32
    %mul3A_132 = arith.muli %add3A_130, %mul3A_131 : i32
    %mul3A_133 = arith.constant 32 : i32
    %mul3A_134 = arith.muli %mul3A_132, %mul3A_133 : i32
    %dma_wait3A_135 = arith.constant 1 : i32
    %dma_wait3A_136 = arith.constant 1 : i32
    %dma_wait3A_137 = arith.constant 0 : i32
    %dma_wait3A_138 = arith.constant 0 : i32
    %dma_wait3A_139 = tpu.memref_slice %arg10[%dma_wait3A_135, %dma_wait3A_137, %dma_wait3A_138] : memref<6x100x64xf32, #tpu.memory_space<vmem>> -> memref<1x50x64xf32, #tpu.memory_space<vmem>>
    %dma_wait3A_140 = tpu.memref_squeeze %dma_wait3A_139 : memref<1x50x64xf32, #tpu.memory_space<vmem>> -> memref<50x64xf32, #tpu.memory_space<vmem>>
    %dma_wait3A_141 = arith.constant 0 : i32
    %dma_wait3A_142 = tpu.memref_slice %arg5[%mul3A_134, %dma_wait3A_141] : memref<262144x64xf32, #tpu.memory_space<hbm>> -> memref<50x64xf32, #tpu.memory_space<hbm>>
    %dma_wait3A_143 = tpu.memref_slice %arg12[%dma_wait3A_136] : memref<6x!tpu.dma_semaphore, #tpu.memory_space<semaphore_mem>> -> memref<1x!tpu.dma_semaphore, #tpu.memory_space<semaphore_mem>>
    %dma_wait3A_144 = tpu.memref_squeeze %dma_wait3A_143 : memref<1x!tpu.dma_semaphore, #tpu.memory_space<semaphore_mem>> -> memref<!tpu.dma_semaphore, #tpu.memory_space<semaphore_mem>>
    %dma_wait3A_145 = arith.constant 0 : i32
    %dma_wait3A_146 = tpu.memref_slice %arg5[%mul3A_134, %dma_wait3A_145] : memref<262144x64xf32, #tpu.memory_space<hbm>> -> memref<50x64xf32, #tpu.memory_space<hbm>>
    %dma_wait3A_147 = arith.constant 0 : i32
    %dma_wait3A_148 = arith.constant 0 : i32
    %dma_wait3A_149 = tpu.memref_slice %arg10[%dma_wait3A_135, %dma_wait3A_147, %dma_wait3A_148] : memref<6x100x64xf32, #tpu.memory_space<vmem>> -> memref<1x50x64xf32, #tpu.memory_space<vmem>>
    %dma_wait3A_150 = tpu.memref_squeeze %dma_wait3A_149 : memref<1x50x64xf32, #tpu.memory_space<vmem>> -> memref<50x64xf32, #tpu.memory_space<vmem>>
    tpu.wait_dma2 semaphore(%dma_wait3A_144 : memref<!tpu.dma_semaphore, #tpu.memory_space<semaphore_mem>>) src(%dma_wait3A_150 : memref<50x64xf32, #tpu.memory_space<vmem>>) dst(%dma_wait3A_146 : memref<50x64xf32, #tpu.memory_space<hbm>>)
    %add3A_151 = arith.constant 0 : i32
    %add3A_152 = arith.addi %mul3A_2, %add3A_151 : i32
    %add3A_153 = arith.constant 1 : i32
    %add3A_154 = arith.addi %add3A_152, %add3A_153 : i32
    %mul3A_155 = arith.constant 2 : i32
    %mul3A_156 = arith.muli %add3A_154, %mul3A_155 : i32
    %mul3A_157 = arith.constant 32 : i32
    %mul3A_158 = arith.muli %mul3A_156, %mul3A_157 : i32
    %dma_wait3A_159 = arith.constant 1 : i32
    %dma_wait3A_160 = arith.constant 1 : i32
    %dma_wait3A_161 = arith.constant 50 : i32
    %dma_wait3A_162 = arith.constant 0 : i32
    %dma_wait3A_163 = tpu.memref_slice %arg10[%dma_wait3A_159, %dma_wait3A_161, %dma_wait3A_162] : memref<6x100x64xf32, #tpu.memory_space<vmem>> -> memref<1x50x64xf32, #tpu.memory_space<vmem>>
    %dma_wait3A_164 = tpu.memref_squeeze %dma_wait3A_163 : memref<1x50x64xf32, #tpu.memory_space<vmem>> -> memref<50x64xf32, #tpu.memory_space<vmem>>
    %dma_wait3A_165 = arith.constant 0 : i32
    %dma_wait3A_166 = tpu.memref_slice %arg5[%mul3A_158, %dma_wait3A_165] : memref<262144x64xf32, #tpu.memory_space<hbm>> -> memref<50x64xf32, #tpu.memory_space<hbm>>
    %dma_wait3A_167 = tpu.memref_slice %arg12[%dma_wait3A_160] : memref<6x!tpu.dma_semaphore, #tpu.memory_space<semaphore_mem>> -> memref<1x!tpu.dma_semaphore, #tpu.memory_space<semaphore_mem>>
    %dma_wait3A_168 = tpu.memref_squeeze %dma_wait3A_167 : memref<1x!tpu.dma_semaphore, #tpu.memory_space<semaphore_mem>> -> memref<!tpu.dma_semaphore, #tpu.memory_space<semaphore_mem>>
    %dma_wait3A_169 = arith.constant 0 : i32
    %dma_wait3A_170 = tpu.memref_slice %arg5[%mul3A_158, %dma_wait3A_169] : memref<262144x64xf32, #tpu.memory_space<hbm>> -> memref<50x64xf32, #tpu.memory_space<hbm>>
    %dma_wait3A_171 = arith.constant 50 : i32
    %dma_wait3A_172 = arith.constant 0 : i32
    %dma_wait3A_173 = tpu.memref_slice %arg10[%dma_wait3A_159, %dma_wait3A_171, %dma_wait3A_172] : memref<6x100x64xf32, #tpu.memory_space<vmem>> -> memref<1x50x64xf32, #tpu.memory_space<vmem>>
    %dma_wait3A_174 = tpu.memref_squeeze %dma_wait3A_173 : memref<1x50x64xf32, #tpu.memory_space<vmem>> -> memref<50x64xf32, #tpu.memory_space<vmem>>
    tpu.wait_dma2 semaphore(%dma_wait3A_168 : memref<!tpu.dma_semaphore, #tpu.memory_space<semaphore_mem>>) src(%dma_wait3A_174 : memref<50x64xf32, #tpu.memory_space<vmem>>) dst(%dma_wait3A_170 : memref<50x64xf32, #tpu.memory_space<hbm>>)
    %add3A_175 = arith.constant 0 : i32
    %add3A_176 = arith.addi %mul3A_2, %add3A_175 : i32
    %add3A_177 = arith.constant 0 : i32
    %add3A_178 = arith.addi %add3A_176, %add3A_177 : i32
    %mul3A_179 = arith.constant 2 : i32
    %mul3A_180 = arith.muli %add3A_178, %mul3A_179 : i32
    %mul3A_181 = arith.constant 32 : i32
    %mul3A_182 = arith.muli %mul3A_180, %mul3A_181 : i32
    %dma_wait3A_183 = arith.constant 2 : i32
    %dma_wait3A_184 = arith.constant 2 : i32
    %dma_wait3A_185 = arith.constant 0 : i32
    %dma_wait3A_186 = arith.constant 0 : i32
    %dma_wait3A_187 = tpu.memref_slice %arg10[%dma_wait3A_183, %dma_wait3A_185, %dma_wait3A_186] : memref<6x100x64xf32, #tpu.memory_space<vmem>> -> memref<1x50x64xf32, #tpu.memory_space<vmem>>
    %dma_wait3A_188 = tpu.memref_squeeze %dma_wait3A_187 : memref<1x50x64xf32, #tpu.memory_space<vmem>> -> memref<50x64xf32, #tpu.memory_space<vmem>>
    %dma_wait3A_189 = arith.constant 0 : i32
    %dma_wait3A_190 = tpu.memref_slice %arg5[%mul3A_182, %dma_wait3A_189] : memref<262144x64xf32, #tpu.memory_space<hbm>> -> memref<50x64xf32, #tpu.memory_space<hbm>>
    %dma_wait3A_191 = tpu.memref_slice %arg12[%dma_wait3A_184] : memref<6x!tpu.dma_semaphore, #tpu.memory_space<semaphore_mem>> -> memref<1x!tpu.dma_semaphore, #tpu.memory_space<semaphore_mem>>
    %dma_wait3A_192 = tpu.memref_squeeze %dma_wait3A_191 : memref<1x!tpu.dma_semaphore, #tpu.memory_space<semaphore_mem>> -> memref<!tpu.dma_semaphore, #tpu.memory_space<semaphore_mem>>
    %dma_wait3A_193 = arith.constant 0 : i32
    %dma_wait3A_194 = tpu.memref_slice %arg5[%mul3A_182, %dma_wait3A_193] : memref<262144x64xf32, #tpu.memory_space<hbm>> -> memref<50x64xf32, #tpu.memory_space<hbm>>
    %dma_wait3A_195 = arith.constant 0 : i32
    %dma_wait3A_196 = arith.constant 0 : i32
    %dma_wait3A_197 = tpu.memref_slice %arg10[%dma_wait3A_183, %dma_wait3A_195, %dma_wait3A_196] : memref<6x100x64xf32, #tpu.memory_space<vmem>> -> memref<1x50x64xf32, #tpu.memory_space<vmem>>
    %dma_wait3A_198 = tpu.memref_squeeze %dma_wait3A_197 : memref<1x50x64xf32, #tpu.memory_space<vmem>> -> memref<50x64xf32, #tpu.memory_space<vmem>>
    tpu.wait_dma2 semaphore(%dma_wait3A_192 : memref<!tpu.dma_semaphore, #tpu.memory_space<semaphore_mem>>) src(%dma_wait3A_198 : memref<50x64xf32, #tpu.memory_space<vmem>>) dst(%dma_wait3A_194 : memref<50x64xf32, #tpu.memory_space<hbm>>)
    %add3A_199 = arith.constant 0 : i32
    %add3A_200 = arith.addi %mul3A_2, %add3A_199 : i32
    %add3A_201 = arith.constant 1 : i32
    %add3A_202 = arith.addi %add3A_200, %add3A_201 : i32
    %mul3A_203 = arith.constant 2 : i32
    %mul3A_204 = arith.muli %add3A_202, %mul3A_203 : i32
    %mul3A_205 = arith.constant 32 : i32
    %mul3A_206 = arith.muli %mul3A_204, %mul3A_205 : i32
    %dma_wait3A_207 = arith.constant 2 : i32
    %dma_wait3A_208 = arith.constant 2 : i32
    %dma_wait3A_209 = arith.constant 50 : i32
    %dma_wait3A_210 = arith.constant 0 : i32
    %dma_wait3A_211 = tpu.memref_slice %arg10[%dma_wait3A_207, %dma_wait3A_209, %dma_wait3A_210] : memref<6x100x64xf32, #tpu.memory_space<vmem>> -> memref<1x50x64xf32, #tpu.memory_space<vmem>>
    %dma_wait3A_212 = tpu.memref_squeeze %dma_wait3A_211 : memref<1x50x64xf32, #tpu.memory_space<vmem>> -> memref<50x64xf32, #tpu.memory_space<vmem>>
    %dma_wait3A_213 = arith.constant 0 : i32
    %dma_wait3A_214 = tpu.memref_slice %arg5[%mul3A_206, %dma_wait3A_213] : memref<262144x64xf32, #tpu.memory_space<hbm>> -> memref<50x64xf32, #tpu.memory_space<hbm>>
    %dma_wait3A_215 = tpu.memref_slice %arg12[%dma_wait3A_208] : memref<6x!tpu.dma_semaphore, #tpu.memory_space<semaphore_mem>> -> memref<1x!tpu.dma_semaphore, #tpu.memory_space<semaphore_mem>>
    %dma_wait3A_216 = tpu.memref_squeeze %dma_wait3A_215 : memref<1x!tpu.dma_semaphore, #tpu.memory_space<semaphore_mem>> -> memref<!tpu.dma_semaphore, #tpu.memory_space<semaphore_mem>>
    %dma_wait3A_217 = arith.constant 0 : i32
    %dma_wait3A_218 = tpu.memref_slice %arg5[%mul3A_206, %dma_wait3A_217] : memref<262144x64xf32, #tpu.memory_space<hbm>> -> memref<50x64xf32, #tpu.memory_space<hbm>>
    %dma_wait3A_219 = arith.constant 50 : i32
    %dma_wait3A_220 = arith.constant 0 : i32
    %dma_wait3A_221 = tpu.memref_slice %arg10[%dma_wait3A_207, %dma_wait3A_219, %dma_wait3A_220] : memref<6x100x64xf32, #tpu.memory_space<vmem>> -> memref<1x50x64xf32, #tpu.memory_space<vmem>>
    %dma_wait3A_222 = tpu.memref_squeeze %dma_wait3A_221 : memref<1x50x64xf32, #tpu.memory_space<vmem>> -> memref<50x64xf32, #tpu.memory_space<vmem>>
    tpu.wait_dma2 semaphore(%dma_wait3A_216 : memref<!tpu.dma_semaphore, #tpu.memory_space<semaphore_mem>>) src(%dma_wait3A_222 : memref<50x64xf32, #tpu.memory_space<vmem>>) dst(%dma_wait3A_218 : memref<50x64xf32, #tpu.memory_space<hbm>>)
    %add3A_223 = arith.constant 0 : i32
    %add3A_224 = arith.addi %mul3A_2, %add3A_223 : i32
    %add3A_225 = arith.constant 0 : i32
    %add3A_226 = arith.addi %add3A_224, %add3A_225 : i32
    %mul3A_227 = arith.constant 2 : i32
    %mul3A_228 = arith.muli %add3A_226, %mul3A_227 : i32
    %mul3A_229 = arith.constant 32 : i32
    %mul3A_230 = arith.muli %mul3A_228, %mul3A_229 : i32
    %dma_wait3A_231 = arith.constant 3 : i32
    %dma_wait3A_232 = arith.constant 3 : i32
    %dma_wait3A_233 = arith.constant 0 : i32
    %dma_wait3A_234 = arith.constant 0 : i32
    %dma_wait3A_235 = tpu.memref_slice %arg10[%dma_wait3A_231, %dma_wait3A_233, %dma_wait3A_234] : memref<6x100x64xf32, #tpu.memory_space<vmem>> -> memref<1x50x64xf32, #tpu.memory_space<vmem>>
    %dma_wait3A_236 = tpu.memref_squeeze %dma_wait3A_235 : memref<1x50x64xf32, #tpu.memory_space<vmem>> -> memref<50x64xf32, #tpu.memory_space<vmem>>
    %dma_wait3A_237 = arith.constant 0 : i32
    %dma_wait3A_238 = tpu.memref_slice %arg5[%mul3A_230, %dma_wait3A_237] : memref<262144x64xf32, #tpu.memory_space<hbm>> -> memref<50x64xf32, #tpu.memory_space<hbm>>
    %dma_wait3A_239 = tpu.memref_slice %arg12[%dma_wait3A_232] : memref<6x!tpu.dma_semaphore, #tpu.memory_space<semaphore_mem>> -> memref<1x!tpu.dma_semaphore, #tpu.memory_space<semaphore_mem>>
    %dma_wait3A_240 = tpu.memref_squeeze %dma_wait3A_239 : memref<1x!tpu.dma_semaphore, #tpu.memory_space<semaphore_mem>> -> memref<!tpu.dma_semaphore, #tpu.memory_space<semaphore_mem>>
    %dma_wait3A_241 = arith.constant 0 : i32
    %dma_wait3A_242 = tpu.memref_slice %arg5[%mul3A_230, %dma_wait3A_241] : memref<262144x64xf32, #tpu.memory_space<hbm>> -> memref<50x64xf32, #tpu.memory_space<hbm>>
    %dma_wait3A_243 = arith.constant 0 : i32
    %dma_wait3A_244 = arith.constant 0 : i32
    %dma_wait3A_245 = tpu.memref_slice %arg10[%dma_wait3A_231, %dma_wait3A_243, %dma_wait3A_244] : memref<6x100x64xf32, #tpu.memory_space<vmem>> -> memref<1x50x64xf32, #tpu.memory_space<vmem>>
    %dma_wait3A_246 = tpu.memref_squeeze %dma_wait3A_245 : memref<1x50x64xf32, #tpu.memory_space<vmem>> -> memref<50x64xf32, #tpu.memory_space<vmem>>
    tpu.wait_dma2 semaphore(%dma_wait3A_240 : memref<!tpu.dma_semaphore, #tpu.memory_space<semaphore_mem>>) src(%dma_wait3A_246 : memref<50x64xf32, #tpu.memory_space<vmem>>) dst(%dma_wait3A_242 : memref<50x64xf32, #tpu.memory_space<hbm>>)
    %add3A_247 = arith.constant 0 : i32
    %add3A_248 = arith.addi %mul3A_2, %add3A_247 : i32
    %add3A_249 = arith.constant 1 : i32
    %add3A_250 = arith.addi %add3A_248, %add3A_249 : i32
    %mul3A_251 = arith.constant 2 : i32
    %mul3A_252 = arith.muli %add3A_250, %mul3A_251 : i32
    %mul3A_253 = arith.constant 32 : i32
    %mul3A_254 = arith.muli %mul3A_252, %mul3A_253 : i32
    %dma_wait3A_255 = arith.constant 3 : i32
    %dma_wait3A_256 = arith.constant 3 : i32
    %dma_wait3A_257 = arith.constant 50 : i32
    %dma_wait3A_258 = arith.constant 0 : i32
    %dma_wait3A_259 = tpu.memref_slice %arg10[%dma_wait3A_255, %dma_wait3A_257, %dma_wait3A_258] : memref<6x100x64xf32, #tpu.memory_space<vmem>> -> memref<1x50x64xf32, #tpu.memory_space<vmem>>
    %dma_wait3A_260 = tpu.memref_squeeze %dma_wait3A_259 : memref<1x50x64xf32, #tpu.memory_space<vmem>> -> memref<50x64xf32, #tpu.memory_space<vmem>>
    %dma_wait3A_261 = arith.constant 0 : i32
    %dma_wait3A_262 = tpu.memref_slice %arg5[%mul3A_254, %dma_wait3A_261] : memref<262144x64xf32, #tpu.memory_space<hbm>> -> memref<50x64xf32, #tpu.memory_space<hbm>>
    %dma_wait3A_263 = tpu.memref_slice %arg12[%dma_wait3A_256] : memref<6x!tpu.dma_semaphore, #tpu.memory_space<semaphore_mem>> -> memref<1x!tpu.dma_semaphore, #tpu.memory_space<semaphore_mem>>
    %dma_wait3A_264 = tpu.memref_squeeze %dma_wait3A_263 : memref<1x!tpu.dma_semaphore, #tpu.memory_space<semaphore_mem>> -> memref<!tpu.dma_semaphore, #tpu.memory_space<semaphore_mem>>
    %dma_wait3A_265 = arith.constant 0 : i32
    %dma_wait3A_266 = tpu.memref_slice %arg5[%mul3A_254, %dma_wait3A_265] : memref<262144x64xf32, #tpu.memory_space<hbm>> -> memref<50x64xf32, #tpu.memory_space<hbm>>
    %dma_wait3A_267 = arith.constant 50 : i32
    %dma_wait3A_268 = arith.constant 0 : i32
    %dma_wait3A_269 = tpu.memref_slice %arg10[%dma_wait3A_255, %dma_wait3A_267, %dma_wait3A_268] : memref<6x100x64xf32, #tpu.memory_space<vmem>> -> memref<1x50x64xf32, #tpu.memory_space<vmem>>
    %dma_wait3A_270 = tpu.memref_squeeze %dma_wait3A_269 : memref<1x50x64xf32, #tpu.memory_space<vmem>> -> memref<50x64xf32, #tpu.memory_space<vmem>>
    tpu.wait_dma2 semaphore(%dma_wait3A_264 : memref<!tpu.dma_semaphore, #tpu.memory_space<semaphore_mem>>) src(%dma_wait3A_270 : memref<50x64xf32, #tpu.memory_space<vmem>>) dst(%dma_wait3A_266 : memref<50x64xf32, #tpu.memory_space<hbm>>)
    %add3A_271 = arith.constant 0 : i32
    %add3A_272 = arith.addi %mul3A_2, %add3A_271 : i32
    %add3A_273 = arith.constant 0 : i32
    %add3A_274 = arith.addi %add3A_272, %add3A_273 : i32
    %mul3A_275 = arith.constant 2 : i32
    %mul3A_276 = arith.muli %add3A_274, %mul3A_275 : i32
    %mul3A_277 = arith.constant 32 : i32
    %mul3A_278 = arith.muli %mul3A_276, %mul3A_277 : i32
    %dma_wait3A_279 = arith.constant 4 : i32
    %dma_wait3A_280 = arith.constant 4 : i32
    %dma_wait3A_281 = arith.constant 0 : i32
    %dma_wait3A_282 = arith.constant 0 : i32
    %dma_wait3A_283 = tpu.memref_slice %arg10[%dma_wait3A_279, %dma_wait3A_281, %dma_wait3A_282] : memref<6x100x64xf32, #tpu.memory_space<vmem>> -> memref<1x50x64xf32, #tpu.memory_space<vmem>>
    %dma_wait3A_284 = tpu.memref_squeeze %dma_wait3A_283 : memref<1x50x64xf32, #tpu.memory_space<vmem>> -> memref<50x64xf32, #tpu.memory_space<vmem>>
    %dma_wait3A_285 = arith.constant 0 : i32
    %dma_wait3A_286 = tpu.memref_slice %arg5[%mul3A_278, %dma_wait3A_285] : memref<262144x64xf32, #tpu.memory_space<hbm>> -> memref<50x64xf32, #tpu.memory_space<hbm>>
    %dma_wait3A_287 = tpu.memref_slice %arg12[%dma_wait3A_280] : memref<6x!tpu.dma_semaphore, #tpu.memory_space<semaphore_mem>> -> memref<1x!tpu.dma_semaphore, #tpu.memory_space<semaphore_mem>>
    %dma_wait3A_288 = tpu.memref_squeeze %dma_wait3A_287 : memref<1x!tpu.dma_semaphore, #tpu.memory_space<semaphore_mem>> -> memref<!tpu.dma_semaphore, #tpu.memory_space<semaphore_mem>>
    %dma_wait3A_289 = arith.constant 0 : i32
    %dma_wait3A_290 = tpu.memref_slice %arg5[%mul3A_278, %dma_wait3A_289] : memref<262144x64xf32, #tpu.memory_space<hbm>> -> memref<50x64xf32, #tpu.memory_space<hbm>>
    %dma_wait3A_291 = arith.constant 0 : i32
    %dma_wait3A_292 = arith.constant 0 : i32
    %dma_wait3A_293 = tpu.memref_slice %arg10[%dma_wait3A_279, %dma_wait3A_291, %dma_wait3A_292] : memref<6x100x64xf32, #tpu.memory_space<vmem>> -> memref<1x50x64xf32, #tpu.memory_space<vmem>>
    %dma_wait3A_294 = tpu.memref_squeeze %dma_wait3A_293 : memref<1x50x64xf32, #tpu.memory_space<vmem>> -> memref<50x64xf32, #tpu.memory_space<vmem>>
    tpu.wait_dma2 semaphore(%dma_wait3A_288 : memref<!tpu.dma_semaphore, #tpu.memory_space<semaphore_mem>>) src(%dma_wait3A_294 : memref<50x64xf32, #tpu.memory_space<vmem>>) dst(%dma_wait3A_290 : memref<50x64xf32, #tpu.memory_space<hbm>>)
    %add3A_295 = arith.constant 0 : i32
    %add3A_296 = arith.addi %mul3A_2, %add3A_295 : i32
    %add3A_297 = arith.constant 1 : i32
    %add3A_298 = arith.addi %add3A_296, %add3A_297 : i32
    %mul3A_299 = arith.constant 2 : i32
    %mul3A_300 = arith.muli %add3A_298, %mul3A_299 : i32
    %mul3A_301 = arith.constant 32 : i32
    %mul3A_302 = arith.muli %mul3A_300, %mul3A_301 : i32
    %dma_wait3A_303 = arith.constant 4 : i32
    %dma_wait3A_304 = arith.constant 4 : i32
    %dma_wait3A_305 = arith.constant 50 : i32
    %dma_wait3A_306 = arith.constant 0 : i32
    %dma_wait3A_307 = tpu.memref_slice %arg10[%dma_wait3A_303, %dma_wait3A_305, %dma_wait3A_306] : memref<6x100x64xf32, #tpu.memory_space<vmem>> -> memref<1x50x64xf32, #tpu.memory_space<vmem>>
    %dma_wait3A_308 = tpu.memref_squeeze %dma_wait3A_307 : memref<1x50x64xf32, #tpu.memory_space<vmem>> -> memref<50x64xf32, #tpu.memory_space<vmem>>
    %dma_wait3A_309 = arith.constant 0 : i32
    %dma_wait3A_310 = tpu.memref_slice %arg5[%mul3A_302, %dma_wait3A_309] : memref<262144x64xf32, #tpu.memory_space<hbm>> -> memref<50x64xf32, #tpu.memory_space<hbm>>
    %dma_wait3A_311 = tpu.memref_slice %arg12[%dma_wait3A_304] : memref<6x!tpu.dma_semaphore, #tpu.memory_space<semaphore_mem>> -> memref<1x!tpu.dma_semaphore, #tpu.memory_space<semaphore_mem>>
    %dma_wait3A_312 = tpu.memref_squeeze %dma_wait3A_311 : memref<1x!tpu.dma_semaphore, #tpu.memory_space<semaphore_mem>> -> memref<!tpu.dma_semaphore, #tpu.memory_space<semaphore_mem>>
    %dma_wait3A_313 = arith.constant 0 : i32
    %dma_wait3A_314 = tpu.memref_slice %arg5[%mul3A_302, %dma_wait3A_313] : memref<262144x64xf32, #tpu.memory_space<hbm>> -> memref<50x64xf32, #tpu.memory_space<hbm>>
    %dma_wait3A_315 = arith.constant 50 : i32
    %dma_wait3A_316 = arith.constant 0 : i32
    %dma_wait3A_317 = tpu.memref_slice %arg10[%dma_wait3A_303, %dma_wait3A_315, %dma_wait3A_316] : memref<6x100x64xf32, #tpu.memory_space<vmem>> -> memref<1x50x64xf32, #tpu.memory_space<vmem>>
    %dma_wait3A_318 = tpu.memref_squeeze %dma_wait3A_317 : memref<1x50x64xf32, #tpu.memory_space<vmem>> -> memref<50x64xf32, #tpu.memory_space<vmem>>
    tpu.wait_dma2 semaphore(%dma_wait3A_312 : memref<!tpu.dma_semaphore, #tpu.memory_space<semaphore_mem>>) src(%dma_wait3A_318 : memref<50x64xf32, #tpu.memory_space<vmem>>) dst(%dma_wait3A_314 : memref<50x64xf32, #tpu.memory_space<hbm>>)
    %add3A_319 = arith.constant 0 : i32
    %add3A_320 = arith.addi %mul3A_2, %add3A_319 : i32
    %add3A_321 = arith.constant 0 : i32
    %add3A_322 = arith.addi %add3A_320, %add3A_321 : i32
    %mul3A_323 = arith.constant 2 : i32
    %mul3A_324 = arith.muli %add3A_322, %mul3A_323 : i32
    %mul3A_325 = arith.constant 32 : i32
    %mul3A_326 = arith.muli %mul3A_324, %mul3A_325 : i32
    %dma_wait3A_327 = arith.constant 5 : i32
    %dma_wait3A_328 = arith.constant 5 : i32
    %dma_wait3A_329 = arith.constant 0 : i32
    %dma_wait3A_330 = arith.constant 0 : i32
    %dma_wait3A_331 = tpu.memref_slice %arg10[%dma_wait3A_327, %dma_wait3A_329, %dma_wait3A_330] : memref<6x100x64xf32, #tpu.memory_space<vmem>> -> memref<1x50x64xf32, #tpu.memory_space<vmem>>
    %dma_wait3A_332 = tpu.memref_squeeze %dma_wait3A_331 : memref<1x50x64xf32, #tpu.memory_space<vmem>> -> memref<50x64xf32, #tpu.memory_space<vmem>>
    %dma_wait3A_333 = arith.constant 0 : i32
    %dma_wait3A_334 = tpu.memref_slice %arg5[%mul3A_326, %dma_wait3A_333] : memref<262144x64xf32, #tpu.memory_space<hbm>> -> memref<50x64xf32, #tpu.memory_space<hbm>>
    %dma_wait3A_335 = tpu.memref_slice %arg12[%dma_wait3A_328] : memref<6x!tpu.dma_semaphore, #tpu.memory_space<semaphore_mem>> -> memref<1x!tpu.dma_semaphore, #tpu.memory_space<semaphore_mem>>
    %dma_wait3A_336 = tpu.memref_squeeze %dma_wait3A_335 : memref<1x!tpu.dma_semaphore, #tpu.memory_space<semaphore_mem>> -> memref<!tpu.dma_semaphore, #tpu.memory_space<semaphore_mem>>
    %dma_wait3A_337 = arith.constant 0 : i32
    %dma_wait3A_338 = tpu.memref_slice %arg5[%mul3A_326, %dma_wait3A_337] : memref<262144x64xf32, #tpu.memory_space<hbm>> -> memref<50x64xf32, #tpu.memory_space<hbm>>
    %dma_wait3A_339 = arith.constant 0 : i32
    %dma_wait3A_340 = arith.constant 0 : i32
    %dma_wait3A_341 = tpu.memref_slice %arg10[%dma_wait3A_327, %dma_wait3A_339, %dma_wait3A_340] : memref<6x100x64xf32, #tpu.memory_space<vmem>> -> memref<1x50x64xf32, #tpu.memory_space<vmem>>
    %dma_wait3A_342 = tpu.memref_squeeze %dma_wait3A_341 : memref<1x50x64xf32, #tpu.memory_space<vmem>> -> memref<50x64xf32, #tpu.memory_space<vmem>>
    tpu.wait_dma2 semaphore(%dma_wait3A_336 : memref<!tpu.dma_semaphore, #tpu.memory_space<semaphore_mem>>) src(%dma_wait3A_342 : memref<50x64xf32, #tpu.memory_space<vmem>>) dst(%dma_wait3A_338 : memref<50x64xf32, #tpu.memory_space<hbm>>)
    %add3A_343 = arith.constant 0 : i32
    %add3A_344 = arith.addi %mul3A_2, %add3A_343 : i32
    %add3A_345 = arith.constant 1 : i32
    %add3A_346 = arith.addi %add3A_344, %add3A_345 : i32
    %mul3A_347 = arith.constant 2 : i32
    %mul3A_348 = arith.muli %add3A_346, %mul3A_347 : i32
    %mul3A_349 = arith.constant 32 : i32
    %mul3A_350 = arith.muli %mul3A_348, %mul3A_349 : i32
    %dma_wait3A_351 = arith.constant 5 : i32
    %dma_wait3A_352 = arith.constant 5 : i32
    %dma_wait3A_353 = arith.constant 50 : i32
    %dma_wait3A_354 = arith.constant 0 : i32
    %dma_wait3A_355 = tpu.memref_slice %arg10[%dma_wait3A_351, %dma_wait3A_353, %dma_wait3A_354] : memref<6x100x64xf32, #tpu.memory_space<vmem>> -> memref<1x50x64xf32, #tpu.memory_space<vmem>>
    %dma_wait3A_356 = tpu.memref_squeeze %dma_wait3A_355 : memref<1x50x64xf32, #tpu.memory_space<vmem>> -> memref<50x64xf32, #tpu.memory_space<vmem>>
    %dma_wait3A_357 = arith.constant 0 : i32
    %dma_wait3A_358 = tpu.memref_slice %arg5[%mul3A_350, %dma_wait3A_357] : memref<262144x64xf32, #tpu.memory_space<hbm>> -> memref<50x64xf32, #tpu.memory_space<hbm>>
    %dma_wait3A_359 = tpu.memref_slice %arg12[%dma_wait3A_352] : memref<6x!tpu.dma_semaphore, #tpu.memory_space<semaphore_mem>> -> memref<1x!tpu.dma_semaphore, #tpu.memory_space<semaphore_mem>>
    %dma_wait3A_360 = tpu.memref_squeeze %dma_wait3A_359 : memref<1x!tpu.dma_semaphore, #tpu.memory_space<semaphore_mem>> -> memref<!tpu.dma_semaphore, #tpu.memory_space<semaphore_mem>>
    %dma_wait3A_361 = arith.constant 0 : i32
    %dma_wait3A_362 = tpu.memref_slice %arg5[%mul3A_350, %dma_wait3A_361] : memref<262144x64xf32, #tpu.memory_space<hbm>> -> memref<50x64xf32, #tpu.memory_space<hbm>>
    %dma_wait3A_363 = arith.constant 50 : i32
    %dma_wait3A_364 = arith.constant 0 : i32
    %dma_wait3A_365 = tpu.memref_slice %arg10[%dma_wait3A_351, %dma_wait3A_363, %dma_wait3A_364] : memref<6x100x64xf32, #tpu.memory_space<vmem>> -> memref<1x50x64xf32, #tpu.memory_space<vmem>>
    %dma_wait3A_366 = tpu.memref_squeeze %dma_wait3A_365 : memref<1x50x64xf32, #tpu.memory_space<vmem>> -> memref<50x64xf32, #tpu.memory_space<vmem>>
    tpu.wait_dma2 semaphore(%dma_wait3A_360 : memref<!tpu.dma_semaphore, #tpu.memory_space<semaphore_mem>>) src(%dma_wait3A_366 : memref<50x64xf32, #tpu.memory_space<vmem>>) dst(%dma_wait3A_362 : memref<50x64xf32, #tpu.memory_space<hbm>>)
    return
  }
}

module attributes {stable_mosaic.version = 14 : i64} {
  func.func @body(%arg0: i32, %arg1: memref<8192x128xf32, #tpu.memory_space<vmem>>, %arg2: memref<256x64xf32, #tpu.memory_space<vmem>>, %arg3: memref<128x2xf32, #tpu.memory_space<vmem>>, %arg4: memref<1x1xf32, #tpu.memory_space<vmem>>, %arg5: memref<64x128xf32, #tpu.memory_space<vmem>>, %arg6: memref<64x128xf32, #tpu.memory_space<vmem>>, %arg7: memref<1x128xf32, #tpu.memory_space<vmem>>, %arg8: memref<128x1xf32, #tpu.memory_space<vmem>>, %arg9: memref<1x1xf32, #tpu.memory_space<vmem>>, %arg10: memref<256x1xf32, #tpu.memory_space<vmem>>) attributes {dimension_semantics = [#tpu.dimension_semantics<arbitrary>], iteration_bounds = array<i64: 16>, scalar_prefetch = 0 : i64, scratch_operands = 0 : i64, tpu.core_type = #tpu.core_type<tc>, window_params = [{transform_indices = @transform_0, window_bounds = array<i64: 8192, 128>}, {transform_indices = @transform_1, window_bounds = array<i64: 256, 64>}, {pipeline_mode = #tpu.pipeline_mode<synchronous>, transform_indices = @transform_2, window_bounds = array<i64: 128, 2>}, {pipeline_mode = #tpu.pipeline_mode<synchronous>, transform_indices = @transform_3, window_bounds = array<i64: 1, 1>}, {pipeline_mode = #tpu.pipeline_mode<synchronous>, transform_indices = @transform_4, window_bounds = array<i64: 64, 128>}, {pipeline_mode = #tpu.pipeline_mode<synchronous>, transform_indices = @transform_5, window_bounds = array<i64: 64, 128>}, {pipeline_mode = #tpu.pipeline_mode<synchronous>, transform_indices = @transform_6, window_bounds = array<i64: 1, 128>}, {pipeline_mode = #tpu.pipeline_mode<synchronous>, transform_indices = @transform_7, window_bounds = array<i64: 128, 1>}, {pipeline_mode = #tpu.pipeline_mode<synchronous>, transform_indices = @transform_8, window_bounds = array<i64: 1, 1>}, {transform_indices = @transform_9, window_bounds = array<i64: 256, 1>}]} {
    %get3A = arith.constant 0 : index
    %get3A_0 = arith.constant 0 : index
    %get3A_1 = vector.load %arg1[%get3A, %get3A_0] : memref<8192x128xf32, #tpu.memory_space<vmem>>, vector<8192x128xf32>
    %get3A_2 = arith.constant 0 : index
    %get3A_3 = arith.constant 0 : index
    %get3A_4 = vector.load %arg3[%get3A_2, %get3A_3] : memref<128x2xf32, #tpu.memory_space<vmem>>, vector<128x2xf32>
    %dot_general3A = arith.constant dense<0.000000e+00> : vector<8192x2xf32>
    %dot_general3A_5 = tpu.matmul %get3A_1, %get3A_4, %dot_general3A {dimension_numbers = #tpu.dot_dimension_numbers<[1], [0], [0], [1], [0, 0, 1, 1], [], []>, transpose_lhs_hint = false} : vector<8192x128xf32>, vector<128x2xf32>, vector<8192x2xf32> -> vector<8192x2xf32>
    %iota3A = tpu.iota {dimensions = array<i32: 0>} : vector<8192x2xi32>
    %rem3A = arith.constant 32 : i32
    %rem3A_6 = vector.broadcast %rem3A : i32 to vector<8192x2xi32>
    %rem3A_7 = arith.remsi %iota3A, %rem3A_6 : vector<8192x2xi32>
    %lt3A = arith.constant 25 : i32
    %lt3A_8 = vector.broadcast %lt3A : i32 to vector<8192x2xi32>
    %lt3A_9 = arith.cmpi slt, %rem3A_7, %lt3A_8 : vector<8192x2xi32>
    %get3A_10 = arith.constant 0 : index
    %get3A_11 = arith.constant 0 : index
    %get3A_12 = vector.load %arg4[%get3A_10, %get3A_11] : memref<1x1xf32, #tpu.memory_space<vmem>>, vector<1x1xf32>
    %add3A = vector.broadcast %get3A_12 : vector<1x1xf32> to vector<8192x2xf32>
    %add3A_13 = arith.addf %dot_general3A_5, %add3A : vector<8192x2xf32>
    %tanh3A = math.tanh %add3A_13 : vector<8192x2xf32>
    %exp3A = math.exp %tanh3A : vector<8192x2xf32>
    %jit3A = arith.constant 0.000000e+00 : f32
    %broadcast_in_dim3A = vector.broadcast %jit3A : f32 to vector<8192x2xf32>
    %select_n3A = arith.select %lt3A_9, %exp3A, %broadcast_in_dim3A : vector<8192x2xi1>, vector<8192x2xf32>
    %slice3A = vector.extract_strided_slice %select_n3A {offsets = [0, 0], sizes = [8192, 1], strides = [1, 1]} : vector<8192x2xf32> to vector<8192x1xf32>
    %broadcast_in_dim3A_14 = vector.shape_cast %slice3A : vector<8192x1xf32> to vector<8192x1xf32>
    %broadcast_in_dim3A_15 = vector.broadcast %broadcast_in_dim3A_14 : vector<8192x1xf32> to vector<8192x64xf32>
    %slice3A_16 = vector.extract_strided_slice %select_n3A {offsets = [0, 1], sizes = [8192, 1], strides = [1, 1]} : vector<8192x2xf32> to vector<8192x1xf32>
    %broadcast_in_dim3A_17 = vector.shape_cast %slice3A_16 : vector<8192x1xf32> to vector<8192x1xf32>
    %broadcast_in_dim3A_18 = vector.broadcast %broadcast_in_dim3A_17 : vector<8192x1xf32> to vector<8192x64xf32>
    %concatenate3A = tpu.concatenate %broadcast_in_dim3A_15, %broadcast_in_dim3A_18 in 1 : vector<8192x64xf32>, vector<8192x64xf32> -> vector<8192x128xf32>
    %mul3A = arith.mulf %get3A_1, %concatenate3A : vector<8192x128xf32>
    %reshape3A = vector.shape_cast %mul3A : vector<8192x128xf32> to vector<256x32x128xf32>
    %reduce_sum3A = arith.constant dense<0.000000e+00> : vector<256x128xf32>
    %reduce_sum3A_19 = vector.multi_reduction <add>, %reshape3A, %reduce_sum3A [1] : vector<256x32x128xf32> to vector<256x128xf32>
    %reshape3A_20 = vector.shape_cast %select_n3A : vector<8192x2xf32> to vector<256x32x2xf32>
    %reduce_sum3A_21 = arith.constant dense<0.000000e+00> : vector<256x2xf32>
    %reduce_sum3A_22 = vector.multi_reduction <add>, %reshape3A_20, %reduce_sum3A_21 [1] : vector<256x32x2xf32> to vector<256x2xf32>
    %reduce_sum3A_23 = arith.constant dense<0.000000e+00> : vector<256xf32>
    %reduce_sum3A_24 = vector.multi_reduction <add>, %reduce_sum3A_22, %reduce_sum3A_23 [1] : vector<256x2xf32> to vector<256xf32>
    %broadcast_in_dim3A_25 = vector.shape_cast %reduce_sum3A_24 : vector<256xf32> to vector<256x1xf32>
    %slice3A_26 = vector.extract_strided_slice %reduce_sum3A_19 {offsets = [0, 0], sizes = [256, 64], strides = [1, 1]} : vector<256x128xf32> to vector<256x64xf32>
    %slice3A_27 = vector.extract_strided_slice %reduce_sum3A_19 {offsets = [0, 64], sizes = [256, 64], strides = [1, 1]} : vector<256x128xf32> to vector<256x64xf32>
    %add3A_28 = arith.addf %slice3A_26, %slice3A_27 : vector<256x64xf32>
    %div3A = vector.broadcast %broadcast_in_dim3A_25 : vector<256x1xf32> to vector<256x64xf32>
    %div3A_29 = arith.divf %add3A_28, %div3A : vector<256x64xf32>
    %get3A_30 = arith.constant 0 : index
    %get3A_31 = arith.constant 0 : index
    %get3A_32 = vector.load %arg5[%get3A_30, %get3A_31] : memref<64x128xf32, #tpu.memory_space<vmem>>, vector<64x128xf32>
    %dot_general3A_33 = arith.constant dense<0.000000e+00> : vector<256x128xf32>
    %dot_general3A_34 = tpu.matmul %div3A_29, %get3A_32, %dot_general3A_33 {dimension_numbers = #tpu.dot_dimension_numbers<[1], [0], [0], [1], [0, 0, 1, 1], [], []>, transpose_lhs_hint = false} : vector<256x64xf32>, vector<64x128xf32>, vector<256x128xf32> -> vector<256x128xf32>
    %get3A_35 = arith.constant 0 : index
    %get3A_36 = arith.constant 0 : index
    %get3A_37 = vector.load %arg2[%get3A_35, %get3A_36] : memref<256x64xf32, #tpu.memory_space<vmem>>, vector<256x64xf32>
    %get3A_38 = arith.constant 0 : index
    %get3A_39 = arith.constant 0 : index
    %get3A_40 = vector.load %arg6[%get3A_38, %get3A_39] : memref<64x128xf32, #tpu.memory_space<vmem>>, vector<64x128xf32>
    %dot_general3A_41 = arith.constant dense<0.000000e+00> : vector<256x128xf32>
    %dot_general3A_42 = tpu.matmul %get3A_37, %get3A_40, %dot_general3A_41 {dimension_numbers = #tpu.dot_dimension_numbers<[1], [0], [0], [1], [0, 0, 1, 1], [], []>, transpose_lhs_hint = false} : vector<256x64xf32>, vector<64x128xf32>, vector<256x128xf32> -> vector<256x128xf32>
    %add3A_43 = arith.addf %dot_general3A_34, %dot_general3A_42 : vector<256x128xf32>
    %get3A_44 = arith.constant 0 : index
    %get3A_45 = arith.constant 0 : index
    %get3A_46 = vector.load %arg7[%get3A_44, %get3A_45] : memref<1x128xf32, #tpu.memory_space<vmem>>, vector<1x128xf32>
    %add3A_47 = vector.broadcast %get3A_46 : vector<1x128xf32> to vector<256x128xf32>
    %add3A_48 = arith.addf %add3A_43, %add3A_47 : vector<256x128xf32>
    %max3A = arith.constant 0.000000e+00 : f32
    %max3A_49 = vector.broadcast %max3A : f32 to vector<256x128xf32>
    %max3A_50 = arith.maximumf %add3A_48, %max3A_49 : vector<256x128xf32>
    %get3A_51 = arith.constant 0 : index
    %get3A_52 = arith.constant 0 : index
    %get3A_53 = vector.load %arg8[%get3A_51, %get3A_52] : memref<128x1xf32, #tpu.memory_space<vmem>>, vector<128x1xf32>
    %dot_general3A_54 = arith.constant dense<0.000000e+00> : vector<256x1xf32>
    %dot_general3A_55 = tpu.matmul %max3A_50, %get3A_53, %dot_general3A_54 {dimension_numbers = #tpu.dot_dimension_numbers<[1], [0], [0], [1], [0, 0, 1, 1], [], []>, transpose_lhs_hint = false} : vector<256x128xf32>, vector<128x1xf32>, vector<256x1xf32> -> vector<256x1xf32>
    %get3A_56 = arith.constant 0 : index
    %get3A_57 = arith.constant 0 : index
    %get3A_58 = vector.load %arg9[%get3A_56, %get3A_57] : memref<1x1xf32, #tpu.memory_space<vmem>>, vector<1x1xf32>
    %add3A_59 = vector.broadcast %get3A_58 : vector<1x1xf32> to vector<256x1xf32>
    %add3A_60 = arith.addf %dot_general3A_55, %add3A_59 : vector<256x1xf32>
    %logistic3A = arith.negf %add3A_60 : vector<256x1xf32>
    %logistic3A_61 = math.exp %logistic3A : vector<256x1xf32>
    %logistic3A_62 = arith.constant 1.000000e+00 : f32
    %logistic3A_63 = vector.broadcast %logistic3A_62 : f32 to vector<256x1xf32>
    %logistic3A_64 = arith.addf %logistic3A_63, %logistic3A_61 : vector<256x1xf32>
    %logistic3A_65 = arith.divf %logistic3A_63, %logistic3A_64 : vector<256x1xf32>
    %swap3A = arith.constant 0 : index
    %swap3A_66 = arith.constant 0 : index
    %swap3A_67 = vector.load %arg10[%swap3A, %swap3A_66] : memref<256x1xf32, #tpu.memory_space<vmem>>, vector<256x1xf32>
    tpu.vector_store %arg10[%swap3A, %swap3A_66], %logistic3A_65 {strides = array<i32>} : memref<256x1xf32, #tpu.memory_space<vmem>>, vector<256x1xf32>,
    return
  }
  func.func @transform_0(%arg0: i32) -> (i32, i32) {
    %c0_i32 = arith.constant 0 : i32
    %c0_i32_0 = arith.constant 0 : i32
    return %arg0, %c0_i32 : i32, i32
  }
  func.func @transform_1(%arg0: i32) -> (i32, i32) {
    %c0_i32 = arith.constant 0 : i32
    %c0_i32_0 = arith.constant 0 : i32
    return %arg0, %c0_i32 : i32, i32
  }
  func.func @transform_2(%arg0: i32) -> (i32, i32) {
    %c0_i32 = arith.constant 0 : i32
    %c0_i32_0 = arith.constant 0 : i32
    %c0_i32_1 = arith.constant 0 : i32
    return %c0_i32, %c0_i32_0 : i32, i32
  }
  func.func @transform_3(%arg0: i32) -> (i32, i32) {
    %c0_i32 = arith.constant 0 : i32
    %c0_i32_0 = arith.constant 0 : i32
    %c0_i32_1 = arith.constant 0 : i32
    return %c0_i32, %c0_i32_0 : i32, i32
  }
  func.func @transform_4(%arg0: i32) -> (i32, i32) {
    %c0_i32 = arith.constant 0 : i32
    %c0_i32_0 = arith.constant 0 : i32
    %c0_i32_1 = arith.constant 0 : i32
    return %c0_i32, %c0_i32_0 : i32, i32
  }
  func.func @transform_5(%arg0: i32) -> (i32, i32) {
    %c0_i32 = arith.constant 0 : i32
    %c0_i32_0 = arith.constant 0 : i32
    %c0_i32_1 = arith.constant 0 : i32
    return %c0_i32, %c0_i32_0 : i32, i32
  }
  func.func @transform_6(%arg0: i32) -> (i32, i32) {
    %c0_i32 = arith.constant 0 : i32
    %c0_i32_0 = arith.constant 0 : i32
    %c0_i32_1 = arith.constant 0 : i32
    return %c0_i32, %c0_i32_0 : i32, i32
  }
  func.func @transform_7(%arg0: i32) -> (i32, i32) {
    %c0_i32 = arith.constant 0 : i32
    %c0_i32_0 = arith.constant 0 : i32
    %c0_i32_1 = arith.constant 0 : i32
    return %c0_i32, %c0_i32_0 : i32, i32
  }
  func.func @transform_8(%arg0: i32) -> (i32, i32) {
    %c0_i32 = arith.constant 0 : i32
    %c0_i32_0 = arith.constant 0 : i32
    %c0_i32_1 = arith.constant 0 : i32
    return %c0_i32, %c0_i32_0 : i32, i32
  }
  func.func @transform_9(%arg0: i32) -> (i32, i32) {
    %c0_i32 = arith.constant 0 : i32
    %c0_i32_0 = arith.constant 0 : i32
    return %arg0, %c0_i32 : i32, i32
  }
}

</mosaic_0001>

<sc_bundles>
// kernel: kernel.10.cloned.1.call-start
scs
__scs_entry_jumppad:
0x0: {  	(pc) =	sbr.rel $0x88, $3  }
0x1: {  	(tag) =	ssettag $0x0;
	lr =	simm.s32 $0x1  }
0x2: {  	[smem:$0x3F98] =	sst lr;
	_ =	strace $0xD0000000  }
0x3: {  	_ = 	snop  }
0x4: {  	_ = 	snop  }
0x5: {  	_ = 	snop  }
0x6: {  	_ = 	snop  }
0x7: {  	_ = 	snop  }
__scs_overlays_trampoline_lowered:
0x8: {  	[smem:$0x3FA7] =	sst s0  }
0x9: {  	[smem:$0x3FA8] =	sst s1  }
0xa: {  	[smem:$0x3FA9] =	sst s2  }
0xb: {  	[smem:$0x3FAA] =	sst s3  }
0xc: {  	[smem:$0x3FAB] =	sst s4  }
0xd: {  	[smem:$0x3FAC] =	sst s5  }
0xe: {  	[smem:$0x3FAD] =	sst s6  }
0xf: {  	[smem:$0x3FAE] =	sst s7  }
0x10: {  	[smem:$0x3FAF] =	sst s8  }
0x11: {  	[smem:$0x3FB0] =	sst s9;
	s0 =	simm.s32 @!p0 $0x0  }
0x12: {  	s1 =	sld [smem:$0x3F96];
	s0 =	simm.s32 @p0 $0x1  }
0x13: {  	[smem:$0x3FB1] =	sst s0;
	s0 =	simm.s32 @!p1 $0x0  }
0x14: {  	s2 =	sld [smem:$0x3F95];
	s0 =	simm.s32 @p1 $0x1  }
0x15: {  	[smem:$0x3FB2] =	sst s0;
	s0 =	simm.s32 @!p2 $0x0  }
0x16: {  	s3 =	sld [smem:$0x3FDB];
	s0 =	simm.s32 @p2 $0x1  }
0x17: {  	s4 =	simm.s32 $0x1BF5;
	[smem:$0x3FB4] =	sst s0  }
0x18: {  	s0 =	sld [smem:$0x3F97];
	_ =	swait.ge [sflag:s4], $0x0  }
0x19: {  	s7 =	sld [smem:$0x3F98]  }
0x1a: {  	s8 =	sadd.s32 $0xFFFFE003, lr  }
0x1b: {  	s9 =	sadd.s32 $0xFFFFFEF7, lr;
	s5 =	simm.s32 $0xFFFFFFFF;
	p2 =	slt.u32 s8, $0xFFFFF086  }
0x1c: {  	p1 =	slt.u32 s9, $0xF7A;
	s5 =	simm.s32 @!p2 $0x0  }
0x1d: {  	s5 =	simm.s32 @p1 $0x1;
	p0 =	seq.s32 s7, s2  }
0x1e: {  	s7 =	smul.u32 @!p0 $0xF7A, s2;
	p2 =	seq.s32 @!p0 s5, $0x0  }
0x1f: {  	s9 =	smul.u32 $0xF7A, s1;
	s8 =	simm.s32 @!p0 $0x1BF5;
	p2 =	por !p2, p0  }
0x20: {  	[sflag:s8] =	ssyncset.s32 @!p0 $0xFFFFF086;
	s6 =	sadd.s32 @!p0 s3, s7;
	s7 =	simm.s32 @!p0 $0x108  }
0x21: {  	s3 =	sadd.s32 s3, s9;
	s6 =	sadd.s32 @!p0 $0x88, s6;
	s7 =	simm.s32 @p2 $0x1082  }
0x22: {  	[simem:s7], [sflag:s8] =	dma.local @!p0 [hbm:s6], $0xF7A  }
0x23: {  	s9 =	sor.u32 $0xD0000000, s2;
	s6 =	simm.s32 $0x108;
	_ =	swait.ge @!p0 [sflag:s8], $0x0  }
0x24: {  	s3 =	sadd.s32 $0x88, s3;
	s6 =	simm.s32 @!p1 $0x1082;
	[sflag:s4] =	ssyncset.s32 $0xFFFFF086  }
0x25: {  	[simem:s6], [sflag:s4] =	dma.local [hbm:s3], $0xF7A  }
0x26: {  	[smem:$0x3F98] =	sst s1;
	(tag) =	ssettag s2;
	_ =	strace s9  }
0x27: {  	s1 =	sld [smem:$0x3FA8]  }
0x28: {  	s2 =	sld [smem:$0x3FA9]  }
0x29: {  	s4 =	sld [smem:$0x3FAB]  }
0x2a: {  	p0 =	seq.s32 s5, $0x0;
	s5 =	sld [smem:$0x3FAC]  }
0x2b: {  	s6 =	sld [smem:$0x3FAD]  }
0x2c: {  	s7 =	sld [smem:$0x3FAE]  }
0x2d: {  	s3 =	simm.s32 $0x108;
	s8 =	sld [smem:$0x3FAF]  }
0x2e: {  	s3 =	simm.s32 @!p0 $0x1082;
	s9 =	sld [smem:$0x3FB0]  }
0x2f: {  	lr =	sadd.s32 s0, s3;
	s0 =	sld [smem:$0x3FA7]  }
0x30: {  	s3 =	sld [smem:$0x3FAA]  }
0x31: {  	[smem:$0x3FB3] =	sst s10  }
0x32: {  	s10 =	sld [smem:$0x3FB1];
	_ =	sdelay $0x3  }
0x33: {  	p0 =	seq.s32 s10, $0x1;
	s10 =	sld [smem:$0x3FB3];
	_ =	sdelay $0x3  }
0x34: {  	[smem:$0x3FB3] =	sst s10  }
0x35: {  	s10 =	sld [smem:$0x3FB2];
	_ =	sdelay $0x3  }
0x36: {  	p1 =	seq.s32 s10, $0x1;
	s10 =	sld [smem:$0x3FB3];
	_ =	sdelay $0x3  }
0x37: {  	[smem:$0x3FB3] =	sst s10  }
0x38: {  	s10 =	sld [smem:$0x3FB4]  }
0x39: {  	_ = 	snop;
	(pc) =	sbr.ind lr, $3  }
0x3a: {  	_ = 	snop  }
0x3b: {  	_ = 	snop  }
0x3c: {  	p2 =	seq.s32 s10, $0x1;
	s10 =	sld [smem:$0x3FB3]  }
0x3d: {  	_ =	shalt  }
0x3e: {  	_ =	shalt  }
0x3f: {  	_ =	shalt  }
0x40: {  	_ =	shalt  }
0x41: {  	_ =	shalt  }
0x42: {  	_ =	shalt  }
0x43: {  	_ =	shalt  }
0x44: {  	_ =	shalt  }
0x45: {  	_ =	shalt  }
0x46: {  	_ =	shalt  }
0x47: {  	_ =	shalt  }
0x48: {  	_ =	shalt  }
0x49: {  	_ =	shalt  }
0x4a: {  	_ =	shalt  }
0x4b: {  	_ =	shalt  }
0x4c: {  	_ =	shalt  }
0x4d: {  	_ =	shalt  }
0x4e: {  	_ =	shalt  }
0x4f: {  	_ =	shalt  }
0x50: {  	_ =	shalt  }
0x51: {  	_ =	shalt  }
0x52: {  	_ =	shalt  }
0x53: {  	_ =	shalt  }
0x54: {  	_ =	shalt  }
0x55: {  	_ =	shalt  }
0x56: {  	_ =	shalt  }
0x57: {  	_ =	shalt  }
0x58: {  	_ =	shalt  }
0x59: {  	_ =	shalt  }
0x5a: {  	_ =	shalt  }
0x5b: {  	_ =	shalt  }
0x5c: {  	_ =	shalt  }
0x5d: {  	_ =	shalt  }
0x5e: {  	_ =	shalt  }
0x5f: {  	_ =	shalt  }
0x60: {  	_ =	shalt  }
0x61: {  	_ =	shalt  }
0x62: {  	_ =	shalt  }
0x63: {  	_ =	shalt  }
0x64: {  	_ =	shalt  }
0x65: {  	_ =	shalt  }
0x66: {  	_ =	shalt  }
0x67: {  	_ =	shalt  }
0x68: {  	_ =	shalt  }
0x69: {  	_ =	shalt  }
0x6a: {  	_ =	shalt  }
0x6b: {  	_ =	shalt  }
0x6c: {  	_ =	shalt  }
0x6d: {  	_ =	shalt  }
0x6e: {  	_ =	shalt  }
0x6f: {  	_ =	shalt  }
0x70: {  	_ =	shalt  }
0x71: {  	_ =	shalt  }
0x72: {  	_ =	shalt  }
0x73: {  	_ =	shalt  }
0x74: {  	_ =	shalt  }
0x75: {  	_ =	shalt  }
0x76: {  	_ =	shalt  }
0x77: {  	_ =	shalt  }
0x78: {  	_ =	shalt  }
0x79: {  	_ =	shalt  }
0x7a: {  	_ =	shalt  }
0x7b: {  	_ =	shalt  }
0x7c: {  	_ =	shalt  }
0x7d: {  	_ =	shalt  }
0x7e: {  	_ =	shalt  }
0x7f: {  	_ =	shalt  }
0x80: {  	_ =	shalt  }
0x81: {  	_ =	shalt  }
0x82: {  	_ =	shalt  }
0x83: {  	_ =	shalt  }
0x84: {  	_ =	shalt  }
0x85: {  	_ =	shalt  }
0x86: {  	_ =	shalt  }
0x87: {  	_ =	shalt  }
.Lfunc_end0:
.L_simem_size_0:
called_computation_lowered:
.L_overlay_start_0:
0x88: {  	s2 =	sld [smem:$0x3FD9]  }
0x89: {  	s3 =	sld [smem:$0x3FFE];
	_ =	sdelay $0x1  }
0x8a: {  	s1 =	srdreg.scid  }
0x8b: {  	s0 =	sand.u32 $0x1, s1  }
0x8c: {  	s17 =	sshll.u32 s0, $0xA;
	s2 =	sadd.s32 s3, s2  }
0x8d: {  	s2 =	sadd.s32 s2, s17  }
0x8e: {  	[smem:$0x3FBF] =	sst s2  }
0x8f: {  	_ = 	snop  }
0x90: {  	s18 =	sld [smem:$0x3FD0];
	(tm) =	ssettm $0x1  }
0x91: {  	s19 =	sld [smem:$0x3FFB];
	_ =	sdelay $0x3  }
0x92: {  	_ =	strace s19  }
0x93: {  	s2 =	sld [smem:$0x3FFC];
	_ =	sdelay $0x3  }
0x94: {  	_ =	strace s2  }
0x95: {  	s2 =	sld [smem:$0x3FFD];
	_ =	sdelay $0x3  }
0x96: {  	_ =	strace s2  }
0x97: {  	_ =	strace $0x8FFFFFFF  }
0x98: {  	s20 =	sld [smem:$0x3FDB];
	_ =	sdelay $0x1  }
0x99: {  	s4 =	simm.s32 $_scs_section_size  }
0x9a: {  	s5 =	simm.s32 $_size__tile_overlayer_lowered;
	s6 =	simm.s32 $_tile_overlayer_lowered  }
0x9b: {  	s7 =	simm.s32 $0x1BFF;
	s21 =	sshll.u32 s6, $0x1;
	s4 =	sadd.s32 s4, s20  }
0x9c: {  	s22 =	simm.s32 $0x0;
	s5 =	sshll.u32 s5, $0x1;
	s6 =	sadd.s32 s21, s4  }
0x9d: {  	[timem:s22], [sflag:s7] =	dma.local [hbm:s6], s5  }
0x9e: {  	_ =	swait.ge [sflag:s7], s5  }
0x9f: {  	s5 =	ssub.s32 $0x0, s5;
	[sflag:s7] =	ssyncset.done $0x0  }
0xa0: {  	[sflag:s7] =	ssyncadd.s32 s5;
	_ =	sdelay $0x1  }
0xa1: {  	s23 =	simm.s32 $0x1B8B  }
0xa2: {  	_ =	swait.ge [sflag:s23], $0x1  }
0xa3: {  	[sflag:s23] =	ssyncset.done $0x0  }
0xa4: {  	[sflag:s23] =	ssyncadd.s32 $0xFFFFFFFF  }
0xa5: {  	s5 =	sld [smem:$0x0]  }
0xa6: {  	s6 =	sand.u32 $0xFFFFFFFE, s1  }
0xa7: {  	p0 =	sne.s32 s1, s6  }
0xa8: {  	s6 =	sshll.u32 @p0 s6, $0xE  }
0xa9: {  	s6 =	sadd.s32 @p0 $0x11B8D, s6;
	s7 =	sshll.u32 @p0 s5, $0x11  }
0xaa: {  	s6 =	sor.u32 @p0 s7, s6  }
0xab: {  	[sflag:s6] =	ssyncadd.remote.s32 @p0 $0x1;
	_ =	sdelay $0x1  }
0xac: {  	s6 =	simm.s32 @p0 $0x1B8D  }
0xad: {  	_ =	swait.eq @p0 [sflag:s6], $0x1  }
0xae: {  	[sflag:s6] =	ssyncadd.s32 @p0 $0xFFFFFFFF  }
0xaf: {  	s7 =	sshll.u32 @!p0 s1, $0xE  }
0xb0: {  	s7 =	sor.u32 @!p0 $0x4000, s7;
	s6 =	simm.s32 @!p0 $0x1B8D  }
0xb1: {  	s5 =	sshll.u32 @!p0 s5, $0x11;
	s7 =	sadd.s32 @!p0 $0x11B8D, s7;
	_ =	swait.eq @!p0 [sflag:s6], $0x1  }
0xb2: {  	s5 =	sor.u32 @!p0 s5, s7;
	[sflag:s6] =	ssyncadd.s32 @!p0 $0xFFFFFFFF  }
0xb3: {  	s25 =	simm.s32 $0x1B8E;
	s24 =	sld [smem:$0x3FFE];
	[sflag:s5] =	ssyncadd.remote.s32 @!p0 $0x1  }
0xb4: {  	s26 =	simm.s32 $execute0_lowered;
	[smem:$0x3FD2] =	sst s25  }
0xb5: {  	s6 =	sshll.u32 s26, $0x1;
	_ =	strace $0x8000004F;
	[dreg:$0x1] =	wrdreg $0xFFFFFFFF  }
0xb6: {  	s28 =	simm.s32 $_size_execute0_lowered;
	s4 =	sadd.s32 s4, s6;
	[dreg:$0x0] =	wrdreg $0x0  }
0xb7: {  	s6 =	sshll.u32 s28, $0x1;
	[dreg:$0x2] =	wrdreg s4  }
0xb8: {  	[dreg:$0x3] =	wrdreg s6  }
0xb9: {  	[dreg:$0x4] =	wrdreg $0xC0  }
0xba: {  	_ =	task [dreg:s22], $0x5FFFF  }
0xbb: {  	[dreg:$0x1] =	wrdreg $0xFFFFFFFF  }
0xbc: {  	[dreg:$0x0] =	wrdreg $0x60  }
0xbd: {  	[dreg:$0x2] =	wrdreg s24  }
0xbe: {  	[dreg:$0x3] =	wrdreg s18  }
0xbf: {  	[dreg:$0x4] =	wrdreg $0x9  }
0xc0: {  	_ =	task.clear_ibuf [dreg:s22], $0x5FFFF;
	_ =	strace $0x9000004F  }
0xc1: {  	s29 =	simm.s32 $0x9;
	_ =	strace $0x80000051  }
0xc2: {  	_ =	swait.ge [sflag:s29], $0x1  }
0xc3: {  	[sflag:s29] =	ssyncadd.s32 $0xFFFFFFFF  }
0xc4: {  	_ =	strace $0x90000051  }
0xc5: {  	_ =	sfence  }
0xc6: {  	s30 =	sld [smem:$0x0];
	_ =	sdelay $0x2  }
0xc7: {  	s31 =	sshll.u32 s1, $0xD;
	s1 =	sshrl.u32 s1, $0x2  }
0xc8: {  	s4 =	sand.u32 $0x4000, s31;
	s1 =	sadd.s32 s1, s30  }
0xc9: {  	s0 =	sor.u32 s4, s0;
	s1 =	sshll.u32 s1, $0x11  }
0xca: {  	s0 =	sor.u32 s1, s0  }
0xcb: {  	s0 =	sadd.s32 $0x8F2B, s0  }
0xcc: {  	[sflag:s0] =	ssyncadd.remote.s32 $0x1  }
0xcd: {  	_ =	sfence.sel $0xFFFF  }
0xce: {  	[dreg:$0x0] =	wrdreg $0xFFFFFFFF;
	(pc) =	sbr.abs _section_cstart, $3  }
0xcf: {  	[dreg:$0x1] =	wrdreg $0xFFFFFFFF  }
0xd0: {  	_ =	task.clear_ibuf [dreg:s22], $0x2FFFF;
	_ =	strace $0x9FFFFFFF  }
0xd1: {  	(tm) =	ssettm $0x7FFFFFFF  }
tec
execute0_lowered:
.L_overlay_start_1:
0x0: {  	(tag) =	ssettag $0x1  }
0x1: {  	s0 =	srdreg.scid;
	s1 =	rddreg [dreg:$0x0]  }
0x2: {  	s10 =	stileid.u32;
	s5 =	rddreg [dreg:$0x1];
	s12 =	simm.s32 $0x1A80  }
0x3: {  	s13 =	simm.s32 $0xD;
	s14 =	simm.s32 $0x64;
	s19 =	simm.s32 $0x6C80  }
0x4: {  	s20 =	simm.s32 $0x138;
	s21 =	simm.s32 $0x8580;
	s22 =	simm.s32 $0x7  }
0x5: {  	s23 =	simm.s32 $0x8;
	s24 =	simm.s32 $0x9;
	s28 =	simm.s32 $0xC  }
0x6: {  	s29 =	simm.s32 $0x0;
	s0 =	sand.u32 $0x1, s0;
	s30 =	sshll.u32 s10, $0x10  }
0x7: {  	s2 =	sshll.u32 s0, $0x4;
	s7 =	sshll.u32 s0, $0x14;
	s0 =	ssub.s32 $0x2, s0  }
0x8: {  	s4 =	sor.u32 s10, s2;
	s2 =	simm.s32 $0x0;
	s8 =	sadd.s32 s7, s1  }
0x9: {  	s9 =	sshrl.u32 s0, $0x1;
	s10 =	simm.s32 $0x1A00;
	s3 =	smul.u32 $0x340, s4  }
0xa: {  	[smem:$0x7FF] =	sst s2;
	s25 =	sshll.u32 s4, $0xA;
	s0 =	ssub.s32 s0, s9  }
.Ltmp0:
0xb: {  	s26 =	sshll.u32 s4, $0x4;
	s31 =	sadd.s32 s30, s8;
	(pc) =	sbr.rel .LBB2_1-.Ltmp0, $4  }
0xc: {  	s9 =	simm.s32 $0xE;
	_ =	strace $0x80000050;
	s5 =	sadd.s32 s5, s26  }
0xd: {  	s26 =	simm.s32 $0xB;
	s6 =	sadd.s32 s3, s1;
	s3 =	sadd.s32 $0xF46000, s1  }
0xe: {  	s1 =	sadd.s32 s25, s1;
	s25 =	simm.s32 $0xA;
	s4 =	sadd.s32 $0x632A00, s6  }
0xf: {  	s7 =	smax.u32 s0, $0x1;
	s6 =	sadd.s32 $0x639200, s1;
	s1 =	sadd.s32 $0x641400, s31  }
.LBB2_7:
0x10: {  	_ =	swait.ge [sflag:s22], $0xC80  }
0x11: {  	[sflag:s22] =	ssyncset.done $0x0  }
0x12: {  	[sflag:s22] =	ssyncadd.s32 $0xFFFFF380  }
0x13: {  	_ =	swait.ge [sflag:s22], $0xC80  }
0x14: {  	[sflag:s22] =	ssyncset.done $0x0  }
0x15: {  	[sflag:s22] =	ssyncadd.s32 $0xFFFFF380  }
0x16: {  	_ =	swait.ge [sflag:s23], $0xC80  }
0x17: {  	[sflag:s23] =	ssyncset.done $0x0  }
0x18: {  	[sflag:s23] =	ssyncadd.s32 $0xFFFFF380  }
0x19: {  	_ =	swait.ge [sflag:s23], $0xC80  }
0x1a: {  	[sflag:s23] =	ssyncset.done $0x0  }
0x1b: {  	[sflag:s23] =	ssyncadd.s32 $0xFFFFF380  }
0x1c: {  	_ =	swait.ge [sflag:s24], $0xC80  }
0x1d: {  	[sflag:s24] =	ssyncset.done $0x0  }
0x1e: {  	[sflag:s24] =	ssyncadd.s32 $0xFFFFF380  }
0x1f: {  	_ =	swait.ge [sflag:s24], $0xC80  }
0x20: {  	[sflag:s24] =	ssyncset.done $0x0  }
0x21: {  	[sflag:s24] =	ssyncadd.s32 $0xFFFFF380  }
0x22: {  	_ =	swait.ge [sflag:s25], $0xC80  }
0x23: {  	[sflag:s25] =	ssyncset.done $0x0  }
0x24: {  	[sflag:s25] =	ssyncadd.s32 $0xFFFFF380  }
0x25: {  	_ =	swait.ge [sflag:s25], $0xC80  }
0x26: {  	[sflag:s25] =	ssyncset.done $0x0  }
0x27: {  	[sflag:s25] =	ssyncadd.s32 $0xFFFFF380  }
0x28: {  	_ =	swait.ge [sflag:s26], $0xC80  }
0x29: {  	[sflag:s26] =	ssyncset.done $0x0  }
0x2a: {  	[sflag:s26] =	ssyncadd.s32 $0xFFFFF380  }
0x2b: {  	_ =	swait.ge [sflag:s26], $0xC80  }
0x2c: {  	[sflag:s26] =	ssyncset.done $0x0  }
0x2d: {  	s29 =	sadd.s32 $0x1, s29;
	[sflag:s26] =	ssyncadd.s32 $0xFFFFF380  }
0x2e: {  	p0 =	sne.s32 s29, s7;
	_ =	swait.ge [sflag:s28], $0xC80  }
.Ltmp1:
0x2f: {  	[sflag:s28] =	ssyncset.done $0x0;
	(pc) =	sbr.rel @!p0 .LBB2_8-.Ltmp1, $4  }
0x30: {  	[sflag:s28] =	ssyncadd.s32 $0xFFFFF380  }
0x31: {  	_ =	swait.ge [sflag:s28], $0xC80  }
0x32: {  	[sflag:s28] =	ssyncset.done $0x0  }
0x33: {  	[sflag:s28] =	ssyncadd.s32 $0xFFFFF380  }
.LBB2_1:
0x34: {  	[tilespmem:s2], [sflag:$0xE] =	stream.linear.gather [hbm4b:s4+s2], $0x1A00, $0x38;
	[tilespmem:$0xD080] =	vst v63  }
0x35: {  	_ =	swait.ge [sflag:s9], $0x1A00  }
0x36: {  	[sflag:s9] =	ssyncset.done $0x0  }
0x37: {  	[sflag:s9] =	ssyncadd.s32 $0xFFFFE600  }
0x38: {  	[tilespmem:s10], [sflag:$0xE] =	stream.linear.gather [hbm4b:s5+s2], $0x80, $0x38;
	[tilespmem:$0xD080] =	vst v63  }
0x39: {  	_ =	swait.ge [sflag:s9], $0x80  }
0x3a: {  	[sflag:s9] =	ssyncset.done $0x0  }
0x3b: {  	s0 =	simm.s32 $0x80;
	[sflag:s9] =	ssyncadd.s32 $0xFFFFFF80  }
0x3c: {  	[tilespmem:s12], [sflag:$0xD] =	stream.indirect.gather [hbm4b:s3+s0], $0x40, s10, s0, $0xb8;
	[tilespmem:$0xD080] =	vst v63  }
0x3d: {  	_ =	swait.ge [sflag:s13], $0x2000  }
0x3e: {  	[sflag:s13] =	ssyncset.done $0x0  }
0x3f: {  	[sflag:s13] =	ssyncadd.s32 $0xFFFFE000  }
0x40: {  	[hbm4b:s6+s2] =	stream.linear.scatter [tilespmem:s12], [sflag:$0xE], $0x2000, $0x38;
	[tilespmem:$0xD080] =	vst v63  }
0x41: {  	_ =	swait.ge [sflag:s9], $0x2000  }
0x42: {  	[sflag:s9] =	ssyncset.done $0x0  }
0x43: {  	s16 =	simm.s32 $0x3A80;
	[sflag:s9] =	ssyncadd.s32 $0xFFFFE000  }
0x44: {  	[tilespmem:s16], [sflag:$0x1] =	stream.indirect.gather [hbm4b:s3+s14], $0x40, s2, s14, $0xb8;
	[tilespmem:$0xD080] =	vst v63  }
0x45: {  	s17 =	simm.s32 $0x68;
	s8 =	simm.s32 $0x5380  }
0x46: {  	[tilespmem:s8], [sflag:$0x2] =	stream.indirect.gather [hbm4b:s3+s14], $0x40, s17, s14, $0xb8;
	[tilespmem:$0xD080] =	vst v63  }
.Ltmp2:
0x47: {  	_ = 	snop;
	(pc) =	sbr.rel .LBB2_2-.Ltmp2, $4  }
0x48: {  	s18 =	simm.s32 $0xD0  }
0x49: {  	[tilespmem:s19], [sflag:$0x3] =	stream.indirect.gather [hbm4b:s3+s14], $0x40, s18, s14, $0xb8;
	[tilespmem:$0xD080] =	vst v63  }
0x4a: {  	s30 =	simm.s32 $0xFFFFFFFE;
	s31 =	simm.s32 $0x1A0;
	s8 =	smov.u32 s1  }
0x4b: {  	[tilespmem:s21], [sflag:$0x4] =	stream.indirect.gather [hbm4b:s3+s14], $0x40, s20, s14, $0xb8;
	[tilespmem:$0xD080] =	vst v63  }
.LBB2_3:
0x4c: {  	s0 =	sadd.s32 $0x7, s11  }
0x4d: {  	_ =	swait.ge [sflag:s0], $0xC80  }
0x4e: {  	[sflag:s0] =	ssyncset.done $0x0  }
0x4f: {  	[sflag:s0] =	ssyncadd.s32 $0xFFFFF380  }
0x50: {  	_ =	swait.ge [sflag:s0], $0xC80  }
0x51: {  	[sflag:s0] =	ssyncset.done $0x0  }
0x52: {  	[sflag:s0] =	ssyncadd.s32 $0xFFFFF380  }
.LBB2_5:
0x53: {  	s0 =	smul.u32 $0x6400, s11;
	_ =	sdelay $0x1  }
0x54: {  	s0 =	sshrl.u32 s0, $0x2  }
0x55: {  	s18 =	sadd.s32 $0x1, s11;
	s0 =	sadd.s32 $0x3A80, s0  }
0x56: {  	[tilespmem:s0], [sflag:s18] =	stream.indirect.gather [hbm4b:s3+s14], $0x40, s31, s14, $0xb8;
	[tilespmem:$0xD080] =	vst v63  }
.LBB2_6:
0x57: {  	s30 =	sadd.s32 $0x1, s30  }
0x58: {  	p0 =	sne.s32 s30, $0x3E  }
.Ltmp3:
0x59: {  	_ = 	snop;
	(pc) =	sbr.rel @!p0 .LBB2_7-.Ltmp3, $2  }
0x5a: {  	_ =	sdelay $0x2  }
0x5b: {  	s31 =	sadd.s32 $0x68, s31;
	s8 =	sadd.s32 $0x400, s8  }
.LBB2_2:
0x5c: {  	s11 =	smul.u32 $0xAB, s30;
	_ =	sdelay $0x1  }
0x5d: {  	s0 =	sadd.s32 $0x156, s11  }
0x5e: {  	s0 =	sshrl.u32 s0, $0xA  }
0x5f: {  	s0 =	sand.u32 $0x3F, s0  }
0x60: {  	s11 =	sadd.s32 $0x402, s11;
	s15 =	smul.u32 $0x6, s0  }
0x61: {  	s11 =	sshrl.u32 s11, $0xA;
	s0 =	sadd.s32 $0x2, s30  }
0x62: {  	s11 =	sand.u32 $0x3F, s11;
	s15 =	ssub.s32 s0, s15  }
0x63: {  	s11 =	smul.u32 $0x6, s11;
	s15 =	sand.u32 $0xFF, s15  }
0x64: {  	s16 =	sadd.s32 $0x1, s15  }
0x65: {  	s11 =	ssub.s32 s30, s11;
	s17 =	smul.u32 $0x6400, s15;
	_ =	swait.ge [sflag:s16], $0x1900  }
0x66: {  	p0 =	sgt.u32 s30, $0x39;
	s11 =	sadd.s32 $0x6, s11;
	[sflag:s16] =	ssyncset.done $0x0  }
.Ltmp4:
0x67: {  	[sflag:s16] =	ssyncadd.s32 $0xFFFFE700;
	s16 =	sshrl.u32 s17, $0x2;
	(pc) =	sbr.rel @!p0 .LBB2_3-.Ltmp4, $4  }
0x68: {  	s15 =	sadd.s32 $0x7, s15;
	s17 =	sadd.s32 $0xFFFFFE00, s8;
	s18 =	sadd.s32 $0x3A80, s16  }
0x69: {  	[hbm4b:s17+s2] =	stream.linear.scatter [tilespmem:s18], [sflag:s15], $0xC80, $0x38;
	[tilespmem:$0xD080] =	vst v63  }
0x6a: {  	s11 =	sand.u32 $0xFF, s11;
	s16 =	sadd.s32 $0x4700, s16  }
0x6b: {  	[hbm4b:s8+s2] =	stream.linear.scatter [tilespmem:s16], [sflag:s15], $0xC80, $0x38;
	[tilespmem:$0xD080] =	vst v63  }
0x6c: {  	p0 =	sgt.u32 s0, $0x1  }
.Ltmp5:
0x6d: {  	_ = 	snop;
	(pc) =	sbr.rel @p0 .LBB2_6-.Ltmp5, $4  }
.Ltmp6:
0x6e: {  	_ = 	snop;
	(pc) =	sbr.rel @!p0 .LBB2_5-.Ltmp6, $4  }
0x6f: {  	_ = 	snop  }
0x70: {  	_ = 	snop  }
0x71: {  	_ = 	snop  }
0x72: {  	_ = 	snop  }
.LBB2_8:
0x73: {  	_ =	sfence.sel $0x180000  }
0x74: {  	[bflag:$0x0] =	sbarrier.arrive $0xFFFF  }
0x75: {  	_ =	strace $0x90000050  }
0x76: {  	s0 =	stileid.u32;
	[bflag:$0x2] =	sbarrier.arrive $0xFFFF  }
0x77: {  	p0 =	sne.s32 s0, $0x0;
	s0 =	rddreg [dreg:$0x2]  }
0x78: {  	s0 =	sadd.s32 @!p0 $0x100000, s0  }
0x79: {  	[sflag:s0] =	ssyncadd.tile.s32 @!p0 $0x1;
	_ =	shalt  }
.Lfunc_end2:
_tile_overlayer_lowered:
.L_overlay_start_2:
0x7a: {  	(tag) =	ssettag $0x2  }
0x7b: {  	s0 =	rddreg [dreg:$0x0];
	s2 =	stileid.u32  }
0x7c: {  	s1 =	rddreg [dreg:$0x1];
	p0 =	sne.s32 s2, $0x0  }
0x7d: {  	s3 =	rddreg [dreg:$0x2];
	[bflag:$0x3] =	sbarrier.arrive $0xFFFF;
	s2 =	simm.s32 @!p0 $0x1C0E  }
0x7e: {  	[timem:s3], [sflag:s2] =	dma.local @!p0 [hbm:s0], s1  }
0x7f: {  	s0 =	simm.s32 @!p0 $0xE  }
0x80: {  	_ =	swait.ge @!p0 [sflag:s0], s1  }
0x81: {  	s1 =	ssub.s32 @!p0 $0x0, s1;
	[sflag:s0] =	ssyncset.done @!p0 $0x0  }
0x82: {  	[sflag:s0] =	ssyncadd.s32 @!p0 s1  }
0x83: {  	[bflag:$0x3] =	sbarrier.arrive $0xFFFF  }
0x84: {  	_ =	shalt  }

// kernel: kernel.13.cloned.1.call-start
scs
__scs_entry_jumppad:
0x0: {  	(pc) =	sbr.rel $0x88, $3  }
0x1: {  	(tag) =	ssettag $0x0;
	lr =	simm.s32 $0x1  }
0x2: {  	[smem:$0x3F98] =	sst lr;
	_ =	strace $0xD0000000  }
0x3: {  	_ = 	snop  }
0x4: {  	_ = 	snop  }
0x5: {  	_ = 	snop  }
0x6: {  	_ = 	snop  }
0x7: {  	_ = 	snop  }
__scs_overlays_trampoline_lowered:
0x8: {  	[smem:$0x3FA7] =	sst s0  }
0x9: {  	[smem:$0x3FA8] =	sst s1  }
0xa: {  	[smem:$0x3FA9] =	sst s2  }
0xb: {  	[smem:$0x3FAA] =	sst s3  }
0xc: {  	[smem:$0x3FAB] =	sst s4  }
0xd: {  	[smem:$0x3FAC] =	sst s5  }
0xe: {  	[smem:$0x3FAD] =	sst s6  }
0xf: {  	[smem:$0x3FAE] =	sst s7  }
0x10: {  	[smem:$0x3FAF] =	sst s8  }
0x11: {  	[smem:$0x3FB0] =	sst s9;
	s0 =	simm.s32 @!p0 $0x0  }
0x12: {  	s1 =	sld [smem:$0x3F96];
	s0 =	simm.s32 @p0 $0x1  }
0x13: {  	[smem:$0x3FB1] =	sst s0;
	s0 =	simm.s32 @!p1 $0x0  }
0x14: {  	s2 =	sld [smem:$0x3F95];
	s0 =	simm.s32 @p1 $0x1  }
0x15: {  	[smem:$0x3FB2] =	sst s0;
	s0 =	simm.s32 @!p2 $0x0  }
0x16: {  	s3 =	sld [smem:$0x3FDB];
	s0 =	simm.s32 @p2 $0x1  }
0x17: {  	s4 =	simm.s32 $0x1BF5;
	[smem:$0x3FB4] =	sst s0  }
0x18: {  	s0 =	sld [smem:$0x3F97];
	_ =	swait.ge [sflag:s4], $0x0  }
0x19: {  	s7 =	sld [smem:$0x3F98]  }
0x1a: {  	s8 =	sadd.s32 $0xFFFFE003, lr  }
0x1b: {  	s9 =	sadd.s32 $0xFFFFFEF7, lr;
	s5 =	simm.s32 $0xFFFFFFFF;
	p2 =	slt.u32 s8, $0xFFFFF086  }
0x1c: {  	p1 =	slt.u32 s9, $0xF7A;
	s5 =	simm.s32 @!p2 $0x0  }
0x1d: {  	s5 =	simm.s32 @p1 $0x1;
	p0 =	seq.s32 s7, s2  }
0x1e: {  	s7 =	smul.u32 @!p0 $0xF7A, s2;
	p2 =	seq.s32 @!p0 s5, $0x0  }
0x1f: {  	s9 =	smul.u32 $0xF7A, s1;
	s8 =	simm.s32 @!p0 $0x1BF5;
	p2 =	por !p2, p0  }
0x20: {  	[sflag:s8] =	ssyncset.s32 @!p0 $0xFFFFF086;
	s6 =	sadd.s32 @!p0 s3, s7;
	s7 =	simm.s32 @!p0 $0x108  }
0x21: {  	s3 =	sadd.s32 s3, s9;
	s6 =	sadd.s32 @!p0 $0x88, s6;
	s7 =	simm.s32 @p2 $0x1082  }
0x22: {  	[simem:s7], [sflag:s8] =	dma.local @!p0 [hbm:s6], $0xF7A  }
0x23: {  	s9 =	sor.u32 $0xD0000000, s2;
	s6 =	simm.s32 $0x108;
	_ =	swait.ge @!p0 [sflag:s8], $0x0  }
0x24: {  	s3 =	sadd.s32 $0x88, s3;
	s6 =	simm.s32 @!p1 $0x1082;
	[sflag:s4] =	ssyncset.s32 $0xFFFFF086  }
0x25: {  	[simem:s6], [sflag:s4] =	dma.local [hbm:s3], $0xF7A  }
0x26: {  	[smem:$0x3F98] =	sst s1;
	(tag) =	ssettag s2;
	_ =	strace s9  }
0x27: {  	s1 =	sld [smem:$0x3FA8]  }
0x28: {  	s2 =	sld [smem:$0x3FA9]  }
0x29: {  	s4 =	sld [smem:$0x3FAB]  }
0x2a: {  	p0 =	seq.s32 s5, $0x0;
	s5 =	sld [smem:$0x3FAC]  }
0x2b: {  	s6 =	sld [smem:$0x3FAD]  }
0x2c: {  	s7 =	sld [smem:$0x3FAE]  }
0x2d: {  	s3 =	simm.s32 $0x108;
	s8 =	sld [smem:$0x3FAF]  }
0x2e: {  	s3 =	simm.s32 @!p0 $0x1082;
	s9 =	sld [smem:$0x3FB0]  }
0x2f: {  	lr =	sadd.s32 s0, s3;
	s0 =	sld [smem:$0x3FA7]  }
0x30: {  	s3 =	sld [smem:$0x3FAA]  }
0x31: {  	[smem:$0x3FB3] =	sst s10  }
0x32: {  	s10 =	sld [smem:$0x3FB1];
	_ =	sdelay $0x3  }
0x33: {  	p0 =	seq.s32 s10, $0x1;
	s10 =	sld [smem:$0x3FB3];
	_ =	sdelay $0x3  }
0x34: {  	[smem:$0x3FB3] =	sst s10  }
0x35: {  	s10 =	sld [smem:$0x3FB2];
	_ =	sdelay $0x3  }
0x36: {  	p1 =	seq.s32 s10, $0x1;
	s10 =	sld [smem:$0x3FB3];
	_ =	sdelay $0x3  }
0x37: {  	[smem:$0x3FB3] =	sst s10  }
0x38: {  	s10 =	sld [smem:$0x3FB4]  }
0x39: {  	_ = 	snop;
	(pc) =	sbr.ind lr, $3  }
0x3a: {  	_ = 	snop  }
0x3b: {  	_ = 	snop  }
0x3c: {  	p2 =	seq.s32 s10, $0x1;
	s10 =	sld [smem:$0x3FB3]  }
0x3d: {  	_ =	shalt  }
0x3e: {  	_ =	shalt  }
0x3f: {  	_ =	shalt  }
0x40: {  	_ =	shalt  }
0x41: {  	_ =	shalt  }
0x42: {  	_ =	shalt  }
0x43: {  	_ =	shalt  }
0x44: {  	_ =	shalt  }
0x45: {  	_ =	shalt  }
0x46: {  	_ =	shalt  }
0x47: {  	_ =	shalt  }
0x48: {  	_ =	shalt  }
0x49: {  	_ =	shalt  }
0x4a: {  	_ =	shalt  }
0x4b: {  	_ =	shalt  }
0x4c: {  	_ =	shalt  }
0x4d: {  	_ =	shalt  }
0x4e: {  	_ =	shalt  }
0x4f: {  	_ =	shalt  }
0x50: {  	_ =	shalt  }
0x51: {  	_ =	shalt  }
0x52: {  	_ =	shalt  }
0x53: {  	_ =	shalt  }
0x54: {  	_ =	shalt  }
0x55: {  	_ =	shalt  }
0x56: {  	_ =	shalt  }
0x57: {  	_ =	shalt  }
0x58: {  	_ =	shalt  }
0x59: {  	_ =	shalt  }
0x5a: {  	_ =	shalt  }
0x5b: {  	_ =	shalt  }
0x5c: {  	_ =	shalt  }
0x5d: {  	_ =	shalt  }
0x5e: {  	_ =	shalt  }
0x5f: {  	_ =	shalt  }
0x60: {  	_ =	shalt  }
0x61: {  	_ =	shalt  }
0x62: {  	_ =	shalt  }
0x63: {  	_ =	shalt  }
0x64: {  	_ =	shalt  }
0x65: {  	_ =	shalt  }
0x66: {  	_ =	shalt  }
0x67: {  	_ =	shalt  }
0x68: {  	_ =	shalt  }
0x69: {  	_ =	shalt  }
0x6a: {  	_ =	shalt  }
0x6b: {  	_ =	shalt  }
0x6c: {  	_ =	shalt  }
0x6d: {  	_ =	shalt  }
0x6e: {  	_ =	shalt  }
0x6f: {  	_ =	shalt  }
0x70: {  	_ =	shalt  }
0x71: {  	_ =	shalt  }
0x72: {  	_ =	shalt  }
0x73: {  	_ =	shalt  }
0x74: {  	_ =	shalt  }
0x75: {  	_ =	shalt  }
0x76: {  	_ =	shalt  }
0x77: {  	_ =	shalt  }
0x78: {  	_ =	shalt  }
0x79: {  	_ =	shalt  }
0x7a: {  	_ =	shalt  }
0x7b: {  	_ =	shalt  }
0x7c: {  	_ =	shalt  }
0x7d: {  	_ =	shalt  }
0x7e: {  	_ =	shalt  }
0x7f: {  	_ =	shalt  }
0x80: {  	_ =	shalt  }
0x81: {  	_ =	shalt  }
0x82: {  	_ =	shalt  }
0x83: {  	_ =	shalt  }
0x84: {  	_ =	shalt  }
0x85: {  	_ =	shalt  }
0x86: {  	_ =	shalt  }
0x87: {  	_ =	shalt  }
.Lfunc_end0:
.L_simem_size_0:
called_computation.1_lowered:
.L_overlay_start_0:
0x88: {  	s2 =	sld [smem:$0x3FD9]  }
0x89: {  	s3 =	sld [smem:$0x3FFE];
	_ =	sdelay $0x1  }
0x8a: {  	s1 =	srdreg.scid  }
0x8b: {  	s0 =	sand.u32 $0x1, s1  }
0x8c: {  	s16 =	sshll.u32 s0, $0xA;
	s2 =	sadd.s32 s3, s2  }
0x8d: {  	s2 =	sadd.s32 s2, s16  }
0x8e: {  	[smem:$0x3FBF] =	sst s2  }
0x8f: {  	_ = 	snop  }
0x90: {  	(tm) =	ssettm $0x1  }
0x91: {  	s17 =	sld [smem:$0x3FFB];
	_ =	sdelay $0x3  }
0x92: {  	_ =	strace s17  }
0x93: {  	s2 =	sld [smem:$0x3FFC];
	_ =	sdelay $0x3  }
0x94: {  	_ =	strace s2  }
0x95: {  	s2 =	sld [smem:$0x3FFD];
	_ =	sdelay $0x3  }
0x96: {  	_ =	strace s2  }
0x97: {  	_ =	strace $0x8FFFFFFF  }
0x98: {  	s18 =	sld [smem:$0x3FDB];
	_ =	sdelay $0x1  }
0x99: {  	s19 =	simm.s32 $_scs_section_size  }
0x9a: {  	s4 =	simm.s32 $_size__tile_overlayer_lowered;
	s5 =	simm.s32 $_tile_overlayer_lowered  }
0x9b: {  	s22 =	simm.s32 $0x1BFF;
	s21 =	sshll.u32 s5, $0x1;
	s2 =	sadd.s32 s19, s18  }
0x9c: {  	s6 =	simm.s32 $0x0;
	s20 =	sshll.u32 s4, $0x1;
	s4 =	sadd.s32 s21, s2  }
0x9d: {  	[timem:s6], [sflag:s22] =	dma.local [hbm:s4], s20  }
0x9e: {  	_ =	swait.ge [sflag:s22], s20  }
0x9f: {  	s3 =	ssub.s32 $0x0, s20;
	[sflag:s22] =	ssyncset.done $0x0  }
0xa0: {  	[sflag:s22] =	ssyncadd.s32 s3;
	_ =	sdelay $0x1  }
0xa1: {  	s23 =	simm.s32 $0x1B8B  }
0xa2: {  	_ =	swait.ge [sflag:s23], $0x1  }
0xa3: {  	[sflag:s23] =	ssyncset.done $0x0  }
0xa4: {  	s25 =	simm.s32 $0x1B8E;
	s24 =	sld [smem:$0x3FFE];
	[sflag:s23] =	ssyncadd.s32 $0xFFFFFFFF  }
0xa5: {  	s26 =	simm.s32 $execute0_lowered;
	[smem:$0x3FD2] =	sst s25  }
0xa6: {  	s4 =	sshll.u32 s26, $0x1;
	_ =	strace $0x80000046;
	[dreg:$0x1] =	wrdreg $0xFFFFFFFF  }
0xa7: {  	s28 =	simm.s32 $_size_execute0_lowered;
	s2 =	sadd.s32 s2, s4;
	[dreg:$0x0] =	wrdreg $0x0  }
0xa8: {  	s4 =	sshll.u32 s28, $0x1;
	[dreg:$0x2] =	wrdreg s2  }
0xa9: {  	[dreg:$0x3] =	wrdreg s4  }
0xaa: {  	[dreg:$0x4] =	wrdreg $0xC0  }
0xab: {  	_ =	task [dreg:s6], $0x5FFFF  }
0xac: {  	[dreg:$0x1] =	wrdreg $0xFFFFFFFF  }
0xad: {  	[dreg:$0x0] =	wrdreg $0x60  }
0xae: {  	[dreg:$0x2] =	wrdreg s24  }
0xaf: {  	[dreg:$0x3] =	wrdreg $0xA  }
0xb0: {  	_ =	task.clear_ibuf [dreg:s6], $0x4FFFF;
	_ =	strace $0x90000046  }
0xb1: {  	s29 =	simm.s32 $0xA;
	_ =	strace $0x80000048  }
0xb2: {  	_ =	swait.ge [sflag:s29], $0x1  }
0xb3: {  	[sflag:s29] =	ssyncadd.s32 $0xFFFFFFFF  }
0xb4: {  	_ =	strace $0x90000048  }
0xb5: {  	_ =	sfence  }
0xb6: {  	s30 =	sld [smem:$0x0];
	_ =	sdelay $0x2  }
0xb7: {  	s31 =	sshll.u32 s1, $0xD;
	s1 =	sshrl.u32 s1, $0x2  }
0xb8: {  	s3 =	sand.u32 $0x4000, s31;
	s1 =	sadd.s32 s1, s30  }
0xb9: {  	s0 =	sor.u32 s3, s0;
	s1 =	sshll.u32 s1, $0x11  }
0xba: {  	s0 =	sor.u32 s1, s0  }
0xbb: {  	s0 =	sadd.s32 $0x8F2B, s0  }
0xbc: {  	[sflag:s0] =	ssyncadd.remote.s32 $0x1  }
0xbd: {  	_ =	sfence.sel $0xFFFF  }
0xbe: {  	[dreg:$0x0] =	wrdreg $0xFFFFFFFF;
	(pc) =	sbr.abs _section_cstart, $3  }
0xbf: {  	[dreg:$0x1] =	wrdreg $0xFFFFFFFF  }
0xc0: {  	_ =	task.clear_ibuf [dreg:s6], $0x2FFFF;
	_ =	strace $0x9FFFFFFF  }
0xc1: {  	(tm) =	ssettm $0x7FFFFFFF  }
tec
execute0_lowered:
.L_overlay_start_1:
0x0: {  	(tag) =	ssettag $0x1  }
0x1: {  	s0 =	srdreg.scid;
	s9 =	stileid.u32  }
0x2: {  	s4 =	rddreg [dreg:$0x0];
	s2 =	simm.s32 $0x0;
	s10 =	simm.s32 $0x1A00  }
0x3: {  	s12 =	simm.s32 $0x1A80;
	s13 =	simm.s32 $0xD;
	s14 =	simm.s32 $0x64  }
0x4: {  	s19 =	simm.s32 $0x6C80;
	s20 =	simm.s32 $0x138;
	s21 =	simm.s32 $0x8580  }
0x5: {  	s22 =	simm.s32 $0x7;
	s23 =	simm.s32 $0x8;
	s24 =	simm.s32 $0x9  }
0x6: {  	s25 =	simm.s32 $0xA;
	s26 =	simm.s32 $0xB;
	s28 =	simm.s32 $0xC  }
0x7: {  	s29 =	simm.s32 $0x0;
	s0 =	sand.u32 $0x1, s0;
	[smem:$0x7FF] =	sst s2  }
0x8: {  	s31 =	sshll.u32 s9, $0x10;
	s1 =	sshll.u32 s0, $0x4;
	_ =	strace $0x80000047  }
0x9: {  	s7 =	ssub.s32 $0x2, s0;
	s0 =	sshll.u32 s0, $0x14;
	s1 =	sor.u32 s9, s1  }
0xa: {  	s8 =	sshrl.u32 s7, $0x1;
	s0 =	sadd.s32 s0, s4;
	s3 =	smul.u32 $0x340, s1  }
.Ltmp0:
0xb: {  	s9 =	simm.s32 $0xE;
	s30 =	sshll.u32 s1, $0x4;
	(pc) =	sbr.rel .LBB2_1-.Ltmp0, $4  }
0xc: {  	s1 =	sshll.u32 s1, $0xA;
	s7 =	ssub.s32 s7, s8;
	s0 =	sadd.s32 s31, s0  }
0xd: {  	s6 =	sadd.s32 s30, s4;
	s1 =	sadd.s32 s1, s4;
	s5 =	sadd.s32 s3, s4  }
0xe: {  	s7 =	smax.u32 s7, $0x1;
	s3 =	sadd.s32 $0xF46000, s4;
	s4 =	sadd.s32 $0x14200, s5  }
0xf: {  	s5 =	sadd.s32 $0x3C00, s6;
	s6 =	sadd.s32 $0x1AA00, s1;
	s1 =	sadd.s32 $0x22C00, s0  }
.LBB2_7:
0x10: {  	_ =	swait.ge [sflag:s22], $0xC80  }
0x11: {  	[sflag:s22] =	ssyncset.done $0x0  }
0x12: {  	[sflag:s22] =	ssyncadd.s32 $0xFFFFF380  }
0x13: {  	_ =	swait.ge [sflag:s22], $0xC80  }
0x14: {  	[sflag:s22] =	ssyncset.done $0x0  }
0x15: {  	[sflag:s22] =	ssyncadd.s32 $0xFFFFF380  }
0x16: {  	_ =	swait.ge [sflag:s23], $0xC80  }
0x17: {  	[sflag:s23] =	ssyncset.done $0x0  }
0x18: {  	[sflag:s23] =	ssyncadd.s32 $0xFFFFF380  }
0x19: {  	_ =	swait.ge [sflag:s23], $0xC80  }
0x1a: {  	[sflag:s23] =	ssyncset.done $0x0  }
0x1b: {  	[sflag:s23] =	ssyncadd.s32 $0xFFFFF380  }
0x1c: {  	_ =	swait.ge [sflag:s24], $0xC80  }
0x1d: {  	[sflag:s24] =	ssyncset.done $0x0  }
0x1e: {  	[sflag:s24] =	ssyncadd.s32 $0xFFFFF380  }
0x1f: {  	_ =	swait.ge [sflag:s24], $0xC80  }
0x20: {  	[sflag:s24] =	ssyncset.done $0x0  }
0x21: {  	[sflag:s24] =	ssyncadd.s32 $0xFFFFF380  }
0x22: {  	_ =	swait.ge [sflag:s25], $0xC80  }
0x23: {  	[sflag:s25] =	ssyncset.done $0x0  }
0x24: {  	[sflag:s25] =	ssyncadd.s32 $0xFFFFF380  }
0x25: {  	_ =	swait.ge [sflag:s25], $0xC80  }
0x26: {  	[sflag:s25] =	ssyncset.done $0x0  }
0x27: {  	[sflag:s25] =	ssyncadd.s32 $0xFFFFF380  }
0x28: {  	_ =	swait.ge [sflag:s26], $0xC80  }
0x29: {  	[sflag:s26] =	ssyncset.done $0x0  }
0x2a: {  	[sflag:s26] =	ssyncadd.s32 $0xFFFFF380  }
0x2b: {  	_ =	swait.ge [sflag:s26], $0xC80  }
0x2c: {  	[sflag:s26] =	ssyncset.done $0x0  }
0x2d: {  	s29 =	sadd.s32 $0x1, s29;
	[sflag:s26] =	ssyncadd.s32 $0xFFFFF380  }
0x2e: {  	p0 =	sne.s32 s29, s7;
	_ =	swait.ge [sflag:s28], $0xC80  }
.Ltmp1:
0x2f: {  	[sflag:s28] =	ssyncset.done $0x0;
	(pc) =	sbr.rel @!p0 .LBB2_8-.Ltmp1, $4  }
0x30: {  	[sflag:s28] =	ssyncadd.s32 $0xFFFFF380  }
0x31: {  	_ =	swait.ge [sflag:s28], $0xC80  }
0x32: {  	[sflag:s28] =	ssyncset.done $0x0  }
0x33: {  	[sflag:s28] =	ssyncadd.s32 $0xFFFFF380  }
.LBB2_1:
0x34: {  	[tilespmem:s2], [sflag:$0xE] =	stream.linear.gather [hbm4b:s4+s2], $0x1A00, $0x38;
	[tilespmem:$0xD080] =	vst v63  }
0x35: {  	_ =	swait.ge [sflag:s9], $0x1A00  }
0x36: {  	[sflag:s9] =	ssyncset.done $0x0  }
0x37: {  	[sflag:s9] =	ssyncadd.s32 $0xFFFFE600  }
0x38: {  	[tilespmem:s10], [sflag:$0xE] =	stream.linear.gather [hbm4b:s5+s2], $0x80, $0x38;
	[tilespmem:$0xD080] =	vst v63  }
0x39: {  	_ =	swait.ge [sflag:s9], $0x80  }
0x3a: {  	[sflag:s9] =	ssyncset.done $0x0  }
0x3b: {  	s0 =	simm.s32 $0x80;
	[sflag:s9] =	ssyncadd.s32 $0xFFFFFF80  }
0x3c: {  	[tilespmem:s12], [sflag:$0xD] =	stream.indirect.gather [hbm4b:s3+s0], $0x40, s10, s0, $0xb8;
	[tilespmem:$0xD080] =	vst v63  }
0x3d: {  	_ =	swait.ge [sflag:s13], $0x2000  }
0x3e: {  	[sflag:s13] =	ssyncset.done $0x0  }
0x3f: {  	[sflag:s13] =	ssyncadd.s32 $0xFFFFE000  }
0x40: {  	[hbm4b:s6+s2] =	stream.linear.scatter [tilespmem:s12], [sflag:$0xE], $0x2000, $0x38;
	[tilespmem:$0xD080] =	vst v63  }
0x41: {  	_ =	swait.ge [sflag:s9], $0x2000  }
0x42: {  	[sflag:s9] =	ssyncset.done $0x0  }
0x43: {  	s16 =	simm.s32 $0x3A80;
	[sflag:s9] =	ssyncadd.s32 $0xFFFFE000  }
0x44: {  	[tilespmem:s16], [sflag:$0x1] =	stream.indirect.gather [hbm4b:s3+s14], $0x40, s2, s14, $0xb8;
	[tilespmem:$0xD080] =	vst v63  }
0x45: {  	s17 =	simm.s32 $0x68;
	s8 =	simm.s32 $0x5380  }
0x46: {  	[tilespmem:s8], [sflag:$0x2] =	stream.indirect.gather [hbm4b:s3+s14], $0x40, s17, s14, $0xb8;
	[tilespmem:$0xD080] =	vst v63  }
.Ltmp2:
0x47: {  	_ = 	snop;
	(pc) =	sbr.rel .LBB2_2-.Ltmp2, $4  }
0x48: {  	s18 =	simm.s32 $0xD0  }
0x49: {  	[tilespmem:s19], [sflag:$0x3] =	stream.indirect.gather [hbm4b:s3+s14], $0x40, s18, s14, $0xb8;
	[tilespmem:$0xD080] =	vst v63  }
0x4a: {  	s30 =	simm.s32 $0xFFFFFFFE;
	s31 =	simm.s32 $0x1A0;
	s8 =	smov.u32 s1  }
0x4b: {  	[tilespmem:s21], [sflag:$0x4] =	stream.indirect.gather [hbm4b:s3+s14], $0x40, s20, s14, $0xb8;
	[tilespmem:$0xD080] =	vst v63  }
.LBB2_3:
0x4c: {  	s0 =	sadd.s32 $0x7, s11  }
0x4d: {  	_ =	swait.ge [sflag:s0], $0xC80  }
0x4e: {  	[sflag:s0] =	ssyncset.done $0x0  }
0x4f: {  	[sflag:s0] =	ssyncadd.s32 $0xFFFFF380  }
0x50: {  	_ =	swait.ge [sflag:s0], $0xC80  }
0x51: {  	[sflag:s0] =	ssyncset.done $0x0  }
0x52: {  	[sflag:s0] =	ssyncadd.s32 $0xFFFFF380  }
.LBB2_5:
0x53: {  	s0 =	smul.u32 $0x6400, s11;
	_ =	sdelay $0x1  }
0x54: {  	s0 =	sshrl.u32 s0, $0x2  }
0x55: {  	s18 =	sadd.s32 $0x1, s11;
	s0 =	sadd.s32 $0x3A80, s0  }
0x56: {  	[tilespmem:s0], [sflag:s18] =	stream.indirect.gather [hbm4b:s3+s14], $0x40, s31, s14, $0xb8;
	[tilespmem:$0xD080] =	vst v63  }
.LBB2_6:
0x57: {  	s30 =	sadd.s32 $0x1, s30  }
0x58: {  	p0 =	sne.s32 s30, $0x3E  }
.Ltmp3:
0x59: {  	_ = 	snop;
	(pc) =	sbr.rel @!p0 .LBB2_7-.Ltmp3, $2  }
0x5a: {  	_ =	sdelay $0x2  }
0x5b: {  	s31 =	sadd.s32 $0x68, s31;
	s8 =	sadd.s32 $0x400, s8  }
.LBB2_2:
0x5c: {  	s11 =	smul.u32 $0xAB, s30;
	_ =	sdelay $0x1  }
0x5d: {  	s0 =	sadd.s32 $0x156, s11  }
0x5e: {  	s0 =	sshrl.u32 s0, $0xA  }
0x5f: {  	s0 =	sand.u32 $0x3F, s0  }
0x60: {  	s11 =	sadd.s32 $0x402, s11;
	s15 =	smul.u32 $0x6, s0  }
0x61: {  	s11 =	sshrl.u32 s11, $0xA;
	s0 =	sadd.s32 $0x2, s30  }
0x62: {  	s11 =	sand.u32 $0x3F, s11;
	s15 =	ssub.s32 s0, s15  }
0x63: {  	s11 =	smul.u32 $0x6, s11;
	s15 =	sand.u32 $0xFF, s15  }
0x64: {  	s16 =	sadd.s32 $0x1, s15  }
0x65: {  	s11 =	ssub.s32 s30, s11;
	s17 =	smul.u32 $0x6400, s15;
	_ =	swait.ge [sflag:s16], $0x1900  }
0x66: {  	p0 =	sgt.u32 s30, $0x39;
	s11 =	sadd.s32 $0x6, s11;
	[sflag:s16] =	ssyncset.done $0x0  }
.Ltmp4:
0x67: {  	[sflag:s16] =	ssyncadd.s32 $0xFFFFE700;
	s16 =	sshrl.u32 s17, $0x2;
	(pc) =	sbr.rel @!p0 .LBB2_3-.Ltmp4, $4  }
0x68: {  	s15 =	sadd.s32 $0x7, s15;
	s17 =	sadd.s32 $0xFFFFFE00, s8;
	s18 =	sadd.s32 $0x3A80, s16  }
0x69: {  	[hbm4b:s17+s2] =	stream.linear.scatter [tilespmem:s18], [sflag:s15], $0xC80, $0x38;
	[tilespmem:$0xD080] =	vst v63  }
0x6a: {  	s11 =	sand.u32 $0xFF, s11;
	s16 =	sadd.s32 $0x4700, s16  }
0x6b: {  	[hbm4b:s8+s2] =	stream.linear.scatter [tilespmem:s16], [sflag:s15], $0xC80, $0x38;
	[tilespmem:$0xD080] =	vst v63  }
0x6c: {  	p0 =	sgt.u32 s0, $0x1  }
.Ltmp5:
0x6d: {  	_ = 	snop;
	(pc) =	sbr.rel @p0 .LBB2_6-.Ltmp5, $4  }
.Ltmp6:
0x6e: {  	_ = 	snop;
	(pc) =	sbr.rel @!p0 .LBB2_5-.Ltmp6, $4  }
0x6f: {  	_ = 	snop  }
0x70: {  	_ = 	snop  }
0x71: {  	_ = 	snop  }
0x72: {  	_ = 	snop  }
.LBB2_8:
0x73: {  	_ =	sfence.sel $0x180000  }
0x74: {  	[bflag:$0x0] =	sbarrier.arrive $0xFFFF  }
0x75: {  	_ =	strace $0x90000047  }
0x76: {  	s0 =	stileid.u32;
	[bflag:$0x2] =	sbarrier.arrive $0xFFFF  }
0x77: {  	p0 =	sne.s32 s0, $0x0;
	s0 =	rddreg [dreg:$0x1]  }
0x78: {  	s0 =	sadd.s32 @!p0 $0x100000, s0  }
0x79: {  	[sflag:s0] =	ssyncadd.tile.s32 @!p0 $0x1;
	_ =	shalt  }
.Lfunc_end2:
_tile_overlayer_lowered:
.L_overlay_start_2:
0x7a: {  	(tag) =	ssettag $0x2  }
0x7b: {  	s0 =	rddreg [dreg:$0x0];
	s2 =	stileid.u32  }
0x7c: {  	s1 =	rddreg [dreg:$0x1];
	p0 =	sne.s32 s2, $0x0  }
0x7d: {  	s3 =	rddreg [dreg:$0x2];
	[bflag:$0x3] =	sbarrier.arrive $0xFFFF;
	s2 =	simm.s32 @!p0 $0x1C0E  }
0x7e: {  	[timem:s3], [sflag:s2] =	dma.local @!p0 [hbm:s0], s1  }
0x7f: {  	s0 =	simm.s32 @!p0 $0xE  }
0x80: {  	_ =	swait.ge @!p0 [sflag:s0], s1  }
0x81: {  	s1 =	ssub.s32 @!p0 $0x0, s1;
	[sflag:s0] =	ssyncset.done @!p0 $0x0  }
0x82: {  	[sflag:s0] =	ssyncadd.s32 @!p0 s1  }
0x83: {  	[bflag:$0x3] =	sbarrier.arrive $0xFFFF  }
0x84: {  	_ =	shalt  }

// kernel: kernel.16.cloned.1.call-start
scs
__scs_entry_jumppad:
0x0: {  	(pc) =	sbr.rel $0x88, $3  }
0x1: {  	(tag) =	ssettag $0x0;
	lr =	simm.s32 $0x1  }
0x2: {  	[smem:$0x3F98] =	sst lr;
	_ =	strace $0xD0000000  }
0x3: {  	_ = 	snop  }
0x4: {  	_ = 	snop  }
0x5: {  	_ = 	snop  }
0x6: {  	_ = 	snop  }
0x7: {  	_ = 	snop  }
__scs_overlays_trampoline_lowered:
0x8: {  	[smem:$0x3FA7] =	sst s0  }
0x9: {  	[smem:$0x3FA8] =	sst s1  }
0xa: {  	[smem:$0x3FA9] =	sst s2  }
0xb: {  	[smem:$0x3FAA] =	sst s3  }
0xc: {  	[smem:$0x3FAB] =	sst s4  }
0xd: {  	[smem:$0x3FAC] =	sst s5  }
0xe: {  	[smem:$0x3FAD] =	sst s6  }
0xf: {  	[smem:$0x3FAE] =	sst s7  }
0x10: {  	[smem:$0x3FAF] =	sst s8  }
0x11: {  	[smem:$0x3FB0] =	sst s9;
	s0 =	simm.s32 @!p0 $0x0  }
0x12: {  	s1 =	sld [smem:$0x3F96];
	s0 =	simm.s32 @p0 $0x1  }
0x13: {  	[smem:$0x3FB1] =	sst s0;
	s0 =	simm.s32 @!p1 $0x0  }
0x14: {  	s2 =	sld [smem:$0x3F95];
	s0 =	simm.s32 @p1 $0x1  }
0x15: {  	[smem:$0x3FB2] =	sst s0;
	s0 =	simm.s32 @!p2 $0x0  }
0x16: {  	s3 =	sld [smem:$0x3FDB];
	s0 =	simm.s32 @p2 $0x1  }
0x17: {  	s4 =	simm.s32 $0x1BF5;
	[smem:$0x3FB4] =	sst s0  }
0x18: {  	s0 =	sld [smem:$0x3F97];
	_ =	swait.ge [sflag:s4], $0x0  }
0x19: {  	s7 =	sld [smem:$0x3F98]  }
0x1a: {  	s8 =	sadd.s32 $0xFFFFE003, lr  }
0x1b: {  	s9 =	sadd.s32 $0xFFFFFEF7, lr;
	s5 =	simm.s32 $0xFFFFFFFF;
	p2 =	slt.u32 s8, $0xFFFFF086  }
0x1c: {  	p1 =	slt.u32 s9, $0xF7A;
	s5 =	simm.s32 @!p2 $0x0  }
0x1d: {  	s5 =	simm.s32 @p1 $0x1;
	p0 =	seq.s32 s7, s2  }
0x1e: {  	s7 =	smul.u32 @!p0 $0xF7A, s2;
	p2 =	seq.s32 @!p0 s5, $0x0  }
0x1f: {  	s9 =	smul.u32 $0xF7A, s1;
	s8 =	simm.s32 @!p0 $0x1BF5;
	p2 =	por !p2, p0  }
0x20: {  	[sflag:s8] =	ssyncset.s32 @!p0 $0xFFFFF086;
	s6 =	sadd.s32 @!p0 s3, s7;
	s7 =	simm.s32 @!p0 $0x108  }
0x21: {  	s3 =	sadd.s32 s3, s9;
	s6 =	sadd.s32 @!p0 $0x88, s6;
	s7 =	simm.s32 @p2 $0x1082  }
0x22: {  	[simem:s7], [sflag:s8] =	dma.local @!p0 [hbm:s6], $0xF7A  }
0x23: {  	s9 =	sor.u32 $0xD0000000, s2;
	s6 =	simm.s32 $0x108;
	_ =	swait.ge @!p0 [sflag:s8], $0x0  }
0x24: {  	s3 =	sadd.s32 $0x88, s3;
	s6 =	simm.s32 @!p1 $0x1082;
	[sflag:s4] =	ssyncset.s32 $0xFFFFF086  }
0x25: {  	[simem:s6], [sflag:s4] =	dma.local [hbm:s3], $0xF7A  }
0x26: {  	[smem:$0x3F98] =	sst s1;
	(tag) =	ssettag s2;
	_ =	strace s9  }
0x27: {  	s1 =	sld [smem:$0x3FA8]  }
0x28: {  	s2 =	sld [smem:$0x3FA9]  }
0x29: {  	s4 =	sld [smem:$0x3FAB]  }
0x2a: {  	p0 =	seq.s32 s5, $0x0;
	s5 =	sld [smem:$0x3FAC]  }
0x2b: {  	s6 =	sld [smem:$0x3FAD]  }
0x2c: {  	s7 =	sld [smem:$0x3FAE]  }
0x2d: {  	s3 =	simm.s32 $0x108;
	s8 =	sld [smem:$0x3FAF]  }
0x2e: {  	s3 =	simm.s32 @!p0 $0x1082;
	s9 =	sld [smem:$0x3FB0]  }
0x2f: {  	lr =	sadd.s32 s0, s3;
	s0 =	sld [smem:$0x3FA7]  }
0x30: {  	s3 =	sld [smem:$0x3FAA]  }
0x31: {  	[smem:$0x3FB3] =	sst s10  }
0x32: {  	s10 =	sld [smem:$0x3FB1];
	_ =	sdelay $0x3  }
0x33: {  	p0 =	seq.s32 s10, $0x1;
	s10 =	sld [smem:$0x3FB3];
	_ =	sdelay $0x3  }
0x34: {  	[smem:$0x3FB3] =	sst s10  }
0x35: {  	s10 =	sld [smem:$0x3FB2];
	_ =	sdelay $0x3  }
0x36: {  	p1 =	seq.s32 s10, $0x1;
	s10 =	sld [smem:$0x3FB3];
	_ =	sdelay $0x3  }
0x37: {  	[smem:$0x3FB3] =	sst s10  }
0x38: {  	s10 =	sld [smem:$0x3FB4]  }
0x39: {  	_ = 	snop;
	(pc) =	sbr.ind lr, $3  }
0x3a: {  	_ = 	snop  }
0x3b: {  	_ = 	snop  }
0x3c: {  	p2 =	seq.s32 s10, $0x1;
	s10 =	sld [smem:$0x3FB3]  }
0x3d: {  	_ =	shalt  }
0x3e: {  	_ =	shalt  }
0x3f: {  	_ =	shalt  }
0x40: {  	_ =	shalt  }
0x41: {  	_ =	shalt  }
0x42: {  	_ =	shalt  }
0x43: {  	_ =	shalt  }
0x44: {  	_ =	shalt  }
0x45: {  	_ =	shalt  }
0x46: {  	_ =	shalt  }
0x47: {  	_ =	shalt  }
0x48: {  	_ =	shalt  }
0x49: {  	_ =	shalt  }
0x4a: {  	_ =	shalt  }
0x4b: {  	_ =	shalt  }
0x4c: {  	_ =	shalt  }
0x4d: {  	_ =	shalt  }
0x4e: {  	_ =	shalt  }
0x4f: {  	_ =	shalt  }
0x50: {  	_ =	shalt  }
0x51: {  	_ =	shalt  }
0x52: {  	_ =	shalt  }
0x53: {  	_ =	shalt  }
0x54: {  	_ =	shalt  }
0x55: {  	_ =	shalt  }
0x56: {  	_ =	shalt  }
0x57: {  	_ =	shalt  }
0x58: {  	_ =	shalt  }
0x59: {  	_ =	shalt  }
0x5a: {  	_ =	shalt  }
0x5b: {  	_ =	shalt  }
0x5c: {  	_ =	shalt  }
0x5d: {  	_ =	shalt  }
0x5e: {  	_ =	shalt  }
0x5f: {  	_ =	shalt  }
0x60: {  	_ =	shalt  }
0x61: {  	_ =	shalt  }
0x62: {  	_ =	shalt  }
0x63: {  	_ =	shalt  }
0x64: {  	_ =	shalt  }
0x65: {  	_ =	shalt  }
0x66: {  	_ =	shalt  }
0x67: {  	_ =	shalt  }
0x68: {  	_ =	shalt  }
0x69: {  	_ =	shalt  }
0x6a: {  	_ =	shalt  }
0x6b: {  	_ =	shalt  }
0x6c: {  	_ =	shalt  }
0x6d: {  	_ =	shalt  }
0x6e: {  	_ =	shalt  }
0x6f: {  	_ =	shalt  }
0x70: {  	_ =	shalt  }
0x71: {  	_ =	shalt  }
0x72: {  	_ =	shalt  }
0x73: {  	_ =	shalt  }
0x74: {  	_ =	shalt  }
0x75: {  	_ =	shalt  }
0x76: {  	_ =	shalt  }
0x77: {  	_ =	shalt  }
0x78: {  	_ =	shalt  }
0x79: {  	_ =	shalt  }
0x7a: {  	_ =	shalt  }
0x7b: {  	_ =	shalt  }
0x7c: {  	_ =	shalt  }
0x7d: {  	_ =	shalt  }
0x7e: {  	_ =	shalt  }
0x7f: {  	_ =	shalt  }
0x80: {  	_ =	shalt  }
0x81: {  	_ =	shalt  }
0x82: {  	_ =	shalt  }
0x83: {  	_ =	shalt  }
0x84: {  	_ =	shalt  }
0x85: {  	_ =	shalt  }
0x86: {  	_ =	shalt  }
0x87: {  	_ =	shalt  }
.Lfunc_end0:
.L_simem_size_0:
called_computation.2_lowered:
.L_overlay_start_0:
0x88: {  	s2 =	sld [smem:$0x3FD9]  }
0x89: {  	s3 =	sld [smem:$0x3FFE];
	_ =	sdelay $0x1  }
0x8a: {  	s1 =	srdreg.scid  }
0x8b: {  	s0 =	sand.u32 $0x1, s1  }
0x8c: {  	s17 =	sshll.u32 s0, $0xA;
	s2 =	sadd.s32 s3, s2  }
0x8d: {  	s2 =	sadd.s32 s2, s17  }
0x8e: {  	[smem:$0x3FBF] =	sst s2  }
0x8f: {  	_ = 	snop  }
0x90: {  	(tm) =	ssettm $0x1  }
0x91: {  	s18 =	sld [smem:$0x3FFB];
	_ =	sdelay $0x3  }
0x92: {  	_ =	strace s18  }
0x93: {  	s2 =	sld [smem:$0x3FFC];
	_ =	sdelay $0x3  }
0x94: {  	_ =	strace s2  }
0x95: {  	s2 =	sld [smem:$0x3FFD];
	_ =	sdelay $0x3  }
0x96: {  	_ =	strace s2  }
0x97: {  	_ =	strace $0x8FFFFFFF  }
0x98: {  	s19 =	sld [smem:$0x3FDB];
	_ =	sdelay $0x1  }
0x99: {  	s20 =	simm.s32 $_scs_section_size  }
0x9a: {  	s4 =	simm.s32 $_size__tile_overlayer_lowered;
	s5 =	simm.s32 $_tile_overlayer_lowered  }
0x9b: {  	s6 =	simm.s32 $0x1BFF;
	s21 =	sshll.u32 s5, $0x1;
	s3 =	sadd.s32 s20, s19  }
0x9c: {  	s22 =	simm.s32 $0x0;
	s4 =	sshll.u32 s4, $0x1;
	s5 =	sadd.s32 s21, s3  }
0x9d: {  	[timem:s22], [sflag:s6] =	dma.local [hbm:s5], s4  }
0x9e: {  	_ =	swait.ge [sflag:s6], s4  }
0x9f: {  	s4 =	ssub.s32 $0x0, s4;
	[sflag:s6] =	ssyncset.done $0x0  }
0xa0: {  	[sflag:s6] =	ssyncadd.s32 s4;
	_ =	sdelay $0x1  }
0xa1: {  	s23 =	simm.s32 $0x1B8B  }
0xa2: {  	_ =	swait.ge [sflag:s23], $0x1  }
0xa3: {  	[sflag:s23] =	ssyncset.done $0x0  }
0xa4: {  	[sflag:s23] =	ssyncadd.s32 $0xFFFFFFFF  }
0xa5: {  	s4 =	sld [smem:$0x0]  }
0xa6: {  	s5 =	sand.u32 $0xFFFFFFFE, s1  }
0xa7: {  	p0 =	sne.s32 s1, s5  }
0xa8: {  	s5 =	sshll.u32 @p0 s5, $0xE  }
0xa9: {  	s5 =	sadd.s32 @p0 $0x11B8D, s5;
	s6 =	sshll.u32 @p0 s4, $0x11  }
0xaa: {  	s5 =	sor.u32 @p0 s6, s5  }
0xab: {  	[sflag:s5] =	ssyncadd.remote.s32 @p0 $0x1;
	_ =	sdelay $0x1  }
0xac: {  	s5 =	simm.s32 @p0 $0x1B8D  }
0xad: {  	_ =	swait.eq @p0 [sflag:s5], $0x1  }
0xae: {  	[sflag:s5] =	ssyncadd.s32 @p0 $0xFFFFFFFF  }
0xaf: {  	s6 =	sshll.u32 @!p0 s1, $0xE  }
0xb0: {  	s6 =	sor.u32 @!p0 $0x4000, s6;
	s5 =	simm.s32 @!p0 $0x1B8D  }
0xb1: {  	s4 =	sshll.u32 @!p0 s4, $0x11;
	s6 =	sadd.s32 @!p0 $0x11B8D, s6;
	_ =	swait.eq @!p0 [sflag:s5], $0x1  }
0xb2: {  	s4 =	sor.u32 @!p0 s4, s6;
	[sflag:s5] =	ssyncadd.s32 @!p0 $0xFFFFFFFF  }
0xb3: {  	s25 =	simm.s32 $0x1B8E;
	s24 =	sld [smem:$0x3FFE];
	[sflag:s4] =	ssyncadd.remote.s32 @!p0 $0x1  }
0xb4: {  	s26 =	simm.s32 $execute0_lowered;
	[smem:$0x3FD2] =	sst s25  }
0xb5: {  	s5 =	sshll.u32 s26, $0x1;
	_ =	strace $0x80000049;
	[dreg:$0x1] =	wrdreg $0xFFFFFFFF  }
0xb6: {  	s28 =	simm.s32 $_size_execute0_lowered;
	s3 =	sadd.s32 s3, s5;
	[dreg:$0x0] =	wrdreg $0x0  }
0xb7: {  	s5 =	sshll.u32 s28, $0x1;
	[dreg:$0x2] =	wrdreg s3  }
0xb8: {  	[dreg:$0x3] =	wrdreg s5  }
0xb9: {  	[dreg:$0x4] =	wrdreg $0xC0  }
0xba: {  	_ =	task [dreg:s22], $0x5FFFF  }
0xbb: {  	[dreg:$0x1] =	wrdreg $0xFFFFFFFF  }
0xbc: {  	[dreg:$0x0] =	wrdreg $0x60  }
0xbd: {  	[dreg:$0x2] =	wrdreg s24  }
0xbe: {  	[dreg:$0x3] =	wrdreg $0xB  }
0xbf: {  	_ =	task.clear_ibuf [dreg:s22], $0x4FFFF;
	_ =	strace $0x90000049  }
0xc0: {  	s29 =	simm.s32 $0xB;
	_ =	strace $0x8000004B  }
0xc1: {  	_ =	swait.ge [sflag:s29], $0x1  }
0xc2: {  	[sflag:s29] =	ssyncadd.s32 $0xFFFFFFFF  }
0xc3: {  	_ =	strace $0x9000004B  }
0xc4: {  	_ =	sfence  }
0xc5: {  	s30 =	sld [smem:$0x0];
	_ =	sdelay $0x2  }
0xc6: {  	s31 =	sshll.u32 s1, $0xD;
	s1 =	sshrl.u32 s1, $0x2  }
0xc7: {  	s4 =	sand.u32 $0x4000, s31;
	s1 =	sadd.s32 s1, s30  }
0xc8: {  	s0 =	sor.u32 s4, s0;
	s1 =	sshll.u32 s1, $0x11  }
0xc9: {  	s0 =	sor.u32 s1, s0  }
0xca: {  	s0 =	sadd.s32 $0x8F2B, s0  }
0xcb: {  	[sflag:s0] =	ssyncadd.remote.s32 $0x1  }
0xcc: {  	_ =	sfence.sel $0xFFFF  }
0xcd: {  	[dreg:$0x0] =	wrdreg $0xFFFFFFFF;
	(pc) =	sbr.abs _section_cstart, $3  }
0xce: {  	[dreg:$0x1] =	wrdreg $0xFFFFFFFF  }
0xcf: {  	_ =	task.clear_ibuf [dreg:s22], $0x2FFFF;
	_ =	strace $0x9FFFFFFF  }
0xd0: {  	(tm) =	ssettm $0x7FFFFFFF  }
0xd1: {  	_ =	shalt  }
tec
execute0_lowered:
.L_overlay_start_1:
0x0: {  	(tag) =	ssettag $0x1  }
0x1: {  	s0 =	srdreg.scid;
	s9 =	stileid.u32  }
0x2: {  	s4 =	rddreg [dreg:$0x0];
	s2 =	simm.s32 $0x0;
	s10 =	simm.s32 $0x1A00  }
0x3: {  	s12 =	simm.s32 $0x1A80;
	s13 =	simm.s32 $0xD;
	s14 =	simm.s32 $0x64  }
0x4: {  	s19 =	simm.s32 $0x6C80;
	s20 =	simm.s32 $0x138;
	s21 =	simm.s32 $0x8580  }
0x5: {  	s22 =	simm.s32 $0x7;
	s23 =	simm.s32 $0x8;
	s24 =	simm.s32 $0x9  }
0x6: {  	s25 =	simm.s32 $0xA;
	s26 =	simm.s32 $0xB;
	s28 =	simm.s32 $0xC  }
0x7: {  	s29 =	simm.s32 $0x0;
	s0 =	sand.u32 $0x1, s0;
	[smem:$0x7FF] =	sst s2  }
0x8: {  	s31 =	sshll.u32 s9, $0x10;
	s1 =	sshll.u32 s0, $0x4;
	_ =	strace $0x8000004A  }
0x9: {  	s7 =	ssub.s32 $0x2, s0;
	s0 =	sshll.u32 s0, $0x14;
	s1 =	sor.u32 s9, s1  }
0xa: {  	s8 =	sshrl.u32 s7, $0x1;
	s0 =	sadd.s32 s0, s4;
	s3 =	smul.u32 $0x340, s1  }
.Ltmp0:
0xb: {  	s9 =	simm.s32 $0xE;
	s30 =	sshll.u32 s1, $0x4;
	(pc) =	sbr.rel .LBB2_1-.Ltmp0, $4  }
0xc: {  	s1 =	sshll.u32 s1, $0xA;
	s7 =	ssub.s32 s7, s8;
	s0 =	sadd.s32 s31, s0  }
0xd: {  	s6 =	sadd.s32 s30, s4;
	s1 =	sadd.s32 s1, s4;
	s5 =	sadd.s32 s3, s4  }
0xe: {  	s3 =	sadd.s32 $0xF46000, s4;
	s4 =	sadd.s32 $0x4200, s5;
	s5 =	sadd.s32 $0x3E00, s6  }
0xf: {  	s7 =	smax.u32 s7, $0x1;
	s6 =	sadd.s32 $0x222A00, s1;
	s1 =	sadd.s32 $0x22AC00, s0  }
.LBB2_7:
0x10: {  	_ =	swait.ge [sflag:s22], $0xC80  }
0x11: {  	[sflag:s22] =	ssyncset.done $0x0  }
0x12: {  	[sflag:s22] =	ssyncadd.s32 $0xFFFFF380  }
0x13: {  	_ =	swait.ge [sflag:s22], $0xC80  }
0x14: {  	[sflag:s22] =	ssyncset.done $0x0  }
0x15: {  	[sflag:s22] =	ssyncadd.s32 $0xFFFFF380  }
0x16: {  	_ =	swait.ge [sflag:s23], $0xC80  }
0x17: {  	[sflag:s23] =	ssyncset.done $0x0  }
0x18: {  	[sflag:s23] =	ssyncadd.s32 $0xFFFFF380  }
0x19: {  	_ =	swait.ge [sflag:s23], $0xC80  }
0x1a: {  	[sflag:s23] =	ssyncset.done $0x0  }
0x1b: {  	[sflag:s23] =	ssyncadd.s32 $0xFFFFF380  }
0x1c: {  	_ =	swait.ge [sflag:s24], $0xC80  }
0x1d: {  	[sflag:s24] =	ssyncset.done $0x0  }
0x1e: {  	[sflag:s24] =	ssyncadd.s32 $0xFFFFF380  }
0x1f: {  	_ =	swait.ge [sflag:s24], $0xC80  }
0x20: {  	[sflag:s24] =	ssyncset.done $0x0  }
0x21: {  	[sflag:s24] =	ssyncadd.s32 $0xFFFFF380  }
0x22: {  	_ =	swait.ge [sflag:s25], $0xC80  }
0x23: {  	[sflag:s25] =	ssyncset.done $0x0  }
0x24: {  	[sflag:s25] =	ssyncadd.s32 $0xFFFFF380  }
0x25: {  	_ =	swait.ge [sflag:s25], $0xC80  }
0x26: {  	[sflag:s25] =	ssyncset.done $0x0  }
0x27: {  	[sflag:s25] =	ssyncadd.s32 $0xFFFFF380  }
0x28: {  	_ =	swait.ge [sflag:s26], $0xC80  }
0x29: {  	[sflag:s26] =	ssyncset.done $0x0  }
0x2a: {  	[sflag:s26] =	ssyncadd.s32 $0xFFFFF380  }
0x2b: {  	_ =	swait.ge [sflag:s26], $0xC80  }
0x2c: {  	[sflag:s26] =	ssyncset.done $0x0  }
0x2d: {  	s29 =	sadd.s32 $0x1, s29;
	[sflag:s26] =	ssyncadd.s32 $0xFFFFF380  }
0x2e: {  	p0 =	sne.s32 s29, s7;
	_ =	swait.ge [sflag:s28], $0xC80  }
.Ltmp1:
0x2f: {  	[sflag:s28] =	ssyncset.done $0x0;
	(pc) =	sbr.rel @!p0 .LBB2_8-.Ltmp1, $4  }
0x30: {  	[sflag:s28] =	ssyncadd.s32 $0xFFFFF380  }
0x31: {  	_ =	swait.ge [sflag:s28], $0xC80  }
0x32: {  	[sflag:s28] =	ssyncset.done $0x0  }
0x33: {  	[sflag:s28] =	ssyncadd.s32 $0xFFFFF380  }
.LBB2_1:
0x34: {  	[tilespmem:s2], [sflag:$0xE] =	stream.linear.gather [hbm4b:s4+s2], $0x1A00, $0x38;
	[tilespmem:$0xD080] =	vst v63  }
0x35: {  	_ =	swait.ge [sflag:s9], $0x1A00  }
0x36: {  	[sflag:s9] =	ssyncset.done $0x0  }
0x37: {  	[sflag:s9] =	ssyncadd.s32 $0xFFFFE600  }
0x38: {  	[tilespmem:s10], [sflag:$0xE] =	stream.linear.gather [hbm4b:s5+s2], $0x80, $0x38;
	[tilespmem:$0xD080] =	vst v63  }
0x39: {  	_ =	swait.ge [sflag:s9], $0x80  }
0x3a: {  	[sflag:s9] =	ssyncset.done $0x0  }
0x3b: {  	s0 =	simm.s32 $0x80;
	[sflag:s9] =	ssyncadd.s32 $0xFFFFFF80  }
0x3c: {  	[tilespmem:s12], [sflag:$0xD] =	stream.indirect.gather [hbm4b:s3+s0], $0x40, s10, s0, $0xb8;
	[tilespmem:$0xD080] =	vst v63  }
0x3d: {  	_ =	swait.ge [sflag:s13], $0x2000  }
0x3e: {  	[sflag:s13] =	ssyncset.done $0x0  }
0x3f: {  	[sflag:s13] =	ssyncadd.s32 $0xFFFFE000  }
0x40: {  	[hbm4b:s6+s2] =	stream.linear.scatter [tilespmem:s12], [sflag:$0xE], $0x2000, $0x38;
	[tilespmem:$0xD080] =	vst v63  }
0x41: {  	_ =	swait.ge [sflag:s9], $0x2000  }
0x42: {  	[sflag:s9] =	ssyncset.done $0x0  }
0x43: {  	s16 =	simm.s32 $0x3A80;
	[sflag:s9] =	ssyncadd.s32 $0xFFFFE000  }
0x44: {  	[tilespmem:s16], [sflag:$0x1] =	stream.indirect.gather [hbm4b:s3+s14], $0x40, s2, s14, $0xb8;
	[tilespmem:$0xD080] =	vst v63  }
0x45: {  	s17 =	simm.s32 $0x68;
	s8 =	simm.s32 $0x5380  }
0x46: {  	[tilespmem:s8], [sflag:$0x2] =	stream.indirect.gather [hbm4b:s3+s14], $0x40, s17, s14, $0xb8;
	[tilespmem:$0xD080] =	vst v63  }
.Ltmp2:
0x47: {  	_ = 	snop;
	(pc) =	sbr.rel .LBB2_2-.Ltmp2, $4  }
0x48: {  	s18 =	simm.s32 $0xD0  }
0x49: {  	[tilespmem:s19], [sflag:$0x3] =	stream.indirect.gather [hbm4b:s3+s14], $0x40, s18, s14, $0xb8;
	[tilespmem:$0xD080] =	vst v63  }
0x4a: {  	s30 =	simm.s32 $0xFFFFFFFE;
	s31 =	simm.s32 $0x1A0;
	s8 =	smov.u32 s1  }
0x4b: {  	[tilespmem:s21], [sflag:$0x4] =	stream.indirect.gather [hbm4b:s3+s14], $0x40, s20, s14, $0xb8;
	[tilespmem:$0xD080] =	vst v63  }
.LBB2_3:
0x4c: {  	s0 =	sadd.s32 $0x7, s11  }
0x4d: {  	_ =	swait.ge [sflag:s0], $0xC80  }
0x4e: {  	[sflag:s0] =	ssyncset.done $0x0  }
0x4f: {  	[sflag:s0] =	ssyncadd.s32 $0xFFFFF380  }
0x50: {  	_ =	swait.ge [sflag:s0], $0xC80  }
0x51: {  	[sflag:s0] =	ssyncset.done $0x0  }
0x52: {  	[sflag:s0] =	ssyncadd.s32 $0xFFFFF380  }
.LBB2_5:
0x53: {  	s0 =	smul.u32 $0x6400, s11;
	_ =	sdelay $0x1  }
0x54: {  	s0 =	sshrl.u32 s0, $0x2  }
0x55: {  	s18 =	sadd.s32 $0x1, s11;
	s0 =	sadd.s32 $0x3A80, s0  }
0x56: {  	[tilespmem:s0], [sflag:s18] =	stream.indirect.gather [hbm4b:s3+s14], $0x40, s31, s14, $0xb8;
	[tilespmem:$0xD080] =	vst v63  }
.LBB2_6:
0x57: {  	s30 =	sadd.s32 $0x1, s30  }
0x58: {  	p0 =	sne.s32 s30, $0x3E  }
.Ltmp3:
0x59: {  	_ = 	snop;
	(pc) =	sbr.rel @!p0 .LBB2_7-.Ltmp3, $2  }
0x5a: {  	_ =	sdelay $0x2  }
0x5b: {  	s31 =	sadd.s32 $0x68, s31;
	s8 =	sadd.s32 $0x400, s8  }
.LBB2_2:
0x5c: {  	s11 =	smul.u32 $0xAB, s30;
	_ =	sdelay $0x1  }
0x5d: {  	s0 =	sadd.s32 $0x156, s11  }
0x5e: {  	s0 =	sshrl.u32 s0, $0xA  }
0x5f: {  	s0 =	sand.u32 $0x3F, s0  }
0x60: {  	s11 =	sadd.s32 $0x402, s11;
	s15 =	smul.u32 $0x6, s0  }
0x61: {  	s11 =	sshrl.u32 s11, $0xA;
	s0 =	sadd.s32 $0x2, s30  }
0x62: {  	s11 =	sand.u32 $0x3F, s11;
	s15 =	ssub.s32 s0, s15  }
0x63: {  	s11 =	smul.u32 $0x6, s11;
	s15 =	sand.u32 $0xFF, s15  }
0x64: {  	s16 =	sadd.s32 $0x1, s15  }
0x65: {  	s11 =	ssub.s32 s30, s11;
	s17 =	smul.u32 $0x6400, s15;
	_ =	swait.ge [sflag:s16], $0x1900  }
0x66: {  	p0 =	sgt.u32 s30, $0x39;
	s11 =	sadd.s32 $0x6, s11;
	[sflag:s16] =	ssyncset.done $0x0  }
.Ltmp4:
0x67: {  	[sflag:s16] =	ssyncadd.s32 $0xFFFFE700;
	s16 =	sshrl.u32 s17, $0x2;
	(pc) =	sbr.rel @!p0 .LBB2_3-.Ltmp4, $4  }
0x68: {  	s15 =	sadd.s32 $0x7, s15;
	s17 =	sadd.s32 $0xFFFFFE00, s8;
	s18 =	sadd.s32 $0x3A80, s16  }
0x69: {  	[hbm4b:s17+s2] =	stream.linear.scatter [tilespmem:s18], [sflag:s15], $0xC80, $0x38;
	[tilespmem:$0xD080] =	vst v63  }
0x6a: {  	s11 =	sand.u32 $0xFF, s11;
	s16 =	sadd.s32 $0x4700, s16  }
0x6b: {  	[hbm4b:s8+s2] =	stream.linear.scatter [tilespmem:s16], [sflag:s15], $0xC80, $0x38;
	[tilespmem:$0xD080] =	vst v63  }
0x6c: {  	p0 =	sgt.u32 s0, $0x1  }
.Ltmp5:
0x6d: {  	_ = 	snop;
	(pc) =	sbr.rel @p0 .LBB2_6-.Ltmp5, $4  }
.Ltmp6:
0x6e: {  	_ = 	snop;
	(pc) =	sbr.rel @!p0 .LBB2_5-.Ltmp6, $4  }
0x6f: {  	_ = 	snop  }
0x70: {  	_ = 	snop  }
0x71: {  	_ = 	snop  }
0x72: {  	_ = 	snop  }
.LBB2_8:
0x73: {  	_ =	sfence.sel $0x180000  }
0x74: {  	[bflag:$0x0] =	sbarrier.arrive $0xFFFF  }
0x75: {  	_ =	strace $0x9000004A  }
0x76: {  	s0 =	stileid.u32;
	[bflag:$0x2] =	sbarrier.arrive $0xFFFF  }
0x77: {  	p0 =	sne.s32 s0, $0x0;
	s0 =	rddreg [dreg:$0x1]  }
0x78: {  	s0 =	sadd.s32 @!p0 $0x100000, s0  }
0x79: {  	[sflag:s0] =	ssyncadd.tile.s32 @!p0 $0x1;
	_ =	shalt  }
.Lfunc_end2:
_tile_overlayer_lowered:
.L_overlay_start_2:
0x7a: {  	(tag) =	ssettag $0x2  }
0x7b: {  	s0 =	rddreg [dreg:$0x0];
	s2 =	stileid.u32  }
0x7c: {  	s1 =	rddreg [dreg:$0x1];
	p0 =	sne.s32 s2, $0x0  }
0x7d: {  	s3 =	rddreg [dreg:$0x2];
	[bflag:$0x3] =	sbarrier.arrive $0xFFFF;
	s2 =	simm.s32 @!p0 $0x1C0E  }
0x7e: {  	[timem:s3], [sflag:s2] =	dma.local @!p0 [hbm:s0], s1  }
0x7f: {  	s0 =	simm.s32 @!p0 $0xE  }
0x80: {  	_ =	swait.ge @!p0 [sflag:s0], s1  }
0x81: {  	s1 =	ssub.s32 @!p0 $0x0, s1;
	[sflag:s0] =	ssyncset.done @!p0 $0x0  }
0x82: {  	[sflag:s0] =	ssyncadd.s32 @!p0 s1  }
0x83: {  	[bflag:$0x3] =	sbarrier.arrive $0xFFFF  }
0x84: {  	_ =	shalt  }

// kernel: kernel.19.cloned.1.call-start
scs
__scs_entry_jumppad:
0x0: {  	(pc) =	sbr.rel $0x88, $3  }
0x1: {  	(tag) =	ssettag $0x0;
	lr =	simm.s32 $0x1  }
0x2: {  	[smem:$0x3F98] =	sst lr;
	_ =	strace $0xD0000000  }
0x3: {  	_ = 	snop  }
0x4: {  	_ = 	snop  }
0x5: {  	_ = 	snop  }
0x6: {  	_ = 	snop  }
0x7: {  	_ = 	snop  }
__scs_overlays_trampoline_lowered:
0x8: {  	[smem:$0x3FA7] =	sst s0  }
0x9: {  	[smem:$0x3FA8] =	sst s1  }
0xa: {  	[smem:$0x3FA9] =	sst s2  }
0xb: {  	[smem:$0x3FAA] =	sst s3  }
0xc: {  	[smem:$0x3FAB] =	sst s4  }
0xd: {  	[smem:$0x3FAC] =	sst s5  }
0xe: {  	[smem:$0x3FAD] =	sst s6  }
0xf: {  	[smem:$0x3FAE] =	sst s7  }
0x10: {  	[smem:$0x3FAF] =	sst s8  }
0x11: {  	[smem:$0x3FB0] =	sst s9;
	s0 =	simm.s32 @!p0 $0x0  }
0x12: {  	s1 =	sld [smem:$0x3F96];
	s0 =	simm.s32 @p0 $0x1  }
0x13: {  	[smem:$0x3FB1] =	sst s0;
	s0 =	simm.s32 @!p1 $0x0  }
0x14: {  	s2 =	sld [smem:$0x3F95];
	s0 =	simm.s32 @p1 $0x1  }
0x15: {  	[smem:$0x3FB2] =	sst s0;
	s0 =	simm.s32 @!p2 $0x0  }
0x16: {  	s3 =	sld [smem:$0x3FDB];
	s0 =	simm.s32 @p2 $0x1  }
0x17: {  	s4 =	simm.s32 $0x1BF5;
	[smem:$0x3FB4] =	sst s0  }
0x18: {  	s0 =	sld [smem:$0x3F97];
	_ =	swait.ge [sflag:s4], $0x0  }
0x19: {  	s7 =	sld [smem:$0x3F98]  }
0x1a: {  	s8 =	sadd.s32 $0xFFFFE003, lr  }
0x1b: {  	s9 =	sadd.s32 $0xFFFFFEF7, lr;
	s5 =	simm.s32 $0xFFFFFFFF;
	p2 =	slt.u32 s8, $0xFFFFF086  }
0x1c: {  	p1 =	slt.u32 s9, $0xF7A;
	s5 =	simm.s32 @!p2 $0x0  }
0x1d: {  	s5 =	simm.s32 @p1 $0x1;
	p0 =	seq.s32 s7, s2  }
0x1e: {  	s7 =	smul.u32 @!p0 $0xF7A, s2;
	p2 =	seq.s32 @!p0 s5, $0x0  }
0x1f: {  	s9 =	smul.u32 $0xF7A, s1;
	s8 =	simm.s32 @!p0 $0x1BF5;
	p2 =	por !p2, p0  }
0x20: {  	[sflag:s8] =	ssyncset.s32 @!p0 $0xFFFFF086;
	s6 =	sadd.s32 @!p0 s3, s7;
	s7 =	simm.s32 @!p0 $0x108  }
0x21: {  	s3 =	sadd.s32 s3, s9;
	s6 =	sadd.s32 @!p0 $0x88, s6;
	s7 =	simm.s32 @p2 $0x1082  }
0x22: {  	[simem:s7], [sflag:s8] =	dma.local @!p0 [hbm:s6], $0xF7A  }
0x23: {  	s9 =	sor.u32 $0xD0000000, s2;
	s6 =	simm.s32 $0x108;
	_ =	swait.ge @!p0 [sflag:s8], $0x0  }
0x24: {  	s3 =	sadd.s32 $0x88, s3;
	s6 =	simm.s32 @!p1 $0x1082;
	[sflag:s4] =	ssyncset.s32 $0xFFFFF086  }
0x25: {  	[simem:s6], [sflag:s4] =	dma.local [hbm:s3], $0xF7A  }
0x26: {  	[smem:$0x3F98] =	sst s1;
	(tag) =	ssettag s2;
	_ =	strace s9  }
0x27: {  	s1 =	sld [smem:$0x3FA8]  }
0x28: {  	s2 =	sld [smem:$0x3FA9]  }
0x29: {  	s4 =	sld [smem:$0x3FAB]  }
0x2a: {  	p0 =	seq.s32 s5, $0x0;
	s5 =	sld [smem:$0x3FAC]  }
0x2b: {  	s6 =	sld [smem:$0x3FAD]  }
0x2c: {  	s7 =	sld [smem:$0x3FAE]  }
0x2d: {  	s3 =	simm.s32 $0x108;
	s8 =	sld [smem:$0x3FAF]  }
0x2e: {  	s3 =	simm.s32 @!p0 $0x1082;
	s9 =	sld [smem:$0x3FB0]  }
0x2f: {  	lr =	sadd.s32 s0, s3;
	s0 =	sld [smem:$0x3FA7]  }
0x30: {  	s3 =	sld [smem:$0x3FAA]  }
0x31: {  	[smem:$0x3FB3] =	sst s10  }
0x32: {  	s10 =	sld [smem:$0x3FB1];
	_ =	sdelay $0x3  }
0x33: {  	p0 =	seq.s32 s10, $0x1;
	s10 =	sld [smem:$0x3FB3];
	_ =	sdelay $0x3  }
0x34: {  	[smem:$0x3FB3] =	sst s10  }
0x35: {  	s10 =	sld [smem:$0x3FB2];
	_ =	sdelay $0x3  }
0x36: {  	p1 =	seq.s32 s10, $0x1;
	s10 =	sld [smem:$0x3FB3];
	_ =	sdelay $0x3  }
0x37: {  	[smem:$0x3FB3] =	sst s10  }
0x38: {  	s10 =	sld [smem:$0x3FB4]  }
0x39: {  	_ = 	snop;
	(pc) =	sbr.ind lr, $3  }
0x3a: {  	_ = 	snop  }
0x3b: {  	_ = 	snop  }
0x3c: {  	p2 =	seq.s32 s10, $0x1;
	s10 =	sld [smem:$0x3FB3]  }
0x3d: {  	_ =	shalt  }
0x3e: {  	_ =	shalt  }
0x3f: {  	_ =	shalt  }
0x40: {  	_ =	shalt  }
0x41: {  	_ =	shalt  }
0x42: {  	_ =	shalt  }
0x43: {  	_ =	shalt  }
0x44: {  	_ =	shalt  }
0x45: {  	_ =	shalt  }
0x46: {  	_ =	shalt  }
0x47: {  	_ =	shalt  }
0x48: {  	_ =	shalt  }
0x49: {  	_ =	shalt  }
0x4a: {  	_ =	shalt  }
0x4b: {  	_ =	shalt  }
0x4c: {  	_ =	shalt  }
0x4d: {  	_ =	shalt  }
0x4e: {  	_ =	shalt  }
0x4f: {  	_ =	shalt  }
0x50: {  	_ =	shalt  }
0x51: {  	_ =	shalt  }
0x52: {  	_ =	shalt  }
0x53: {  	_ =	shalt  }
0x54: {  	_ =	shalt  }
0x55: {  	_ =	shalt  }
0x56: {  	_ =	shalt  }
0x57: {  	_ =	shalt  }
0x58: {  	_ =	shalt  }
0x59: {  	_ =	shalt  }
0x5a: {  	_ =	shalt  }
0x5b: {  	_ =	shalt  }
0x5c: {  	_ =	shalt  }
0x5d: {  	_ =	shalt  }
0x5e: {  	_ =	shalt  }
0x5f: {  	_ =	shalt  }
0x60: {  	_ =	shalt  }
0x61: {  	_ =	shalt  }
0x62: {  	_ =	shalt  }
0x63: {  	_ =	shalt  }
0x64: {  	_ =	shalt  }
0x65: {  	_ =	shalt  }
0x66: {  	_ =	shalt  }
0x67: {  	_ =	shalt  }
0x68: {  	_ =	shalt  }
0x69: {  	_ =	shalt  }
0x6a: {  	_ =	shalt  }
0x6b: {  	_ =	shalt  }
0x6c: {  	_ =	shalt  }
0x6d: {  	_ =	shalt  }
0x6e: {  	_ =	shalt  }
0x6f: {  	_ =	shalt  }
0x70: {  	_ =	shalt  }
0x71: {  	_ =	shalt  }
0x72: {  	_ =	shalt  }
0x73: {  	_ =	shalt  }
0x74: {  	_ =	shalt  }
0x75: {  	_ =	shalt  }
0x76: {  	_ =	shalt  }
0x77: {  	_ =	shalt  }
0x78: {  	_ =	shalt  }
0x79: {  	_ =	shalt  }
0x7a: {  	_ =	shalt  }
0x7b: {  	_ =	shalt  }
0x7c: {  	_ =	shalt  }
0x7d: {  	_ =	shalt  }
0x7e: {  	_ =	shalt  }
0x7f: {  	_ =	shalt  }
0x80: {  	_ =	shalt  }
0x81: {  	_ =	shalt  }
0x82: {  	_ =	shalt  }
0x83: {  	_ =	shalt  }
0x84: {  	_ =	shalt  }
0x85: {  	_ =	shalt  }
0x86: {  	_ =	shalt  }
0x87: {  	_ =	shalt  }
.Lfunc_end0:
.L_simem_size_0:
called_computation.3_lowered:
.L_overlay_start_0:
0x88: {  	s2 =	sld [smem:$0x3FD9]  }
0x89: {  	s3 =	sld [smem:$0x3FFE];
	_ =	sdelay $0x1  }
0x8a: {  	s1 =	srdreg.scid  }
0x8b: {  	s0 =	sand.u32 $0x1, s1  }
0x8c: {  	s17 =	sshll.u32 s0, $0xA;
	s2 =	sadd.s32 s3, s2  }
0x8d: {  	s2 =	sadd.s32 s2, s17  }
0x8e: {  	[smem:$0x3FBF] =	sst s2  }
0x8f: {  	_ = 	snop  }
0x90: {  	(tm) =	ssettm $0x1  }
0x91: {  	s18 =	sld [smem:$0x3FFB];
	_ =	sdelay $0x3  }
0x92: {  	_ =	strace s18  }
0x93: {  	s2 =	sld [smem:$0x3FFC];
	_ =	sdelay $0x3  }
0x94: {  	_ =	strace s2  }
0x95: {  	s2 =	sld [smem:$0x3FFD];
	_ =	sdelay $0x3  }
0x96: {  	_ =	strace s2  }
0x97: {  	_ =	strace $0x8FFFFFFF  }
0x98: {  	s19 =	sld [smem:$0x3FDB];
	_ =	sdelay $0x1  }
0x99: {  	s20 =	simm.s32 $_scs_section_size  }
0x9a: {  	s4 =	simm.s32 $_size__tile_overlayer_lowered;
	s5 =	simm.s32 $_tile_overlayer_lowered  }
0x9b: {  	s6 =	simm.s32 $0x1BFF;
	s21 =	sshll.u32 s5, $0x1;
	s3 =	sadd.s32 s20, s19  }
0x9c: {  	s22 =	simm.s32 $0x0;
	s4 =	sshll.u32 s4, $0x1;
	s5 =	sadd.s32 s21, s3  }
0x9d: {  	[timem:s22], [sflag:s6] =	dma.local [hbm:s5], s4  }
0x9e: {  	_ =	swait.ge [sflag:s6], s4  }
0x9f: {  	s4 =	ssub.s32 $0x0, s4;
	[sflag:s6] =	ssyncset.done $0x0  }
0xa0: {  	[sflag:s6] =	ssyncadd.s32 s4;
	_ =	sdelay $0x1  }
0xa1: {  	s23 =	simm.s32 $0x1B8B  }
0xa2: {  	_ =	swait.ge [sflag:s23], $0x1  }
0xa3: {  	[sflag:s23] =	ssyncset.done $0x0  }
0xa4: {  	[sflag:s23] =	ssyncadd.s32 $0xFFFFFFFF  }
0xa5: {  	s4 =	sld [smem:$0x0]  }
0xa6: {  	s5 =	sand.u32 $0xFFFFFFFE, s1  }
0xa7: {  	p0 =	sne.s32 s1, s5  }
0xa8: {  	s5 =	sshll.u32 @p0 s5, $0xE  }
0xa9: {  	s5 =	sadd.s32 @p0 $0x11B8D, s5;
	s6 =	sshll.u32 @p0 s4, $0x11  }
0xaa: {  	s5 =	sor.u32 @p0 s6, s5  }
0xab: {  	[sflag:s5] =	ssyncadd.remote.s32 @p0 $0x1;
	_ =	sdelay $0x1  }
0xac: {  	s5 =	simm.s32 @p0 $0x1B8D  }
0xad: {  	_ =	swait.eq @p0 [sflag:s5], $0x1  }
0xae: {  	[sflag:s5] =	ssyncadd.s32 @p0 $0xFFFFFFFF  }
0xaf: {  	s6 =	sshll.u32 @!p0 s1, $0xE  }
0xb0: {  	s6 =	sor.u32 @!p0 $0x4000, s6;
	s5 =	simm.s32 @!p0 $0x1B8D  }
0xb1: {  	s4 =	sshll.u32 @!p0 s4, $0x11;
	s6 =	sadd.s32 @!p0 $0x11B8D, s6;
	_ =	swait.eq @!p0 [sflag:s5], $0x1  }
0xb2: {  	s4 =	sor.u32 @!p0 s4, s6;
	[sflag:s5] =	ssyncadd.s32 @!p0 $0xFFFFFFFF  }
0xb3: {  	s25 =	simm.s32 $0x1B8E;
	s24 =	sld [smem:$0x3FFE];
	[sflag:s4] =	ssyncadd.remote.s32 @!p0 $0x1  }
0xb4: {  	s26 =	simm.s32 $execute0_lowered;
	[smem:$0x3FD2] =	sst s25  }
0xb5: {  	s5 =	sshll.u32 s26, $0x1;
	_ =	strace $0x8000004C;
	[dreg:$0x1] =	wrdreg $0xFFFFFFFF  }
0xb6: {  	s28 =	simm.s32 $_size_execute0_lowered;
	s3 =	sadd.s32 s3, s5;
	[dreg:$0x0] =	wrdreg $0x0  }
0xb7: {  	s5 =	sshll.u32 s28, $0x1;
	[dreg:$0x2] =	wrdreg s3  }
0xb8: {  	[dreg:$0x3] =	wrdreg s5  }
0xb9: {  	[dreg:$0x4] =	wrdreg $0xC0  }
0xba: {  	_ =	task [dreg:s22], $0x5FFFF  }
0xbb: {  	[dreg:$0x1] =	wrdreg $0xFFFFFFFF  }
0xbc: {  	[dreg:$0x0] =	wrdreg $0x60  }
0xbd: {  	[dreg:$0x2] =	wrdreg s24  }
0xbe: {  	[dreg:$0x3] =	wrdreg $0xC  }
0xbf: {  	_ =	task.clear_ibuf [dreg:s22], $0x4FFFF;
	_ =	strace $0x9000004C  }
0xc0: {  	s29 =	simm.s32 $0xC;
	_ =	strace $0x8000004E  }
0xc1: {  	_ =	swait.ge [sflag:s29], $0x1  }
0xc2: {  	[sflag:s29] =	ssyncadd.s32 $0xFFFFFFFF  }
0xc3: {  	_ =	strace $0x9000004E  }
0xc4: {  	_ =	sfence  }
0xc5: {  	s30 =	sld [smem:$0x0];
	_ =	sdelay $0x2  }
0xc6: {  	s31 =	sshll.u32 s1, $0xD;
	s1 =	sshrl.u32 s1, $0x2  }
0xc7: {  	s4 =	sand.u32 $0x4000, s31;
	s1 =	sadd.s32 s1, s30  }
0xc8: {  	s0 =	sor.u32 s4, s0;
	s1 =	sshll.u32 s1, $0x11  }
0xc9: {  	s0 =	sor.u32 s1, s0  }
0xca: {  	s0 =	sadd.s32 $0x8F2B, s0  }
0xcb: {  	[sflag:s0] =	ssyncadd.remote.s32 $0x1  }
0xcc: {  	_ =	sfence.sel $0xFFFF  }
0xcd: {  	[dreg:$0x0] =	wrdreg $0xFFFFFFFF;
	(pc) =	sbr.abs _section_cstart, $3  }
0xce: {  	[dreg:$0x1] =	wrdreg $0xFFFFFFFF  }
0xcf: {  	_ =	task.clear_ibuf [dreg:s22], $0x2FFFF;
	_ =	strace $0x9FFFFFFF  }
0xd0: {  	(tm) =	ssettm $0x7FFFFFFF  }
0xd1: {  	_ =	shalt  }
tec
execute0_lowered:
.L_overlay_start_1:
0x0: {  	(tag) =	ssettag $0x1  }
0x1: {  	s0 =	srdreg.scid;
	s9 =	stileid.u32  }
0x2: {  	s4 =	rddreg [dreg:$0x0];
	s2 =	simm.s32 $0x0;
	s10 =	simm.s32 $0x1A00  }
0x3: {  	s12 =	simm.s32 $0x1A80;
	s13 =	simm.s32 $0xD;
	s14 =	simm.s32 $0x64  }
0x4: {  	s19 =	simm.s32 $0x6C80;
	s20 =	simm.s32 $0x138;
	s21 =	simm.s32 $0x8580  }
0x5: {  	s22 =	simm.s32 $0x7;
	s23 =	simm.s32 $0x8;
	s24 =	simm.s32 $0x9  }
0x6: {  	s25 =	simm.s32 $0xA;
	s26 =	simm.s32 $0xB;
	s28 =	simm.s32 $0xC  }
0x7: {  	s29 =	simm.s32 $0x0;
	s0 =	sand.u32 $0x1, s0;
	[smem:$0x7FF] =	sst s2  }
0x8: {  	s31 =	sshll.u32 s9, $0x10;
	s1 =	sshll.u32 s0, $0x4;
	_ =	strace $0x8000004D  }
0x9: {  	s7 =	ssub.s32 $0x2, s0;
	s0 =	sshll.u32 s0, $0x14;
	s1 =	sor.u32 s9, s1  }
0xa: {  	s8 =	sshrl.u32 s7, $0x1;
	s0 =	sadd.s32 s0, s4;
	s3 =	smul.u32 $0x340, s1  }
.Ltmp0:
0xb: {  	s9 =	simm.s32 $0xE;
	s30 =	sshll.u32 s1, $0x4;
	(pc) =	sbr.rel .LBB2_1-.Ltmp0, $4  }
0xc: {  	s1 =	sshll.u32 s1, $0xA;
	s7 =	ssub.s32 s7, s8;
	s0 =	sadd.s32 s31, s0  }
0xd: {  	s6 =	sadd.s32 s30, s4;
	s1 =	sadd.s32 s1, s4;
	s5 =	sadd.s32 s3, s4  }
0xe: {  	s3 =	sadd.s32 $0xF46000, s4;
	s4 =	sadd.s32 $0xAA00, s5;
	s5 =	sadd.s32 $0x4000, s6  }
0xf: {  	s7 =	smax.u32 s7, $0x1;
	s6 =	sadd.s32 $0x42AA00, s1;
	s1 =	sadd.s32 $0x432C00, s0  }
.LBB2_7:
0x10: {  	_ =	swait.ge [sflag:s22], $0xC80  }
0x11: {  	[sflag:s22] =	ssyncset.done $0x0  }
0x12: {  	[sflag:s22] =	ssyncadd.s32 $0xFFFFF380  }
0x13: {  	_ =	swait.ge [sflag:s22], $0xC80  }
0x14: {  	[sflag:s22] =	ssyncset.done $0x0  }
0x15: {  	[sflag:s22] =	ssyncadd.s32 $0xFFFFF380  }
0x16: {  	_ =	swait.ge [sflag:s23], $0xC80  }
0x17: {  	[sflag:s23] =	ssyncset.done $0x0  }
0x18: {  	[sflag:s23] =	ssyncadd.s32 $0xFFFFF380  }
0x19: {  	_ =	swait.ge [sflag:s23], $0xC80  }
0x1a: {  	[sflag:s23] =	ssyncset.done $0x0  }
0x1b: {  	[sflag:s23] =	ssyncadd.s32 $0xFFFFF380  }
0x1c: {  	_ =	swait.ge [sflag:s24], $0xC80  }
0x1d: {  	[sflag:s24] =	ssyncset.done $0x0  }
0x1e: {  	[sflag:s24] =	ssyncadd.s32 $0xFFFFF380  }
0x1f: {  	_ =	swait.ge [sflag:s24], $0xC80  }
0x20: {  	[sflag:s24] =	ssyncset.done $0x0  }
0x21: {  	[sflag:s24] =	ssyncadd.s32 $0xFFFFF380  }
0x22: {  	_ =	swait.ge [sflag:s25], $0xC80  }
0x23: {  	[sflag:s25] =	ssyncset.done $0x0  }
0x24: {  	[sflag:s25] =	ssyncadd.s32 $0xFFFFF380  }
0x25: {  	_ =	swait.ge [sflag:s25], $0xC80  }
0x26: {  	[sflag:s25] =	ssyncset.done $0x0  }
0x27: {  	[sflag:s25] =	ssyncadd.s32 $0xFFFFF380  }
0x28: {  	_ =	swait.ge [sflag:s26], $0xC80  }
0x29: {  	[sflag:s26] =	ssyncset.done $0x0  }
0x2a: {  	[sflag:s26] =	ssyncadd.s32 $0xFFFFF380  }
0x2b: {  	_ =	swait.ge [sflag:s26], $0xC80  }
0x2c: {  	[sflag:s26] =	ssyncset.done $0x0  }
0x2d: {  	s29 =	sadd.s32 $0x1, s29;
	[sflag:s26] =	ssyncadd.s32 $0xFFFFF380  }
0x2e: {  	p0 =	sne.s32 s29, s7;
	_ =	swait.ge [sflag:s28], $0xC80  }
.Ltmp1:
0x2f: {  	[sflag:s28] =	ssyncset.done $0x0;
	(pc) =	sbr.rel @!p0 .LBB2_8-.Ltmp1, $4  }
0x30: {  	[sflag:s28] =	ssyncadd.s32 $0xFFFFF380  }
0x31: {  	_ =	swait.ge [sflag:s28], $0xC80  }
0x32: {  	[sflag:s28] =	ssyncset.done $0x0  }
0x33: {  	[sflag:s28] =	ssyncadd.s32 $0xFFFFF380  }
.LBB2_1:
0x34: {  	[tilespmem:s2], [sflag:$0xE] =	stream.linear.gather [hbm4b:s4+s2], $0x1A00, $0x38;
	[tilespmem:$0xD080] =	vst v63  }
0x35: {  	_ =	swait.ge [sflag:s9], $0x1A00  }
0x36: {  	[sflag:s9] =	ssyncset.done $0x0  }
0x37: {  	[sflag:s9] =	ssyncadd.s32 $0xFFFFE600  }
0x38: {  	[tilespmem:s10], [sflag:$0xE] =	stream.linear.gather [hbm4b:s5+s2], $0x80, $0x38;
	[tilespmem:$0xD080] =	vst v63  }
0x39: {  	_ =	swait.ge [sflag:s9], $0x80  }
0x3a: {  	[sflag:s9] =	ssyncset.done $0x0  }
0x3b: {  	s0 =	simm.s32 $0x80;
	[sflag:s9] =	ssyncadd.s32 $0xFFFFFF80  }
0x3c: {  	[tilespmem:s12], [sflag:$0xD] =	stream.indirect.gather [hbm4b:s3+s0], $0x40, s10, s0, $0xb8;
	[tilespmem:$0xD080] =	vst v63  }
0x3d: {  	_ =	swait.ge [sflag:s13], $0x2000  }
0x3e: {  	[sflag:s13] =	ssyncset.done $0x0  }
0x3f: {  	[sflag:s13] =	ssyncadd.s32 $0xFFFFE000  }
0x40: {  	[hbm4b:s6+s2] =	stream.linear.scatter [tilespmem:s12], [sflag:$0xE], $0x2000, $0x38;
	[tilespmem:$0xD080] =	vst v63  }
0x41: {  	_ =	swait.ge [sflag:s9], $0x2000  }
0x42: {  	[sflag:s9] =	ssyncset.done $0x0  }
0x43: {  	s16 =	simm.s32 $0x3A80;
	[sflag:s9] =	ssyncadd.s32 $0xFFFFE000  }
0x44: {  	[tilespmem:s16], [sflag:$0x1] =	stream.indirect.gather [hbm4b:s3+s14], $0x40, s2, s14, $0xb8;
	[tilespmem:$0xD080] =	vst v63  }
0x45: {  	s17 =	simm.s32 $0x68;
	s8 =	simm.s32 $0x5380  }
0x46: {  	[tilespmem:s8], [sflag:$0x2] =	stream.indirect.gather [hbm4b:s3+s14], $0x40, s17, s14, $0xb8;
	[tilespmem:$0xD080] =	vst v63  }
.Ltmp2:
0x47: {  	_ = 	snop;
	(pc) =	sbr.rel .LBB2_2-.Ltmp2, $4  }
0x48: {  	s18 =	simm.s32 $0xD0  }
0x49: {  	[tilespmem:s19], [sflag:$0x3] =	stream.indirect.gather [hbm4b:s3+s14], $0x40, s18, s14, $0xb8;
	[tilespmem:$0xD080] =	vst v63  }
0x4a: {  	s30 =	simm.s32 $0xFFFFFFFE;
	s31 =	simm.s32 $0x1A0;
	s8 =	smov.u32 s1  }
0x4b: {  	[tilespmem:s21], [sflag:$0x4] =	stream.indirect.gather [hbm4b:s3+s14], $0x40, s20, s14, $0xb8;
	[tilespmem:$0xD080] =	vst v63  }
.LBB2_3:
0x4c: {  	s0 =	sadd.s32 $0x7, s11  }
0x4d: {  	_ =	swait.ge [sflag:s0], $0xC80  }
0x4e: {  	[sflag:s0] =	ssyncset.done $0x0  }
0x4f: {  	[sflag:s0] =	ssyncadd.s32 $0xFFFFF380  }
0x50: {  	_ =	swait.ge [sflag:s0], $0xC80  }
0x51: {  	[sflag:s0] =	ssyncset.done $0x0  }
0x52: {  	[sflag:s0] =	ssyncadd.s32 $0xFFFFF380  }
.LBB2_5:
0x53: {  	s0 =	smul.u32 $0x6400, s11;
	_ =	sdelay $0x1  }
0x54: {  	s0 =	sshrl.u32 s0, $0x2  }
0x55: {  	s18 =	sadd.s32 $0x1, s11;
	s0 =	sadd.s32 $0x3A80, s0  }
0x56: {  	[tilespmem:s0], [sflag:s18] =	stream.indirect.gather [hbm4b:s3+s14], $0x40, s31, s14, $0xb8;
	[tilespmem:$0xD080] =	vst v63  }
.LBB2_6:
0x57: {  	s30 =	sadd.s32 $0x1, s30  }
0x58: {  	p0 =	sne.s32 s30, $0x3E  }
.Ltmp3:
0x59: {  	_ = 	snop;
	(pc) =	sbr.rel @!p0 .LBB2_7-.Ltmp3, $2  }
0x5a: {  	_ =	sdelay $0x2  }
0x5b: {  	s31 =	sadd.s32 $0x68, s31;
	s8 =	sadd.s32 $0x400, s8  }
.LBB2_2:
0x5c: {  	s11 =	smul.u32 $0xAB, s30;
	_ =	sdelay $0x1  }
0x5d: {  	s0 =	sadd.s32 $0x156, s11  }
0x5e: {  	s0 =	sshrl.u32 s0, $0xA  }
0x5f: {  	s0 =	sand.u32 $0x3F, s0  }
0x60: {  	s11 =	sadd.s32 $0x402, s11;
	s15 =	smul.u32 $0x6, s0  }
0x61: {  	s11 =	sshrl.u32 s11, $0xA;
	s0 =	sadd.s32 $0x2, s30  }
0x62: {  	s11 =	sand.u32 $0x3F, s11;
	s15 =	ssub.s32 s0, s15  }
0x63: {  	s11 =	smul.u32 $0x6, s11;
	s15 =	sand.u32 $0xFF, s15  }
0x64: {  	s16 =	sadd.s32 $0x1, s15  }
0x65: {  	s11 =	ssub.s32 s30, s11;
	s17 =	smul.u32 $0x6400, s15;
	_ =	swait.ge [sflag:s16], $0x1900  }
0x66: {  	p0 =	sgt.u32 s30, $0x39;
	s11 =	sadd.s32 $0x6, s11;
	[sflag:s16] =	ssyncset.done $0x0  }
.Ltmp4:
0x67: {  	[sflag:s16] =	ssyncadd.s32 $0xFFFFE700;
	s16 =	sshrl.u32 s17, $0x2;
	(pc) =	sbr.rel @!p0 .LBB2_3-.Ltmp4, $4  }
0x68: {  	s15 =	sadd.s32 $0x7, s15;
	s17 =	sadd.s32 $0xFFFFFE00, s8;
	s18 =	sadd.s32 $0x3A80, s16  }
0x69: {  	[hbm4b:s17+s2] =	stream.linear.scatter [tilespmem:s18], [sflag:s15], $0xC80, $0x38;
	[tilespmem:$0xD080] =	vst v63  }
0x6a: {  	s11 =	sand.u32 $0xFF, s11;
	s16 =	sadd.s32 $0x4700, s16  }
0x6b: {  	[hbm4b:s8+s2] =	stream.linear.scatter [tilespmem:s16], [sflag:s15], $0xC80, $0x38;
	[tilespmem:$0xD080] =	vst v63  }
0x6c: {  	p0 =	sgt.u32 s0, $0x1  }
.Ltmp5:
0x6d: {  	_ = 	snop;
	(pc) =	sbr.rel @p0 .LBB2_6-.Ltmp5, $4  }
.Ltmp6:
0x6e: {  	_ = 	snop;
	(pc) =	sbr.rel @!p0 .LBB2_5-.Ltmp6, $4  }
0x6f: {  	_ = 	snop  }
0x70: {  	_ = 	snop  }
0x71: {  	_ = 	snop  }
0x72: {  	_ = 	snop  }
.LBB2_8:
0x73: {  	_ =	sfence.sel $0x180000  }
0x74: {  	[bflag:$0x0] =	sbarrier.arrive $0xFFFF  }
0x75: {  	_ =	strace $0x9000004D  }
0x76: {  	s0 =	stileid.u32;
	[bflag:$0x2] =	sbarrier.arrive $0xFFFF  }
0x77: {  	p0 =	sne.s32 s0, $0x0;
	s0 =	rddreg [dreg:$0x1]  }
0x78: {  	s0 =	sadd.s32 @!p0 $0x100000, s0  }
0x79: {  	[sflag:s0] =	ssyncadd.tile.s32 @!p0 $0x1;
	_ =	shalt  }
.Lfunc_end2:
_tile_overlayer_lowered:
.L_overlay_start_2:
0x7a: {  	(tag) =	ssettag $0x2  }
0x7b: {  	s0 =	rddreg [dreg:$0x0];
	s2 =	stileid.u32  }
0x7c: {  	s1 =	rddreg [dreg:$0x1];
	p0 =	sne.s32 s2, $0x0  }
0x7d: {  	s3 =	rddreg [dreg:$0x2];
	[bflag:$0x3] =	sbarrier.arrive $0xFFFF;
	s2 =	simm.s32 @!p0 $0x1C0E  }
0x7e: {  	[timem:s3], [sflag:s2] =	dma.local @!p0 [hbm:s0], s1  }
0x7f: {  	s0 =	simm.s32 @!p0 $0xE  }
0x80: {  	_ =	swait.ge @!p0 [sflag:s0], s1  }
0x81: {  	s1 =	ssub.s32 @!p0 $0x0, s1;
	[sflag:s0] =	ssyncset.done @!p0 $0x0  }
0x82: {  	[sflag:s0] =	ssyncadd.s32 @!p0 s1  }
0x83: {  	[bflag:$0x3] =	sbarrier.arrive $0xFFFF  }
0x84: {  	_ =	shalt  }

</sc_bundles>
